<compile_context>
chip_gen: v7x
topology: tpu7x:2x2x1
jax: 0.10.2.dev20260603
libtpu: 0.0.44.dev20260713+nightly
codegen_flags: <defaults>
</compile_context>

<pallas_src>
import functools

import jax
import jax.numpy as jnp
from jax import lax
from jax.experimental import pallas as pl
from jax.experimental.pallas import tpu as pltpu
from jax.experimental.pallas import tpu_sc as plsc

NC, NS = 2, 16
NW = NC * NS
B, L, D = 1024, 200, 128
ROWS = B * L
RPW = ROWS // NW
C = 128
NCHUNK = RPW // C
NBUF = 4
UNROLL = 2

_mesh = plsc.VectorSubcoreMesh(
    core_axis_name="c", subcore_axis_name="s",
    num_cores=NC, num_subcores=NS)


@functools.partial(
    pl.kernel,
    out_type=jax.ShapeDtypeStruct((ROWS, D), jnp.float32),
    mesh=_mesh,
    scratch_types=(
        [pltpu.VMEM((RPW,), jnp.int32),
         pltpu.VMEM((L, D), jnp.float32)]
        + [pltpu.VMEM((C, D), jnp.float32) for _ in range(NBUF)]
        + [pltpu.SemaphoreType.DMA for _ in range(2 * NBUF + 1)]
    ),
)
def _embed(x_hbm, tok_hbm, pos_hbm, out_hbm, idx_v, pos_v, *scratch):
    bufs = scratch[:NBUF]
    gsems = scratch[NBUF:2 * NBUF]
    osems = scratch[2 * NBUF:3 * NBUF]
    psem = scratch[3 * NBUF]

    wid = lax.axis_index("s") * NC + lax.axis_index("c")
    base = wid * RPW

    pos_copy = pltpu.async_copy(pos_hbm, pos_v, psem)
    pltpu.sync_copy(x_hbm.at[pl.ds(base, RPW)], idx_v)

    def g_start(c, b):
        pltpu.async_copy(
            tok_hbm.at[idx_v.at[pl.ds(c * C, C)]], bufs[b], gsems[b])

    def g_wait(c, b):
        pltpu.make_async_copy(
            tok_hbm.at[idx_v.at[pl.ds(c * C, C)]], bufs[b], gsems[b]).wait()

    def o_start(c, b):
        pltpu.async_copy(
            bufs[b], out_hbm.at[pl.ds(base + c * C, C)], osems[b])

    def o_wait(c, b):
        pltpu.make_async_copy(
            bufs[b], out_hbm.at[pl.ds(base + c * C, C)], osems[b]).wait()

    def add_pos(c, b):
        buf = bufs[b]
        flat0 = c * C

        @plsc.parallel_loop(0, C, unroll=UNROLL)
        def _(r):
            pr = lax.rem(flat0 + r, L)
            for d8 in range(D // 16):
                plsc.addupdate(buf.at[r, pl.ds(d8 * 16, 16)],
                               pos_v[pr, pl.ds(d8 * 16, 16)])

    def step(c, b):
        g_wait(c, b)
        add_pos(c, b)
        o_start(c, b)

    for c in range(NBUF - 1):
        g_start(c, c)

    pos_copy.wait()

    for c in range(NBUF):
        step(c, c % NBUF)
        if c >= 1:
            o_wait(c - 1, (c + NBUF - 1) % NBUF)
        g_start(c + NBUF - 1, (c + NBUF - 1) % NBUF)

    GMAX = (NCHUNK - NBUF) // NBUF
    @pl.loop(1, GMAX)
    def _(g):
        for b in range(NBUF):
            c = g * NBUF + b
            step(c, b)
            o_wait(c - 1, (b + NBUF - 1) % NBUF)
            g_start(c + NBUF - 1, (b + NBUF - 1) % NBUF)

    for c in range(GMAX * NBUF, NCHUNK):
        step(c, c % NBUF)
        if c + NBUF - 1 < NCHUNK:
            o_wait(c - 1, (c + NBUF - 1) % NBUF)
            g_start(c + NBUF - 1, (c + NBUF - 1) % NBUF)

    for c in range(NCHUNK - NBUF, NCHUNK):
        o_wait(c, c % NBUF)


def kernel(x, token_table, pos_table):
    out = _embed(x.reshape(ROWS), token_table, pos_table)
    return out.reshape(B, L, D)

# --- scband reference (transcript-rebuilt; emitter-appended) ---
"""Pipeline reference for scband-bert-embedding-6227702579724 (READ-ONLY COPY).

The authoritative reference and input builder live on the scoring server;
editing this copy changes nothing except your own understanding.
"""

import jax, jax.numpy as jnp
import numpy as np

VOCAB = 100000
EMBED_DIM = 128
MAX_POS = 200
BATCH = 1024
SEQ = 200

def setup_inputs(seed: int = 0) -> dict:
    key = jax.random.key(seed)
    k1, k2, k3 = jax.random.split(key, 3)
    x = jax.random.randint(k1, (BATCH, SEQ), 0, VOCAB, dtype=jnp.int64 if jax.config.jax_enable_x64 else jnp.int32)
    token_table = jax.random.normal(k2, (VOCAB, EMBED_DIM), dtype=jnp.float32) * 0.02
    pos_table = jax.random.normal(k3, (MAX_POS, EMBED_DIM), dtype=jnp.float32) * 0.02
    return {"x": x, "token_table": token_table, "pos_table": pos_table}

def reference(x, token_table, pos_table):
    # token_embed(x): standard embedding lookup
    tok = jnp.take(token_table, x, axis=0)  # [B, L, D]
    # pos_embed(x): learned positional embedding indexed by position ids derived from x's shape
    L = x.shape[1]
    positions = jnp.arange(L)
    pos = jnp.take(pos_table, positions, axis=0)[None, :, :]  # [1, L, D]
    out = tok + pos
    return out

if __name__ == "__main__":
    import jax
    _d = setup_inputs()
    print(jax.jit(kernel)(*tuple(_d.values())))

</pallas_src>

<mosaic_0001>
#map = affine_map<(d0, d1) -> (0)>
#map1 = affine_map<(d0, d1) -> (0, 0)>
module attributes {stable_mosaic.version = 14 : i64} {
  func.func @_embed(%arg0: i32, %arg1: i32, %arg2: memref<204800xi32, #tpu.memory_space<hbm>>, %arg3: memref<100000x128xf32, #tpu.memory_space<hbm>>, %arg4: memref<200x128xf32, #tpu.memory_space<hbm>>, %arg5: memref<204800x128xf32, #tpu.memory_space<hbm>>, %arg6: memref<6400xi32, #tpu.memory_space<vmem>>, %arg7: memref<200x128xf32, #tpu.memory_space<vmem>>, %arg8: memref<128x128xf32, #tpu.memory_space<vmem>>, %arg9: memref<128x128xf32, #tpu.memory_space<vmem>>, %arg10: memref<128x128xf32, #tpu.memory_space<vmem>>, %arg11: memref<128x128xf32, #tpu.memory_space<vmem>>, %arg12: memref<!tpu.dma_semaphore, #tpu.memory_space<semaphore_mem>>, %arg13: memref<!tpu.dma_semaphore, #tpu.memory_space<semaphore_mem>>, %arg14: memref<!tpu.dma_semaphore, #tpu.memory_space<semaphore_mem>>, %arg15: memref<!tpu.dma_semaphore, #tpu.memory_space<semaphore_mem>>, %arg16: memref<!tpu.dma_semaphore, #tpu.memory_space<semaphore_mem>>, %arg17: memref<!tpu.dma_semaphore, #tpu.memory_space<semaphore_mem>>, %arg18: memref<!tpu.dma_semaphore, #tpu.memory_space<semaphore_mem>>, %arg19: memref<!tpu.dma_semaphore, #tpu.memory_space<semaphore_mem>>, %arg20: memref<!tpu.dma_semaphore, #tpu.memory_space<semaphore_mem>>) attributes {dimension_semantics = [#tpu.dimension_semantics<core_parallel>, #tpu.dimension_semantics<subcore_parallel>], iteration_bounds = array<i64: 2, 16>, scalar_prefetch = 0 : i64, scratch_operands = 15 : i64, tpu.core_type = #tpu.core_type<sc_vector_subcore>, window_params = [{transform_indices = #map}, {transform_indices = #map1}, {transform_indices = #map1}, {transform_indices = #map1}]} {
    %mul3A = arith.constant 2 : i32
    %mul3A_0 = arith.muli %arg1, %mul3A : i32
    %add3A = arith.addi %mul3A_0, %arg0 : i32
    %mul3A_1 = arith.constant 6400 : i32
    %mul3A_2 = arith.muli %add3A, %mul3A_1 : i32
    tpu.enqueue_dma source(%arg4 : memref<200x128xf32, #tpu.memory_space<hbm>>) target(%arg7 : memref<200x128xf32, #tpu.memory_space<vmem>>) target_semaphore(%arg20 : memref<!tpu.dma_semaphore, #tpu.memory_space<semaphore_mem>>)
    "tpu.region"() ({
      %run_scoped3A = tpu.sem_alloc : memref<!tpu.dma_semaphore, #tpu.memory_space<semaphore_mem>>
      %dma_start3A_254 = tpu.memref_slice %arg2[%mul3A_2] : memref<204800xi32, #tpu.memory_space<hbm>> -> memref<6400xi32, #tpu.memory_space<hbm>>
      %dma_start3A_255 = tpu.memref_slice %arg2[%mul3A_2] : memref<204800xi32, #tpu.memory_space<hbm>> -> memref<6400xi32, #tpu.memory_space<hbm>>
      tpu.enqueue_dma source(%dma_start3A_255 : memref<6400xi32, #tpu.memory_space<hbm>>) target(%arg6 : memref<6400xi32, #tpu.memory_space<vmem>>) target_semaphore(%run_scoped3A : memref<!tpu.dma_semaphore, #tpu.memory_space<semaphore_mem>>)
      %dma_wait3A_256 = tpu.memref_slice %arg2[%mul3A_2] : memref<204800xi32, #tpu.memory_space<hbm>> -> memref<6400xi32, #tpu.memory_space<hbm>>
      %dma_wait3A_257 = tpu.memref_slice %arg2[%mul3A_2] : memref<204800xi32, #tpu.memory_space<hbm>> -> memref<6400xi32, #tpu.memory_space<hbm>>
      tpu.wait_dma2 semaphore(%run_scoped3A : memref<!tpu.dma_semaphore, #tpu.memory_space<semaphore_mem>>) src(%dma_wait3A_257 : memref<6400xi32, #tpu.memory_space<hbm>>) dst(%arg6 : memref<6400xi32, #tpu.memory_space<vmem>>)
      tpu.yield
    }) : () -> ()
    %dma_start3A = arith.constant 0 : i32
    %dma_start3A_3 = tpu.memref_slice %arg6[%dma_start3A] : memref<6400xi32, #tpu.memory_space<vmem>> -> memref<128xi32, #tpu.memory_space<vmem>>
    %dma_start3A_4 = arith.constant 0 : i32
    %dma_start3A_5 = arith.constant 0 : i32
    %dma_start3A_6 = tpu.memref_slice %arg3[%dma_start3A_4, %dma_start3A_5] : memref<100000x128xf32, #tpu.memory_space<hbm>> -> memref<100000x128xf32, #tpu.memory_space<hbm>>
    tpu.enqueue_indirect_dma source(%dma_start3A_6 : memref<100000x128xf32, #tpu.memory_space<hbm>>) target(%arg8 : memref<128x128xf32, #tpu.memory_space<vmem>>) offsets(%dma_start3A_3 : memref<128xi32, #tpu.memory_space<vmem>>) semaphore(%arg12 : memref<!tpu.dma_semaphore, #tpu.memory_space<semaphore_mem>>)
    %dma_start3A_7 = arith.constant 128 : i32
    %dma_start3A_8 = tpu.memref_slice %arg6[%dma_start3A_7] : memref<6400xi32, #tpu.memory_space<vmem>> -> memref<128xi32, #tpu.memory_space<vmem>>
    %dma_start3A_9 = arith.constant 0 : i32
    %dma_start3A_10 = arith.constant 0 : i32
    %dma_start3A_11 = tpu.memref_slice %arg3[%dma_start3A_9, %dma_start3A_10] : memref<100000x128xf32, #tpu.memory_space<hbm>> -> memref<100000x128xf32, #tpu.memory_space<hbm>>
    tpu.enqueue_indirect_dma source(%dma_start3A_11 : memref<100000x128xf32, #tpu.memory_space<hbm>>) target(%arg9 : memref<128x128xf32, #tpu.memory_space<vmem>>) offsets(%dma_start3A_8 : memref<128xi32, #tpu.memory_space<vmem>>) semaphore(%arg13 : memref<!tpu.dma_semaphore, #tpu.memory_space<semaphore_mem>>)
    %dma_start3A_12 = arith.constant 256 : i32
    %dma_start3A_13 = tpu.memref_slice %arg6[%dma_start3A_12] : memref<6400xi32, #tpu.memory_space<vmem>> -> memref<128xi32, #tpu.memory_space<vmem>>
    %dma_start3A_14 = arith.constant 0 : i32
    %dma_start3A_15 = arith.constant 0 : i32
    %dma_start3A_16 = tpu.memref_slice %arg3[%dma_start3A_14, %dma_start3A_15] : memref<100000x128xf32, #tpu.memory_space<hbm>> -> memref<100000x128xf32, #tpu.memory_space<hbm>>
    tpu.enqueue_indirect_dma source(%dma_start3A_16 : memref<100000x128xf32, #tpu.memory_space<hbm>>) target(%arg10 : memref<128x128xf32, #tpu.memory_space<vmem>>) offsets(%dma_start3A_13 : memref<128xi32, #tpu.memory_space<vmem>>) semaphore(%arg14 : memref<!tpu.dma_semaphore, #tpu.memory_space<semaphore_mem>>)
    tpu.wait_dma2 semaphore(%arg20 : memref<!tpu.dma_semaphore, #tpu.memory_space<semaphore_mem>>) src(%arg4 : memref<200x128xf32, #tpu.memory_space<hbm>>) dst(%arg7 : memref<200x128xf32, #tpu.memory_space<vmem>>)
    %dma_wait3A = arith.constant 0 : i32
    %dma_wait3A_17 = tpu.memref_slice %arg6[%dma_wait3A] : memref<6400xi32, #tpu.memory_space<vmem>> -> memref<128xi32, #tpu.memory_space<vmem>>
    %dma_wait3A_18 = arith.constant 0 : i32
    %dma_wait3A_19 = arith.constant 0 : i32
    %dma_wait3A_20 = tpu.memref_slice %arg3[%dma_wait3A_18, %dma_wait3A_19] : memref<100000x128xf32, #tpu.memory_space<hbm>> -> memref<100000x128xf32, #tpu.memory_space<hbm>>
    tpu.wait_indirect_dma semaphore(%arg12 : memref<!tpu.dma_semaphore, #tpu.memory_space<semaphore_mem>>) src(%dma_wait3A_20 : memref<100000x128xf32, #tpu.memory_space<hbm>>) dst(%arg8 : memref<128x128xf32, #tpu.memory_space<vmem>>)
    %parallel_loop3A = arith.constant 0 : i32
    %parallel_loop3A_21 = arith.constant 128 : i32
    %parallel_loop3A_22 = arith.constant 1 : i32
    scf.for %parallel_loop3A_254 = %parallel_loop3A to %parallel_loop3A_21 step %parallel_loop3A_22  : i32 {
      %parallel_loop3A_255 = arith.constant 0 : i32
      %parallel_loop3A_256 = arith.addi %parallel_loop3A_255, %parallel_loop3A_254 : i32
      %parallel_loop3A_257 = arith.constant 200 : i32
      %parallel_loop3A_258 = arith.remsi %parallel_loop3A_256, %parallel_loop3A_257 : i32
      %parallel_loop3A_259 = arith.index_cast %parallel_loop3A_258 : i32 to index
      %parallel_loop3A_260 = arith.constant 0 : index
      %parallel_loop3A_261 = tpu.vector_load %arg7[%parallel_loop3A_259, %parallel_loop3A_260] {strides = array<i32>} : memref<200x128xf32, #tpu.memory_space<vmem>>, vector<1x16xf32>,
      %parallel_loop3A_262 = vector.shape_cast %parallel_loop3A_261 : vector<1x16xf32> to vector<16xf32>
      %parallel_loop3A_263 = arith.index_cast %parallel_loop3A_254 : i32 to index
      %parallel_loop3A_264 = arith.constant 0 : index
      %parallel_loop3A_265 = tpu.vector_load %arg8[%parallel_loop3A_263, %parallel_loop3A_264] {strides = array<i32>} : memref<128x128xf32, #tpu.memory_space<vmem>>, vector<1x16xf32>,
      %parallel_loop3A_266 = vector.shape_cast %parallel_loop3A_265 : vector<1x16xf32> to vector<16xf32>
      %parallel_loop3A_267 = vector.shape_cast %parallel_loop3A_262 : vector<16xf32> to vector<1x16xf32>
      tpu.vector_store %arg8[%parallel_loop3A_263, %parallel_loop3A_264], %parallel_loop3A_267 {add = true, strides = array<i32>} : memref<128x128xf32, #tpu.memory_space<vmem>>, vector<1x16xf32>,
      %parallel_loop3A_268 = arith.index_cast %parallel_loop3A_258 : i32 to index
      %parallel_loop3A_269 = arith.constant 16 : index
      %parallel_loop3A_270 = tpu.vector_load %arg7[%parallel_loop3A_268, %parallel_loop3A_269] {strides = array<i32>} : memref<200x128xf32, #tpu.memory_space<vmem>>, vector<1x16xf32>,
      %parallel_loop3A_271 = vector.shape_cast %parallel_loop3A_270 : vector<1x16xf32> to vector<16xf32>
      %parallel_loop3A_272 = arith.index_cast %parallel_loop3A_254 : i32 to index
      %parallel_loop3A_273 = arith.constant 16 : index
      %parallel_loop3A_274 = tpu.vector_load %arg8[%parallel_loop3A_272, %parallel_loop3A_273] {strides = array<i32>} : memref<128x128xf32, #tpu.memory_space<vmem>>, vector<1x16xf32>,
      %parallel_loop3A_275 = vector.shape_cast %parallel_loop3A_274 : vector<1x16xf32> to vector<16xf32>
      %parallel_loop3A_276 = vector.shape_cast %parallel_loop3A_271 : vector<16xf32> to vector<1x16xf32>
      tpu.vector_store %arg8[%parallel_loop3A_272, %parallel_loop3A_273], %parallel_loop3A_276 {add = true, strides = array<i32>} : memref<128x128xf32, #tpu.memory_space<vmem>>, vector<1x16xf32>,
      %parallel_loop3A_277 = arith.index_cast %parallel_loop3A_258 : i32 to index
      %parallel_loop3A_278 = arith.constant 32 : index
      %parallel_loop3A_279 = tpu.vector_load %arg7[%parallel_loop3A_277, %parallel_loop3A_278] {strides = array<i32>} : memref<200x128xf32, #tpu.memory_space<vmem>>, vector<1x16xf32>,
      %parallel_loop3A_280 = vector.shape_cast %parallel_loop3A_279 : vector<1x16xf32> to vector<16xf32>
      %parallel_loop3A_281 = arith.index_cast %parallel_loop3A_254 : i32 to index
      %parallel_loop3A_282 = arith.constant 32 : index
      %parallel_loop3A_283 = tpu.vector_load %arg8[%parallel_loop3A_281, %parallel_loop3A_282] {strides = array<i32>} : memref<128x128xf32, #tpu.memory_space<vmem>>, vector<1x16xf32>,
      %parallel_loop3A_284 = vector.shape_cast %parallel_loop3A_283 : vector<1x16xf32> to vector<16xf32>
      %parallel_loop3A_285 = vector.shape_cast %parallel_loop3A_280 : vector<16xf32> to vector<1x16xf32>
      tpu.vector_store %arg8[%parallel_loop3A_281, %parallel_loop3A_282], %parallel_loop3A_285 {add = true, strides = array<i32>} : memref<128x128xf32, #tpu.memory_space<vmem>>, vector<1x16xf32>,
      %parallel_loop3A_286 = arith.index_cast %parallel_loop3A_258 : i32 to index
      %parallel_loop3A_287 = arith.constant 48 : index
      %parallel_loop3A_288 = tpu.vector_load %arg7[%parallel_loop3A_286, %parallel_loop3A_287] {strides = array<i32>} : memref<200x128xf32, #tpu.memory_space<vmem>>, vector<1x16xf32>,
      %parallel_loop3A_289 = vector.shape_cast %parallel_loop3A_288 : vector<1x16xf32> to vector<16xf32>
      %parallel_loop3A_290 = arith.index_cast %parallel_loop3A_254 : i32 to index
      %parallel_loop3A_291 = arith.constant 48 : index
      %parallel_loop3A_292 = tpu.vector_load %arg8[%parallel_loop3A_290, %parallel_loop3A_291] {strides = array<i32>} : memref<128x128xf32, #tpu.memory_space<vmem>>, vector<1x16xf32>,
      %parallel_loop3A_293 = vector.shape_cast %parallel_loop3A_292 : vector<1x16xf32> to vector<16xf32>
      %parallel_loop3A_294 = vector.shape_cast %parallel_loop3A_289 : vector<16xf32> to vector<1x16xf32>
      tpu.vector_store %arg8[%parallel_loop3A_290, %parallel_loop3A_291], %parallel_loop3A_294 {add = true, strides = array<i32>} : memref<128x128xf32, #tpu.memory_space<vmem>>, vector<1x16xf32>,
      %parallel_loop3A_295 = arith.index_cast %parallel_loop3A_258 : i32 to index
      %parallel_loop3A_296 = arith.constant 64 : index
      %parallel_loop3A_297 = tpu.vector_load %arg7[%parallel_loop3A_295, %parallel_loop3A_296] {strides = array<i32>} : memref<200x128xf32, #tpu.memory_space<vmem>>, vector<1x16xf32>,
      %parallel_loop3A_298 = vector.shape_cast %parallel_loop3A_297 : vector<1x16xf32> to vector<16xf32>
      %parallel_loop3A_299 = arith.index_cast %parallel_loop3A_254 : i32 to index
      %parallel_loop3A_300 = arith.constant 64 : index
      %parallel_loop3A_301 = tpu.vector_load %arg8[%parallel_loop3A_299, %parallel_loop3A_300] {strides = array<i32>} : memref<128x128xf32, #tpu.memory_space<vmem>>, vector<1x16xf32>,
      %parallel_loop3A_302 = vector.shape_cast %parallel_loop3A_301 : vector<1x16xf32> to vector<16xf32>
      %parallel_loop3A_303 = vector.shape_cast %parallel_loop3A_298 : vector<16xf32> to vector<1x16xf32>
      tpu.vector_store %arg8[%parallel_loop3A_299, %parallel_loop3A_300], %parallel_loop3A_303 {add = true, strides = array<i32>} : memref<128x128xf32, #tpu.memory_space<vmem>>, vector<1x16xf32>,
      %parallel_loop3A_304 = arith.index_cast %parallel_loop3A_258 : i32 to index
      %parallel_loop3A_305 = arith.constant 80 : index
      %parallel_loop3A_306 = tpu.vector_load %arg7[%parallel_loop3A_304, %parallel_loop3A_305] {strides = array<i32>} : memref<200x128xf32, #tpu.memory_space<vmem>>, vector<1x16xf32>,
      %parallel_loop3A_307 = vector.shape_cast %parallel_loop3A_306 : vector<1x16xf32> to vector<16xf32>
      %parallel_loop3A_308 = arith.index_cast %parallel_loop3A_254 : i32 to index
      %parallel_loop3A_309 = arith.constant 80 : index
      %parallel_loop3A_310 = tpu.vector_load %arg8[%parallel_loop3A_308, %parallel_loop3A_309] {strides = array<i32>} : memref<128x128xf32, #tpu.memory_space<vmem>>, vector<1x16xf32>,
      %parallel_loop3A_311 = vector.shape_cast %parallel_loop3A_310 : vector<1x16xf32> to vector<16xf32>
      %parallel_loop3A_312 = vector.shape_cast %parallel_loop3A_307 : vector<16xf32> to vector<1x16xf32>
      tpu.vector_store %arg8[%parallel_loop3A_308, %parallel_loop3A_309], %parallel_loop3A_312 {add = true, strides = array<i32>} : memref<128x128xf32, #tpu.memory_space<vmem>>, vector<1x16xf32>,
      %parallel_loop3A_313 = arith.index_cast %parallel_loop3A_258 : i32 to index
      %parallel_loop3A_314 = arith.constant 96 : index
      %parallel_loop3A_315 = tpu.vector_load %arg7[%parallel_loop3A_313, %parallel_loop3A_314] {strides = array<i32>} : memref<200x128xf32, #tpu.memory_space<vmem>>, vector<1x16xf32>,
      %parallel_loop3A_316 = vector.shape_cast %parallel_loop3A_315 : vector<1x16xf32> to vector<16xf32>
      %parallel_loop3A_317 = arith.index_cast %parallel_loop3A_254 : i32 to index
      %parallel_loop3A_318 = arith.constant 96 : index
      %parallel_loop3A_319 = tpu.vector_load %arg8[%parallel_loop3A_317, %parallel_loop3A_318] {strides = array<i32>} : memref<128x128xf32, #tpu.memory_space<vmem>>, vector<1x16xf32>,
      %parallel_loop3A_320 = vector.shape_cast %parallel_loop3A_319 : vector<1x16xf32> to vector<16xf32>
      %parallel_loop3A_321 = vector.shape_cast %parallel_loop3A_316 : vector<16xf32> to vector<1x16xf32>
      tpu.vector_store %arg8[%parallel_loop3A_317, %parallel_loop3A_318], %parallel_loop3A_321 {add = true, strides = array<i32>} : memref<128x128xf32, #tpu.memory_space<vmem>>, vector<1x16xf32>,
      %parallel_loop3A_322 = arith.index_cast %parallel_loop3A_258 : i32 to index
      %parallel_loop3A_323 = arith.constant 112 : index
      %parallel_loop3A_324 = tpu.vector_load %arg7[%parallel_loop3A_322, %parallel_loop3A_323] {strides = array<i32>} : memref<200x128xf32, #tpu.memory_space<vmem>>, vector<1x16xf32>,
      %parallel_loop3A_325 = vector.shape_cast %parallel_loop3A_324 : vector<1x16xf32> to vector<16xf32>
      %parallel_loop3A_326 = arith.index_cast %parallel_loop3A_254 : i32 to index
      %parallel_loop3A_327 = arith.constant 112 : index
      %parallel_loop3A_328 = tpu.vector_load %arg8[%parallel_loop3A_326, %parallel_loop3A_327] {strides = array<i32>} : memref<128x128xf32, #tpu.memory_space<vmem>>, vector<1x16xf32>,
      %parallel_loop3A_329 = vector.shape_cast %parallel_loop3A_328 : vector<1x16xf32> to vector<16xf32>
      %parallel_loop3A_330 = vector.shape_cast %parallel_loop3A_325 : vector<16xf32> to vector<1x16xf32>
      tpu.vector_store %arg8[%parallel_loop3A_326, %parallel_loop3A_327], %parallel_loop3A_330 {add = true, strides = array<i32>} : memref<128x128xf32, #tpu.memory_space<vmem>>, vector<1x16xf32>,
    } {sc.loop_unroll_factor = 2 : i64, sc.parallel_access}
    %add3A_23 = arith.constant 0 : i32
    %add3A_24 = arith.addi %mul3A_2, %add3A_23 : i32
    %dma_start3A_25 = arith.constant 0 : i32
    %dma_start3A_26 = tpu.memref_slice %arg5[%add3A_24, %dma_start3A_25] : memref<204800x128xf32, #tpu.memory_space<hbm>> -> memref<128x128xf32, #tpu.memory_space<hbm>>
    %dma_start3A_27 = arith.constant 0 : i32
    %dma_start3A_28 = tpu.memref_slice %arg5[%add3A_24, %dma_start3A_27] : memref<204800x128xf32, #tpu.memory_space<hbm>> -> memref<128x128xf32, #tpu.memory_space<hbm>>
    tpu.enqueue_dma source(%arg8 : memref<128x128xf32, #tpu.memory_space<vmem>>) target(%dma_start3A_28 : memref<128x128xf32, #tpu.memory_space<hbm>>) target_semaphore(%arg16 : memref<!tpu.dma_semaphore, #tpu.memory_space<semaphore_mem>>)
    %dma_start3A_29 = arith.constant 384 : i32
    %dma_start3A_30 = tpu.memref_slice %arg6[%dma_start3A_29] : memref<6400xi32, #tpu.memory_space<vmem>> -> memref<128xi32, #tpu.memory_space<vmem>>
    %dma_start3A_31 = arith.constant 0 : i32
    %dma_start3A_32 = arith.constant 0 : i32
    %dma_start3A_33 = tpu.memref_slice %arg3[%dma_start3A_31, %dma_start3A_32] : memref<100000x128xf32, #tpu.memory_space<hbm>> -> memref<100000x128xf32, #tpu.memory_space<hbm>>
    tpu.enqueue_indirect_dma source(%dma_start3A_33 : memref<100000x128xf32, #tpu.memory_space<hbm>>) target(%arg11 : memref<128x128xf32, #tpu.memory_space<vmem>>) offsets(%dma_start3A_30 : memref<128xi32, #tpu.memory_space<vmem>>) semaphore(%arg15 : memref<!tpu.dma_semaphore, #tpu.memory_space<semaphore_mem>>)
    %dma_wait3A_34 = arith.constant 128 : i32
    %dma_wait3A_35 = tpu.memref_slice %arg6[%dma_wait3A_34] : memref<6400xi32, #tpu.memory_space<vmem>> -> memref<128xi32, #tpu.memory_space<vmem>>
    %dma_wait3A_36 = arith.constant 0 : i32
    %dma_wait3A_37 = arith.constant 0 : i32
    %dma_wait3A_38 = tpu.memref_slice %arg3[%dma_wait3A_36, %dma_wait3A_37] : memref<100000x128xf32, #tpu.memory_space<hbm>> -> memref<100000x128xf32, #tpu.memory_space<hbm>>
    tpu.wait_indirect_dma semaphore(%arg13 : memref<!tpu.dma_semaphore, #tpu.memory_space<semaphore_mem>>) src(%dma_wait3A_38 : memref<100000x128xf32, #tpu.memory_space<hbm>>) dst(%arg9 : memref<128x128xf32, #tpu.memory_space<vmem>>)
    %parallel_loop3A_39 = arith.constant 0 : i32
    %parallel_loop3A_40 = arith.constant 128 : i32
    %parallel_loop3A_41 = arith.constant 1 : i32
    scf.for %parallel_loop3A_254 = %parallel_loop3A_39 to %parallel_loop3A_40 step %parallel_loop3A_41  : i32 {
      %parallel_loop3A_255 = arith.constant 128 : i32
      %parallel_loop3A_256 = arith.addi %parallel_loop3A_255, %parallel_loop3A_254 : i32
      %parallel_loop3A_257 = arith.constant 200 : i32
      %parallel_loop3A_258 = arith.remsi %parallel_loop3A_256, %parallel_loop3A_257 : i32
      %parallel_loop3A_259 = arith.index_cast %parallel_loop3A_258 : i32 to index
      %parallel_loop3A_260 = arith.constant 0 : index
      %parallel_loop3A_261 = tpu.vector_load %arg7[%parallel_loop3A_259, %parallel_loop3A_260] {strides = array<i32>} : memref<200x128xf32, #tpu.memory_space<vmem>>, vector<1x16xf32>,
      %parallel_loop3A_262 = vector.shape_cast %parallel_loop3A_261 : vector<1x16xf32> to vector<16xf32>
      %parallel_loop3A_263 = arith.index_cast %parallel_loop3A_254 : i32 to index
      %parallel_loop3A_264 = arith.constant 0 : index
      %parallel_loop3A_265 = tpu.vector_load %arg9[%parallel_loop3A_263, %parallel_loop3A_264] {strides = array<i32>} : memref<128x128xf32, #tpu.memory_space<vmem>>, vector<1x16xf32>,
      %parallel_loop3A_266 = vector.shape_cast %parallel_loop3A_265 : vector<1x16xf32> to vector<16xf32>
      %parallel_loop3A_267 = vector.shape_cast %parallel_loop3A_262 : vector<16xf32> to vector<1x16xf32>
      tpu.vector_store %arg9[%parallel_loop3A_263, %parallel_loop3A_264], %parallel_loop3A_267 {add = true, strides = array<i32>} : memref<128x128xf32, #tpu.memory_space<vmem>>, vector<1x16xf32>,
      %parallel_loop3A_268 = arith.index_cast %parallel_loop3A_258 : i32 to index
      %parallel_loop3A_269 = arith.constant 16 : index
      %parallel_loop3A_270 = tpu.vector_load %arg7[%parallel_loop3A_268, %parallel_loop3A_269] {strides = array<i32>} : memref<200x128xf32, #tpu.memory_space<vmem>>, vector<1x16xf32>,
      %parallel_loop3A_271 = vector.shape_cast %parallel_loop3A_270 : vector<1x16xf32> to vector<16xf32>
      %parallel_loop3A_272 = arith.index_cast %parallel_loop3A_254 : i32 to index
      %parallel_loop3A_273 = arith.constant 16 : index
      %parallel_loop3A_274 = tpu.vector_load %arg9[%parallel_loop3A_272, %parallel_loop3A_273] {strides = array<i32>} : memref<128x128xf32, #tpu.memory_space<vmem>>, vector<1x16xf32>,
      %parallel_loop3A_275 = vector.shape_cast %parallel_loop3A_274 : vector<1x16xf32> to vector<16xf32>
      %parallel_loop3A_276 = vector.shape_cast %parallel_loop3A_271 : vector<16xf32> to vector<1x16xf32>
      tpu.vector_store %arg9[%parallel_loop3A_272, %parallel_loop3A_273], %parallel_loop3A_276 {add = true, strides = array<i32>} : memref<128x128xf32, #tpu.memory_space<vmem>>, vector<1x16xf32>,
      %parallel_loop3A_277 = arith.index_cast %parallel_loop3A_258 : i32 to index
      %parallel_loop3A_278 = arith.constant 32 : index
      %parallel_loop3A_279 = tpu.vector_load %arg7[%parallel_loop3A_277, %parallel_loop3A_278] {strides = array<i32>} : memref<200x128xf32, #tpu.memory_space<vmem>>, vector<1x16xf32>,
      %parallel_loop3A_280 = vector.shape_cast %parallel_loop3A_279 : vector<1x16xf32> to vector<16xf32>
      %parallel_loop3A_281 = arith.index_cast %parallel_loop3A_254 : i32 to index
      %parallel_loop3A_282 = arith.constant 32 : index
      %parallel_loop3A_283 = tpu.vector_load %arg9[%parallel_loop3A_281, %parallel_loop3A_282] {strides = array<i32>} : memref<128x128xf32, #tpu.memory_space<vmem>>, vector<1x16xf32>,
      %parallel_loop3A_284 = vector.shape_cast %parallel_loop3A_283 : vector<1x16xf32> to vector<16xf32>
      %parallel_loop3A_285 = vector.shape_cast %parallel_loop3A_280 : vector<16xf32> to vector<1x16xf32>
      tpu.vector_store %arg9[%parallel_loop3A_281, %parallel_loop3A_282], %parallel_loop3A_285 {add = true, strides = array<i32>} : memref<128x128xf32, #tpu.memory_space<vmem>>, vector<1x16xf32>,
      %parallel_loop3A_286 = arith.index_cast %parallel_loop3A_258 : i32 to index
      %parallel_loop3A_287 = arith.constant 48 : index
      %parallel_loop3A_288 = tpu.vector_load %arg7[%parallel_loop3A_286, %parallel_loop3A_287] {strides = array<i32>} : memref<200x128xf32, #tpu.memory_space<vmem>>, vector<1x16xf32>,
      %parallel_loop3A_289 = vector.shape_cast %parallel_loop3A_288 : vector<1x16xf32> to vector<16xf32>
      %parallel_loop3A_290 = arith.index_cast %parallel_loop3A_254 : i32 to index
      %parallel_loop3A_291 = arith.constant 48 : index
      %parallel_loop3A_292 = tpu.vector_load %arg9[%parallel_loop3A_290, %parallel_loop3A_291] {strides = array<i32>} : memref<128x128xf32, #tpu.memory_space<vmem>>, vector<1x16xf32>,
      %parallel_loop3A_293 = vector.shape_cast %parallel_loop3A_292 : vector<1x16xf32> to vector<16xf32>
      %parallel_loop3A_294 = vector.shape_cast %parallel_loop3A_289 : vector<16xf32> to vector<1x16xf32>
      tpu.vector_store %arg9[%parallel_loop3A_290, %parallel_loop3A_291], %parallel_loop3A_294 {add = true, strides = array<i32>} : memref<128x128xf32, #tpu.memory_space<vmem>>, vector<1x16xf32>,
      %parallel_loop3A_295 = arith.index_cast %parallel_loop3A_258 : i32 to index
      %parallel_loop3A_296 = arith.constant 64 : index
      %parallel_loop3A_297 = tpu.vector_load %arg7[%parallel_loop3A_295, %parallel_loop3A_296] {strides = array<i32>} : memref<200x128xf32, #tpu.memory_space<vmem>>, vector<1x16xf32>,
      %parallel_loop3A_298 = vector.shape_cast %parallel_loop3A_297 : vector<1x16xf32> to vector<16xf32>
      %parallel_loop3A_299 = arith.index_cast %parallel_loop3A_254 : i32 to index
      %parallel_loop3A_300 = arith.constant 64 : index
      %parallel_loop3A_301 = tpu.vector_load %arg9[%parallel_loop3A_299, %parallel_loop3A_300] {strides = array<i32>} : memref<128x128xf32, #tpu.memory_space<vmem>>, vector<1x16xf32>,
      %parallel_loop3A_302 = vector.shape_cast %parallel_loop3A_301 : vector<1x16xf32> to vector<16xf32>
      %parallel_loop3A_303 = vector.shape_cast %parallel_loop3A_298 : vector<16xf32> to vector<1x16xf32>
      tpu.vector_store %arg9[%parallel_loop3A_299, %parallel_loop3A_300], %parallel_loop3A_303 {add = true, strides = array<i32>} : memref<128x128xf32, #tpu.memory_space<vmem>>, vector<1x16xf32>,
      %parallel_loop3A_304 = arith.index_cast %parallel_loop3A_258 : i32 to index
      %parallel_loop3A_305 = arith.constant 80 : index
      %parallel_loop3A_306 = tpu.vector_load %arg7[%parallel_loop3A_304, %parallel_loop3A_305] {strides = array<i32>} : memref<200x128xf32, #tpu.memory_space<vmem>>, vector<1x16xf32>,
      %parallel_loop3A_307 = vector.shape_cast %parallel_loop3A_306 : vector<1x16xf32> to vector<16xf32>
      %parallel_loop3A_308 = arith.index_cast %parallel_loop3A_254 : i32 to index
      %parallel_loop3A_309 = arith.constant 80 : index
      %parallel_loop3A_310 = tpu.vector_load %arg9[%parallel_loop3A_308, %parallel_loop3A_309] {strides = array<i32>} : memref<128x128xf32, #tpu.memory_space<vmem>>, vector<1x16xf32>,
      %parallel_loop3A_311 = vector.shape_cast %parallel_loop3A_310 : vector<1x16xf32> to vector<16xf32>
      %parallel_loop3A_312 = vector.shape_cast %parallel_loop3A_307 : vector<16xf32> to vector<1x16xf32>
      tpu.vector_store %arg9[%parallel_loop3A_308, %parallel_loop3A_309], %parallel_loop3A_312 {add = true, strides = array<i32>} : memref<128x128xf32, #tpu.memory_space<vmem>>, vector<1x16xf32>,
      %parallel_loop3A_313 = arith.index_cast %parallel_loop3A_258 : i32 to index
      %parallel_loop3A_314 = arith.constant 96 : index
      %parallel_loop3A_315 = tpu.vector_load %arg7[%parallel_loop3A_313, %parallel_loop3A_314] {strides = array<i32>} : memref<200x128xf32, #tpu.memory_space<vmem>>, vector<1x16xf32>,
      %parallel_loop3A_316 = vector.shape_cast %parallel_loop3A_315 : vector<1x16xf32> to vector<16xf32>
      %parallel_loop3A_317 = arith.index_cast %parallel_loop3A_254 : i32 to index
      %parallel_loop3A_318 = arith.constant 96 : index
      %parallel_loop3A_319 = tpu.vector_load %arg9[%parallel_loop3A_317, %parallel_loop3A_318] {strides = array<i32>} : memref<128x128xf32, #tpu.memory_space<vmem>>, vector<1x16xf32>,
      %parallel_loop3A_320 = vector.shape_cast %parallel_loop3A_319 : vector<1x16xf32> to vector<16xf32>
      %parallel_loop3A_321 = vector.shape_cast %parallel_loop3A_316 : vector<16xf32> to vector<1x16xf32>
      tpu.vector_store %arg9[%parallel_loop3A_317, %parallel_loop3A_318], %parallel_loop3A_321 {add = true, strides = array<i32>} : memref<128x128xf32, #tpu.memory_space<vmem>>, vector<1x16xf32>,
      %parallel_loop3A_322 = arith.index_cast %parallel_loop3A_258 : i32 to index
      %parallel_loop3A_323 = arith.constant 112 : index
      %parallel_loop3A_324 = tpu.vector_load %arg7[%parallel_loop3A_322, %parallel_loop3A_323] {strides = array<i32>} : memref<200x128xf32, #tpu.memory_space<vmem>>, vector<1x16xf32>,
      %parallel_loop3A_325 = vector.shape_cast %parallel_loop3A_324 : vector<1x16xf32> to vector<16xf32>
      %parallel_loop3A_326 = arith.index_cast %parallel_loop3A_254 : i32 to index
      %parallel_loop3A_327 = arith.constant 112 : index
      %parallel_loop3A_328 = tpu.vector_load %arg9[%parallel_loop3A_326, %parallel_loop3A_327] {strides = array<i32>} : memref<128x128xf32, #tpu.memory_space<vmem>>, vector<1x16xf32>,
      %parallel_loop3A_329 = vector.shape_cast %parallel_loop3A_328 : vector<1x16xf32> to vector<16xf32>
      %parallel_loop3A_330 = vector.shape_cast %parallel_loop3A_325 : vector<16xf32> to vector<1x16xf32>
      tpu.vector_store %arg9[%parallel_loop3A_326, %parallel_loop3A_327], %parallel_loop3A_330 {add = true, strides = array<i32>} : memref<128x128xf32, #tpu.memory_space<vmem>>, vector<1x16xf32>,
    } {sc.loop_unroll_factor = 2 : i64, sc.parallel_access}
    %add3A_42 = arith.constant 128 : i32
    %add3A_43 = arith.addi %mul3A_2, %add3A_42 : i32
    %dma_start3A_44 = arith.constant 0 : i32
    %dma_start3A_45 = tpu.memref_slice %arg5[%add3A_43, %dma_start3A_44] : memref<204800x128xf32, #tpu.memory_space<hbm>> -> memref<128x128xf32, #tpu.memory_space<hbm>>
    %dma_start3A_46 = arith.constant 0 : i32
    %dma_start3A_47 = tpu.memref_slice %arg5[%add3A_43, %dma_start3A_46] : memref<204800x128xf32, #tpu.memory_space<hbm>> -> memref<128x128xf32, #tpu.memory_space<hbm>>
    tpu.enqueue_dma source(%arg9 : memref<128x128xf32, #tpu.memory_space<vmem>>) target(%dma_start3A_47 : memref<128x128xf32, #tpu.memory_space<hbm>>) target_semaphore(%arg17 : memref<!tpu.dma_semaphore, #tpu.memory_space<semaphore_mem>>)
    %add3A_48 = arith.constant 0 : i32
    %add3A_49 = arith.addi %mul3A_2, %add3A_48 : i32
    %dma_wait3A_50 = arith.constant 0 : i32
    %dma_wait3A_51 = tpu.memref_slice %arg5[%add3A_49, %dma_wait3A_50] : memref<204800x128xf32, #tpu.memory_space<hbm>> -> memref<128x128xf32, #tpu.memory_space<hbm>>
    %dma_wait3A_52 = arith.constant 0 : i32
    %dma_wait3A_53 = tpu.memref_slice %arg5[%add3A_49, %dma_wait3A_52] : memref<204800x128xf32, #tpu.memory_space<hbm>> -> memref<128x128xf32, #tpu.memory_space<hbm>>
    tpu.wait_dma2 semaphore(%arg16 : memref<!tpu.dma_semaphore, #tpu.memory_space<semaphore_mem>>) src(%arg8 : memref<128x128xf32, #tpu.memory_space<vmem>>) dst(%dma_wait3A_53 : memref<128x128xf32, #tpu.memory_space<hbm>>)
    %dma_start3A_54 = arith.constant 512 : i32
    %dma_start3A_55 = tpu.memref_slice %arg6[%dma_start3A_54] : memref<6400xi32, #tpu.memory_space<vmem>> -> memref<128xi32, #tpu.memory_space<vmem>>
    %dma_start3A_56 = arith.constant 0 : i32
    %dma_start3A_57 = arith.constant 0 : i32
    %dma_start3A_58 = tpu.memref_slice %arg3[%dma_start3A_56, %dma_start3A_57] : memref<100000x128xf32, #tpu.memory_space<hbm>> -> memref<100000x128xf32, #tpu.memory_space<hbm>>
    tpu.enqueue_indirect_dma source(%dma_start3A_58 : memref<100000x128xf32, #tpu.memory_space<hbm>>) target(%arg8 : memref<128x128xf32, #tpu.memory_space<vmem>>) offsets(%dma_start3A_55 : memref<128xi32, #tpu.memory_space<vmem>>) semaphore(%arg12 : memref<!tpu.dma_semaphore, #tpu.memory_space<semaphore_mem>>)
    %dma_wait3A_59 = arith.constant 256 : i32
    %dma_wait3A_60 = tpu.memref_slice %arg6[%dma_wait3A_59] : memref<6400xi32, #tpu.memory_space<vmem>> -> memref<128xi32, #tpu.memory_space<vmem>>
    %dma_wait3A_61 = arith.constant 0 : i32
    %dma_wait3A_62 = arith.constant 0 : i32
    %dma_wait3A_63 = tpu.memref_slice %arg3[%dma_wait3A_61, %dma_wait3A_62] : memref<100000x128xf32, #tpu.memory_space<hbm>> -> memref<100000x128xf32, #tpu.memory_space<hbm>>
    tpu.wait_indirect_dma semaphore(%arg14 : memref<!tpu.dma_semaphore, #tpu.memory_space<semaphore_mem>>) src(%dma_wait3A_63 : memref<100000x128xf32, #tpu.memory_space<hbm>>) dst(%arg10 : memref<128x128xf32, #tpu.memory_space<vmem>>)
    %parallel_loop3A_64 = arith.constant 0 : i32
    %parallel_loop3A_65 = arith.constant 128 : i32
    %parallel_loop3A_66 = arith.constant 1 : i32
    scf.for %parallel_loop3A_254 = %parallel_loop3A_64 to %parallel_loop3A_65 step %parallel_loop3A_66  : i32 {
      %parallel_loop3A_255 = arith.constant 256 : i32
      %parallel_loop3A_256 = arith.addi %parallel_loop3A_255, %parallel_loop3A_254 : i32
      %parallel_loop3A_257 = arith.constant 200 : i32
      %parallel_loop3A_258 = arith.remsi %parallel_loop3A_256, %parallel_loop3A_257 : i32
      %parallel_loop3A_259 = arith.index_cast %parallel_loop3A_258 : i32 to index
      %parallel_loop3A_260 = arith.constant 0 : index
      %parallel_loop3A_261 = tpu.vector_load %arg7[%parallel_loop3A_259, %parallel_loop3A_260] {strides = array<i32>} : memref<200x128xf32, #tpu.memory_space<vmem>>, vector<1x16xf32>,
      %parallel_loop3A_262 = vector.shape_cast %parallel_loop3A_261 : vector<1x16xf32> to vector<16xf32>
      %parallel_loop3A_263 = arith.index_cast %parallel_loop3A_254 : i32 to index
      %parallel_loop3A_264 = arith.constant 0 : index
      %parallel_loop3A_265 = tpu.vector_load %arg10[%parallel_loop3A_263, %parallel_loop3A_264] {strides = array<i32>} : memref<128x128xf32, #tpu.memory_space<vmem>>, vector<1x16xf32>,
      %parallel_loop3A_266 = vector.shape_cast %parallel_loop3A_265 : vector<1x16xf32> to vector<16xf32>
      %parallel_loop3A_267 = vector.shape_cast %parallel_loop3A_262 : vector<16xf32> to vector<1x16xf32>
      tpu.vector_store %arg10[%parallel_loop3A_263, %parallel_loop3A_264], %parallel_loop3A_267 {add = true, strides = array<i32>} : memref<128x128xf32, #tpu.memory_space<vmem>>, vector<1x16xf32>,
      %parallel_loop3A_268 = arith.index_cast %parallel_loop3A_258 : i32 to index
      %parallel_loop3A_269 = arith.constant 16 : index
      %parallel_loop3A_270 = tpu.vector_load %arg7[%parallel_loop3A_268, %parallel_loop3A_269] {strides = array<i32>} : memref<200x128xf32, #tpu.memory_space<vmem>>, vector<1x16xf32>,
      %parallel_loop3A_271 = vector.shape_cast %parallel_loop3A_270 : vector<1x16xf32> to vector<16xf32>
      %parallel_loop3A_272 = arith.index_cast %parallel_loop3A_254 : i32 to index
      %parallel_loop3A_273 = arith.constant 16 : index
      %parallel_loop3A_274 = tpu.vector_load %arg10[%parallel_loop3A_272, %parallel_loop3A_273] {strides = array<i32>} : memref<128x128xf32, #tpu.memory_space<vmem>>, vector<1x16xf32>,
      %parallel_loop3A_275 = vector.shape_cast %parallel_loop3A_274 : vector<1x16xf32> to vector<16xf32>
      %parallel_loop3A_276 = vector.shape_cast %parallel_loop3A_271 : vector<16xf32> to vector<1x16xf32>
      tpu.vector_store %arg10[%parallel_loop3A_272, %parallel_loop3A_273], %parallel_loop3A_276 {add = true, strides = array<i32>} : memref<128x128xf32, #tpu.memory_space<vmem>>, vector<1x16xf32>,
      %parallel_loop3A_277 = arith.index_cast %parallel_loop3A_258 : i32 to index
      %parallel_loop3A_278 = arith.constant 32 : index
      %parallel_loop3A_279 = tpu.vector_load %arg7[%parallel_loop3A_277, %parallel_loop3A_278] {strides = array<i32>} : memref<200x128xf32, #tpu.memory_space<vmem>>, vector<1x16xf32>,
      %parallel_loop3A_280 = vector.shape_cast %parallel_loop3A_279 : vector<1x16xf32> to vector<16xf32>
      %parallel_loop3A_281 = arith.index_cast %parallel_loop3A_254 : i32 to index
      %parallel_loop3A_282 = arith.constant 32 : index
      %parallel_loop3A_283 = tpu.vector_load %arg10[%parallel_loop3A_281, %parallel_loop3A_282] {strides = array<i32>} : memref<128x128xf32, #tpu.memory_space<vmem>>, vector<1x16xf32>,
      %parallel_loop3A_284 = vector.shape_cast %parallel_loop3A_283 : vector<1x16xf32> to vector<16xf32>
      %parallel_loop3A_285 = vector.shape_cast %parallel_loop3A_280 : vector<16xf32> to vector<1x16xf32>
      tpu.vector_store %arg10[%parallel_loop3A_281, %parallel_loop3A_282], %parallel_loop3A_285 {add = true, strides = array<i32>} : memref<128x128xf32, #tpu.memory_space<vmem>>, vector<1x16xf32>,
      %parallel_loop3A_286 = arith.index_cast %parallel_loop3A_258 : i32 to index
      %parallel_loop3A_287 = arith.constant 48 : index
      %parallel_loop3A_288 = tpu.vector_load %arg7[%parallel_loop3A_286, %parallel_loop3A_287] {strides = array<i32>} : memref<200x128xf32, #tpu.memory_space<vmem>>, vector<1x16xf32>,
      %parallel_loop3A_289 = vector.shape_cast %parallel_loop3A_288 : vector<1x16xf32> to vector<16xf32>
      %parallel_loop3A_290 = arith.index_cast %parallel_loop3A_254 : i32 to index
      %parallel_loop3A_291 = arith.constant 48 : index
      %parallel_loop3A_292 = tpu.vector_load %arg10[%parallel_loop3A_290, %parallel_loop3A_291] {strides = array<i32>} : memref<128x128xf32, #tpu.memory_space<vmem>>, vector<1x16xf32>,
      %parallel_loop3A_293 = vector.shape_cast %parallel_loop3A_292 : vector<1x16xf32> to vector<16xf32>
      %parallel_loop3A_294 = vector.shape_cast %parallel_loop3A_289 : vector<16xf32> to vector<1x16xf32>
      tpu.vector_store %arg10[%parallel_loop3A_290, %parallel_loop3A_291], %parallel_loop3A_294 {add = true, strides = array<i32>} : memref<128x128xf32, #tpu.memory_space<vmem>>, vector<1x16xf32>,
      %parallel_loop3A_295 = arith.index_cast %parallel_loop3A_258 : i32 to index
      %parallel_loop3A_296 = arith.constant 64 : index
      %parallel_loop3A_297 = tpu.vector_load %arg7[%parallel_loop3A_295, %parallel_loop3A_296] {strides = array<i32>} : memref<200x128xf32, #tpu.memory_space<vmem>>, vector<1x16xf32>,
      %parallel_loop3A_298 = vector.shape_cast %parallel_loop3A_297 : vector<1x16xf32> to vector<16xf32>
      %parallel_loop3A_299 = arith.index_cast %parallel_loop3A_254 : i32 to index
      %parallel_loop3A_300 = arith.constant 64 : index
      %parallel_loop3A_301 = tpu.vector_load %arg10[%parallel_loop3A_299, %parallel_loop3A_300] {strides = array<i32>} : memref<128x128xf32, #tpu.memory_space<vmem>>, vector<1x16xf32>,
      %parallel_loop3A_302 = vector.shape_cast %parallel_loop3A_301 : vector<1x16xf32> to vector<16xf32>
      %parallel_loop3A_303 = vector.shape_cast %parallel_loop3A_298 : vector<16xf32> to vector<1x16xf32>
      tpu.vector_store %arg10[%parallel_loop3A_299, %parallel_loop3A_300], %parallel_loop3A_303 {add = true, strides = array<i32>} : memref<128x128xf32, #tpu.memory_space<vmem>>, vector<1x16xf32>,
      %parallel_loop3A_304 = arith.index_cast %parallel_loop3A_258 : i32 to index
      %parallel_loop3A_305 = arith.constant 80 : index
      %parallel_loop3A_306 = tpu.vector_load %arg7[%parallel_loop3A_304, %parallel_loop3A_305] {strides = array<i32>} : memref<200x128xf32, #tpu.memory_space<vmem>>, vector<1x16xf32>,
      %parallel_loop3A_307 = vector.shape_cast %parallel_loop3A_306 : vector<1x16xf32> to vector<16xf32>
      %parallel_loop3A_308 = arith.index_cast %parallel_loop3A_254 : i32 to index
      %parallel_loop3A_309 = arith.constant 80 : index
      %parallel_loop3A_310 = tpu.vector_load %arg10[%parallel_loop3A_308, %parallel_loop3A_309] {strides = array<i32>} : memref<128x128xf32, #tpu.memory_space<vmem>>, vector<1x16xf32>,
      %parallel_loop3A_311 = vector.shape_cast %parallel_loop3A_310 : vector<1x16xf32> to vector<16xf32>
      %parallel_loop3A_312 = vector.shape_cast %parallel_loop3A_307 : vector<16xf32> to vector<1x16xf32>
      tpu.vector_store %arg10[%parallel_loop3A_308, %parallel_loop3A_309], %parallel_loop3A_312 {add = true, strides = array<i32>} : memref<128x128xf32, #tpu.memory_space<vmem>>, vector<1x16xf32>,
      %parallel_loop3A_313 = arith.index_cast %parallel_loop3A_258 : i32 to index
      %parallel_loop3A_314 = arith.constant 96 : index
      %parallel_loop3A_315 = tpu.vector_load %arg7[%parallel_loop3A_313, %parallel_loop3A_314] {strides = array<i32>} : memref<200x128xf32, #tpu.memory_space<vmem>>, vector<1x16xf32>,
      %parallel_loop3A_316 = vector.shape_cast %parallel_loop3A_315 : vector<1x16xf32> to vector<16xf32>
      %parallel_loop3A_317 = arith.index_cast %parallel_loop3A_254 : i32 to index
      %parallel_loop3A_318 = arith.constant 96 : index
      %parallel_loop3A_319 = tpu.vector_load %arg10[%parallel_loop3A_317, %parallel_loop3A_318] {strides = array<i32>} : memref<128x128xf32, #tpu.memory_space<vmem>>, vector<1x16xf32>,
      %parallel_loop3A_320 = vector.shape_cast %parallel_loop3A_319 : vector<1x16xf32> to vector<16xf32>
      %parallel_loop3A_321 = vector.shape_cast %parallel_loop3A_316 : vector<16xf32> to vector<1x16xf32>
      tpu.vector_store %arg10[%parallel_loop3A_317, %parallel_loop3A_318], %parallel_loop3A_321 {add = true, strides = array<i32>} : memref<128x128xf32, #tpu.memory_space<vmem>>, vector<1x16xf32>,
      %parallel_loop3A_322 = arith.index_cast %parallel_loop3A_258 : i32 to index
      %parallel_loop3A_323 = arith.constant 112 : index
      %parallel_loop3A_324 = tpu.vector_load %arg7[%parallel_loop3A_322, %parallel_loop3A_323] {strides = array<i32>} : memref<200x128xf32, #tpu.memory_space<vmem>>, vector<1x16xf32>,
      %parallel_loop3A_325 = vector.shape_cast %parallel_loop3A_324 : vector<1x16xf32> to vector<16xf32>
      %parallel_loop3A_326 = arith.index_cast %parallel_loop3A_254 : i32 to index
      %parallel_loop3A_327 = arith.constant 112 : index
      %parallel_loop3A_328 = tpu.vector_load %arg10[%parallel_loop3A_326, %parallel_loop3A_327] {strides = array<i32>} : memref<128x128xf32, #tpu.memory_space<vmem>>, vector<1x16xf32>,
      %parallel_loop3A_329 = vector.shape_cast %parallel_loop3A_328 : vector<1x16xf32> to vector<16xf32>
      %parallel_loop3A_330 = vector.shape_cast %parallel_loop3A_325 : vector<16xf32> to vector<1x16xf32>
      tpu.vector_store %arg10[%parallel_loop3A_326, %parallel_loop3A_327], %parallel_loop3A_330 {add = true, strides = array<i32>} : memref<128x128xf32, #tpu.memory_space<vmem>>, vector<1x16xf32>,
    } {sc.loop_unroll_factor = 2 : i64, sc.parallel_access}
    %add3A_67 = arith.constant 256 : i32
    %add3A_68 = arith.addi %mul3A_2, %add3A_67 : i32
    %dma_start3A_69 = arith.constant 0 : i32
    %dma_start3A_70 = tpu.memref_slice %arg5[%add3A_68, %dma_start3A_69] : memref<204800x128xf32, #tpu.memory_space<hbm>> -> memref<128x128xf32, #tpu.memory_space<hbm>>
    %dma_start3A_71 = arith.constant 0 : i32
    %dma_start3A_72 = tpu.memref_slice %arg5[%add3A_68, %dma_start3A_71] : memref<204800x128xf32, #tpu.memory_space<hbm>> -> memref<128x128xf32, #tpu.memory_space<hbm>>
    tpu.enqueue_dma source(%arg10 : memref<128x128xf32, #tpu.memory_space<vmem>>) target(%dma_start3A_72 : memref<128x128xf32, #tpu.memory_space<hbm>>) target_semaphore(%arg18 : memref<!tpu.dma_semaphore, #tpu.memory_space<semaphore_mem>>)
    %add3A_73 = arith.constant 128 : i32
    %add3A_74 = arith.addi %mul3A_2, %add3A_73 : i32
    %dma_wait3A_75 = arith.constant 0 : i32
    %dma_wait3A_76 = tpu.memref_slice %arg5[%add3A_74, %dma_wait3A_75] : memref<204800x128xf32, #tpu.memory_space<hbm>> -> memref<128x128xf32, #tpu.memory_space<hbm>>
    %dma_wait3A_77 = arith.constant 0 : i32
    %dma_wait3A_78 = tpu.memref_slice %arg5[%add3A_74, %dma_wait3A_77] : memref<204800x128xf32, #tpu.memory_space<hbm>> -> memref<128x128xf32, #tpu.memory_space<hbm>>
    tpu.wait_dma2 semaphore(%arg17 : memref<!tpu.dma_semaphore, #tpu.memory_space<semaphore_mem>>) src(%arg9 : memref<128x128xf32, #tpu.memory_space<vmem>>) dst(%dma_wait3A_78 : memref<128x128xf32, #tpu.memory_space<hbm>>)
    %dma_start3A_79 = arith.constant 640 : i32
    %dma_start3A_80 = tpu.memref_slice %arg6[%dma_start3A_79] : memref<6400xi32, #tpu.memory_space<vmem>> -> memref<128xi32, #tpu.memory_space<vmem>>
    %dma_start3A_81 = arith.constant 0 : i32
    %dma_start3A_82 = arith.constant 0 : i32
    %dma_start3A_83 = tpu.memref_slice %arg3[%dma_start3A_81, %dma_start3A_82] : memref<100000x128xf32, #tpu.memory_space<hbm>> -> memref<100000x128xf32, #tpu.memory_space<hbm>>
    tpu.enqueue_indirect_dma source(%dma_start3A_83 : memref<100000x128xf32, #tpu.memory_space<hbm>>) target(%arg9 : memref<128x128xf32, #tpu.memory_space<vmem>>) offsets(%dma_start3A_80 : memref<128xi32, #tpu.memory_space<vmem>>) semaphore(%arg13 : memref<!tpu.dma_semaphore, #tpu.memory_space<semaphore_mem>>)
    %dma_wait3A_84 = arith.constant 384 : i32
    %dma_wait3A_85 = tpu.memref_slice %arg6[%dma_wait3A_84] : memref<6400xi32, #tpu.memory_space<vmem>> -> memref<128xi32, #tpu.memory_space<vmem>>
    %dma_wait3A_86 = arith.constant 0 : i32
    %dma_wait3A_87 = arith.constant 0 : i32
    %dma_wait3A_88 = tpu.memref_slice %arg3[%dma_wait3A_86, %dma_wait3A_87] : memref<100000x128xf32, #tpu.memory_space<hbm>> -> memref<100000x128xf32, #tpu.memory_space<hbm>>
    tpu.wait_indirect_dma semaphore(%arg15 : memref<!tpu.dma_semaphore, #tpu.memory_space<semaphore_mem>>) src(%dma_wait3A_88 : memref<100000x128xf32, #tpu.memory_space<hbm>>) dst(%arg11 : memref<128x128xf32, #tpu.memory_space<vmem>>)
    %parallel_loop3A_89 = arith.constant 0 : i32
    %parallel_loop3A_90 = arith.constant 128 : i32
    %parallel_loop3A_91 = arith.constant 1 : i32
    scf.for %parallel_loop3A_254 = %parallel_loop3A_89 to %parallel_loop3A_90 step %parallel_loop3A_91  : i32 {
      %parallel_loop3A_255 = arith.constant 384 : i32
      %parallel_loop3A_256 = arith.addi %parallel_loop3A_255, %parallel_loop3A_254 : i32
      %parallel_loop3A_257 = arith.constant 200 : i32
      %parallel_loop3A_258 = arith.remsi %parallel_loop3A_256, %parallel_loop3A_257 : i32
      %parallel_loop3A_259 = arith.index_cast %parallel_loop3A_258 : i32 to index
      %parallel_loop3A_260 = arith.constant 0 : index
      %parallel_loop3A_261 = tpu.vector_load %arg7[%parallel_loop3A_259, %parallel_loop3A_260] {strides = array<i32>} : memref<200x128xf32, #tpu.memory_space<vmem>>, vector<1x16xf32>,
      %parallel_loop3A_262 = vector.shape_cast %parallel_loop3A_261 : vector<1x16xf32> to vector<16xf32>
      %parallel_loop3A_263 = arith.index_cast %parallel_loop3A_254 : i32 to index
      %parallel_loop3A_264 = arith.constant 0 : index
      %parallel_loop3A_265 = tpu.vector_load %arg11[%parallel_loop3A_263, %parallel_loop3A_264] {strides = array<i32>} : memref<128x128xf32, #tpu.memory_space<vmem>>, vector<1x16xf32>,
      %parallel_loop3A_266 = vector.shape_cast %parallel_loop3A_265 : vector<1x16xf32> to vector<16xf32>
      %parallel_loop3A_267 = vector.shape_cast %parallel_loop3A_262 : vector<16xf32> to vector<1x16xf32>
      tpu.vector_store %arg11[%parallel_loop3A_263, %parallel_loop3A_264], %parallel_loop3A_267 {add = true, strides = array<i32>} : memref<128x128xf32, #tpu.memory_space<vmem>>, vector<1x16xf32>,
      %parallel_loop3A_268 = arith.index_cast %parallel_loop3A_258 : i32 to index
      %parallel_loop3A_269 = arith.constant 16 : index
      %parallel_loop3A_270 = tpu.vector_load %arg7[%parallel_loop3A_268, %parallel_loop3A_269] {strides = array<i32>} : memref<200x128xf32, #tpu.memory_space<vmem>>, vector<1x16xf32>,
      %parallel_loop3A_271 = vector.shape_cast %parallel_loop3A_270 : vector<1x16xf32> to vector<16xf32>
      %parallel_loop3A_272 = arith.index_cast %parallel_loop3A_254 : i32 to index
      %parallel_loop3A_273 = arith.constant 16 : index
      %parallel_loop3A_274 = tpu.vector_load %arg11[%parallel_loop3A_272, %parallel_loop3A_273] {strides = array<i32>} : memref<128x128xf32, #tpu.memory_space<vmem>>, vector<1x16xf32>,
      %parallel_loop3A_275 = vector.shape_cast %parallel_loop3A_274 : vector<1x16xf32> to vector<16xf32>
      %parallel_loop3A_276 = vector.shape_cast %parallel_loop3A_271 : vector<16xf32> to vector<1x16xf32>
      tpu.vector_store %arg11[%parallel_loop3A_272, %parallel_loop3A_273], %parallel_loop3A_276 {add = true, strides = array<i32>} : memref<128x128xf32, #tpu.memory_space<vmem>>, vector<1x16xf32>,
      %parallel_loop3A_277 = arith.index_cast %parallel_loop3A_258 : i32 to index
      %parallel_loop3A_278 = arith.constant 32 : index
      %parallel_loop3A_279 = tpu.vector_load %arg7[%parallel_loop3A_277, %parallel_loop3A_278] {strides = array<i32>} : memref<200x128xf32, #tpu.memory_space<vmem>>, vector<1x16xf32>,
      %parallel_loop3A_280 = vector.shape_cast %parallel_loop3A_279 : vector<1x16xf32> to vector<16xf32>
      %parallel_loop3A_281 = arith.index_cast %parallel_loop3A_254 : i32 to index
      %parallel_loop3A_282 = arith.constant 32 : index
      %parallel_loop3A_283 = tpu.vector_load %arg11[%parallel_loop3A_281, %parallel_loop3A_282] {strides = array<i32>} : memref<128x128xf32, #tpu.memory_space<vmem>>, vector<1x16xf32>,
      %parallel_loop3A_284 = vector.shape_cast %parallel_loop3A_283 : vector<1x16xf32> to vector<16xf32>
      %parallel_loop3A_285 = vector.shape_cast %parallel_loop3A_280 : vector<16xf32> to vector<1x16xf32>
      tpu.vector_store %arg11[%parallel_loop3A_281, %parallel_loop3A_282], %parallel_loop3A_285 {add = true, strides = array<i32>} : memref<128x128xf32, #tpu.memory_space<vmem>>, vector<1x16xf32>,
      %parallel_loop3A_286 = arith.index_cast %parallel_loop3A_258 : i32 to index
      %parallel_loop3A_287 = arith.constant 48 : index
      %parallel_loop3A_288 = tpu.vector_load %arg7[%parallel_loop3A_286, %parallel_loop3A_287] {strides = array<i32>} : memref<200x128xf32, #tpu.memory_space<vmem>>, vector<1x16xf32>,
      %parallel_loop3A_289 = vector.shape_cast %parallel_loop3A_288 : vector<1x16xf32> to vector<16xf32>
      %parallel_loop3A_290 = arith.index_cast %parallel_loop3A_254 : i32 to index
      %parallel_loop3A_291 = arith.constant 48 : index
      %parallel_loop3A_292 = tpu.vector_load %arg11[%parallel_loop3A_290, %parallel_loop3A_291] {strides = array<i32>} : memref<128x128xf32, #tpu.memory_space<vmem>>, vector<1x16xf32>,
      %parallel_loop3A_293 = vector.shape_cast %parallel_loop3A_292 : vector<1x16xf32> to vector<16xf32>
      %parallel_loop3A_294 = vector.shape_cast %parallel_loop3A_289 : vector<16xf32> to vector<1x16xf32>
      tpu.vector_store %arg11[%parallel_loop3A_290, %parallel_loop3A_291], %parallel_loop3A_294 {add = true, strides = array<i32>} : memref<128x128xf32, #tpu.memory_space<vmem>>, vector<1x16xf32>,
      %parallel_loop3A_295 = arith.index_cast %parallel_loop3A_258 : i32 to index
      %parallel_loop3A_296 = arith.constant 64 : index
      %parallel_loop3A_297 = tpu.vector_load %arg7[%parallel_loop3A_295, %parallel_loop3A_296] {strides = array<i32>} : memref<200x128xf32, #tpu.memory_space<vmem>>, vector<1x16xf32>,
      %parallel_loop3A_298 = vector.shape_cast %parallel_loop3A_297 : vector<1x16xf32> to vector<16xf32>
      %parallel_loop3A_299 = arith.index_cast %parallel_loop3A_254 : i32 to index
      %parallel_loop3A_300 = arith.constant 64 : index
      %parallel_loop3A_301 = tpu.vector_load %arg11[%parallel_loop3A_299, %parallel_loop3A_300] {strides = array<i32>} : memref<128x128xf32, #tpu.memory_space<vmem>>, vector<1x16xf32>,
      %parallel_loop3A_302 = vector.shape_cast %parallel_loop3A_301 : vector<1x16xf32> to vector<16xf32>
      %parallel_loop3A_303 = vector.shape_cast %parallel_loop3A_298 : vector<16xf32> to vector<1x16xf32>
      tpu.vector_store %arg11[%parallel_loop3A_299, %parallel_loop3A_300], %parallel_loop3A_303 {add = true, strides = array<i32>} : memref<128x128xf32, #tpu.memory_space<vmem>>, vector<1x16xf32>,
      %parallel_loop3A_304 = arith.index_cast %parallel_loop3A_258 : i32 to index
      %parallel_loop3A_305 = arith.constant 80 : index
      %parallel_loop3A_306 = tpu.vector_load %arg7[%parallel_loop3A_304, %parallel_loop3A_305] {strides = array<i32>} : memref<200x128xf32, #tpu.memory_space<vmem>>, vector<1x16xf32>,
      %parallel_loop3A_307 = vector.shape_cast %parallel_loop3A_306 : vector<1x16xf32> to vector<16xf32>
      %parallel_loop3A_308 = arith.index_cast %parallel_loop3A_254 : i32 to index
      %parallel_loop3A_309 = arith.constant 80 : index
      %parallel_loop3A_310 = tpu.vector_load %arg11[%parallel_loop3A_308, %parallel_loop3A_309] {strides = array<i32>} : memref<128x128xf32, #tpu.memory_space<vmem>>, vector<1x16xf32>,
      %parallel_loop3A_311 = vector.shape_cast %parallel_loop3A_310 : vector<1x16xf32> to vector<16xf32>
      %parallel_loop3A_312 = vector.shape_cast %parallel_loop3A_307 : vector<16xf32> to vector<1x16xf32>
      tpu.vector_store %arg11[%parallel_loop3A_308, %parallel_loop3A_309], %parallel_loop3A_312 {add = true, strides = array<i32>} : memref<128x128xf32, #tpu.memory_space<vmem>>, vector<1x16xf32>,
      %parallel_loop3A_313 = arith.index_cast %parallel_loop3A_258 : i32 to index
      %parallel_loop3A_314 = arith.constant 96 : index
      %parallel_loop3A_315 = tpu.vector_load %arg7[%parallel_loop3A_313, %parallel_loop3A_314] {strides = array<i32>} : memref<200x128xf32, #tpu.memory_space<vmem>>, vector<1x16xf32>,
      %parallel_loop3A_316 = vector.shape_cast %parallel_loop3A_315 : vector<1x16xf32> to vector<16xf32>
      %parallel_loop3A_317 = arith.index_cast %parallel_loop3A_254 : i32 to index
      %parallel_loop3A_318 = arith.constant 96 : index
      %parallel_loop3A_319 = tpu.vector_load %arg11[%parallel_loop3A_317, %parallel_loop3A_318] {strides = array<i32>} : memref<128x128xf32, #tpu.memory_space<vmem>>, vector<1x16xf32>,
      %parallel_loop3A_320 = vector.shape_cast %parallel_loop3A_319 : vector<1x16xf32> to vector<16xf32>
      %parallel_loop3A_321 = vector.shape_cast %parallel_loop3A_316 : vector<16xf32> to vector<1x16xf32>
      tpu.vector_store %arg11[%parallel_loop3A_317, %parallel_loop3A_318], %parallel_loop3A_321 {add = true, strides = array<i32>} : memref<128x128xf32, #tpu.memory_space<vmem>>, vector<1x16xf32>,
      %parallel_loop3A_322 = arith.index_cast %parallel_loop3A_258 : i32 to index
      %parallel_loop3A_323 = arith.constant 112 : index
      %parallel_loop3A_324 = tpu.vector_load %arg7[%parallel_loop3A_322, %parallel_loop3A_323] {strides = array<i32>} : memref<200x128xf32, #tpu.memory_space<vmem>>, vector<1x16xf32>,
      %parallel_loop3A_325 = vector.shape_cast %parallel_loop3A_324 : vector<1x16xf32> to vector<16xf32>
      %parallel_loop3A_326 = arith.index_cast %parallel_loop3A_254 : i32 to index
      %parallel_loop3A_327 = arith.constant 112 : index
      %parallel_loop3A_328 = tpu.vector_load %arg11[%parallel_loop3A_326, %parallel_loop3A_327] {strides = array<i32>} : memref<128x128xf32, #tpu.memory_space<vmem>>, vector<1x16xf32>,
      %parallel_loop3A_329 = vector.shape_cast %parallel_loop3A_328 : vector<1x16xf32> to vector<16xf32>
      %parallel_loop3A_330 = vector.shape_cast %parallel_loop3A_325 : vector<16xf32> to vector<1x16xf32>
      tpu.vector_store %arg11[%parallel_loop3A_326, %parallel_loop3A_327], %parallel_loop3A_330 {add = true, strides = array<i32>} : memref<128x128xf32, #tpu.memory_space<vmem>>, vector<1x16xf32>,
    } {sc.loop_unroll_factor = 2 : i64, sc.parallel_access}
    %add3A_92 = arith.constant 384 : i32
    %add3A_93 = arith.addi %mul3A_2, %add3A_92 : i32
    %dma_start3A_94 = arith.constant 0 : i32
    %dma_start3A_95 = tpu.memref_slice %arg5[%add3A_93, %dma_start3A_94] : memref<204800x128xf32, #tpu.memory_space<hbm>> -> memref<128x128xf32, #tpu.memory_space<hbm>>
    %dma_start3A_96 = arith.constant 0 : i32
    %dma_start3A_97 = tpu.memref_slice %arg5[%add3A_93, %dma_start3A_96] : memref<204800x128xf32, #tpu.memory_space<hbm>> -> memref<128x128xf32, #tpu.memory_space<hbm>>
    tpu.enqueue_dma source(%arg11 : memref<128x128xf32, #tpu.memory_space<vmem>>) target(%dma_start3A_97 : memref<128x128xf32, #tpu.memory_space<hbm>>) target_semaphore(%arg19 : memref<!tpu.dma_semaphore, #tpu.memory_space<semaphore_mem>>)
    %add3A_98 = arith.constant 256 : i32
    %add3A_99 = arith.addi %mul3A_2, %add3A_98 : i32
    %dma_wait3A_100 = arith.constant 0 : i32
    %dma_wait3A_101 = tpu.memref_slice %arg5[%add3A_99, %dma_wait3A_100] : memref<204800x128xf32, #tpu.memory_space<hbm>> -> memref<128x128xf32, #tpu.memory_space<hbm>>
    %dma_wait3A_102 = arith.constant 0 : i32
    %dma_wait3A_103 = tpu.memref_slice %arg5[%add3A_99, %dma_wait3A_102] : memref<204800x128xf32, #tpu.memory_space<hbm>> -> memref<128x128xf32, #tpu.memory_space<hbm>>
    tpu.wait_dma2 semaphore(%arg18 : memref<!tpu.dma_semaphore, #tpu.memory_space<semaphore_mem>>) src(%arg10 : memref<128x128xf32, #tpu.memory_space<vmem>>) dst(%dma_wait3A_103 : memref<128x128xf32, #tpu.memory_space<hbm>>)
    %dma_start3A_104 = arith.constant 768 : i32
    %dma_start3A_105 = tpu.memref_slice %arg6[%dma_start3A_104] : memref<6400xi32, #tpu.memory_space<vmem>> -> memref<128xi32, #tpu.memory_space<vmem>>
    %dma_start3A_106 = arith.constant 0 : i32
    %dma_start3A_107 = arith.constant 0 : i32
    %dma_start3A_108 = tpu.memref_slice %arg3[%dma_start3A_106, %dma_start3A_107] : memref<100000x128xf32, #tpu.memory_space<hbm>> -> memref<100000x128xf32, #tpu.memory_space<hbm>>
    tpu.enqueue_indirect_dma source(%dma_start3A_108 : memref<100000x128xf32, #tpu.memory_space<hbm>>) target(%arg10 : memref<128x128xf32, #tpu.memory_space<vmem>>) offsets(%dma_start3A_105 : memref<128xi32, #tpu.memory_space<vmem>>) semaphore(%arg14 : memref<!tpu.dma_semaphore, #tpu.memory_space<semaphore_mem>>)
    %scan3A = arith.constant 0 : i32
    %scan3A_109 = arith.constant 10 : i32
    %scan3A_110 = arith.addi %scan3A, %scan3A_109 : i32
    %scan3A_111 = arith.constant 1 : i32
    scf.for %scan3A_254 = %scan3A to %scan3A_110 step %scan3A_111  : i32 {
      %mul3A_255 = arith.constant 1 : i32
      %mul3A_256 = arith.muli %scan3A_254, %mul3A_255 : i32
      %add3A_257 = arith.constant 1 : i32
      %add3A_258 = arith.addi %add3A_257, %mul3A_256 : i32
      %mul3A_259 = arith.constant 4 : i32
      %mul3A_260 = arith.muli %add3A_258, %mul3A_259 : i32
      %add3A_261 = arith.constant 0 : i32
      %add3A_262 = arith.addi %mul3A_260, %add3A_261 : i32
      %mul3A_263 = arith.constant 128 : i32
      %mul3A_264 = arith.muli %add3A_262, %mul3A_263 : i32
      %dma_wait3A_265 = tpu.memref_slice %arg6[%mul3A_264] : memref<6400xi32, #tpu.memory_space<vmem>> -> memref<128xi32, #tpu.memory_space<vmem>>
      %dma_wait3A_266 = arith.constant 0 : i32
      %dma_wait3A_267 = arith.constant 0 : i32
      %dma_wait3A_268 = tpu.memref_slice %arg3[%dma_wait3A_266, %dma_wait3A_267] : memref<100000x128xf32, #tpu.memory_space<hbm>> -> memref<100000x128xf32, #tpu.memory_space<hbm>>
      tpu.wait_indirect_dma semaphore(%arg12 : memref<!tpu.dma_semaphore, #tpu.memory_space<semaphore_mem>>) src(%dma_wait3A_268 : memref<100000x128xf32, #tpu.memory_space<hbm>>) dst(%arg8 : memref<128x128xf32, #tpu.memory_space<vmem>>)
      %mul3A_269 = arith.constant 128 : i32
      %mul3A_270 = arith.muli %add3A_262, %mul3A_269 : i32
      %parallel_loop3A_271 = arith.constant 0 : i32
      %parallel_loop3A_272 = arith.constant 128 : i32
      %parallel_loop3A_273 = arith.constant 1 : i32
      scf.for %parallel_loop3A_422 = %parallel_loop3A_271 to %parallel_loop3A_272 step %parallel_loop3A_273  : i32 {
        %parallel_loop3A_423 = arith.addi %mul3A_270, %parallel_loop3A_422 : i32
        %parallel_loop3A_424 = arith.constant 200 : i32
        %parallel_loop3A_425 = arith.remsi %parallel_loop3A_423, %parallel_loop3A_424 : i32
        %parallel_loop3A_426 = arith.index_cast %parallel_loop3A_425 : i32 to index
        %parallel_loop3A_427 = arith.constant 0 : index
        %parallel_loop3A_428 = tpu.vector_load %arg7[%parallel_loop3A_426, %parallel_loop3A_427] {strides = array<i32>} : memref<200x128xf32, #tpu.memory_space<vmem>>, vector<1x16xf32>,
        %parallel_loop3A_429 = vector.shape_cast %parallel_loop3A_428 : vector<1x16xf32> to vector<16xf32>
        %parallel_loop3A_430 = arith.index_cast %parallel_loop3A_422 : i32 to index
        %parallel_loop3A_431 = arith.constant 0 : index
        %parallel_loop3A_432 = tpu.vector_load %arg8[%parallel_loop3A_430, %parallel_loop3A_431] {strides = array<i32>} : memref<128x128xf32, #tpu.memory_space<vmem>>, vector<1x16xf32>,
        %parallel_loop3A_433 = vector.shape_cast %parallel_loop3A_432 : vector<1x16xf32> to vector<16xf32>
        %parallel_loop3A_434 = vector.shape_cast %parallel_loop3A_429 : vector<16xf32> to vector<1x16xf32>
        tpu.vector_store %arg8[%parallel_loop3A_430, %parallel_loop3A_431], %parallel_loop3A_434 {add = true, strides = array<i32>} : memref<128x128xf32, #tpu.memory_space<vmem>>, vector<1x16xf32>,
        %parallel_loop3A_435 = arith.index_cast %parallel_loop3A_425 : i32 to index
        %parallel_loop3A_436 = arith.constant 16 : index
        %parallel_loop3A_437 = tpu.vector_load %arg7[%parallel_loop3A_435, %parallel_loop3A_436] {strides = array<i32>} : memref<200x128xf32, #tpu.memory_space<vmem>>, vector<1x16xf32>,
        %parallel_loop3A_438 = vector.shape_cast %parallel_loop3A_437 : vector<1x16xf32> to vector<16xf32>
        %parallel_loop3A_439 = arith.index_cast %parallel_loop3A_422 : i32 to index
        %parallel_loop3A_440 = arith.constant 16 : index
        %parallel_loop3A_441 = tpu.vector_load %arg8[%parallel_loop3A_439, %parallel_loop3A_440] {strides = array<i32>} : memref<128x128xf32, #tpu.memory_space<vmem>>, vector<1x16xf32>,
        %parallel_loop3A_442 = vector.shape_cast %parallel_loop3A_441 : vector<1x16xf32> to vector<16xf32>
        %parallel_loop3A_443 = vector.shape_cast %parallel_loop3A_438 : vector<16xf32> to vector<1x16xf32>
        tpu.vector_store %arg8[%parallel_loop3A_439, %parallel_loop3A_440], %parallel_loop3A_443 {add = true, strides = array<i32>} : memref<128x128xf32, #tpu.memory_space<vmem>>, vector<1x16xf32>,
        %parallel_loop3A_444 = arith.index_cast %parallel_loop3A_425 : i32 to index
        %parallel_loop3A_445 = arith.constant 32 : index
        %parallel_loop3A_446 = tpu.vector_load %arg7[%parallel_loop3A_444, %parallel_loop3A_445] {strides = array<i32>} : memref<200x128xf32, #tpu.memory_space<vmem>>, vector<1x16xf32>,
        %parallel_loop3A_447 = vector.shape_cast %parallel_loop3A_446 : vector<1x16xf32> to vector<16xf32>
        %parallel_loop3A_448 = arith.index_cast %parallel_loop3A_422 : i32 to index
        %parallel_loop3A_449 = arith.constant 32 : index
        %parallel_loop3A_450 = tpu.vector_load %arg8[%parallel_loop3A_448, %parallel_loop3A_449] {strides = array<i32>} : memref<128x128xf32, #tpu.memory_space<vmem>>, vector<1x16xf32>,
        %parallel_loop3A_451 = vector.shape_cast %parallel_loop3A_450 : vector<1x16xf32> to vector<16xf32>
        %parallel_loop3A_452 = vector.shape_cast %parallel_loop3A_447 : vector<16xf32> to vector<1x16xf32>
        tpu.vector_store %arg8[%parallel_loop3A_448, %parallel_loop3A_449], %parallel_loop3A_452 {add = true, strides = array<i32>} : memref<128x128xf32, #tpu.memory_space<vmem>>, vector<1x16xf32>,
        %parallel_loop3A_453 = arith.index_cast %parallel_loop3A_425 : i32 to index
        %parallel_loop3A_454 = arith.constant 48 : index
        %parallel_loop3A_455 = tpu.vector_load %arg7[%parallel_loop3A_453, %parallel_loop3A_454] {strides = array<i32>} : memref<200x128xf32, #tpu.memory_space<vmem>>, vector<1x16xf32>,
        %parallel_loop3A_456 = vector.shape_cast %parallel_loop3A_455 : vector<1x16xf32> to vector<16xf32>
        %parallel_loop3A_457 = arith.index_cast %parallel_loop3A_422 : i32 to index
        %parallel_loop3A_458 = arith.constant 48 : index
        %parallel_loop3A_459 = tpu.vector_load %arg8[%parallel_loop3A_457, %parallel_loop3A_458] {strides = array<i32>} : memref<128x128xf32, #tpu.memory_space<vmem>>, vector<1x16xf32>,
        %parallel_loop3A_460 = vector.shape_cast %parallel_loop3A_459 : vector<1x16xf32> to vector<16xf32>
        %parallel_loop3A_461 = vector.shape_cast %parallel_loop3A_456 : vector<16xf32> to vector<1x16xf32>
        tpu.vector_store %arg8[%parallel_loop3A_457, %parallel_loop3A_458], %parallel_loop3A_461 {add = true, strides = array<i32>} : memref<128x128xf32, #tpu.memory_space<vmem>>, vector<1x16xf32>,
        %parallel_loop3A_462 = arith.index_cast %parallel_loop3A_425 : i32 to index
        %parallel_loop3A_463 = arith.constant 64 : index
        %parallel_loop3A_464 = tpu.vector_load %arg7[%parallel_loop3A_462, %parallel_loop3A_463] {strides = array<i32>} : memref<200x128xf32, #tpu.memory_space<vmem>>, vector<1x16xf32>,
        %parallel_loop3A_465 = vector.shape_cast %parallel_loop3A_464 : vector<1x16xf32> to vector<16xf32>
        %parallel_loop3A_466 = arith.index_cast %parallel_loop3A_422 : i32 to index
        %parallel_loop3A_467 = arith.constant 64 : index
        %parallel_loop3A_468 = tpu.vector_load %arg8[%parallel_loop3A_466, %parallel_loop3A_467] {strides = array<i32>} : memref<128x128xf32, #tpu.memory_space<vmem>>, vector<1x16xf32>,
        %parallel_loop3A_469 = vector.shape_cast %parallel_loop3A_468 : vector<1x16xf32> to vector<16xf32>
        %parallel_loop3A_470 = vector.shape_cast %parallel_loop3A_465 : vector<16xf32> to vector<1x16xf32>
        tpu.vector_store %arg8[%parallel_loop3A_466, %parallel_loop3A_467], %parallel_loop3A_470 {add = true, strides = array<i32>} : memref<128x128xf32, #tpu.memory_space<vmem>>, vector<1x16xf32>,
        %parallel_loop3A_471 = arith.index_cast %parallel_loop3A_425 : i32 to index
        %parallel_loop3A_472 = arith.constant 80 : index
        %parallel_loop3A_473 = tpu.vector_load %arg7[%parallel_loop3A_471, %parallel_loop3A_472] {strides = array<i32>} : memref<200x128xf32, #tpu.memory_space<vmem>>, vector<1x16xf32>,
        %parallel_loop3A_474 = vector.shape_cast %parallel_loop3A_473 : vector<1x16xf32> to vector<16xf32>
        %parallel_loop3A_475 = arith.index_cast %parallel_loop3A_422 : i32 to index
        %parallel_loop3A_476 = arith.constant 80 : index
        %parallel_loop3A_477 = tpu.vector_load %arg8[%parallel_loop3A_475, %parallel_loop3A_476] {strides = array<i32>} : memref<128x128xf32, #tpu.memory_space<vmem>>, vector<1x16xf32>,
        %parallel_loop3A_478 = vector.shape_cast %parallel_loop3A_477 : vector<1x16xf32> to vector<16xf32>
        %parallel_loop3A_479 = vector.shape_cast %parallel_loop3A_474 : vector<16xf32> to vector<1x16xf32>
        tpu.vector_store %arg8[%parallel_loop3A_475, %parallel_loop3A_476], %parallel_loop3A_479 {add = true, strides = array<i32>} : memref<128x128xf32, #tpu.memory_space<vmem>>, vector<1x16xf32>,
        %parallel_loop3A_480 = arith.index_cast %parallel_loop3A_425 : i32 to index
        %parallel_loop3A_481 = arith.constant 96 : index
        %parallel_loop3A_482 = tpu.vector_load %arg7[%parallel_loop3A_480, %parallel_loop3A_481] {strides = array<i32>} : memref<200x128xf32, #tpu.memory_space<vmem>>, vector<1x16xf32>,
        %parallel_loop3A_483 = vector.shape_cast %parallel_loop3A_482 : vector<1x16xf32> to vector<16xf32>
        %parallel_loop3A_484 = arith.index_cast %parallel_loop3A_422 : i32 to index
        %parallel_loop3A_485 = arith.constant 96 : index
        %parallel_loop3A_486 = tpu.vector_load %arg8[%parallel_loop3A_484, %parallel_loop3A_485] {strides = array<i32>} : memref<128x128xf32, #tpu.memory_space<vmem>>, vector<1x16xf32>,
        %parallel_loop3A_487 = vector.shape_cast %parallel_loop3A_486 : vector<1x16xf32> to vector<16xf32>
        %parallel_loop3A_488 = vector.shape_cast %parallel_loop3A_483 : vector<16xf32> to vector<1x16xf32>
        tpu.vector_store %arg8[%parallel_loop3A_484, %parallel_loop3A_485], %parallel_loop3A_488 {add = true, strides = array<i32>} : memref<128x128xf32, #tpu.memory_space<vmem>>, vector<1x16xf32>,
        %parallel_loop3A_489 = arith.index_cast %parallel_loop3A_425 : i32 to index
        %parallel_loop3A_490 = arith.constant 112 : index
        %parallel_loop3A_491 = tpu.vector_load %arg7[%parallel_loop3A_489, %parallel_loop3A_490] {strides = array<i32>} : memref<200x128xf32, #tpu.memory_space<vmem>>, vector<1x16xf32>,
        %parallel_loop3A_492 = vector.shape_cast %parallel_loop3A_491 : vector<1x16xf32> to vector<16xf32>
        %parallel_loop3A_493 = arith.index_cast %parallel_loop3A_422 : i32 to index
        %parallel_loop3A_494 = arith.constant 112 : index
        %parallel_loop3A_495 = tpu.vector_load %arg8[%parallel_loop3A_493, %parallel_loop3A_494] {strides = array<i32>} : memref<128x128xf32, #tpu.memory_space<vmem>>, vector<1x16xf32>,
        %parallel_loop3A_496 = vector.shape_cast %parallel_loop3A_495 : vector<1x16xf32> to vector<16xf32>
        %parallel_loop3A_497 = vector.shape_cast %parallel_loop3A_492 : vector<16xf32> to vector<1x16xf32>
        tpu.vector_store %arg8[%parallel_loop3A_493, %parallel_loop3A_494], %parallel_loop3A_497 {add = true, strides = array<i32>} : memref<128x128xf32, #tpu.memory_space<vmem>>, vector<1x16xf32>,
      } {sc.loop_unroll_factor = 2 : i64, sc.parallel_access}
      %mul3A_274 = arith.constant 128 : i32
      %mul3A_275 = arith.muli %add3A_262, %mul3A_274 : i32
      %add3A_276 = arith.addi %mul3A_2, %mul3A_275 : i32
      %dma_start3A_277 = arith.constant 0 : i32
      %dma_start3A_278 = tpu.memref_slice %arg5[%add3A_276, %dma_start3A_277] : memref<204800x128xf32, #tpu.memory_space<hbm>> -> memref<128x128xf32, #tpu.memory_space<hbm>>
      %dma_start3A_279 = arith.constant 0 : i32
      %dma_start3A_280 = tpu.memref_slice %arg5[%add3A_276, %dma_start3A_279] : memref<204800x128xf32, #tpu.memory_space<hbm>> -> memref<128x128xf32, #tpu.memory_space<hbm>>
      tpu.enqueue_dma source(%arg8 : memref<128x128xf32, #tpu.memory_space<vmem>>) target(%dma_start3A_280 : memref<128x128xf32, #tpu.memory_space<hbm>>) target_semaphore(%arg16 : memref<!tpu.dma_semaphore, #tpu.memory_space<semaphore_mem>>)
      %sub3A = arith.constant 1 : i32
      %sub3A_281 = arith.subi %add3A_262, %sub3A : i32
      %mul3A_282 = arith.constant 128 : i32
      %mul3A_283 = arith.muli %sub3A_281, %mul3A_282 : i32
      %add3A_284 = arith.addi %mul3A_2, %mul3A_283 : i32
      %dma_wait3A_285 = arith.constant 0 : i32
      %dma_wait3A_286 = tpu.memref_slice %arg5[%add3A_284, %dma_wait3A_285] : memref<204800x128xf32, #tpu.memory_space<hbm>> -> memref<128x128xf32, #tpu.memory_space<hbm>>
      %dma_wait3A_287 = arith.constant 0 : i32
      %dma_wait3A_288 = tpu.memref_slice %arg5[%add3A_284, %dma_wait3A_287] : memref<204800x128xf32, #tpu.memory_space<hbm>> -> memref<128x128xf32, #tpu.memory_space<hbm>>
      tpu.wait_dma2 semaphore(%arg19 : memref<!tpu.dma_semaphore, #tpu.memory_space<semaphore_mem>>) src(%arg11 : memref<128x128xf32, #tpu.memory_space<vmem>>) dst(%dma_wait3A_288 : memref<128x128xf32, #tpu.memory_space<hbm>>)
      %add3A_289 = arith.constant 4 : i32
      %add3A_290 = arith.addi %add3A_262, %add3A_289 : i32
      %sub3A_291 = arith.constant 1 : i32
      %sub3A_292 = arith.subi %add3A_290, %sub3A_291 : i32
      %mul3A_293 = arith.constant 128 : i32
      %mul3A_294 = arith.muli %sub3A_292, %mul3A_293 : i32
      %dma_start3A_295 = tpu.memref_slice %arg6[%mul3A_294] : memref<6400xi32, #tpu.memory_space<vmem>> -> memref<128xi32, #tpu.memory_space<vmem>>
      %dma_start3A_296 = arith.constant 0 : i32
      %dma_start3A_297 = arith.constant 0 : i32
      %dma_start3A_298 = tpu.memref_slice %arg3[%dma_start3A_296, %dma_start3A_297] : memref<100000x128xf32, #tpu.memory_space<hbm>> -> memref<100000x128xf32, #tpu.memory_space<hbm>>
      tpu.enqueue_indirect_dma source(%dma_start3A_298 : memref<100000x128xf32, #tpu.memory_space<hbm>>) target(%arg11 : memref<128x128xf32, #tpu.memory_space<vmem>>) offsets(%dma_start3A_295 : memref<128xi32, #tpu.memory_space<vmem>>) semaphore(%arg15 : memref<!tpu.dma_semaphore, #tpu.memory_space<semaphore_mem>>)
      %mul3A_299 = arith.constant 4 : i32
      %mul3A_300 = arith.muli %add3A_258, %mul3A_299 : i32
      %add3A_301 = arith.constant 1 : i32
      %add3A_302 = arith.addi %mul3A_300, %add3A_301 : i32
      %mul3A_303 = arith.constant 128 : i32
      %mul3A_304 = arith.muli %add3A_302, %mul3A_303 : i32
      %dma_wait3A_305 = tpu.memref_slice %arg6[%mul3A_304] : memref<6400xi32, #tpu.memory_space<vmem>> -> memref<128xi32, #tpu.memory_space<vmem>>
      %dma_wait3A_306 = arith.constant 0 : i32
      %dma_wait3A_307 = arith.constant 0 : i32
      %dma_wait3A_308 = tpu.memref_slice %arg3[%dma_wait3A_306, %dma_wait3A_307] : memref<100000x128xf32, #tpu.memory_space<hbm>> -> memref<100000x128xf32, #tpu.memory_space<hbm>>
      tpu.wait_indirect_dma semaphore(%arg13 : memref<!tpu.dma_semaphore, #tpu.memory_space<semaphore_mem>>) src(%dma_wait3A_308 : memref<100000x128xf32, #tpu.memory_space<hbm>>) dst(%arg9 : memref<128x128xf32, #tpu.memory_space<vmem>>)
      %mul3A_309 = arith.constant 128 : i32
      %mul3A_310 = arith.muli %add3A_302, %mul3A_309 : i32
      %parallel_loop3A_311 = arith.constant 0 : i32
      %parallel_loop3A_312 = arith.constant 128 : i32
      %parallel_loop3A_313 = arith.constant 1 : i32
      scf.for %parallel_loop3A_422 = %parallel_loop3A_311 to %parallel_loop3A_312 step %parallel_loop3A_313  : i32 {
        %parallel_loop3A_423 = arith.addi %mul3A_310, %parallel_loop3A_422 : i32
        %parallel_loop3A_424 = arith.constant 200 : i32
        %parallel_loop3A_425 = arith.remsi %parallel_loop3A_423, %parallel_loop3A_424 : i32
        %parallel_loop3A_426 = arith.index_cast %parallel_loop3A_425 : i32 to index
        %parallel_loop3A_427 = arith.constant 0 : index
        %parallel_loop3A_428 = tpu.vector_load %arg7[%parallel_loop3A_426, %parallel_loop3A_427] {strides = array<i32>} : memref<200x128xf32, #tpu.memory_space<vmem>>, vector<1x16xf32>,
        %parallel_loop3A_429 = vector.shape_cast %parallel_loop3A_428 : vector<1x16xf32> to vector<16xf32>
        %parallel_loop3A_430 = arith.index_cast %parallel_loop3A_422 : i32 to index
        %parallel_loop3A_431 = arith.constant 0 : index
        %parallel_loop3A_432 = tpu.vector_load %arg9[%parallel_loop3A_430, %parallel_loop3A_431] {strides = array<i32>} : memref<128x128xf32, #tpu.memory_space<vmem>>, vector<1x16xf32>,
        %parallel_loop3A_433 = vector.shape_cast %parallel_loop3A_432 : vector<1x16xf32> to vector<16xf32>
        %parallel_loop3A_434 = vector.shape_cast %parallel_loop3A_429 : vector<16xf32> to vector<1x16xf32>
        tpu.vector_store %arg9[%parallel_loop3A_430, %parallel_loop3A_431], %parallel_loop3A_434 {add = true, strides = array<i32>} : memref<128x128xf32, #tpu.memory_space<vmem>>, vector<1x16xf32>,
        %parallel_loop3A_435 = arith.index_cast %parallel_loop3A_425 : i32 to index
        %parallel_loop3A_436 = arith.constant 16 : index
        %parallel_loop3A_437 = tpu.vector_load %arg7[%parallel_loop3A_435, %parallel_loop3A_436] {strides = array<i32>} : memref<200x128xf32, #tpu.memory_space<vmem>>, vector<1x16xf32>,
        %parallel_loop3A_438 = vector.shape_cast %parallel_loop3A_437 : vector<1x16xf32> to vector<16xf32>
        %parallel_loop3A_439 = arith.index_cast %parallel_loop3A_422 : i32 to index
        %parallel_loop3A_440 = arith.constant 16 : index
        %parallel_loop3A_441 = tpu.vector_load %arg9[%parallel_loop3A_439, %parallel_loop3A_440] {strides = array<i32>} : memref<128x128xf32, #tpu.memory_space<vmem>>, vector<1x16xf32>,
        %parallel_loop3A_442 = vector.shape_cast %parallel_loop3A_441 : vector<1x16xf32> to vector<16xf32>
        %parallel_loop3A_443 = vector.shape_cast %parallel_loop3A_438 : vector<16xf32> to vector<1x16xf32>
        tpu.vector_store %arg9[%parallel_loop3A_439, %parallel_loop3A_440], %parallel_loop3A_443 {add = true, strides = array<i32>} : memref<128x128xf32, #tpu.memory_space<vmem>>, vector<1x16xf32>,
        %parallel_loop3A_444 = arith.index_cast %parallel_loop3A_425 : i32 to index
        %parallel_loop3A_445 = arith.constant 32 : index
        %parallel_loop3A_446 = tpu.vector_load %arg7[%parallel_loop3A_444, %parallel_loop3A_445] {strides = array<i32>} : memref<200x128xf32, #tpu.memory_space<vmem>>, vector<1x16xf32>,
        %parallel_loop3A_447 = vector.shape_cast %parallel_loop3A_446 : vector<1x16xf32> to vector<16xf32>
        %parallel_loop3A_448 = arith.index_cast %parallel_loop3A_422 : i32 to index
        %parallel_loop3A_449 = arith.constant 32 : index
        %parallel_loop3A_450 = tpu.vector_load %arg9[%parallel_loop3A_448, %parallel_loop3A_449] {strides = array<i32>} : memref<128x128xf32, #tpu.memory_space<vmem>>, vector<1x16xf32>,
        %parallel_loop3A_451 = vector.shape_cast %parallel_loop3A_450 : vector<1x16xf32> to vector<16xf32>
        %parallel_loop3A_452 = vector.shape_cast %parallel_loop3A_447 : vector<16xf32> to vector<1x16xf32>
        tpu.vector_store %arg9[%parallel_loop3A_448, %parallel_loop3A_449], %parallel_loop3A_452 {add = true, strides = array<i32>} : memref<128x128xf32, #tpu.memory_space<vmem>>, vector<1x16xf32>,
        %parallel_loop3A_453 = arith.index_cast %parallel_loop3A_425 : i32 to index
        %parallel_loop3A_454 = arith.constant 48 : index
        %parallel_loop3A_455 = tpu.vector_load %arg7[%parallel_loop3A_453, %parallel_loop3A_454] {strides = array<i32>} : memref<200x128xf32, #tpu.memory_space<vmem>>, vector<1x16xf32>,
        %parallel_loop3A_456 = vector.shape_cast %parallel_loop3A_455 : vector<1x16xf32> to vector<16xf32>
        %parallel_loop3A_457 = arith.index_cast %parallel_loop3A_422 : i32 to index
        %parallel_loop3A_458 = arith.constant 48 : index
        %parallel_loop3A_459 = tpu.vector_load %arg9[%parallel_loop3A_457, %parallel_loop3A_458] {strides = array<i32>} : memref<128x128xf32, #tpu.memory_space<vmem>>, vector<1x16xf32>,
        %parallel_loop3A_460 = vector.shape_cast %parallel_loop3A_459 : vector<1x16xf32> to vector<16xf32>
        %parallel_loop3A_461 = vector.shape_cast %parallel_loop3A_456 : vector<16xf32> to vector<1x16xf32>
        tpu.vector_store %arg9[%parallel_loop3A_457, %parallel_loop3A_458], %parallel_loop3A_461 {add = true, strides = array<i32>} : memref<128x128xf32, #tpu.memory_space<vmem>>, vector<1x16xf32>,
        %parallel_loop3A_462 = arith.index_cast %parallel_loop3A_425 : i32 to index
        %parallel_loop3A_463 = arith.constant 64 : index
        %parallel_loop3A_464 = tpu.vector_load %arg7[%parallel_loop3A_462, %parallel_loop3A_463] {strides = array<i32>} : memref<200x128xf32, #tpu.memory_space<vmem>>, vector<1x16xf32>,
        %parallel_loop3A_465 = vector.shape_cast %parallel_loop3A_464 : vector<1x16xf32> to vector<16xf32>
        %parallel_loop3A_466 = arith.index_cast %parallel_loop3A_422 : i32 to index
        %parallel_loop3A_467 = arith.constant 64 : index
        %parallel_loop3A_468 = tpu.vector_load %arg9[%parallel_loop3A_466, %parallel_loop3A_467] {strides = array<i32>} : memref<128x128xf32, #tpu.memory_space<vmem>>, vector<1x16xf32>,
        %parallel_loop3A_469 = vector.shape_cast %parallel_loop3A_468 : vector<1x16xf32> to vector<16xf32>
        %parallel_loop3A_470 = vector.shape_cast %parallel_loop3A_465 : vector<16xf32> to vector<1x16xf32>
        tpu.vector_store %arg9[%parallel_loop3A_466, %parallel_loop3A_467], %parallel_loop3A_470 {add = true, strides = array<i32>} : memref<128x128xf32, #tpu.memory_space<vmem>>, vector<1x16xf32>,
        %parallel_loop3A_471 = arith.index_cast %parallel_loop3A_425 : i32 to index
        %parallel_loop3A_472 = arith.constant 80 : index
        %parallel_loop3A_473 = tpu.vector_load %arg7[%parallel_loop3A_471, %parallel_loop3A_472] {strides = array<i32>} : memref<200x128xf32, #tpu.memory_space<vmem>>, vector<1x16xf32>,
        %parallel_loop3A_474 = vector.shape_cast %parallel_loop3A_473 : vector<1x16xf32> to vector<16xf32>
        %parallel_loop3A_475 = arith.index_cast %parallel_loop3A_422 : i32 to index
        %parallel_loop3A_476 = arith.constant 80 : index
        %parallel_loop3A_477 = tpu.vector_load %arg9[%parallel_loop3A_475, %parallel_loop3A_476] {strides = array<i32>} : memref<128x128xf32, #tpu.memory_space<vmem>>, vector<1x16xf32>,
        %parallel_loop3A_478 = vector.shape_cast %parallel_loop3A_477 : vector<1x16xf32> to vector<16xf32>
        %parallel_loop3A_479 = vector.shape_cast %parallel_loop3A_474 : vector<16xf32> to vector<1x16xf32>
        tpu.vector_store %arg9[%parallel_loop3A_475, %parallel_loop3A_476], %parallel_loop3A_479 {add = true, strides = array<i32>} : memref<128x128xf32, #tpu.memory_space<vmem>>, vector<1x16xf32>,
        %parallel_loop3A_480 = arith.index_cast %parallel_loop3A_425 : i32 to index
        %parallel_loop3A_481 = arith.constant 96 : index
        %parallel_loop3A_482 = tpu.vector_load %arg7[%parallel_loop3A_480, %parallel_loop3A_481] {strides = array<i32>} : memref<200x128xf32, #tpu.memory_space<vmem>>, vector<1x16xf32>,
        %parallel_loop3A_483 = vector.shape_cast %parallel_loop3A_482 : vector<1x16xf32> to vector<16xf32>
        %parallel_loop3A_484 = arith.index_cast %parallel_loop3A_422 : i32 to index
        %parallel_loop3A_485 = arith.constant 96 : index
        %parallel_loop3A_486 = tpu.vector_load %arg9[%parallel_loop3A_484, %parallel_loop3A_485] {strides = array<i32>} : memref<128x128xf32, #tpu.memory_space<vmem>>, vector<1x16xf32>,
        %parallel_loop3A_487 = vector.shape_cast %parallel_loop3A_486 : vector<1x16xf32> to vector<16xf32>
        %parallel_loop3A_488 = vector.shape_cast %parallel_loop3A_483 : vector<16xf32> to vector<1x16xf32>
        tpu.vector_store %arg9[%parallel_loop3A_484, %parallel_loop3A_485], %parallel_loop3A_488 {add = true, strides = array<i32>} : memref<128x128xf32, #tpu.memory_space<vmem>>, vector<1x16xf32>,
        %parallel_loop3A_489 = arith.index_cast %parallel_loop3A_425 : i32 to index
        %parallel_loop3A_490 = arith.constant 112 : index
        %parallel_loop3A_491 = tpu.vector_load %arg7[%parallel_loop3A_489, %parallel_loop3A_490] {strides = array<i32>} : memref<200x128xf32, #tpu.memory_space<vmem>>, vector<1x16xf32>,
        %parallel_loop3A_492 = vector.shape_cast %parallel_loop3A_491 : vector<1x16xf32> to vector<16xf32>
        %parallel_loop3A_493 = arith.index_cast %parallel_loop3A_422 : i32 to index
        %parallel_loop3A_494 = arith.constant 112 : index
        %parallel_loop3A_495 = tpu.vector_load %arg9[%parallel_loop3A_493, %parallel_loop3A_494] {strides = array<i32>} : memref<128x128xf32, #tpu.memory_space<vmem>>, vector<1x16xf32>,
        %parallel_loop3A_496 = vector.shape_cast %parallel_loop3A_495 : vector<1x16xf32> to vector<16xf32>
        %parallel_loop3A_497 = vector.shape_cast %parallel_loop3A_492 : vector<16xf32> to vector<1x16xf32>
        tpu.vector_store %arg9[%parallel_loop3A_493, %parallel_loop3A_494], %parallel_loop3A_497 {add = true, strides = array<i32>} : memref<128x128xf32, #tpu.memory_space<vmem>>, vector<1x16xf32>,
      } {sc.loop_unroll_factor = 2 : i64, sc.parallel_access}
      %mul3A_314 = arith.constant 128 : i32
      %mul3A_315 = arith.muli %add3A_302, %mul3A_314 : i32
      %add3A_316 = arith.addi %mul3A_2, %mul3A_315 : i32
      %dma_start3A_317 = arith.constant 0 : i32
      %dma_start3A_318 = tpu.memref_slice %arg5[%add3A_316, %dma_start3A_317] : memref<204800x128xf32, #tpu.memory_space<hbm>> -> memref<128x128xf32, #tpu.memory_space<hbm>>
      %dma_start3A_319 = arith.constant 0 : i32
      %dma_start3A_320 = tpu.memref_slice %arg5[%add3A_316, %dma_start3A_319] : memref<204800x128xf32, #tpu.memory_space<hbm>> -> memref<128x128xf32, #tpu.memory_space<hbm>>
      tpu.enqueue_dma source(%arg9 : memref<128x128xf32, #tpu.memory_space<vmem>>) target(%dma_start3A_320 : memref<128x128xf32, #tpu.memory_space<hbm>>) target_semaphore(%arg17 : memref<!tpu.dma_semaphore, #tpu.memory_space<semaphore_mem>>)
      %sub3A_321 = arith.constant 1 : i32
      %sub3A_322 = arith.subi %add3A_302, %sub3A_321 : i32
      %mul3A_323 = arith.constant 128 : i32
      %mul3A_324 = arith.muli %sub3A_322, %mul3A_323 : i32
      %add3A_325 = arith.addi %mul3A_2, %mul3A_324 : i32
      %dma_wait3A_326 = arith.constant 0 : i32
      %dma_wait3A_327 = tpu.memref_slice %arg5[%add3A_325, %dma_wait3A_326] : memref<204800x128xf32, #tpu.memory_space<hbm>> -> memref<128x128xf32, #tpu.memory_space<hbm>>
      %dma_wait3A_328 = arith.constant 0 : i32
      %dma_wait3A_329 = tpu.memref_slice %arg5[%add3A_325, %dma_wait3A_328] : memref<204800x128xf32, #tpu.memory_space<hbm>> -> memref<128x128xf32, #tpu.memory_space<hbm>>
      tpu.wait_dma2 semaphore(%arg16 : memref<!tpu.dma_semaphore, #tpu.memory_space<semaphore_mem>>) src(%arg8 : memref<128x128xf32, #tpu.memory_space<vmem>>) dst(%dma_wait3A_329 : memref<128x128xf32, #tpu.memory_space<hbm>>)
      %add3A_330 = arith.constant 4 : i32
      %add3A_331 = arith.addi %add3A_302, %add3A_330 : i32
      %sub3A_332 = arith.constant 1 : i32
      %sub3A_333 = arith.subi %add3A_331, %sub3A_332 : i32
      %mul3A_334 = arith.constant 128 : i32
      %mul3A_335 = arith.muli %sub3A_333, %mul3A_334 : i32
      %dma_start3A_336 = tpu.memref_slice %arg6[%mul3A_335] : memref<6400xi32, #tpu.memory_space<vmem>> -> memref<128xi32, #tpu.memory_space<vmem>>
      %dma_start3A_337 = arith.constant 0 : i32
      %dma_start3A_338 = arith.constant 0 : i32
      %dma_start3A_339 = tpu.memref_slice %arg3[%dma_start3A_337, %dma_start3A_338] : memref<100000x128xf32, #tpu.memory_space<hbm>> -> memref<100000x128xf32, #tpu.memory_space<hbm>>
      tpu.enqueue_indirect_dma source(%dma_start3A_339 : memref<100000x128xf32, #tpu.memory_space<hbm>>) target(%arg8 : memref<128x128xf32, #tpu.memory_space<vmem>>) offsets(%dma_start3A_336 : memref<128xi32, #tpu.memory_space<vmem>>) semaphore(%arg12 : memref<!tpu.dma_semaphore, #tpu.memory_space<semaphore_mem>>)
      %mul3A_340 = arith.constant 4 : i32
      %mul3A_341 = arith.muli %add3A_258, %mul3A_340 : i32
      %add3A_342 = arith.constant 2 : i32
      %add3A_343 = arith.addi %mul3A_341, %add3A_342 : i32
      %mul3A_344 = arith.constant 128 : i32
      %mul3A_345 = arith.muli %add3A_343, %mul3A_344 : i32
      %dma_wait3A_346 = tpu.memref_slice %arg6[%mul3A_345] : memref<6400xi32, #tpu.memory_space<vmem>> -> memref<128xi32, #tpu.memory_space<vmem>>
      %dma_wait3A_347 = arith.constant 0 : i32
      %dma_wait3A_348 = arith.constant 0 : i32
      %dma_wait3A_349 = tpu.memref_slice %arg3[%dma_wait3A_347, %dma_wait3A_348] : memref<100000x128xf32, #tpu.memory_space<hbm>> -> memref<100000x128xf32, #tpu.memory_space<hbm>>
      tpu.wait_indirect_dma semaphore(%arg14 : memref<!tpu.dma_semaphore, #tpu.memory_space<semaphore_mem>>) src(%dma_wait3A_349 : memref<100000x128xf32, #tpu.memory_space<hbm>>) dst(%arg10 : memref<128x128xf32, #tpu.memory_space<vmem>>)
      %mul3A_350 = arith.constant 128 : i32
      %mul3A_351 = arith.muli %add3A_343, %mul3A_350 : i32
      %parallel_loop3A_352 = arith.constant 0 : i32
      %parallel_loop3A_353 = arith.constant 128 : i32
      %parallel_loop3A_354 = arith.constant 1 : i32
      scf.for %parallel_loop3A_422 = %parallel_loop3A_352 to %parallel_loop3A_353 step %parallel_loop3A_354  : i32 {
        %parallel_loop3A_423 = arith.addi %mul3A_351, %parallel_loop3A_422 : i32
        %parallel_loop3A_424 = arith.constant 200 : i32
        %parallel_loop3A_425 = arith.remsi %parallel_loop3A_423, %parallel_loop3A_424 : i32
        %parallel_loop3A_426 = arith.index_cast %parallel_loop3A_425 : i32 to index
        %parallel_loop3A_427 = arith.constant 0 : index
        %parallel_loop3A_428 = tpu.vector_load %arg7[%parallel_loop3A_426, %parallel_loop3A_427] {strides = array<i32>} : memref<200x128xf32, #tpu.memory_space<vmem>>, vector<1x16xf32>,
        %parallel_loop3A_429 = vector.shape_cast %parallel_loop3A_428 : vector<1x16xf32> to vector<16xf32>
        %parallel_loop3A_430 = arith.index_cast %parallel_loop3A_422 : i32 to index
        %parallel_loop3A_431 = arith.constant 0 : index
        %parallel_loop3A_432 = tpu.vector_load %arg10[%parallel_loop3A_430, %parallel_loop3A_431] {strides = array<i32>} : memref<128x128xf32, #tpu.memory_space<vmem>>, vector<1x16xf32>,
        %parallel_loop3A_433 = vector.shape_cast %parallel_loop3A_432 : vector<1x16xf32> to vector<16xf32>
        %parallel_loop3A_434 = vector.shape_cast %parallel_loop3A_429 : vector<16xf32> to vector<1x16xf32>
        tpu.vector_store %arg10[%parallel_loop3A_430, %parallel_loop3A_431], %parallel_loop3A_434 {add = true, strides = array<i32>} : memref<128x128xf32, #tpu.memory_space<vmem>>, vector<1x16xf32>,
        %parallel_loop3A_435 = arith.index_cast %parallel_loop3A_425 : i32 to index
        %parallel_loop3A_436 = arith.constant 16 : index
        %parallel_loop3A_437 = tpu.vector_load %arg7[%parallel_loop3A_435, %parallel_loop3A_436] {strides = array<i32>} : memref<200x128xf32, #tpu.memory_space<vmem>>, vector<1x16xf32>,
        %parallel_loop3A_438 = vector.shape_cast %parallel_loop3A_437 : vector<1x16xf32> to vector<16xf32>
        %parallel_loop3A_439 = arith.index_cast %parallel_loop3A_422 : i32 to index
        %parallel_loop3A_440 = arith.constant 16 : index
        %parallel_loop3A_441 = tpu.vector_load %arg10[%parallel_loop3A_439, %parallel_loop3A_440] {strides = array<i32>} : memref<128x128xf32, #tpu.memory_space<vmem>>, vector<1x16xf32>,
        %parallel_loop3A_442 = vector.shape_cast %parallel_loop3A_441 : vector<1x16xf32> to vector<16xf32>
        %parallel_loop3A_443 = vector.shape_cast %parallel_loop3A_438 : vector<16xf32> to vector<1x16xf32>
        tpu.vector_store %arg10[%parallel_loop3A_439, %parallel_loop3A_440], %parallel_loop3A_443 {add = true, strides = array<i32>} : memref<128x128xf32, #tpu.memory_space<vmem>>, vector<1x16xf32>,
        %parallel_loop3A_444 = arith.index_cast %parallel_loop3A_425 : i32 to index
        %parallel_loop3A_445 = arith.constant 32 : index
        %parallel_loop3A_446 = tpu.vector_load %arg7[%parallel_loop3A_444, %parallel_loop3A_445] {strides = array<i32>} : memref<200x128xf32, #tpu.memory_space<vmem>>, vector<1x16xf32>,
        %parallel_loop3A_447 = vector.shape_cast %parallel_loop3A_446 : vector<1x16xf32> to vector<16xf32>
        %parallel_loop3A_448 = arith.index_cast %parallel_loop3A_422 : i32 to index
        %parallel_loop3A_449 = arith.constant 32 : index
        %parallel_loop3A_450 = tpu.vector_load %arg10[%parallel_loop3A_448, %parallel_loop3A_449] {strides = array<i32>} : memref<128x128xf32, #tpu.memory_space<vmem>>, vector<1x16xf32>,
        %parallel_loop3A_451 = vector.shape_cast %parallel_loop3A_450 : vector<1x16xf32> to vector<16xf32>
        %parallel_loop3A_452 = vector.shape_cast %parallel_loop3A_447 : vector<16xf32> to vector<1x16xf32>
        tpu.vector_store %arg10[%parallel_loop3A_448, %parallel_loop3A_449], %parallel_loop3A_452 {add = true, strides = array<i32>} : memref<128x128xf32, #tpu.memory_space<vmem>>, vector<1x16xf32>,
        %parallel_loop3A_453 = arith.index_cast %parallel_loop3A_425 : i32 to index
        %parallel_loop3A_454 = arith.constant 48 : index
        %parallel_loop3A_455 = tpu.vector_load %arg7[%parallel_loop3A_453, %parallel_loop3A_454] {strides = array<i32>} : memref<200x128xf32, #tpu.memory_space<vmem>>, vector<1x16xf32>,
        %parallel_loop3A_456 = vector.shape_cast %parallel_loop3A_455 : vector<1x16xf32> to vector<16xf32>
        %parallel_loop3A_457 = arith.index_cast %parallel_loop3A_422 : i32 to index
        %parallel_loop3A_458 = arith.constant 48 : index
        %parallel_loop3A_459 = tpu.vector_load %arg10[%parallel_loop3A_457, %parallel_loop3A_458] {strides = array<i32>} : memref<128x128xf32, #tpu.memory_space<vmem>>, vector<1x16xf32>,
        %parallel_loop3A_460 = vector.shape_cast %parallel_loop3A_459 : vector<1x16xf32> to vector<16xf32>
        %parallel_loop3A_461 = vector.shape_cast %parallel_loop3A_456 : vector<16xf32> to vector<1x16xf32>
        tpu.vector_store %arg10[%parallel_loop3A_457, %parallel_loop3A_458], %parallel_loop3A_461 {add = true, strides = array<i32>} : memref<128x128xf32, #tpu.memory_space<vmem>>, vector<1x16xf32>,
        %parallel_loop3A_462 = arith.index_cast %parallel_loop3A_425 : i32 to index
        %parallel_loop3A_463 = arith.constant 64 : index
        %parallel_loop3A_464 = tpu.vector_load %arg7[%parallel_loop3A_462, %parallel_loop3A_463] {strides = array<i32>} : memref<200x128xf32, #tpu.memory_space<vmem>>, vector<1x16xf32>,
        %parallel_loop3A_465 = vector.shape_cast %parallel_loop3A_464 : vector<1x16xf32> to vector<16xf32>
        %parallel_loop3A_466 = arith.index_cast %parallel_loop3A_422 : i32 to index
        %parallel_loop3A_467 = arith.constant 64 : index
        %parallel_loop3A_468 = tpu.vector_load %arg10[%parallel_loop3A_466, %parallel_loop3A_467] {strides = array<i32>} : memref<128x128xf32, #tpu.memory_space<vmem>>, vector<1x16xf32>,
        %parallel_loop3A_469 = vector.shape_cast %parallel_loop3A_468 : vector<1x16xf32> to vector<16xf32>
        %parallel_loop3A_470 = vector.shape_cast %parallel_loop3A_465 : vector<16xf32> to vector<1x16xf32>
        tpu.vector_store %arg10[%parallel_loop3A_466, %parallel_loop3A_467], %parallel_loop3A_470 {add = true, strides = array<i32>} : memref<128x128xf32, #tpu.memory_space<vmem>>, vector<1x16xf32>,
        %parallel_loop3A_471 = arith.index_cast %parallel_loop3A_425 : i32 to index
        %parallel_loop3A_472 = arith.constant 80 : index
        %parallel_loop3A_473 = tpu.vector_load %arg7[%parallel_loop3A_471, %parallel_loop3A_472] {strides = array<i32>} : memref<200x128xf32, #tpu.memory_space<vmem>>, vector<1x16xf32>,
        %parallel_loop3A_474 = vector.shape_cast %parallel_loop3A_473 : vector<1x16xf32> to vector<16xf32>
        %parallel_loop3A_475 = arith.index_cast %parallel_loop3A_422 : i32 to index
        %parallel_loop3A_476 = arith.constant 80 : index
        %parallel_loop3A_477 = tpu.vector_load %arg10[%parallel_loop3A_475, %parallel_loop3A_476] {strides = array<i32>} : memref<128x128xf32, #tpu.memory_space<vmem>>, vector<1x16xf32>,
        %parallel_loop3A_478 = vector.shape_cast %parallel_loop3A_477 : vector<1x16xf32> to vector<16xf32>
        %parallel_loop3A_479 = vector.shape_cast %parallel_loop3A_474 : vector<16xf32> to vector<1x16xf32>
        tpu.vector_store %arg10[%parallel_loop3A_475, %parallel_loop3A_476], %parallel_loop3A_479 {add = true, strides = array<i32>} : memref<128x128xf32, #tpu.memory_space<vmem>>, vector<1x16xf32>,
        %parallel_loop3A_480 = arith.index_cast %parallel_loop3A_425 : i32 to index
        %parallel_loop3A_481 = arith.constant 96 : index
        %parallel_loop3A_482 = tpu.vector_load %arg7[%parallel_loop3A_480, %parallel_loop3A_481] {strides = array<i32>} : memref<200x128xf32, #tpu.memory_space<vmem>>, vector<1x16xf32>,
        %parallel_loop3A_483 = vector.shape_cast %parallel_loop3A_482 : vector<1x16xf32> to vector<16xf32>
        %parallel_loop3A_484 = arith.index_cast %parallel_loop3A_422 : i32 to index
        %parallel_loop3A_485 = arith.constant 96 : index
        %parallel_loop3A_486 = tpu.vector_load %arg10[%parallel_loop3A_484, %parallel_loop3A_485] {strides = array<i32>} : memref<128x128xf32, #tpu.memory_space<vmem>>, vector<1x16xf32>,
        %parallel_loop3A_487 = vector.shape_cast %parallel_loop3A_486 : vector<1x16xf32> to vector<16xf32>
        %parallel_loop3A_488 = vector.shape_cast %parallel_loop3A_483 : vector<16xf32> to vector<1x16xf32>
        tpu.vector_store %arg10[%parallel_loop3A_484, %parallel_loop3A_485], %parallel_loop3A_488 {add = true, strides = array<i32>} : memref<128x128xf32, #tpu.memory_space<vmem>>, vector<1x16xf32>,
        %parallel_loop3A_489 = arith.index_cast %parallel_loop3A_425 : i32 to index
        %parallel_loop3A_490 = arith.constant 112 : index
        %parallel_loop3A_491 = tpu.vector_load %arg7[%parallel_loop3A_489, %parallel_loop3A_490] {strides = array<i32>} : memref<200x128xf32, #tpu.memory_space<vmem>>, vector<1x16xf32>,
        %parallel_loop3A_492 = vector.shape_cast %parallel_loop3A_491 : vector<1x16xf32> to vector<16xf32>
        %parallel_loop3A_493 = arith.index_cast %parallel_loop3A_422 : i32 to index
        %parallel_loop3A_494 = arith.constant 112 : index
        %parallel_loop3A_495 = tpu.vector_load %arg10[%parallel_loop3A_493, %parallel_loop3A_494] {strides = array<i32>} : memref<128x128xf32, #tpu.memory_space<vmem>>, vector<1x16xf32>,
        %parallel_loop3A_496 = vector.shape_cast %parallel_loop3A_495 : vector<1x16xf32> to vector<16xf32>
        %parallel_loop3A_497 = vector.shape_cast %parallel_loop3A_492 : vector<16xf32> to vector<1x16xf32>
        tpu.vector_store %arg10[%parallel_loop3A_493, %parallel_loop3A_494], %parallel_loop3A_497 {add = true, strides = array<i32>} : memref<128x128xf32, #tpu.memory_space<vmem>>, vector<1x16xf32>,
      } {sc.loop_unroll_factor = 2 : i64, sc.parallel_access}
      %mul3A_355 = arith.constant 128 : i32
      %mul3A_356 = arith.muli %add3A_343, %mul3A_355 : i32
      %add3A_357 = arith.addi %mul3A_2, %mul3A_356 : i32
      %dma_start3A_358 = arith.constant 0 : i32
      %dma_start3A_359 = tpu.memref_slice %arg5[%add3A_357, %dma_start3A_358] : memref<204800x128xf32, #tpu.memory_space<hbm>> -> memref<128x128xf32, #tpu.memory_space<hbm>>
      %dma_start3A_360 = arith.constant 0 : i32
      %dma_start3A_361 = tpu.memref_slice %arg5[%add3A_357, %dma_start3A_360] : memref<204800x128xf32, #tpu.memory_space<hbm>> -> memref<128x128xf32, #tpu.memory_space<hbm>>
      tpu.enqueue_dma source(%arg10 : memref<128x128xf32, #tpu.memory_space<vmem>>) target(%dma_start3A_361 : memref<128x128xf32, #tpu.memory_space<hbm>>) target_semaphore(%arg18 : memref<!tpu.dma_semaphore, #tpu.memory_space<semaphore_mem>>)
      %sub3A_362 = arith.constant 1 : i32
      %sub3A_363 = arith.subi %add3A_343, %sub3A_362 : i32
      %mul3A_364 = arith.constant 128 : i32
      %mul3A_365 = arith.muli %sub3A_363, %mul3A_364 : i32
      %add3A_366 = arith.addi %mul3A_2, %mul3A_365 : i32
      %dma_wait3A_367 = arith.constant 0 : i32
      %dma_wait3A_368 = tpu.memref_slice %arg5[%add3A_366, %dma_wait3A_367] : memref<204800x128xf32, #tpu.memory_space<hbm>> -> memref<128x128xf32, #tpu.memory_space<hbm>>
      %dma_wait3A_369 = arith.constant 0 : i32
      %dma_wait3A_370 = tpu.memref_slice %arg5[%add3A_366, %dma_wait3A_369] : memref<204800x128xf32, #tpu.memory_space<hbm>> -> memref<128x128xf32, #tpu.memory_space<hbm>>
      tpu.wait_dma2 semaphore(%arg17 : memref<!tpu.dma_semaphore, #tpu.memory_space<semaphore_mem>>) src(%arg9 : memref<128x128xf32, #tpu.memory_space<vmem>>) dst(%dma_wait3A_370 : memref<128x128xf32, #tpu.memory_space<hbm>>)
      %add3A_371 = arith.constant 4 : i32
      %add3A_372 = arith.addi %add3A_343, %add3A_371 : i32
      %sub3A_373 = arith.constant 1 : i32
      %sub3A_374 = arith.subi %add3A_372, %sub3A_373 : i32
      %mul3A_375 = arith.constant 128 : i32
      %mul3A_376 = arith.muli %sub3A_374, %mul3A_375 : i32
      %dma_start3A_377 = tpu.memref_slice %arg6[%mul3A_376] : memref<6400xi32, #tpu.memory_space<vmem>> -> memref<128xi32, #tpu.memory_space<vmem>>
      %dma_start3A_378 = arith.constant 0 : i32
      %dma_start3A_379 = arith.constant 0 : i32
      %dma_start3A_380 = tpu.memref_slice %arg3[%dma_start3A_378, %dma_start3A_379] : memref<100000x128xf32, #tpu.memory_space<hbm>> -> memref<100000x128xf32, #tpu.memory_space<hbm>>
      tpu.enqueue_indirect_dma source(%dma_start3A_380 : memref<100000x128xf32, #tpu.memory_space<hbm>>) target(%arg9 : memref<128x128xf32, #tpu.memory_space<vmem>>) offsets(%dma_start3A_377 : memref<128xi32, #tpu.memory_space<vmem>>) semaphore(%arg13 : memref<!tpu.dma_semaphore, #tpu.memory_space<semaphore_mem>>)
      %mul3A_381 = arith.constant 4 : i32
      %mul3A_382 = arith.muli %add3A_258, %mul3A_381 : i32
      %add3A_383 = arith.constant 3 : i32
      %add3A_384 = arith.addi %mul3A_382, %add3A_383 : i32
      %mul3A_385 = arith.constant 128 : i32
      %mul3A_386 = arith.muli %add3A_384, %mul3A_385 : i32
      %dma_wait3A_387 = tpu.memref_slice %arg6[%mul3A_386] : memref<6400xi32, #tpu.memory_space<vmem>> -> memref<128xi32, #tpu.memory_space<vmem>>
      %dma_wait3A_388 = arith.constant 0 : i32
      %dma_wait3A_389 = arith.constant 0 : i32
      %dma_wait3A_390 = tpu.memref_slice %arg3[%dma_wait3A_388, %dma_wait3A_389] : memref<100000x128xf32, #tpu.memory_space<hbm>> -> memref<100000x128xf32, #tpu.memory_space<hbm>>
      tpu.wait_indirect_dma semaphore(%arg15 : memref<!tpu.dma_semaphore, #tpu.memory_space<semaphore_mem>>) src(%dma_wait3A_390 : memref<100000x128xf32, #tpu.memory_space<hbm>>) dst(%arg11 : memref<128x128xf32, #tpu.memory_space<vmem>>)
      %mul3A_391 = arith.constant 128 : i32
      %mul3A_392 = arith.muli %add3A_384, %mul3A_391 : i32
      %parallel_loop3A_393 = arith.constant 0 : i32
      %parallel_loop3A_394 = arith.constant 128 : i32
      %parallel_loop3A_395 = arith.constant 1 : i32
      scf.for %parallel_loop3A_422 = %parallel_loop3A_393 to %parallel_loop3A_394 step %parallel_loop3A_395  : i32 {
        %parallel_loop3A_423 = arith.addi %mul3A_392, %parallel_loop3A_422 : i32
        %parallel_loop3A_424 = arith.constant 200 : i32
        %parallel_loop3A_425 = arith.remsi %parallel_loop3A_423, %parallel_loop3A_424 : i32
        %parallel_loop3A_426 = arith.index_cast %parallel_loop3A_425 : i32 to index
        %parallel_loop3A_427 = arith.constant 0 : index
        %parallel_loop3A_428 = tpu.vector_load %arg7[%parallel_loop3A_426, %parallel_loop3A_427] {strides = array<i32>} : memref<200x128xf32, #tpu.memory_space<vmem>>, vector<1x16xf32>,
        %parallel_loop3A_429 = vector.shape_cast %parallel_loop3A_428 : vector<1x16xf32> to vector<16xf32>
        %parallel_loop3A_430 = arith.index_cast %parallel_loop3A_422 : i32 to index
        %parallel_loop3A_431 = arith.constant 0 : index
        %parallel_loop3A_432 = tpu.vector_load %arg11[%parallel_loop3A_430, %parallel_loop3A_431] {strides = array<i32>} : memref<128x128xf32, #tpu.memory_space<vmem>>, vector<1x16xf32>,
        %parallel_loop3A_433 = vector.shape_cast %parallel_loop3A_432 : vector<1x16xf32> to vector<16xf32>
        %parallel_loop3A_434 = vector.shape_cast %parallel_loop3A_429 : vector<16xf32> to vector<1x16xf32>
        tpu.vector_store %arg11[%parallel_loop3A_430, %parallel_loop3A_431], %parallel_loop3A_434 {add = true, strides = array<i32>} : memref<128x128xf32, #tpu.memory_space<vmem>>, vector<1x16xf32>,
        %parallel_loop3A_435 = arith.index_cast %parallel_loop3A_425 : i32 to index
        %parallel_loop3A_436 = arith.constant 16 : index
        %parallel_loop3A_437 = tpu.vector_load %arg7[%parallel_loop3A_435, %parallel_loop3A_436] {strides = array<i32>} : memref<200x128xf32, #tpu.memory_space<vmem>>, vector<1x16xf32>,
        %parallel_loop3A_438 = vector.shape_cast %parallel_loop3A_437 : vector<1x16xf32> to vector<16xf32>
        %parallel_loop3A_439 = arith.index_cast %parallel_loop3A_422 : i32 to index
        %parallel_loop3A_440 = arith.constant 16 : index
        %parallel_loop3A_441 = tpu.vector_load %arg11[%parallel_loop3A_439, %parallel_loop3A_440] {strides = array<i32>} : memref<128x128xf32, #tpu.memory_space<vmem>>, vector<1x16xf32>,
        %parallel_loop3A_442 = vector.shape_cast %parallel_loop3A_441 : vector<1x16xf32> to vector<16xf32>
        %parallel_loop3A_443 = vector.shape_cast %parallel_loop3A_438 : vector<16xf32> to vector<1x16xf32>
        tpu.vector_store %arg11[%parallel_loop3A_439, %parallel_loop3A_440], %parallel_loop3A_443 {add = true, strides = array<i32>} : memref<128x128xf32, #tpu.memory_space<vmem>>, vector<1x16xf32>,
        %parallel_loop3A_444 = arith.index_cast %parallel_loop3A_425 : i32 to index
        %parallel_loop3A_445 = arith.constant 32 : index
        %parallel_loop3A_446 = tpu.vector_load %arg7[%parallel_loop3A_444, %parallel_loop3A_445] {strides = array<i32>} : memref<200x128xf32, #tpu.memory_space<vmem>>, vector<1x16xf32>,
        %parallel_loop3A_447 = vector.shape_cast %parallel_loop3A_446 : vector<1x16xf32> to vector<16xf32>
        %parallel_loop3A_448 = arith.index_cast %parallel_loop3A_422 : i32 to index
        %parallel_loop3A_449 = arith.constant 32 : index
        %parallel_loop3A_450 = tpu.vector_load %arg11[%parallel_loop3A_448, %parallel_loop3A_449] {strides = array<i32>} : memref<128x128xf32, #tpu.memory_space<vmem>>, vector<1x16xf32>,
        %parallel_loop3A_451 = vector.shape_cast %parallel_loop3A_450 : vector<1x16xf32> to vector<16xf32>
        %parallel_loop3A_452 = vector.shape_cast %parallel_loop3A_447 : vector<16xf32> to vector<1x16xf32>
        tpu.vector_store %arg11[%parallel_loop3A_448, %parallel_loop3A_449], %parallel_loop3A_452 {add = true, strides = array<i32>} : memref<128x128xf32, #tpu.memory_space<vmem>>, vector<1x16xf32>,
        %parallel_loop3A_453 = arith.index_cast %parallel_loop3A_425 : i32 to index
        %parallel_loop3A_454 = arith.constant 48 : index
        %parallel_loop3A_455 = tpu.vector_load %arg7[%parallel_loop3A_453, %parallel_loop3A_454] {strides = array<i32>} : memref<200x128xf32, #tpu.memory_space<vmem>>, vector<1x16xf32>,
        %parallel_loop3A_456 = vector.shape_cast %parallel_loop3A_455 : vector<1x16xf32> to vector<16xf32>
        %parallel_loop3A_457 = arith.index_cast %parallel_loop3A_422 : i32 to index
        %parallel_loop3A_458 = arith.constant 48 : index
        %parallel_loop3A_459 = tpu.vector_load %arg11[%parallel_loop3A_457, %parallel_loop3A_458] {strides = array<i32>} : memref<128x128xf32, #tpu.memory_space<vmem>>, vector<1x16xf32>,
        %parallel_loop3A_460 = vector.shape_cast %parallel_loop3A_459 : vector<1x16xf32> to vector<16xf32>
        %parallel_loop3A_461 = vector.shape_cast %parallel_loop3A_456 : vector<16xf32> to vector<1x16xf32>
        tpu.vector_store %arg11[%parallel_loop3A_457, %parallel_loop3A_458], %parallel_loop3A_461 {add = true, strides = array<i32>} : memref<128x128xf32, #tpu.memory_space<vmem>>, vector<1x16xf32>,
        %parallel_loop3A_462 = arith.index_cast %parallel_loop3A_425 : i32 to index
        %parallel_loop3A_463 = arith.constant 64 : index
        %parallel_loop3A_464 = tpu.vector_load %arg7[%parallel_loop3A_462, %parallel_loop3A_463] {strides = array<i32>} : memref<200x128xf32, #tpu.memory_space<vmem>>, vector<1x16xf32>,
        %parallel_loop3A_465 = vector.shape_cast %parallel_loop3A_464 : vector<1x16xf32> to vector<16xf32>
        %parallel_loop3A_466 = arith.index_cast %parallel_loop3A_422 : i32 to index
        %parallel_loop3A_467 = arith.constant 64 : index
        %parallel_loop3A_468 = tpu.vector_load %arg11[%parallel_loop3A_466, %parallel_loop3A_467] {strides = array<i32>} : memref<128x128xf32, #tpu.memory_space<vmem>>, vector<1x16xf32>,
        %parallel_loop3A_469 = vector.shape_cast %parallel_loop3A_468 : vector<1x16xf32> to vector<16xf32>
        %parallel_loop3A_470 = vector.shape_cast %parallel_loop3A_465 : vector<16xf32> to vector<1x16xf32>
        tpu.vector_store %arg11[%parallel_loop3A_466, %parallel_loop3A_467], %parallel_loop3A_470 {add = true, strides = array<i32>} : memref<128x128xf32, #tpu.memory_space<vmem>>, vector<1x16xf32>,
        %parallel_loop3A_471 = arith.index_cast %parallel_loop3A_425 : i32 to index
        %parallel_loop3A_472 = arith.constant 80 : index
        %parallel_loop3A_473 = tpu.vector_load %arg7[%parallel_loop3A_471, %parallel_loop3A_472] {strides = array<i32>} : memref<200x128xf32, #tpu.memory_space<vmem>>, vector<1x16xf32>,
        %parallel_loop3A_474 = vector.shape_cast %parallel_loop3A_473 : vector<1x16xf32> to vector<16xf32>
        %parallel_loop3A_475 = arith.index_cast %parallel_loop3A_422 : i32 to index
        %parallel_loop3A_476 = arith.constant 80 : index
        %parallel_loop3A_477 = tpu.vector_load %arg11[%parallel_loop3A_475, %parallel_loop3A_476] {strides = array<i32>} : memref<128x128xf32, #tpu.memory_space<vmem>>, vector<1x16xf32>,
        %parallel_loop3A_478 = vector.shape_cast %parallel_loop3A_477 : vector<1x16xf32> to vector<16xf32>
        %parallel_loop3A_479 = vector.shape_cast %parallel_loop3A_474 : vector<16xf32> to vector<1x16xf32>
        tpu.vector_store %arg11[%parallel_loop3A_475, %parallel_loop3A_476], %parallel_loop3A_479 {add = true, strides = array<i32>} : memref<128x128xf32, #tpu.memory_space<vmem>>, vector<1x16xf32>,
        %parallel_loop3A_480 = arith.index_cast %parallel_loop3A_425 : i32 to index
        %parallel_loop3A_481 = arith.constant 96 : index
        %parallel_loop3A_482 = tpu.vector_load %arg7[%parallel_loop3A_480, %parallel_loop3A_481] {strides = array<i32>} : memref<200x128xf32, #tpu.memory_space<vmem>>, vector<1x16xf32>,
        %parallel_loop3A_483 = vector.shape_cast %parallel_loop3A_482 : vector<1x16xf32> to vector<16xf32>
        %parallel_loop3A_484 = arith.index_cast %parallel_loop3A_422 : i32 to index
        %parallel_loop3A_485 = arith.constant 96 : index
        %parallel_loop3A_486 = tpu.vector_load %arg11[%parallel_loop3A_484, %parallel_loop3A_485] {strides = array<i32>} : memref<128x128xf32, #tpu.memory_space<vmem>>, vector<1x16xf32>,
        %parallel_loop3A_487 = vector.shape_cast %parallel_loop3A_486 : vector<1x16xf32> to vector<16xf32>
        %parallel_loop3A_488 = vector.shape_cast %parallel_loop3A_483 : vector<16xf32> to vector<1x16xf32>
        tpu.vector_store %arg11[%parallel_loop3A_484, %parallel_loop3A_485], %parallel_loop3A_488 {add = true, strides = array<i32>} : memref<128x128xf32, #tpu.memory_space<vmem>>, vector<1x16xf32>,
        %parallel_loop3A_489 = arith.index_cast %parallel_loop3A_425 : i32 to index
        %parallel_loop3A_490 = arith.constant 112 : index
        %parallel_loop3A_491 = tpu.vector_load %arg7[%parallel_loop3A_489, %parallel_loop3A_490] {strides = array<i32>} : memref<200x128xf32, #tpu.memory_space<vmem>>, vector<1x16xf32>,
        %parallel_loop3A_492 = vector.shape_cast %parallel_loop3A_491 : vector<1x16xf32> to vector<16xf32>
        %parallel_loop3A_493 = arith.index_cast %parallel_loop3A_422 : i32 to index
        %parallel_loop3A_494 = arith.constant 112 : index
        %parallel_loop3A_495 = tpu.vector_load %arg11[%parallel_loop3A_493, %parallel_loop3A_494] {strides = array<i32>} : memref<128x128xf32, #tpu.memory_space<vmem>>, vector<1x16xf32>,
        %parallel_loop3A_496 = vector.shape_cast %parallel_loop3A_495 : vector<1x16xf32> to vector<16xf32>
        %parallel_loop3A_497 = vector.shape_cast %parallel_loop3A_492 : vector<16xf32> to vector<1x16xf32>
        tpu.vector_store %arg11[%parallel_loop3A_493, %parallel_loop3A_494], %parallel_loop3A_497 {add = true, strides = array<i32>} : memref<128x128xf32, #tpu.memory_space<vmem>>, vector<1x16xf32>,
      } {sc.loop_unroll_factor = 2 : i64, sc.parallel_access}
      %mul3A_396 = arith.constant 128 : i32
      %mul3A_397 = arith.muli %add3A_384, %mul3A_396 : i32
      %add3A_398 = arith.addi %mul3A_2, %mul3A_397 : i32
      %dma_start3A_399 = arith.constant 0 : i32
      %dma_start3A_400 = tpu.memref_slice %arg5[%add3A_398, %dma_start3A_399] : memref<204800x128xf32, #tpu.memory_space<hbm>> -> memref<128x128xf32, #tpu.memory_space<hbm>>
      %dma_start3A_401 = arith.constant 0 : i32
      %dma_start3A_402 = tpu.memref_slice %arg5[%add3A_398, %dma_start3A_401] : memref<204800x128xf32, #tpu.memory_space<hbm>> -> memref<128x128xf32, #tpu.memory_space<hbm>>
      tpu.enqueue_dma source(%arg11 : memref<128x128xf32, #tpu.memory_space<vmem>>) target(%dma_start3A_402 : memref<128x128xf32, #tpu.memory_space<hbm>>) target_semaphore(%arg19 : memref<!tpu.dma_semaphore, #tpu.memory_space<semaphore_mem>>)
      %sub3A_403 = arith.constant 1 : i32
      %sub3A_404 = arith.subi %add3A_384, %sub3A_403 : i32
      %mul3A_405 = arith.constant 128 : i32
      %mul3A_406 = arith.muli %sub3A_404, %mul3A_405 : i32
      %add3A_407 = arith.addi %mul3A_2, %mul3A_406 : i32
      %dma_wait3A_408 = arith.constant 0 : i32
      %dma_wait3A_409 = tpu.memref_slice %arg5[%add3A_407, %dma_wait3A_408] : memref<204800x128xf32, #tpu.memory_space<hbm>> -> memref<128x128xf32, #tpu.memory_space<hbm>>
      %dma_wait3A_410 = arith.constant 0 : i32
      %dma_wait3A_411 = tpu.memref_slice %arg5[%add3A_407, %dma_wait3A_410] : memref<204800x128xf32, #tpu.memory_space<hbm>> -> memref<128x128xf32, #tpu.memory_space<hbm>>
      tpu.wait_dma2 semaphore(%arg18 : memref<!tpu.dma_semaphore, #tpu.memory_space<semaphore_mem>>) src(%arg10 : memref<128x128xf32, #tpu.memory_space<vmem>>) dst(%dma_wait3A_411 : memref<128x128xf32, #tpu.memory_space<hbm>>)
      %add3A_412 = arith.constant 4 : i32
      %add3A_413 = arith.addi %add3A_384, %add3A_412 : i32
      %sub3A_414 = arith.constant 1 : i32
      %sub3A_415 = arith.subi %add3A_413, %sub3A_414 : i32
      %mul3A_416 = arith.constant 128 : i32
      %mul3A_417 = arith.muli %sub3A_415, %mul3A_416 : i32
      %dma_start3A_418 = tpu.memref_slice %arg6[%mul3A_417] : memref<6400xi32, #tpu.memory_space<vmem>> -> memref<128xi32, #tpu.memory_space<vmem>>
      %dma_start3A_419 = arith.constant 0 : i32
      %dma_start3A_420 = arith.constant 0 : i32
      %dma_start3A_421 = tpu.memref_slice %arg3[%dma_start3A_419, %dma_start3A_420] : memref<100000x128xf32, #tpu.memory_space<hbm>> -> memref<100000x128xf32, #tpu.memory_space<hbm>>
      tpu.enqueue_indirect_dma source(%dma_start3A_421 : memref<100000x128xf32, #tpu.memory_space<hbm>>) target(%arg10 : memref<128x128xf32, #tpu.memory_space<vmem>>) offsets(%dma_start3A_418 : memref<128xi32, #tpu.memory_space<vmem>>) semaphore(%arg14 : memref<!tpu.dma_semaphore, #tpu.memory_space<semaphore_mem>>)
    }
    %scan3A_112 = arith.constant 10 : i32
    %dma_wait3A_113 = arith.constant 5632 : i32
    %dma_wait3A_114 = tpu.memref_slice %arg6[%dma_wait3A_113] : memref<6400xi32, #tpu.memory_space<vmem>> -> memref<128xi32, #tpu.memory_space<vmem>>
    %dma_wait3A_115 = arith.constant 0 : i32
    %dma_wait3A_116 = arith.constant 0 : i32
    %dma_wait3A_117 = tpu.memref_slice %arg3[%dma_wait3A_115, %dma_wait3A_116] : memref<100000x128xf32, #tpu.memory_space<hbm>> -> memref<100000x128xf32, #tpu.memory_space<hbm>>
    tpu.wait_indirect_dma semaphore(%arg12 : memref<!tpu.dma_semaphore, #tpu.memory_space<semaphore_mem>>) src(%dma_wait3A_117 : memref<100000x128xf32, #tpu.memory_space<hbm>>) dst(%arg8 : memref<128x128xf32, #tpu.memory_space<vmem>>)
    %parallel_loop3A_118 = arith.constant 0 : i32
    %parallel_loop3A_119 = arith.constant 128 : i32
    %parallel_loop3A_120 = arith.constant 1 : i32
    scf.for %parallel_loop3A_254 = %parallel_loop3A_118 to %parallel_loop3A_119 step %parallel_loop3A_120  : i32 {
      %parallel_loop3A_255 = arith.constant 5632 : i32
      %parallel_loop3A_256 = arith.addi %parallel_loop3A_255, %parallel_loop3A_254 : i32
      %parallel_loop3A_257 = arith.constant 200 : i32
      %parallel_loop3A_258 = arith.remsi %parallel_loop3A_256, %parallel_loop3A_257 : i32
      %parallel_loop3A_259 = arith.index_cast %parallel_loop3A_258 : i32 to index
      %parallel_loop3A_260 = arith.constant 0 : index
      %parallel_loop3A_261 = tpu.vector_load %arg7[%parallel_loop3A_259, %parallel_loop3A_260] {strides = array<i32>} : memref<200x128xf32, #tpu.memory_space<vmem>>, vector<1x16xf32>,
      %parallel_loop3A_262 = vector.shape_cast %parallel_loop3A_261 : vector<1x16xf32> to vector<16xf32>
      %parallel_loop3A_263 = arith.index_cast %parallel_loop3A_254 : i32 to index
      %parallel_loop3A_264 = arith.constant 0 : index
      %parallel_loop3A_265 = tpu.vector_load %arg8[%parallel_loop3A_263, %parallel_loop3A_264] {strides = array<i32>} : memref<128x128xf32, #tpu.memory_space<vmem>>, vector<1x16xf32>,
      %parallel_loop3A_266 = vector.shape_cast %parallel_loop3A_265 : vector<1x16xf32> to vector<16xf32>
      %parallel_loop3A_267 = vector.shape_cast %parallel_loop3A_262 : vector<16xf32> to vector<1x16xf32>
      tpu.vector_store %arg8[%parallel_loop3A_263, %parallel_loop3A_264], %parallel_loop3A_267 {add = true, strides = array<i32>} : memref<128x128xf32, #tpu.memory_space<vmem>>, vector<1x16xf32>,
      %parallel_loop3A_268 = arith.index_cast %parallel_loop3A_258 : i32 to index
      %parallel_loop3A_269 = arith.constant 16 : index
      %parallel_loop3A_270 = tpu.vector_load %arg7[%parallel_loop3A_268, %parallel_loop3A_269] {strides = array<i32>} : memref<200x128xf32, #tpu.memory_space<vmem>>, vector<1x16xf32>,
      %parallel_loop3A_271 = vector.shape_cast %parallel_loop3A_270 : vector<1x16xf32> to vector<16xf32>
      %parallel_loop3A_272 = arith.index_cast %parallel_loop3A_254 : i32 to index
      %parallel_loop3A_273 = arith.constant 16 : index
      %parallel_loop3A_274 = tpu.vector_load %arg8[%parallel_loop3A_272, %parallel_loop3A_273] {strides = array<i32>} : memref<128x128xf32, #tpu.memory_space<vmem>>, vector<1x16xf32>,
      %parallel_loop3A_275 = vector.shape_cast %parallel_loop3A_274 : vector<1x16xf32> to vector<16xf32>
      %parallel_loop3A_276 = vector.shape_cast %parallel_loop3A_271 : vector<16xf32> to vector<1x16xf32>
      tpu.vector_store %arg8[%parallel_loop3A_272, %parallel_loop3A_273], %parallel_loop3A_276 {add = true, strides = array<i32>} : memref<128x128xf32, #tpu.memory_space<vmem>>, vector<1x16xf32>,
      %parallel_loop3A_277 = arith.index_cast %parallel_loop3A_258 : i32 to index
      %parallel_loop3A_278 = arith.constant 32 : index
      %parallel_loop3A_279 = tpu.vector_load %arg7[%parallel_loop3A_277, %parallel_loop3A_278] {strides = array<i32>} : memref<200x128xf32, #tpu.memory_space<vmem>>, vector<1x16xf32>,
      %parallel_loop3A_280 = vector.shape_cast %parallel_loop3A_279 : vector<1x16xf32> to vector<16xf32>
      %parallel_loop3A_281 = arith.index_cast %parallel_loop3A_254 : i32 to index
      %parallel_loop3A_282 = arith.constant 32 : index
      %parallel_loop3A_283 = tpu.vector_load %arg8[%parallel_loop3A_281, %parallel_loop3A_282] {strides = array<i32>} : memref<128x128xf32, #tpu.memory_space<vmem>>, vector<1x16xf32>,
      %parallel_loop3A_284 = vector.shape_cast %parallel_loop3A_283 : vector<1x16xf32> to vector<16xf32>
      %parallel_loop3A_285 = vector.shape_cast %parallel_loop3A_280 : vector<16xf32> to vector<1x16xf32>
      tpu.vector_store %arg8[%parallel_loop3A_281, %parallel_loop3A_282], %parallel_loop3A_285 {add = true, strides = array<i32>} : memref<128x128xf32, #tpu.memory_space<vmem>>, vector<1x16xf32>,
      %parallel_loop3A_286 = arith.index_cast %parallel_loop3A_258 : i32 to index
      %parallel_loop3A_287 = arith.constant 48 : index
      %parallel_loop3A_288 = tpu.vector_load %arg7[%parallel_loop3A_286, %parallel_loop3A_287] {strides = array<i32>} : memref<200x128xf32, #tpu.memory_space<vmem>>, vector<1x16xf32>,
      %parallel_loop3A_289 = vector.shape_cast %parallel_loop3A_288 : vector<1x16xf32> to vector<16xf32>
      %parallel_loop3A_290 = arith.index_cast %parallel_loop3A_254 : i32 to index
      %parallel_loop3A_291 = arith.constant 48 : index
      %parallel_loop3A_292 = tpu.vector_load %arg8[%parallel_loop3A_290, %parallel_loop3A_291] {strides = array<i32>} : memref<128x128xf32, #tpu.memory_space<vmem>>, vector<1x16xf32>,
      %parallel_loop3A_293 = vector.shape_cast %parallel_loop3A_292 : vector<1x16xf32> to vector<16xf32>
      %parallel_loop3A_294 = vector.shape_cast %parallel_loop3A_289 : vector<16xf32> to vector<1x16xf32>
      tpu.vector_store %arg8[%parallel_loop3A_290, %parallel_loop3A_291], %parallel_loop3A_294 {add = true, strides = array<i32>} : memref<128x128xf32, #tpu.memory_space<vmem>>, vector<1x16xf32>,
      %parallel_loop3A_295 = arith.index_cast %parallel_loop3A_258 : i32 to index
      %parallel_loop3A_296 = arith.constant 64 : index
      %parallel_loop3A_297 = tpu.vector_load %arg7[%parallel_loop3A_295, %parallel_loop3A_296] {strides = array<i32>} : memref<200x128xf32, #tpu.memory_space<vmem>>, vector<1x16xf32>,
      %parallel_loop3A_298 = vector.shape_cast %parallel_loop3A_297 : vector<1x16xf32> to vector<16xf32>
      %parallel_loop3A_299 = arith.index_cast %parallel_loop3A_254 : i32 to index
      %parallel_loop3A_300 = arith.constant 64 : index
      %parallel_loop3A_301 = tpu.vector_load %arg8[%parallel_loop3A_299, %parallel_loop3A_300] {strides = array<i32>} : memref<128x128xf32, #tpu.memory_space<vmem>>, vector<1x16xf32>,
      %parallel_loop3A_302 = vector.shape_cast %parallel_loop3A_301 : vector<1x16xf32> to vector<16xf32>
      %parallel_loop3A_303 = vector.shape_cast %parallel_loop3A_298 : vector<16xf32> to vector<1x16xf32>
      tpu.vector_store %arg8[%parallel_loop3A_299, %parallel_loop3A_300], %parallel_loop3A_303 {add = true, strides = array<i32>} : memref<128x128xf32, #tpu.memory_space<vmem>>, vector<1x16xf32>,
      %parallel_loop3A_304 = arith.index_cast %parallel_loop3A_258 : i32 to index
      %parallel_loop3A_305 = arith.constant 80 : index
      %parallel_loop3A_306 = tpu.vector_load %arg7[%parallel_loop3A_304, %parallel_loop3A_305] {strides = array<i32>} : memref<200x128xf32, #tpu.memory_space<vmem>>, vector<1x16xf32>,
      %parallel_loop3A_307 = vector.shape_cast %parallel_loop3A_306 : vector<1x16xf32> to vector<16xf32>
      %parallel_loop3A_308 = arith.index_cast %parallel_loop3A_254 : i32 to index
      %parallel_loop3A_309 = arith.constant 80 : index
      %parallel_loop3A_310 = tpu.vector_load %arg8[%parallel_loop3A_308, %parallel_loop3A_309] {strides = array<i32>} : memref<128x128xf32, #tpu.memory_space<vmem>>, vector<1x16xf32>,
      %parallel_loop3A_311 = vector.shape_cast %parallel_loop3A_310 : vector<1x16xf32> to vector<16xf32>
      %parallel_loop3A_312 = vector.shape_cast %parallel_loop3A_307 : vector<16xf32> to vector<1x16xf32>
      tpu.vector_store %arg8[%parallel_loop3A_308, %parallel_loop3A_309], %parallel_loop3A_312 {add = true, strides = array<i32>} : memref<128x128xf32, #tpu.memory_space<vmem>>, vector<1x16xf32>,
      %parallel_loop3A_313 = arith.index_cast %parallel_loop3A_258 : i32 to index
      %parallel_loop3A_314 = arith.constant 96 : index
      %parallel_loop3A_315 = tpu.vector_load %arg7[%parallel_loop3A_313, %parallel_loop3A_314] {strides = array<i32>} : memref<200x128xf32, #tpu.memory_space<vmem>>, vector<1x16xf32>,
      %parallel_loop3A_316 = vector.shape_cast %parallel_loop3A_315 : vector<1x16xf32> to vector<16xf32>
      %parallel_loop3A_317 = arith.index_cast %parallel_loop3A_254 : i32 to index
      %parallel_loop3A_318 = arith.constant 96 : index
      %parallel_loop3A_319 = tpu.vector_load %arg8[%parallel_loop3A_317, %parallel_loop3A_318] {strides = array<i32>} : memref<128x128xf32, #tpu.memory_space<vmem>>, vector<1x16xf32>,
      %parallel_loop3A_320 = vector.shape_cast %parallel_loop3A_319 : vector<1x16xf32> to vector<16xf32>
      %parallel_loop3A_321 = vector.shape_cast %parallel_loop3A_316 : vector<16xf32> to vector<1x16xf32>
      tpu.vector_store %arg8[%parallel_loop3A_317, %parallel_loop3A_318], %parallel_loop3A_321 {add = true, strides = array<i32>} : memref<128x128xf32, #tpu.memory_space<vmem>>, vector<1x16xf32>,
      %parallel_loop3A_322 = arith.index_cast %parallel_loop3A_258 : i32 to index
      %parallel_loop3A_323 = arith.constant 112 : index
      %parallel_loop3A_324 = tpu.vector_load %arg7[%parallel_loop3A_322, %parallel_loop3A_323] {strides = array<i32>} : memref<200x128xf32, #tpu.memory_space<vmem>>, vector<1x16xf32>,
      %parallel_loop3A_325 = vector.shape_cast %parallel_loop3A_324 : vector<1x16xf32> to vector<16xf32>
      %parallel_loop3A_326 = arith.index_cast %parallel_loop3A_254 : i32 to index
      %parallel_loop3A_327 = arith.constant 112 : index
      %parallel_loop3A_328 = tpu.vector_load %arg8[%parallel_loop3A_326, %parallel_loop3A_327] {strides = array<i32>} : memref<128x128xf32, #tpu.memory_space<vmem>>, vector<1x16xf32>,
      %parallel_loop3A_329 = vector.shape_cast %parallel_loop3A_328 : vector<1x16xf32> to vector<16xf32>
      %parallel_loop3A_330 = vector.shape_cast %parallel_loop3A_325 : vector<16xf32> to vector<1x16xf32>
      tpu.vector_store %arg8[%parallel_loop3A_326, %parallel_loop3A_327], %parallel_loop3A_330 {add = true, strides = array<i32>} : memref<128x128xf32, #tpu.memory_space<vmem>>, vector<1x16xf32>,
    } {sc.loop_unroll_factor = 2 : i64, sc.parallel_access}
    %add3A_121 = arith.constant 5632 : i32
    %add3A_122 = arith.addi %mul3A_2, %add3A_121 : i32
    %dma_start3A_123 = arith.constant 0 : i32
    %dma_start3A_124 = tpu.memref_slice %arg5[%add3A_122, %dma_start3A_123] : memref<204800x128xf32, #tpu.memory_space<hbm>> -> memref<128x128xf32, #tpu.memory_space<hbm>>
    %dma_start3A_125 = arith.constant 0 : i32
    %dma_start3A_126 = tpu.memref_slice %arg5[%add3A_122, %dma_start3A_125] : memref<204800x128xf32, #tpu.memory_space<hbm>> -> memref<128x128xf32, #tpu.memory_space<hbm>>
    tpu.enqueue_dma source(%arg8 : memref<128x128xf32, #tpu.memory_space<vmem>>) target(%dma_start3A_126 : memref<128x128xf32, #tpu.memory_space<hbm>>) target_semaphore(%arg16 : memref<!tpu.dma_semaphore, #tpu.memory_space<semaphore_mem>>)
    %add3A_127 = arith.constant 5504 : i32
    %add3A_128 = arith.addi %mul3A_2, %add3A_127 : i32
    %dma_wait3A_129 = arith.constant 0 : i32
    %dma_wait3A_130 = tpu.memref_slice %arg5[%add3A_128, %dma_wait3A_129] : memref<204800x128xf32, #tpu.memory_space<hbm>> -> memref<128x128xf32, #tpu.memory_space<hbm>>
    %dma_wait3A_131 = arith.constant 0 : i32
    %dma_wait3A_132 = tpu.memref_slice %arg5[%add3A_128, %dma_wait3A_131] : memref<204800x128xf32, #tpu.memory_space<hbm>> -> memref<128x128xf32, #tpu.memory_space<hbm>>
    tpu.wait_dma2 semaphore(%arg19 : memref<!tpu.dma_semaphore, #tpu.memory_space<semaphore_mem>>) src(%arg11 : memref<128x128xf32, #tpu.memory_space<vmem>>) dst(%dma_wait3A_132 : memref<128x128xf32, #tpu.memory_space<hbm>>)
    %dma_start3A_133 = arith.constant 6016 : i32
    %dma_start3A_134 = tpu.memref_slice %arg6[%dma_start3A_133] : memref<6400xi32, #tpu.memory_space<vmem>> -> memref<128xi32, #tpu.memory_space<vmem>>
    %dma_start3A_135 = arith.constant 0 : i32
    %dma_start3A_136 = arith.constant 0 : i32
    %dma_start3A_137 = tpu.memref_slice %arg3[%dma_start3A_135, %dma_start3A_136] : memref<100000x128xf32, #tpu.memory_space<hbm>> -> memref<100000x128xf32, #tpu.memory_space<hbm>>
    tpu.enqueue_indirect_dma source(%dma_start3A_137 : memref<100000x128xf32, #tpu.memory_space<hbm>>) target(%arg11 : memref<128x128xf32, #tpu.memory_space<vmem>>) offsets(%dma_start3A_134 : memref<128xi32, #tpu.memory_space<vmem>>) semaphore(%arg15 : memref<!tpu.dma_semaphore, #tpu.memory_space<semaphore_mem>>)
    %dma_wait3A_138 = arith.constant 5760 : i32
    %dma_wait3A_139 = tpu.memref_slice %arg6[%dma_wait3A_138] : memref<6400xi32, #tpu.memory_space<vmem>> -> memref<128xi32, #tpu.memory_space<vmem>>
    %dma_wait3A_140 = arith.constant 0 : i32
    %dma_wait3A_141 = arith.constant 0 : i32
    %dma_wait3A_142 = tpu.memref_slice %arg3[%dma_wait3A_140, %dma_wait3A_141] : memref<100000x128xf32, #tpu.memory_space<hbm>> -> memref<100000x128xf32, #tpu.memory_space<hbm>>
    tpu.wait_indirect_dma semaphore(%arg13 : memref<!tpu.dma_semaphore, #tpu.memory_space<semaphore_mem>>) src(%dma_wait3A_142 : memref<100000x128xf32, #tpu.memory_space<hbm>>) dst(%arg9 : memref<128x128xf32, #tpu.memory_space<vmem>>)
    %parallel_loop3A_143 = arith.constant 0 : i32
    %parallel_loop3A_144 = arith.constant 128 : i32
    %parallel_loop3A_145 = arith.constant 1 : i32
    scf.for %parallel_loop3A_254 = %parallel_loop3A_143 to %parallel_loop3A_144 step %parallel_loop3A_145  : i32 {
      %parallel_loop3A_255 = arith.constant 5760 : i32
      %parallel_loop3A_256 = arith.addi %parallel_loop3A_255, %parallel_loop3A_254 : i32
      %parallel_loop3A_257 = arith.constant 200 : i32
      %parallel_loop3A_258 = arith.remsi %parallel_loop3A_256, %parallel_loop3A_257 : i32
      %parallel_loop3A_259 = arith.index_cast %parallel_loop3A_258 : i32 to index
      %parallel_loop3A_260 = arith.constant 0 : index
      %parallel_loop3A_261 = tpu.vector_load %arg7[%parallel_loop3A_259, %parallel_loop3A_260] {strides = array<i32>} : memref<200x128xf32, #tpu.memory_space<vmem>>, vector<1x16xf32>,
      %parallel_loop3A_262 = vector.shape_cast %parallel_loop3A_261 : vector<1x16xf32> to vector<16xf32>
      %parallel_loop3A_263 = arith.index_cast %parallel_loop3A_254 : i32 to index
      %parallel_loop3A_264 = arith.constant 0 : index
      %parallel_loop3A_265 = tpu.vector_load %arg9[%parallel_loop3A_263, %parallel_loop3A_264] {strides = array<i32>} : memref<128x128xf32, #tpu.memory_space<vmem>>, vector<1x16xf32>,
      %parallel_loop3A_266 = vector.shape_cast %parallel_loop3A_265 : vector<1x16xf32> to vector<16xf32>
      %parallel_loop3A_267 = vector.shape_cast %parallel_loop3A_262 : vector<16xf32> to vector<1x16xf32>
      tpu.vector_store %arg9[%parallel_loop3A_263, %parallel_loop3A_264], %parallel_loop3A_267 {add = true, strides = array<i32>} : memref<128x128xf32, #tpu.memory_space<vmem>>, vector<1x16xf32>,
      %parallel_loop3A_268 = arith.index_cast %parallel_loop3A_258 : i32 to index
      %parallel_loop3A_269 = arith.constant 16 : index
      %parallel_loop3A_270 = tpu.vector_load %arg7[%parallel_loop3A_268, %parallel_loop3A_269] {strides = array<i32>} : memref<200x128xf32, #tpu.memory_space<vmem>>, vector<1x16xf32>,
      %parallel_loop3A_271 = vector.shape_cast %parallel_loop3A_270 : vector<1x16xf32> to vector<16xf32>
      %parallel_loop3A_272 = arith.index_cast %parallel_loop3A_254 : i32 to index
      %parallel_loop3A_273 = arith.constant 16 : index
      %parallel_loop3A_274 = tpu.vector_load %arg9[%parallel_loop3A_272, %parallel_loop3A_273] {strides = array<i32>} : memref<128x128xf32, #tpu.memory_space<vmem>>, vector<1x16xf32>,
      %parallel_loop3A_275 = vector.shape_cast %parallel_loop3A_274 : vector<1x16xf32> to vector<16xf32>
      %parallel_loop3A_276 = vector.shape_cast %parallel_loop3A_271 : vector<16xf32> to vector<1x16xf32>
      tpu.vector_store %arg9[%parallel_loop3A_272, %parallel_loop3A_273], %parallel_loop3A_276 {add = true, strides = array<i32>} : memref<128x128xf32, #tpu.memory_space<vmem>>, vector<1x16xf32>,
      %parallel_loop3A_277 = arith.index_cast %parallel_loop3A_258 : i32 to index
      %parallel_loop3A_278 = arith.constant 32 : index
      %parallel_loop3A_279 = tpu.vector_load %arg7[%parallel_loop3A_277, %parallel_loop3A_278] {strides = array<i32>} : memref<200x128xf32, #tpu.memory_space<vmem>>, vector<1x16xf32>,
      %parallel_loop3A_280 = vector.shape_cast %parallel_loop3A_279 : vector<1x16xf32> to vector<16xf32>
      %parallel_loop3A_281 = arith.index_cast %parallel_loop3A_254 : i32 to index
      %parallel_loop3A_282 = arith.constant 32 : index
      %parallel_loop3A_283 = tpu.vector_load %arg9[%parallel_loop3A_281, %parallel_loop3A_282] {strides = array<i32>} : memref<128x128xf32, #tpu.memory_space<vmem>>, vector<1x16xf32>,
      %parallel_loop3A_284 = vector.shape_cast %parallel_loop3A_283 : vector<1x16xf32> to vector<16xf32>
      %parallel_loop3A_285 = vector.shape_cast %parallel_loop3A_280 : vector<16xf32> to vector<1x16xf32>
      tpu.vector_store %arg9[%parallel_loop3A_281, %parallel_loop3A_282], %parallel_loop3A_285 {add = true, strides = array<i32>} : memref<128x128xf32, #tpu.memory_space<vmem>>, vector<1x16xf32>,
      %parallel_loop3A_286 = arith.index_cast %parallel_loop3A_258 : i32 to index
      %parallel_loop3A_287 = arith.constant 48 : index
      %parallel_loop3A_288 = tpu.vector_load %arg7[%parallel_loop3A_286, %parallel_loop3A_287] {strides = array<i32>} : memref<200x128xf32, #tpu.memory_space<vmem>>, vector<1x16xf32>,
      %parallel_loop3A_289 = vector.shape_cast %parallel_loop3A_288 : vector<1x16xf32> to vector<16xf32>
      %parallel_loop3A_290 = arith.index_cast %parallel_loop3A_254 : i32 to index
      %parallel_loop3A_291 = arith.constant 48 : index
      %parallel_loop3A_292 = tpu.vector_load %arg9[%parallel_loop3A_290, %parallel_loop3A_291] {strides = array<i32>} : memref<128x128xf32, #tpu.memory_space<vmem>>, vector<1x16xf32>,
      %parallel_loop3A_293 = vector.shape_cast %parallel_loop3A_292 : vector<1x16xf32> to vector<16xf32>
      %parallel_loop3A_294 = vector.shape_cast %parallel_loop3A_289 : vector<16xf32> to vector<1x16xf32>
      tpu.vector_store %arg9[%parallel_loop3A_290, %parallel_loop3A_291], %parallel_loop3A_294 {add = true, strides = array<i32>} : memref<128x128xf32, #tpu.memory_space<vmem>>, vector<1x16xf32>,
      %parallel_loop3A_295 = arith.index_cast %parallel_loop3A_258 : i32 to index
      %parallel_loop3A_296 = arith.constant 64 : index
      %parallel_loop3A_297 = tpu.vector_load %arg7[%parallel_loop3A_295, %parallel_loop3A_296] {strides = array<i32>} : memref<200x128xf32, #tpu.memory_space<vmem>>, vector<1x16xf32>,
      %parallel_loop3A_298 = vector.shape_cast %parallel_loop3A_297 : vector<1x16xf32> to vector<16xf32>
      %parallel_loop3A_299 = arith.index_cast %parallel_loop3A_254 : i32 to index
      %parallel_loop3A_300 = arith.constant 64 : index
      %parallel_loop3A_301 = tpu.vector_load %arg9[%parallel_loop3A_299, %parallel_loop3A_300] {strides = array<i32>} : memref<128x128xf32, #tpu.memory_space<vmem>>, vector<1x16xf32>,
      %parallel_loop3A_302 = vector.shape_cast %parallel_loop3A_301 : vector<1x16xf32> to vector<16xf32>
      %parallel_loop3A_303 = vector.shape_cast %parallel_loop3A_298 : vector<16xf32> to vector<1x16xf32>
      tpu.vector_store %arg9[%parallel_loop3A_299, %parallel_loop3A_300], %parallel_loop3A_303 {add = true, strides = array<i32>} : memref<128x128xf32, #tpu.memory_space<vmem>>, vector<1x16xf32>,
      %parallel_loop3A_304 = arith.index_cast %parallel_loop3A_258 : i32 to index
      %parallel_loop3A_305 = arith.constant 80 : index
      %parallel_loop3A_306 = tpu.vector_load %arg7[%parallel_loop3A_304, %parallel_loop3A_305] {strides = array<i32>} : memref<200x128xf32, #tpu.memory_space<vmem>>, vector<1x16xf32>,
      %parallel_loop3A_307 = vector.shape_cast %parallel_loop3A_306 : vector<1x16xf32> to vector<16xf32>
      %parallel_loop3A_308 = arith.index_cast %parallel_loop3A_254 : i32 to index
      %parallel_loop3A_309 = arith.constant 80 : index
      %parallel_loop3A_310 = tpu.vector_load %arg9[%parallel_loop3A_308, %parallel_loop3A_309] {strides = array<i32>} : memref<128x128xf32, #tpu.memory_space<vmem>>, vector<1x16xf32>,
      %parallel_loop3A_311 = vector.shape_cast %parallel_loop3A_310 : vector<1x16xf32> to vector<16xf32>
      %parallel_loop3A_312 = vector.shape_cast %parallel_loop3A_307 : vector<16xf32> to vector<1x16xf32>
      tpu.vector_store %arg9[%parallel_loop3A_308, %parallel_loop3A_309], %parallel_loop3A_312 {add = true, strides = array<i32>} : memref<128x128xf32, #tpu.memory_space<vmem>>, vector<1x16xf32>,
      %parallel_loop3A_313 = arith.index_cast %parallel_loop3A_258 : i32 to index
      %parallel_loop3A_314 = arith.constant 96 : index
      %parallel_loop3A_315 = tpu.vector_load %arg7[%parallel_loop3A_313, %parallel_loop3A_314] {strides = array<i32>} : memref<200x128xf32, #tpu.memory_space<vmem>>, vector<1x16xf32>,
      %parallel_loop3A_316 = vector.shape_cast %parallel_loop3A_315 : vector<1x16xf32> to vector<16xf32>
      %parallel_loop3A_317 = arith.index_cast %parallel_loop3A_254 : i32 to index
      %parallel_loop3A_318 = arith.constant 96 : index
      %parallel_loop3A_319 = tpu.vector_load %arg9[%parallel_loop3A_317, %parallel_loop3A_318] {strides = array<i32>} : memref<128x128xf32, #tpu.memory_space<vmem>>, vector<1x16xf32>,
      %parallel_loop3A_320 = vector.shape_cast %parallel_loop3A_319 : vector<1x16xf32> to vector<16xf32>
      %parallel_loop3A_321 = vector.shape_cast %parallel_loop3A_316 : vector<16xf32> to vector<1x16xf32>
      tpu.vector_store %arg9[%parallel_loop3A_317, %parallel_loop3A_318], %parallel_loop3A_321 {add = true, strides = array<i32>} : memref<128x128xf32, #tpu.memory_space<vmem>>, vector<1x16xf32>,
      %parallel_loop3A_322 = arith.index_cast %parallel_loop3A_258 : i32 to index
      %parallel_loop3A_323 = arith.constant 112 : index
      %parallel_loop3A_324 = tpu.vector_load %arg7[%parallel_loop3A_322, %parallel_loop3A_323] {strides = array<i32>} : memref<200x128xf32, #tpu.memory_space<vmem>>, vector<1x16xf32>,
      %parallel_loop3A_325 = vector.shape_cast %parallel_loop3A_324 : vector<1x16xf32> to vector<16xf32>
      %parallel_loop3A_326 = arith.index_cast %parallel_loop3A_254 : i32 to index
      %parallel_loop3A_327 = arith.constant 112 : index
      %parallel_loop3A_328 = tpu.vector_load %arg9[%parallel_loop3A_326, %parallel_loop3A_327] {strides = array<i32>} : memref<128x128xf32, #tpu.memory_space<vmem>>, vector<1x16xf32>,
      %parallel_loop3A_329 = vector.shape_cast %parallel_loop3A_328 : vector<1x16xf32> to vector<16xf32>
      %parallel_loop3A_330 = vector.shape_cast %parallel_loop3A_325 : vector<16xf32> to vector<1x16xf32>
      tpu.vector_store %arg9[%parallel_loop3A_326, %parallel_loop3A_327], %parallel_loop3A_330 {add = true, strides = array<i32>} : memref<128x128xf32, #tpu.memory_space<vmem>>, vector<1x16xf32>,
    } {sc.loop_unroll_factor = 2 : i64, sc.parallel_access}
    %add3A_146 = arith.constant 5760 : i32
    %add3A_147 = arith.addi %mul3A_2, %add3A_146 : i32
    %dma_start3A_148 = arith.constant 0 : i32
    %dma_start3A_149 = tpu.memref_slice %arg5[%add3A_147, %dma_start3A_148] : memref<204800x128xf32, #tpu.memory_space<hbm>> -> memref<128x128xf32, #tpu.memory_space<hbm>>
    %dma_start3A_150 = arith.constant 0 : i32
    %dma_start3A_151 = tpu.memref_slice %arg5[%add3A_147, %dma_start3A_150] : memref<204800x128xf32, #tpu.memory_space<hbm>> -> memref<128x128xf32, #tpu.memory_space<hbm>>
    tpu.enqueue_dma source(%arg9 : memref<128x128xf32, #tpu.memory_space<vmem>>) target(%dma_start3A_151 : memref<128x128xf32, #tpu.memory_space<hbm>>) target_semaphore(%arg17 : memref<!tpu.dma_semaphore, #tpu.memory_space<semaphore_mem>>)
    %add3A_152 = arith.constant 5632 : i32
    %add3A_153 = arith.addi %mul3A_2, %add3A_152 : i32
    %dma_wait3A_154 = arith.constant 0 : i32
    %dma_wait3A_155 = tpu.memref_slice %arg5[%add3A_153, %dma_wait3A_154] : memref<204800x128xf32, #tpu.memory_space<hbm>> -> memref<128x128xf32, #tpu.memory_space<hbm>>
    %dma_wait3A_156 = arith.constant 0 : i32
    %dma_wait3A_157 = tpu.memref_slice %arg5[%add3A_153, %dma_wait3A_156] : memref<204800x128xf32, #tpu.memory_space<hbm>> -> memref<128x128xf32, #tpu.memory_space<hbm>>
    tpu.wait_dma2 semaphore(%arg16 : memref<!tpu.dma_semaphore, #tpu.memory_space<semaphore_mem>>) src(%arg8 : memref<128x128xf32, #tpu.memory_space<vmem>>) dst(%dma_wait3A_157 : memref<128x128xf32, #tpu.memory_space<hbm>>)
    %dma_start3A_158 = arith.constant 6144 : i32
    %dma_start3A_159 = tpu.memref_slice %arg6[%dma_start3A_158] : memref<6400xi32, #tpu.memory_space<vmem>> -> memref<128xi32, #tpu.memory_space<vmem>>
    %dma_start3A_160 = arith.constant 0 : i32
    %dma_start3A_161 = arith.constant 0 : i32
    %dma_start3A_162 = tpu.memref_slice %arg3[%dma_start3A_160, %dma_start3A_161] : memref<100000x128xf32, #tpu.memory_space<hbm>> -> memref<100000x128xf32, #tpu.memory_space<hbm>>
    tpu.enqueue_indirect_dma source(%dma_start3A_162 : memref<100000x128xf32, #tpu.memory_space<hbm>>) target(%arg8 : memref<128x128xf32, #tpu.memory_space<vmem>>) offsets(%dma_start3A_159 : memref<128xi32, #tpu.memory_space<vmem>>) semaphore(%arg12 : memref<!tpu.dma_semaphore, #tpu.memory_space<semaphore_mem>>)
    %dma_wait3A_163 = arith.constant 5888 : i32
    %dma_wait3A_164 = tpu.memref_slice %arg6[%dma_wait3A_163] : memref<6400xi32, #tpu.memory_space<vmem>> -> memref<128xi32, #tpu.memory_space<vmem>>
    %dma_wait3A_165 = arith.constant 0 : i32
    %dma_wait3A_166 = arith.constant 0 : i32
    %dma_wait3A_167 = tpu.memref_slice %arg3[%dma_wait3A_165, %dma_wait3A_166] : memref<100000x128xf32, #tpu.memory_space<hbm>> -> memref<100000x128xf32, #tpu.memory_space<hbm>>
    tpu.wait_indirect_dma semaphore(%arg14 : memref<!tpu.dma_semaphore, #tpu.memory_space<semaphore_mem>>) src(%dma_wait3A_167 : memref<100000x128xf32, #tpu.memory_space<hbm>>) dst(%arg10 : memref<128x128xf32, #tpu.memory_space<vmem>>)
    %parallel_loop3A_168 = arith.constant 0 : i32
    %parallel_loop3A_169 = arith.constant 128 : i32
    %parallel_loop3A_170 = arith.constant 1 : i32
    scf.for %parallel_loop3A_254 = %parallel_loop3A_168 to %parallel_loop3A_169 step %parallel_loop3A_170  : i32 {
      %parallel_loop3A_255 = arith.constant 5888 : i32
      %parallel_loop3A_256 = arith.addi %parallel_loop3A_255, %parallel_loop3A_254 : i32
      %parallel_loop3A_257 = arith.constant 200 : i32
      %parallel_loop3A_258 = arith.remsi %parallel_loop3A_256, %parallel_loop3A_257 : i32
      %parallel_loop3A_259 = arith.index_cast %parallel_loop3A_258 : i32 to index
      %parallel_loop3A_260 = arith.constant 0 : index
      %parallel_loop3A_261 = tpu.vector_load %arg7[%parallel_loop3A_259, %parallel_loop3A_260] {strides = array<i32>} : memref<200x128xf32, #tpu.memory_space<vmem>>, vector<1x16xf32>,
      %parallel_loop3A_262 = vector.shape_cast %parallel_loop3A_261 : vector<1x16xf32> to vector<16xf32>
      %parallel_loop3A_263 = arith.index_cast %parallel_loop3A_254 : i32 to index
      %parallel_loop3A_264 = arith.constant 0 : index
      %parallel_loop3A_265 = tpu.vector_load %arg10[%parallel_loop3A_263, %parallel_loop3A_264] {strides = array<i32>} : memref<128x128xf32, #tpu.memory_space<vmem>>, vector<1x16xf32>,
      %parallel_loop3A_266 = vector.shape_cast %parallel_loop3A_265 : vector<1x16xf32> to vector<16xf32>
      %parallel_loop3A_267 = vector.shape_cast %parallel_loop3A_262 : vector<16xf32> to vector<1x16xf32>
      tpu.vector_store %arg10[%parallel_loop3A_263, %parallel_loop3A_264], %parallel_loop3A_267 {add = true, strides = array<i32>} : memref<128x128xf32, #tpu.memory_space<vmem>>, vector<1x16xf32>,
      %parallel_loop3A_268 = arith.index_cast %parallel_loop3A_258 : i32 to index
      %parallel_loop3A_269 = arith.constant 16 : index
      %parallel_loop3A_270 = tpu.vector_load %arg7[%parallel_loop3A_268, %parallel_loop3A_269] {strides = array<i32>} : memref<200x128xf32, #tpu.memory_space<vmem>>, vector<1x16xf32>,
      %parallel_loop3A_271 = vector.shape_cast %parallel_loop3A_270 : vector<1x16xf32> to vector<16xf32>
      %parallel_loop3A_272 = arith.index_cast %parallel_loop3A_254 : i32 to index
      %parallel_loop3A_273 = arith.constant 16 : index
      %parallel_loop3A_274 = tpu.vector_load %arg10[%parallel_loop3A_272, %parallel_loop3A_273] {strides = array<i32>} : memref<128x128xf32, #tpu.memory_space<vmem>>, vector<1x16xf32>,
      %parallel_loop3A_275 = vector.shape_cast %parallel_loop3A_274 : vector<1x16xf32> to vector<16xf32>
      %parallel_loop3A_276 = vector.shape_cast %parallel_loop3A_271 : vector<16xf32> to vector<1x16xf32>
      tpu.vector_store %arg10[%parallel_loop3A_272, %parallel_loop3A_273], %parallel_loop3A_276 {add = true, strides = array<i32>} : memref<128x128xf32, #tpu.memory_space<vmem>>, vector<1x16xf32>,
      %parallel_loop3A_277 = arith.index_cast %parallel_loop3A_258 : i32 to index
      %parallel_loop3A_278 = arith.constant 32 : index
      %parallel_loop3A_279 = tpu.vector_load %arg7[%parallel_loop3A_277, %parallel_loop3A_278] {strides = array<i32>} : memref<200x128xf32, #tpu.memory_space<vmem>>, vector<1x16xf32>,
      %parallel_loop3A_280 = vector.shape_cast %parallel_loop3A_279 : vector<1x16xf32> to vector<16xf32>
      %parallel_loop3A_281 = arith.index_cast %parallel_loop3A_254 : i32 to index
      %parallel_loop3A_282 = arith.constant 32 : index
      %parallel_loop3A_283 = tpu.vector_load %arg10[%parallel_loop3A_281, %parallel_loop3A_282] {strides = array<i32>} : memref<128x128xf32, #tpu.memory_space<vmem>>, vector<1x16xf32>,
      %parallel_loop3A_284 = vector.shape_cast %parallel_loop3A_283 : vector<1x16xf32> to vector<16xf32>
      %parallel_loop3A_285 = vector.shape_cast %parallel_loop3A_280 : vector<16xf32> to vector<1x16xf32>
      tpu.vector_store %arg10[%parallel_loop3A_281, %parallel_loop3A_282], %parallel_loop3A_285 {add = true, strides = array<i32>} : memref<128x128xf32, #tpu.memory_space<vmem>>, vector<1x16xf32>,
      %parallel_loop3A_286 = arith.index_cast %parallel_loop3A_258 : i32 to index
      %parallel_loop3A_287 = arith.constant 48 : index
      %parallel_loop3A_288 = tpu.vector_load %arg7[%parallel_loop3A_286, %parallel_loop3A_287] {strides = array<i32>} : memref<200x128xf32, #tpu.memory_space<vmem>>, vector<1x16xf32>,
      %parallel_loop3A_289 = vector.shape_cast %parallel_loop3A_288 : vector<1x16xf32> to vector<16xf32>
      %parallel_loop3A_290 = arith.index_cast %parallel_loop3A_254 : i32 to index
      %parallel_loop3A_291 = arith.constant 48 : index
      %parallel_loop3A_292 = tpu.vector_load %arg10[%parallel_loop3A_290, %parallel_loop3A_291] {strides = array<i32>} : memref<128x128xf32, #tpu.memory_space<vmem>>, vector<1x16xf32>,
      %parallel_loop3A_293 = vector.shape_cast %parallel_loop3A_292 : vector<1x16xf32> to vector<16xf32>
      %parallel_loop3A_294 = vector.shape_cast %parallel_loop3A_289 : vector<16xf32> to vector<1x16xf32>
      tpu.vector_store %arg10[%parallel_loop3A_290, %parallel_loop3A_291], %parallel_loop3A_294 {add = true, strides = array<i32>} : memref<128x128xf32, #tpu.memory_space<vmem>>, vector<1x16xf32>,
      %parallel_loop3A_295 = arith.index_cast %parallel_loop3A_258 : i32 to index
      %parallel_loop3A_296 = arith.constant 64 : index
      %parallel_loop3A_297 = tpu.vector_load %arg7[%parallel_loop3A_295, %parallel_loop3A_296] {strides = array<i32>} : memref<200x128xf32, #tpu.memory_space<vmem>>, vector<1x16xf32>,
      %parallel_loop3A_298 = vector.shape_cast %parallel_loop3A_297 : vector<1x16xf32> to vector<16xf32>
      %parallel_loop3A_299 = arith.index_cast %parallel_loop3A_254 : i32 to index
      %parallel_loop3A_300 = arith.constant 64 : index
      %parallel_loop3A_301 = tpu.vector_load %arg10[%parallel_loop3A_299, %parallel_loop3A_300] {strides = array<i32>} : memref<128x128xf32, #tpu.memory_space<vmem>>, vector<1x16xf32>,
      %parallel_loop3A_302 = vector.shape_cast %parallel_loop3A_301 : vector<1x16xf32> to vector<16xf32>
      %parallel_loop3A_303 = vector.shape_cast %parallel_loop3A_298 : vector<16xf32> to vector<1x16xf32>
      tpu.vector_store %arg10[%parallel_loop3A_299, %parallel_loop3A_300], %parallel_loop3A_303 {add = true, strides = array<i32>} : memref<128x128xf32, #tpu.memory_space<vmem>>, vector<1x16xf32>,
      %parallel_loop3A_304 = arith.index_cast %parallel_loop3A_258 : i32 to index
      %parallel_loop3A_305 = arith.constant 80 : index
      %parallel_loop3A_306 = tpu.vector_load %arg7[%parallel_loop3A_304, %parallel_loop3A_305] {strides = array<i32>} : memref<200x128xf32, #tpu.memory_space<vmem>>, vector<1x16xf32>,
      %parallel_loop3A_307 = vector.shape_cast %parallel_loop3A_306 : vector<1x16xf32> to vector<16xf32>
      %parallel_loop3A_308 = arith.index_cast %parallel_loop3A_254 : i32 to index
      %parallel_loop3A_309 = arith.constant 80 : index
      %parallel_loop3A_310 = tpu.vector_load %arg10[%parallel_loop3A_308, %parallel_loop3A_309] {strides = array<i32>} : memref<128x128xf32, #tpu.memory_space<vmem>>, vector<1x16xf32>,
      %parallel_loop3A_311 = vector.shape_cast %parallel_loop3A_310 : vector<1x16xf32> to vector<16xf32>
      %parallel_loop3A_312 = vector.shape_cast %parallel_loop3A_307 : vector<16xf32> to vector<1x16xf32>
      tpu.vector_store %arg10[%parallel_loop3A_308, %parallel_loop3A_309], %parallel_loop3A_312 {add = true, strides = array<i32>} : memref<128x128xf32, #tpu.memory_space<vmem>>, vector<1x16xf32>,
      %parallel_loop3A_313 = arith.index_cast %parallel_loop3A_258 : i32 to index
      %parallel_loop3A_314 = arith.constant 96 : index
      %parallel_loop3A_315 = tpu.vector_load %arg7[%parallel_loop3A_313, %parallel_loop3A_314] {strides = array<i32>} : memref<200x128xf32, #tpu.memory_space<vmem>>, vector<1x16xf32>,
      %parallel_loop3A_316 = vector.shape_cast %parallel_loop3A_315 : vector<1x16xf32> to vector<16xf32>
      %parallel_loop3A_317 = arith.index_cast %parallel_loop3A_254 : i32 to index
      %parallel_loop3A_318 = arith.constant 96 : index
      %parallel_loop3A_319 = tpu.vector_load %arg10[%parallel_loop3A_317, %parallel_loop3A_318] {strides = array<i32>} : memref<128x128xf32, #tpu.memory_space<vmem>>, vector<1x16xf32>,
      %parallel_loop3A_320 = vector.shape_cast %parallel_loop3A_319 : vector<1x16xf32> to vector<16xf32>
      %parallel_loop3A_321 = vector.shape_cast %parallel_loop3A_316 : vector<16xf32> to vector<1x16xf32>
      tpu.vector_store %arg10[%parallel_loop3A_317, %parallel_loop3A_318], %parallel_loop3A_321 {add = true, strides = array<i32>} : memref<128x128xf32, #tpu.memory_space<vmem>>, vector<1x16xf32>,
      %parallel_loop3A_322 = arith.index_cast %parallel_loop3A_258 : i32 to index
      %parallel_loop3A_323 = arith.constant 112 : index
      %parallel_loop3A_324 = tpu.vector_load %arg7[%parallel_loop3A_322, %parallel_loop3A_323] {strides = array<i32>} : memref<200x128xf32, #tpu.memory_space<vmem>>, vector<1x16xf32>,
      %parallel_loop3A_325 = vector.shape_cast %parallel_loop3A_324 : vector<1x16xf32> to vector<16xf32>
      %parallel_loop3A_326 = arith.index_cast %parallel_loop3A_254 : i32 to index
      %parallel_loop3A_327 = arith.constant 112 : index
      %parallel_loop3A_328 = tpu.vector_load %arg10[%parallel_loop3A_326, %parallel_loop3A_327] {strides = array<i32>} : memref<128x128xf32, #tpu.memory_space<vmem>>, vector<1x16xf32>,
      %parallel_loop3A_329 = vector.shape_cast %parallel_loop3A_328 : vector<1x16xf32> to vector<16xf32>
      %parallel_loop3A_330 = vector.shape_cast %parallel_loop3A_325 : vector<16xf32> to vector<1x16xf32>
      tpu.vector_store %arg10[%parallel_loop3A_326, %parallel_loop3A_327], %parallel_loop3A_330 {add = true, strides = array<i32>} : memref<128x128xf32, #tpu.memory_space<vmem>>, vector<1x16xf32>,
    } {sc.loop_unroll_factor = 2 : i64, sc.parallel_access}
    %add3A_171 = arith.constant 5888 : i32
    %add3A_172 = arith.addi %mul3A_2, %add3A_171 : i32
    %dma_start3A_173 = arith.constant 0 : i32
    %dma_start3A_174 = tpu.memref_slice %arg5[%add3A_172, %dma_start3A_173] : memref<204800x128xf32, #tpu.memory_space<hbm>> -> memref<128x128xf32, #tpu.memory_space<hbm>>
    %dma_start3A_175 = arith.constant 0 : i32
    %dma_start3A_176 = tpu.memref_slice %arg5[%add3A_172, %dma_start3A_175] : memref<204800x128xf32, #tpu.memory_space<hbm>> -> memref<128x128xf32, #tpu.memory_space<hbm>>
    tpu.enqueue_dma source(%arg10 : memref<128x128xf32, #tpu.memory_space<vmem>>) target(%dma_start3A_176 : memref<128x128xf32, #tpu.memory_space<hbm>>) target_semaphore(%arg18 : memref<!tpu.dma_semaphore, #tpu.memory_space<semaphore_mem>>)
    %add3A_177 = arith.constant 5760 : i32
    %add3A_178 = arith.addi %mul3A_2, %add3A_177 : i32
    %dma_wait3A_179 = arith.constant 0 : i32
    %dma_wait3A_180 = tpu.memref_slice %arg5[%add3A_178, %dma_wait3A_179] : memref<204800x128xf32, #tpu.memory_space<hbm>> -> memref<128x128xf32, #tpu.memory_space<hbm>>
    %dma_wait3A_181 = arith.constant 0 : i32
    %dma_wait3A_182 = tpu.memref_slice %arg5[%add3A_178, %dma_wait3A_181] : memref<204800x128xf32, #tpu.memory_space<hbm>> -> memref<128x128xf32, #tpu.memory_space<hbm>>
    tpu.wait_dma2 semaphore(%arg17 : memref<!tpu.dma_semaphore, #tpu.memory_space<semaphore_mem>>) src(%arg9 : memref<128x128xf32, #tpu.memory_space<vmem>>) dst(%dma_wait3A_182 : memref<128x128xf32, #tpu.memory_space<hbm>>)
    %dma_start3A_183 = arith.constant 6272 : i32
    %dma_start3A_184 = tpu.memref_slice %arg6[%dma_start3A_183] : memref<6400xi32, #tpu.memory_space<vmem>> -> memref<128xi32, #tpu.memory_space<vmem>>
    %dma_start3A_185 = arith.constant 0 : i32
    %dma_start3A_186 = arith.constant 0 : i32
    %dma_start3A_187 = tpu.memref_slice %arg3[%dma_start3A_185, %dma_start3A_186] : memref<100000x128xf32, #tpu.memory_space<hbm>> -> memref<100000x128xf32, #tpu.memory_space<hbm>>
    tpu.enqueue_indirect_dma source(%dma_start3A_187 : memref<100000x128xf32, #tpu.memory_space<hbm>>) target(%arg9 : memref<128x128xf32, #tpu.memory_space<vmem>>) offsets(%dma_start3A_184 : memref<128xi32, #tpu.memory_space<vmem>>) semaphore(%arg13 : memref<!tpu.dma_semaphore, #tpu.memory_space<semaphore_mem>>)
    %dma_wait3A_188 = arith.constant 6016 : i32
    %dma_wait3A_189 = tpu.memref_slice %arg6[%dma_wait3A_188] : memref<6400xi32, #tpu.memory_space<vmem>> -> memref<128xi32, #tpu.memory_space<vmem>>
    %dma_wait3A_190 = arith.constant 0 : i32
    %dma_wait3A_191 = arith.constant 0 : i32
    %dma_wait3A_192 = tpu.memref_slice %arg3[%dma_wait3A_190, %dma_wait3A_191] : memref<100000x128xf32, #tpu.memory_space<hbm>> -> memref<100000x128xf32, #tpu.memory_space<hbm>>
    tpu.wait_indirect_dma semaphore(%arg15 : memref<!tpu.dma_semaphore, #tpu.memory_space<semaphore_mem>>) src(%dma_wait3A_192 : memref<100000x128xf32, #tpu.memory_space<hbm>>) dst(%arg11 : memref<128x128xf32, #tpu.memory_space<vmem>>)
    %parallel_loop3A_193 = arith.constant 0 : i32
    %parallel_loop3A_194 = arith.constant 128 : i32
    %parallel_loop3A_195 = arith.constant 1 : i32
    scf.for %parallel_loop3A_254 = %parallel_loop3A_193 to %parallel_loop3A_194 step %parallel_loop3A_195  : i32 {
      %parallel_loop3A_255 = arith.constant 6016 : i32
      %parallel_loop3A_256 = arith.addi %parallel_loop3A_255, %parallel_loop3A_254 : i32
      %parallel_loop3A_257 = arith.constant 200 : i32
      %parallel_loop3A_258 = arith.remsi %parallel_loop3A_256, %parallel_loop3A_257 : i32
      %parallel_loop3A_259 = arith.index_cast %parallel_loop3A_258 : i32 to index
      %parallel_loop3A_260 = arith.constant 0 : index
      %parallel_loop3A_261 = tpu.vector_load %arg7[%parallel_loop3A_259, %parallel_loop3A_260] {strides = array<i32>} : memref<200x128xf32, #tpu.memory_space<vmem>>, vector<1x16xf32>,
      %parallel_loop3A_262 = vector.shape_cast %parallel_loop3A_261 : vector<1x16xf32> to vector<16xf32>
      %parallel_loop3A_263 = arith.index_cast %parallel_loop3A_254 : i32 to index
      %parallel_loop3A_264 = arith.constant 0 : index
      %parallel_loop3A_265 = tpu.vector_load %arg11[%parallel_loop3A_263, %parallel_loop3A_264] {strides = array<i32>} : memref<128x128xf32, #tpu.memory_space<vmem>>, vector<1x16xf32>,
      %parallel_loop3A_266 = vector.shape_cast %parallel_loop3A_265 : vector<1x16xf32> to vector<16xf32>
      %parallel_loop3A_267 = vector.shape_cast %parallel_loop3A_262 : vector<16xf32> to vector<1x16xf32>
      tpu.vector_store %arg11[%parallel_loop3A_263, %parallel_loop3A_264], %parallel_loop3A_267 {add = true, strides = array<i32>} : memref<128x128xf32, #tpu.memory_space<vmem>>, vector<1x16xf32>,
      %parallel_loop3A_268 = arith.index_cast %parallel_loop3A_258 : i32 to index
      %parallel_loop3A_269 = arith.constant 16 : index
      %parallel_loop3A_270 = tpu.vector_load %arg7[%parallel_loop3A_268, %parallel_loop3A_269] {strides = array<i32>} : memref<200x128xf32, #tpu.memory_space<vmem>>, vector<1x16xf32>,
      %parallel_loop3A_271 = vector.shape_cast %parallel_loop3A_270 : vector<1x16xf32> to vector<16xf32>
      %parallel_loop3A_272 = arith.index_cast %parallel_loop3A_254 : i32 to index
      %parallel_loop3A_273 = arith.constant 16 : index
      %parallel_loop3A_274 = tpu.vector_load %arg11[%parallel_loop3A_272, %parallel_loop3A_273] {strides = array<i32>} : memref<128x128xf32, #tpu.memory_space<vmem>>, vector<1x16xf32>,
      %parallel_loop3A_275 = vector.shape_cast %parallel_loop3A_274 : vector<1x16xf32> to vector<16xf32>
      %parallel_loop3A_276 = vector.shape_cast %parallel_loop3A_271 : vector<16xf32> to vector<1x16xf32>
      tpu.vector_store %arg11[%parallel_loop3A_272, %parallel_loop3A_273], %parallel_loop3A_276 {add = true, strides = array<i32>} : memref<128x128xf32, #tpu.memory_space<vmem>>, vector<1x16xf32>,
      %parallel_loop3A_277 = arith.index_cast %parallel_loop3A_258 : i32 to index
      %parallel_loop3A_278 = arith.constant 32 : index
      %parallel_loop3A_279 = tpu.vector_load %arg7[%parallel_loop3A_277, %parallel_loop3A_278] {strides = array<i32>} : memref<200x128xf32, #tpu.memory_space<vmem>>, vector<1x16xf32>,
      %parallel_loop3A_280 = vector.shape_cast %parallel_loop3A_279 : vector<1x16xf32> to vector<16xf32>
      %parallel_loop3A_281 = arith.index_cast %parallel_loop3A_254 : i32 to index
      %parallel_loop3A_282 = arith.constant 32 : index
      %parallel_loop3A_283 = tpu.vector_load %arg11[%parallel_loop3A_281, %parallel_loop3A_282] {strides = array<i32>} : memref<128x128xf32, #tpu.memory_space<vmem>>, vector<1x16xf32>,
      %parallel_loop3A_284 = vector.shape_cast %parallel_loop3A_283 : vector<1x16xf32> to vector<16xf32>
      %parallel_loop3A_285 = vector.shape_cast %parallel_loop3A_280 : vector<16xf32> to vector<1x16xf32>
      tpu.vector_store %arg11[%parallel_loop3A_281, %parallel_loop3A_282], %parallel_loop3A_285 {add = true, strides = array<i32>} : memref<128x128xf32, #tpu.memory_space<vmem>>, vector<1x16xf32>,
      %parallel_loop3A_286 = arith.index_cast %parallel_loop3A_258 : i32 to index
      %parallel_loop3A_287 = arith.constant 48 : index
      %parallel_loop3A_288 = tpu.vector_load %arg7[%parallel_loop3A_286, %parallel_loop3A_287] {strides = array<i32>} : memref<200x128xf32, #tpu.memory_space<vmem>>, vector<1x16xf32>,
      %parallel_loop3A_289 = vector.shape_cast %parallel_loop3A_288 : vector<1x16xf32> to vector<16xf32>
      %parallel_loop3A_290 = arith.index_cast %parallel_loop3A_254 : i32 to index
      %parallel_loop3A_291 = arith.constant 48 : index
      %parallel_loop3A_292 = tpu.vector_load %arg11[%parallel_loop3A_290, %parallel_loop3A_291] {strides = array<i32>} : memref<128x128xf32, #tpu.memory_space<vmem>>, vector<1x16xf32>,
      %parallel_loop3A_293 = vector.shape_cast %parallel_loop3A_292 : vector<1x16xf32> to vector<16xf32>
      %parallel_loop3A_294 = vector.shape_cast %parallel_loop3A_289 : vector<16xf32> to vector<1x16xf32>
      tpu.vector_store %arg11[%parallel_loop3A_290, %parallel_loop3A_291], %parallel_loop3A_294 {add = true, strides = array<i32>} : memref<128x128xf32, #tpu.memory_space<vmem>>, vector<1x16xf32>,
      %parallel_loop3A_295 = arith.index_cast %parallel_loop3A_258 : i32 to index
      %parallel_loop3A_296 = arith.constant 64 : index
      %parallel_loop3A_297 = tpu.vector_load %arg7[%parallel_loop3A_295, %parallel_loop3A_296] {strides = array<i32>} : memref<200x128xf32, #tpu.memory_space<vmem>>, vector<1x16xf32>,
      %parallel_loop3A_298 = vector.shape_cast %parallel_loop3A_297 : vector<1x16xf32> to vector<16xf32>
      %parallel_loop3A_299 = arith.index_cast %parallel_loop3A_254 : i32 to index
      %parallel_loop3A_300 = arith.constant 64 : index
      %parallel_loop3A_301 = tpu.vector_load %arg11[%parallel_loop3A_299, %parallel_loop3A_300] {strides = array<i32>} : memref<128x128xf32, #tpu.memory_space<vmem>>, vector<1x16xf32>,
      %parallel_loop3A_302 = vector.shape_cast %parallel_loop3A_301 : vector<1x16xf32> to vector<16xf32>
      %parallel_loop3A_303 = vector.shape_cast %parallel_loop3A_298 : vector<16xf32> to vector<1x16xf32>
      tpu.vector_store %arg11[%parallel_loop3A_299, %parallel_loop3A_300], %parallel_loop3A_303 {add = true, strides = array<i32>} : memref<128x128xf32, #tpu.memory_space<vmem>>, vector<1x16xf32>,
      %parallel_loop3A_304 = arith.index_cast %parallel_loop3A_258 : i32 to index
      %parallel_loop3A_305 = arith.constant 80 : index
      %parallel_loop3A_306 = tpu.vector_load %arg7[%parallel_loop3A_304, %parallel_loop3A_305] {strides = array<i32>} : memref<200x128xf32, #tpu.memory_space<vmem>>, vector<1x16xf32>,
      %parallel_loop3A_307 = vector.shape_cast %parallel_loop3A_306 : vector<1x16xf32> to vector<16xf32>
      %parallel_loop3A_308 = arith.index_cast %parallel_loop3A_254 : i32 to index
      %parallel_loop3A_309 = arith.constant 80 : index
      %parallel_loop3A_310 = tpu.vector_load %arg11[%parallel_loop3A_308, %parallel_loop3A_309] {strides = array<i32>} : memref<128x128xf32, #tpu.memory_space<vmem>>, vector<1x16xf32>,
      %parallel_loop3A_311 = vector.shape_cast %parallel_loop3A_310 : vector<1x16xf32> to vector<16xf32>
      %parallel_loop3A_312 = vector.shape_cast %parallel_loop3A_307 : vector<16xf32> to vector<1x16xf32>
      tpu.vector_store %arg11[%parallel_loop3A_308, %parallel_loop3A_309], %parallel_loop3A_312 {add = true, strides = array<i32>} : memref<128x128xf32, #tpu.memory_space<vmem>>, vector<1x16xf32>,
      %parallel_loop3A_313 = arith.index_cast %parallel_loop3A_258 : i32 to index
      %parallel_loop3A_314 = arith.constant 96 : index
      %parallel_loop3A_315 = tpu.vector_load %arg7[%parallel_loop3A_313, %parallel_loop3A_314] {strides = array<i32>} : memref<200x128xf32, #tpu.memory_space<vmem>>, vector<1x16xf32>,
      %parallel_loop3A_316 = vector.shape_cast %parallel_loop3A_315 : vector<1x16xf32> to vector<16xf32>
      %parallel_loop3A_317 = arith.index_cast %parallel_loop3A_254 : i32 to index
      %parallel_loop3A_318 = arith.constant 96 : index
      %parallel_loop3A_319 = tpu.vector_load %arg11[%parallel_loop3A_317, %parallel_loop3A_318] {strides = array<i32>} : memref<128x128xf32, #tpu.memory_space<vmem>>, vector<1x16xf32>,
      %parallel_loop3A_320 = vector.shape_cast %parallel_loop3A_319 : vector<1x16xf32> to vector<16xf32>
      %parallel_loop3A_321 = vector.shape_cast %parallel_loop3A_316 : vector<16xf32> to vector<1x16xf32>
      tpu.vector_store %arg11[%parallel_loop3A_317, %parallel_loop3A_318], %parallel_loop3A_321 {add = true, strides = array<i32>} : memref<128x128xf32, #tpu.memory_space<vmem>>, vector<1x16xf32>,
      %parallel_loop3A_322 = arith.index_cast %parallel_loop3A_258 : i32 to index
      %parallel_loop3A_323 = arith.constant 112 : index
      %parallel_loop3A_324 = tpu.vector_load %arg7[%parallel_loop3A_322, %parallel_loop3A_323] {strides = array<i32>} : memref<200x128xf32, #tpu.memory_space<vmem>>, vector<1x16xf32>,
      %parallel_loop3A_325 = vector.shape_cast %parallel_loop3A_324 : vector<1x16xf32> to vector<16xf32>
      %parallel_loop3A_326 = arith.index_cast %parallel_loop3A_254 : i32 to index
      %parallel_loop3A_327 = arith.constant 112 : index
      %parallel_loop3A_328 = tpu.vector_load %arg11[%parallel_loop3A_326, %parallel_loop3A_327] {strides = array<i32>} : memref<128x128xf32, #tpu.memory_space<vmem>>, vector<1x16xf32>,
      %parallel_loop3A_329 = vector.shape_cast %parallel_loop3A_328 : vector<1x16xf32> to vector<16xf32>
      %parallel_loop3A_330 = vector.shape_cast %parallel_loop3A_325 : vector<16xf32> to vector<1x16xf32>
      tpu.vector_store %arg11[%parallel_loop3A_326, %parallel_loop3A_327], %parallel_loop3A_330 {add = true, strides = array<i32>} : memref<128x128xf32, #tpu.memory_space<vmem>>, vector<1x16xf32>,
    } {sc.loop_unroll_factor = 2 : i64, sc.parallel_access}
    %add3A_196 = arith.constant 6016 : i32
    %add3A_197 = arith.addi %mul3A_2, %add3A_196 : i32
    %dma_start3A_198 = arith.constant 0 : i32
    %dma_start3A_199 = tpu.memref_slice %arg5[%add3A_197, %dma_start3A_198] : memref<204800x128xf32, #tpu.memory_space<hbm>> -> memref<128x128xf32, #tpu.memory_space<hbm>>
    %dma_start3A_200 = arith.constant 0 : i32
    %dma_start3A_201 = tpu.memref_slice %arg5[%add3A_197, %dma_start3A_200] : memref<204800x128xf32, #tpu.memory_space<hbm>> -> memref<128x128xf32, #tpu.memory_space<hbm>>
    tpu.enqueue_dma source(%arg11 : memref<128x128xf32, #tpu.memory_space<vmem>>) target(%dma_start3A_201 : memref<128x128xf32, #tpu.memory_space<hbm>>) target_semaphore(%arg19 : memref<!tpu.dma_semaphore, #tpu.memory_space<semaphore_mem>>)
    %dma_wait3A_202 = arith.constant 6144 : i32
    %dma_wait3A_203 = tpu.memref_slice %arg6[%dma_wait3A_202] : memref<6400xi32, #tpu.memory_space<vmem>> -> memref<128xi32, #tpu.memory_space<vmem>>
    %dma_wait3A_204 = arith.constant 0 : i32
    %dma_wait3A_205 = arith.constant 0 : i32
    %dma_wait3A_206 = tpu.memref_slice %arg3[%dma_wait3A_204, %dma_wait3A_205] : memref<100000x128xf32, #tpu.memory_space<hbm>> -> memref<100000x128xf32, #tpu.memory_space<hbm>>
    tpu.wait_indirect_dma semaphore(%arg12 : memref<!tpu.dma_semaphore, #tpu.memory_space<semaphore_mem>>) src(%dma_wait3A_206 : memref<100000x128xf32, #tpu.memory_space<hbm>>) dst(%arg8 : memref<128x128xf32, #tpu.memory_space<vmem>>)
    %parallel_loop3A_207 = arith.constant 0 : i32
    %parallel_loop3A_208 = arith.constant 128 : i32
    %parallel_loop3A_209 = arith.constant 1 : i32
    scf.for %parallel_loop3A_254 = %parallel_loop3A_207 to %parallel_loop3A_208 step %parallel_loop3A_209  : i32 {
      %parallel_loop3A_255 = arith.constant 6144 : i32
      %parallel_loop3A_256 = arith.addi %parallel_loop3A_255, %parallel_loop3A_254 : i32
      %parallel_loop3A_257 = arith.constant 200 : i32
      %parallel_loop3A_258 = arith.remsi %parallel_loop3A_256, %parallel_loop3A_257 : i32
      %parallel_loop3A_259 = arith.index_cast %parallel_loop3A_258 : i32 to index
      %parallel_loop3A_260 = arith.constant 0 : index
      %parallel_loop3A_261 = tpu.vector_load %arg7[%parallel_loop3A_259, %parallel_loop3A_260] {strides = array<i32>} : memref<200x128xf32, #tpu.memory_space<vmem>>, vector<1x16xf32>,
      %parallel_loop3A_262 = vector.shape_cast %parallel_loop3A_261 : vector<1x16xf32> to vector<16xf32>
      %parallel_loop3A_263 = arith.index_cast %parallel_loop3A_254 : i32 to index
      %parallel_loop3A_264 = arith.constant 0 : index
      %parallel_loop3A_265 = tpu.vector_load %arg8[%parallel_loop3A_263, %parallel_loop3A_264] {strides = array<i32>} : memref<128x128xf32, #tpu.memory_space<vmem>>, vector<1x16xf32>,
      %parallel_loop3A_266 = vector.shape_cast %parallel_loop3A_265 : vector<1x16xf32> to vector<16xf32>
      %parallel_loop3A_267 = vector.shape_cast %parallel_loop3A_262 : vector<16xf32> to vector<1x16xf32>
      tpu.vector_store %arg8[%parallel_loop3A_263, %parallel_loop3A_264], %parallel_loop3A_267 {add = true, strides = array<i32>} : memref<128x128xf32, #tpu.memory_space<vmem>>, vector<1x16xf32>,
      %parallel_loop3A_268 = arith.index_cast %parallel_loop3A_258 : i32 to index
      %parallel_loop3A_269 = arith.constant 16 : index
      %parallel_loop3A_270 = tpu.vector_load %arg7[%parallel_loop3A_268, %parallel_loop3A_269] {strides = array<i32>} : memref<200x128xf32, #tpu.memory_space<vmem>>, vector<1x16xf32>,
      %parallel_loop3A_271 = vector.shape_cast %parallel_loop3A_270 : vector<1x16xf32> to vector<16xf32>
      %parallel_loop3A_272 = arith.index_cast %parallel_loop3A_254 : i32 to index
      %parallel_loop3A_273 = arith.constant 16 : index
      %parallel_loop3A_274 = tpu.vector_load %arg8[%parallel_loop3A_272, %parallel_loop3A_273] {strides = array<i32>} : memref<128x128xf32, #tpu.memory_space<vmem>>, vector<1x16xf32>,
      %parallel_loop3A_275 = vector.shape_cast %parallel_loop3A_274 : vector<1x16xf32> to vector<16xf32>
      %parallel_loop3A_276 = vector.shape_cast %parallel_loop3A_271 : vector<16xf32> to vector<1x16xf32>
      tpu.vector_store %arg8[%parallel_loop3A_272, %parallel_loop3A_273], %parallel_loop3A_276 {add = true, strides = array<i32>} : memref<128x128xf32, #tpu.memory_space<vmem>>, vector<1x16xf32>,
      %parallel_loop3A_277 = arith.index_cast %parallel_loop3A_258 : i32 to index
      %parallel_loop3A_278 = arith.constant 32 : index
      %parallel_loop3A_279 = tpu.vector_load %arg7[%parallel_loop3A_277, %parallel_loop3A_278] {strides = array<i32>} : memref<200x128xf32, #tpu.memory_space<vmem>>, vector<1x16xf32>,
      %parallel_loop3A_280 = vector.shape_cast %parallel_loop3A_279 : vector<1x16xf32> to vector<16xf32>
      %parallel_loop3A_281 = arith.index_cast %parallel_loop3A_254 : i32 to index
      %parallel_loop3A_282 = arith.constant 32 : index
      %parallel_loop3A_283 = tpu.vector_load %arg8[%parallel_loop3A_281, %parallel_loop3A_282] {strides = array<i32>} : memref<128x128xf32, #tpu.memory_space<vmem>>, vector<1x16xf32>,
      %parallel_loop3A_284 = vector.shape_cast %parallel_loop3A_283 : vector<1x16xf32> to vector<16xf32>
      %parallel_loop3A_285 = vector.shape_cast %parallel_loop3A_280 : vector<16xf32> to vector<1x16xf32>
      tpu.vector_store %arg8[%parallel_loop3A_281, %parallel_loop3A_282], %parallel_loop3A_285 {add = true, strides = array<i32>} : memref<128x128xf32, #tpu.memory_space<vmem>>, vector<1x16xf32>,
      %parallel_loop3A_286 = arith.index_cast %parallel_loop3A_258 : i32 to index
      %parallel_loop3A_287 = arith.constant 48 : index
      %parallel_loop3A_288 = tpu.vector_load %arg7[%parallel_loop3A_286, %parallel_loop3A_287] {strides = array<i32>} : memref<200x128xf32, #tpu.memory_space<vmem>>, vector<1x16xf32>,
      %parallel_loop3A_289 = vector.shape_cast %parallel_loop3A_288 : vector<1x16xf32> to vector<16xf32>
      %parallel_loop3A_290 = arith.index_cast %parallel_loop3A_254 : i32 to index
      %parallel_loop3A_291 = arith.constant 48 : index
      %parallel_loop3A_292 = tpu.vector_load %arg8[%parallel_loop3A_290, %parallel_loop3A_291] {strides = array<i32>} : memref<128x128xf32, #tpu.memory_space<vmem>>, vector<1x16xf32>,
      %parallel_loop3A_293 = vector.shape_cast %parallel_loop3A_292 : vector<1x16xf32> to vector<16xf32>
      %parallel_loop3A_294 = vector.shape_cast %parallel_loop3A_289 : vector<16xf32> to vector<1x16xf32>
      tpu.vector_store %arg8[%parallel_loop3A_290, %parallel_loop3A_291], %parallel_loop3A_294 {add = true, strides = array<i32>} : memref<128x128xf32, #tpu.memory_space<vmem>>, vector<1x16xf32>,
      %parallel_loop3A_295 = arith.index_cast %parallel_loop3A_258 : i32 to index
      %parallel_loop3A_296 = arith.constant 64 : index
      %parallel_loop3A_297 = tpu.vector_load %arg7[%parallel_loop3A_295, %parallel_loop3A_296] {strides = array<i32>} : memref<200x128xf32, #tpu.memory_space<vmem>>, vector<1x16xf32>,
      %parallel_loop3A_298 = vector.shape_cast %parallel_loop3A_297 : vector<1x16xf32> to vector<16xf32>
      %parallel_loop3A_299 = arith.index_cast %parallel_loop3A_254 : i32 to index
      %parallel_loop3A_300 = arith.constant 64 : index
      %parallel_loop3A_301 = tpu.vector_load %arg8[%parallel_loop3A_299, %parallel_loop3A_300] {strides = array<i32>} : memref<128x128xf32, #tpu.memory_space<vmem>>, vector<1x16xf32>,
      %parallel_loop3A_302 = vector.shape_cast %parallel_loop3A_301 : vector<1x16xf32> to vector<16xf32>
      %parallel_loop3A_303 = vector.shape_cast %parallel_loop3A_298 : vector<16xf32> to vector<1x16xf32>
      tpu.vector_store %arg8[%parallel_loop3A_299, %parallel_loop3A_300], %parallel_loop3A_303 {add = true, strides = array<i32>} : memref<128x128xf32, #tpu.memory_space<vmem>>, vector<1x16xf32>,
      %parallel_loop3A_304 = arith.index_cast %parallel_loop3A_258 : i32 to index
      %parallel_loop3A_305 = arith.constant 80 : index
      %parallel_loop3A_306 = tpu.vector_load %arg7[%parallel_loop3A_304, %parallel_loop3A_305] {strides = array<i32>} : memref<200x128xf32, #tpu.memory_space<vmem>>, vector<1x16xf32>,
      %parallel_loop3A_307 = vector.shape_cast %parallel_loop3A_306 : vector<1x16xf32> to vector<16xf32>
      %parallel_loop3A_308 = arith.index_cast %parallel_loop3A_254 : i32 to index
      %parallel_loop3A_309 = arith.constant 80 : index
      %parallel_loop3A_310 = tpu.vector_load %arg8[%parallel_loop3A_308, %parallel_loop3A_309] {strides = array<i32>} : memref<128x128xf32, #tpu.memory_space<vmem>>, vector<1x16xf32>,
      %parallel_loop3A_311 = vector.shape_cast %parallel_loop3A_310 : vector<1x16xf32> to vector<16xf32>
      %parallel_loop3A_312 = vector.shape_cast %parallel_loop3A_307 : vector<16xf32> to vector<1x16xf32>
      tpu.vector_store %arg8[%parallel_loop3A_308, %parallel_loop3A_309], %parallel_loop3A_312 {add = true, strides = array<i32>} : memref<128x128xf32, #tpu.memory_space<vmem>>, vector<1x16xf32>,
      %parallel_loop3A_313 = arith.index_cast %parallel_loop3A_258 : i32 to index
      %parallel_loop3A_314 = arith.constant 96 : index
      %parallel_loop3A_315 = tpu.vector_load %arg7[%parallel_loop3A_313, %parallel_loop3A_314] {strides = array<i32>} : memref<200x128xf32, #tpu.memory_space<vmem>>, vector<1x16xf32>,
      %parallel_loop3A_316 = vector.shape_cast %parallel_loop3A_315 : vector<1x16xf32> to vector<16xf32>
      %parallel_loop3A_317 = arith.index_cast %parallel_loop3A_254 : i32 to index
      %parallel_loop3A_318 = arith.constant 96 : index
      %parallel_loop3A_319 = tpu.vector_load %arg8[%parallel_loop3A_317, %parallel_loop3A_318] {strides = array<i32>} : memref<128x128xf32, #tpu.memory_space<vmem>>, vector<1x16xf32>,
      %parallel_loop3A_320 = vector.shape_cast %parallel_loop3A_319 : vector<1x16xf32> to vector<16xf32>
      %parallel_loop3A_321 = vector.shape_cast %parallel_loop3A_316 : vector<16xf32> to vector<1x16xf32>
      tpu.vector_store %arg8[%parallel_loop3A_317, %parallel_loop3A_318], %parallel_loop3A_321 {add = true, strides = array<i32>} : memref<128x128xf32, #tpu.memory_space<vmem>>, vector<1x16xf32>,
      %parallel_loop3A_322 = arith.index_cast %parallel_loop3A_258 : i32 to index
      %parallel_loop3A_323 = arith.constant 112 : index
      %parallel_loop3A_324 = tpu.vector_load %arg7[%parallel_loop3A_322, %parallel_loop3A_323] {strides = array<i32>} : memref<200x128xf32, #tpu.memory_space<vmem>>, vector<1x16xf32>,
      %parallel_loop3A_325 = vector.shape_cast %parallel_loop3A_324 : vector<1x16xf32> to vector<16xf32>
      %parallel_loop3A_326 = arith.index_cast %parallel_loop3A_254 : i32 to index
      %parallel_loop3A_327 = arith.constant 112 : index
      %parallel_loop3A_328 = tpu.vector_load %arg8[%parallel_loop3A_326, %parallel_loop3A_327] {strides = array<i32>} : memref<128x128xf32, #tpu.memory_space<vmem>>, vector<1x16xf32>,
      %parallel_loop3A_329 = vector.shape_cast %parallel_loop3A_328 : vector<1x16xf32> to vector<16xf32>
      %parallel_loop3A_330 = vector.shape_cast %parallel_loop3A_325 : vector<16xf32> to vector<1x16xf32>
      tpu.vector_store %arg8[%parallel_loop3A_326, %parallel_loop3A_327], %parallel_loop3A_330 {add = true, strides = array<i32>} : memref<128x128xf32, #tpu.memory_space<vmem>>, vector<1x16xf32>,
    } {sc.loop_unroll_factor = 2 : i64, sc.parallel_access}
    %add3A_210 = arith.constant 6144 : i32
    %add3A_211 = arith.addi %mul3A_2, %add3A_210 : i32
    %dma_start3A_212 = arith.constant 0 : i32
    %dma_start3A_213 = tpu.memref_slice %arg5[%add3A_211, %dma_start3A_212] : memref<204800x128xf32, #tpu.memory_space<hbm>> -> memref<128x128xf32, #tpu.memory_space<hbm>>
    %dma_start3A_214 = arith.constant 0 : i32
    %dma_start3A_215 = tpu.memref_slice %arg5[%add3A_211, %dma_start3A_214] : memref<204800x128xf32, #tpu.memory_space<hbm>> -> memref<128x128xf32, #tpu.memory_space<hbm>>
    tpu.enqueue_dma source(%arg8 : memref<128x128xf32, #tpu.memory_space<vmem>>) target(%dma_start3A_215 : memref<128x128xf32, #tpu.memory_space<hbm>>) target_semaphore(%arg16 : memref<!tpu.dma_semaphore, #tpu.memory_space<semaphore_mem>>)
    %dma_wait3A_216 = arith.constant 6272 : i32
    %dma_wait3A_217 = tpu.memref_slice %arg6[%dma_wait3A_216] : memref<6400xi32, #tpu.memory_space<vmem>> -> memref<128xi32, #tpu.memory_space<vmem>>
    %dma_wait3A_218 = arith.constant 0 : i32
    %dma_wait3A_219 = arith.constant 0 : i32
    %dma_wait3A_220 = tpu.memref_slice %arg3[%dma_wait3A_218, %dma_wait3A_219] : memref<100000x128xf32, #tpu.memory_space<hbm>> -> memref<100000x128xf32, #tpu.memory_space<hbm>>
    tpu.wait_indirect_dma semaphore(%arg13 : memref<!tpu.dma_semaphore, #tpu.memory_space<semaphore_mem>>) src(%dma_wait3A_220 : memref<100000x128xf32, #tpu.memory_space<hbm>>) dst(%arg9 : memref<128x128xf32, #tpu.memory_space<vmem>>)
    %parallel_loop3A_221 = arith.constant 0 : i32
    %parallel_loop3A_222 = arith.constant 128 : i32
    %parallel_loop3A_223 = arith.constant 1 : i32
    scf.for %parallel_loop3A_254 = %parallel_loop3A_221 to %parallel_loop3A_222 step %parallel_loop3A_223  : i32 {
      %parallel_loop3A_255 = arith.constant 6272 : i32
      %parallel_loop3A_256 = arith.addi %parallel_loop3A_255, %parallel_loop3A_254 : i32
      %parallel_loop3A_257 = arith.constant 200 : i32
      %parallel_loop3A_258 = arith.remsi %parallel_loop3A_256, %parallel_loop3A_257 : i32
      %parallel_loop3A_259 = arith.index_cast %parallel_loop3A_258 : i32 to index
      %parallel_loop3A_260 = arith.constant 0 : index
      %parallel_loop3A_261 = tpu.vector_load %arg7[%parallel_loop3A_259, %parallel_loop3A_260] {strides = array<i32>} : memref<200x128xf32, #tpu.memory_space<vmem>>, vector<1x16xf32>,
      %parallel_loop3A_262 = vector.shape_cast %parallel_loop3A_261 : vector<1x16xf32> to vector<16xf32>
      %parallel_loop3A_263 = arith.index_cast %parallel_loop3A_254 : i32 to index
      %parallel_loop3A_264 = arith.constant 0 : index
      %parallel_loop3A_265 = tpu.vector_load %arg9[%parallel_loop3A_263, %parallel_loop3A_264] {strides = array<i32>} : memref<128x128xf32, #tpu.memory_space<vmem>>, vector<1x16xf32>,
      %parallel_loop3A_266 = vector.shape_cast %parallel_loop3A_265 : vector<1x16xf32> to vector<16xf32>
      %parallel_loop3A_267 = vector.shape_cast %parallel_loop3A_262 : vector<16xf32> to vector<1x16xf32>
      tpu.vector_store %arg9[%parallel_loop3A_263, %parallel_loop3A_264], %parallel_loop3A_267 {add = true, strides = array<i32>} : memref<128x128xf32, #tpu.memory_space<vmem>>, vector<1x16xf32>,
      %parallel_loop3A_268 = arith.index_cast %parallel_loop3A_258 : i32 to index
      %parallel_loop3A_269 = arith.constant 16 : index
      %parallel_loop3A_270 = tpu.vector_load %arg7[%parallel_loop3A_268, %parallel_loop3A_269] {strides = array<i32>} : memref<200x128xf32, #tpu.memory_space<vmem>>, vector<1x16xf32>,
      %parallel_loop3A_271 = vector.shape_cast %parallel_loop3A_270 : vector<1x16xf32> to vector<16xf32>
      %parallel_loop3A_272 = arith.index_cast %parallel_loop3A_254 : i32 to index
      %parallel_loop3A_273 = arith.constant 16 : index
      %parallel_loop3A_274 = tpu.vector_load %arg9[%parallel_loop3A_272, %parallel_loop3A_273] {strides = array<i32>} : memref<128x128xf32, #tpu.memory_space<vmem>>, vector<1x16xf32>,
      %parallel_loop3A_275 = vector.shape_cast %parallel_loop3A_274 : vector<1x16xf32> to vector<16xf32>
      %parallel_loop3A_276 = vector.shape_cast %parallel_loop3A_271 : vector<16xf32> to vector<1x16xf32>
      tpu.vector_store %arg9[%parallel_loop3A_272, %parallel_loop3A_273], %parallel_loop3A_276 {add = true, strides = array<i32>} : memref<128x128xf32, #tpu.memory_space<vmem>>, vector<1x16xf32>,
      %parallel_loop3A_277 = arith.index_cast %parallel_loop3A_258 : i32 to index
      %parallel_loop3A_278 = arith.constant 32 : index
      %parallel_loop3A_279 = tpu.vector_load %arg7[%parallel_loop3A_277, %parallel_loop3A_278] {strides = array<i32>} : memref<200x128xf32, #tpu.memory_space<vmem>>, vector<1x16xf32>,
      %parallel_loop3A_280 = vector.shape_cast %parallel_loop3A_279 : vector<1x16xf32> to vector<16xf32>
      %parallel_loop3A_281 = arith.index_cast %parallel_loop3A_254 : i32 to index
      %parallel_loop3A_282 = arith.constant 32 : index
      %parallel_loop3A_283 = tpu.vector_load %arg9[%parallel_loop3A_281, %parallel_loop3A_282] {strides = array<i32>} : memref<128x128xf32, #tpu.memory_space<vmem>>, vector<1x16xf32>,
      %parallel_loop3A_284 = vector.shape_cast %parallel_loop3A_283 : vector<1x16xf32> to vector<16xf32>
      %parallel_loop3A_285 = vector.shape_cast %parallel_loop3A_280 : vector<16xf32> to vector<1x16xf32>
      tpu.vector_store %arg9[%parallel_loop3A_281, %parallel_loop3A_282], %parallel_loop3A_285 {add = true, strides = array<i32>} : memref<128x128xf32, #tpu.memory_space<vmem>>, vector<1x16xf32>,
      %parallel_loop3A_286 = arith.index_cast %parallel_loop3A_258 : i32 to index
      %parallel_loop3A_287 = arith.constant 48 : index
      %parallel_loop3A_288 = tpu.vector_load %arg7[%parallel_loop3A_286, %parallel_loop3A_287] {strides = array<i32>} : memref<200x128xf32, #tpu.memory_space<vmem>>, vector<1x16xf32>,
      %parallel_loop3A_289 = vector.shape_cast %parallel_loop3A_288 : vector<1x16xf32> to vector<16xf32>
      %parallel_loop3A_290 = arith.index_cast %parallel_loop3A_254 : i32 to index
      %parallel_loop3A_291 = arith.constant 48 : index
      %parallel_loop3A_292 = tpu.vector_load %arg9[%parallel_loop3A_290, %parallel_loop3A_291] {strides = array<i32>} : memref<128x128xf32, #tpu.memory_space<vmem>>, vector<1x16xf32>,
      %parallel_loop3A_293 = vector.shape_cast %parallel_loop3A_292 : vector<1x16xf32> to vector<16xf32>
      %parallel_loop3A_294 = vector.shape_cast %parallel_loop3A_289 : vector<16xf32> to vector<1x16xf32>
      tpu.vector_store %arg9[%parallel_loop3A_290, %parallel_loop3A_291], %parallel_loop3A_294 {add = true, strides = array<i32>} : memref<128x128xf32, #tpu.memory_space<vmem>>, vector<1x16xf32>,
      %parallel_loop3A_295 = arith.index_cast %parallel_loop3A_258 : i32 to index
      %parallel_loop3A_296 = arith.constant 64 : index
      %parallel_loop3A_297 = tpu.vector_load %arg7[%parallel_loop3A_295, %parallel_loop3A_296] {strides = array<i32>} : memref<200x128xf32, #tpu.memory_space<vmem>>, vector<1x16xf32>,
      %parallel_loop3A_298 = vector.shape_cast %parallel_loop3A_297 : vector<1x16xf32> to vector<16xf32>
      %parallel_loop3A_299 = arith.index_cast %parallel_loop3A_254 : i32 to index
      %parallel_loop3A_300 = arith.constant 64 : index
      %parallel_loop3A_301 = tpu.vector_load %arg9[%parallel_loop3A_299, %parallel_loop3A_300] {strides = array<i32>} : memref<128x128xf32, #tpu.memory_space<vmem>>, vector<1x16xf32>,
      %parallel_loop3A_302 = vector.shape_cast %parallel_loop3A_301 : vector<1x16xf32> to vector<16xf32>
      %parallel_loop3A_303 = vector.shape_cast %parallel_loop3A_298 : vector<16xf32> to vector<1x16xf32>
      tpu.vector_store %arg9[%parallel_loop3A_299, %parallel_loop3A_300], %parallel_loop3A_303 {add = true, strides = array<i32>} : memref<128x128xf32, #tpu.memory_space<vmem>>, vector<1x16xf32>,
      %parallel_loop3A_304 = arith.index_cast %parallel_loop3A_258 : i32 to index
      %parallel_loop3A_305 = arith.constant 80 : index
      %parallel_loop3A_306 = tpu.vector_load %arg7[%parallel_loop3A_304, %parallel_loop3A_305] {strides = array<i32>} : memref<200x128xf32, #tpu.memory_space<vmem>>, vector<1x16xf32>,
      %parallel_loop3A_307 = vector.shape_cast %parallel_loop3A_306 : vector<1x16xf32> to vector<16xf32>
      %parallel_loop3A_308 = arith.index_cast %parallel_loop3A_254 : i32 to index
      %parallel_loop3A_309 = arith.constant 80 : index
      %parallel_loop3A_310 = tpu.vector_load %arg9[%parallel_loop3A_308, %parallel_loop3A_309] {strides = array<i32>} : memref<128x128xf32, #tpu.memory_space<vmem>>, vector<1x16xf32>,
      %parallel_loop3A_311 = vector.shape_cast %parallel_loop3A_310 : vector<1x16xf32> to vector<16xf32>
      %parallel_loop3A_312 = vector.shape_cast %parallel_loop3A_307 : vector<16xf32> to vector<1x16xf32>
      tpu.vector_store %arg9[%parallel_loop3A_308, %parallel_loop3A_309], %parallel_loop3A_312 {add = true, strides = array<i32>} : memref<128x128xf32, #tpu.memory_space<vmem>>, vector<1x16xf32>,
      %parallel_loop3A_313 = arith.index_cast %parallel_loop3A_258 : i32 to index
      %parallel_loop3A_314 = arith.constant 96 : index
      %parallel_loop3A_315 = tpu.vector_load %arg7[%parallel_loop3A_313, %parallel_loop3A_314] {strides = array<i32>} : memref<200x128xf32, #tpu.memory_space<vmem>>, vector<1x16xf32>,
      %parallel_loop3A_316 = vector.shape_cast %parallel_loop3A_315 : vector<1x16xf32> to vector<16xf32>
      %parallel_loop3A_317 = arith.index_cast %parallel_loop3A_254 : i32 to index
      %parallel_loop3A_318 = arith.constant 96 : index
      %parallel_loop3A_319 = tpu.vector_load %arg9[%parallel_loop3A_317, %parallel_loop3A_318] {strides = array<i32>} : memref<128x128xf32, #tpu.memory_space<vmem>>, vector<1x16xf32>,
      %parallel_loop3A_320 = vector.shape_cast %parallel_loop3A_319 : vector<1x16xf32> to vector<16xf32>
      %parallel_loop3A_321 = vector.shape_cast %parallel_loop3A_316 : vector<16xf32> to vector<1x16xf32>
      tpu.vector_store %arg9[%parallel_loop3A_317, %parallel_loop3A_318], %parallel_loop3A_321 {add = true, strides = array<i32>} : memref<128x128xf32, #tpu.memory_space<vmem>>, vector<1x16xf32>,
      %parallel_loop3A_322 = arith.index_cast %parallel_loop3A_258 : i32 to index
      %parallel_loop3A_323 = arith.constant 112 : index
      %parallel_loop3A_324 = tpu.vector_load %arg7[%parallel_loop3A_322, %parallel_loop3A_323] {strides = array<i32>} : memref<200x128xf32, #tpu.memory_space<vmem>>, vector<1x16xf32>,
      %parallel_loop3A_325 = vector.shape_cast %parallel_loop3A_324 : vector<1x16xf32> to vector<16xf32>
      %parallel_loop3A_326 = arith.index_cast %parallel_loop3A_254 : i32 to index
      %parallel_loop3A_327 = arith.constant 112 : index
      %parallel_loop3A_328 = tpu.vector_load %arg9[%parallel_loop3A_326, %parallel_loop3A_327] {strides = array<i32>} : memref<128x128xf32, #tpu.memory_space<vmem>>, vector<1x16xf32>,
      %parallel_loop3A_329 = vector.shape_cast %parallel_loop3A_328 : vector<1x16xf32> to vector<16xf32>
      %parallel_loop3A_330 = vector.shape_cast %parallel_loop3A_325 : vector<16xf32> to vector<1x16xf32>
      tpu.vector_store %arg9[%parallel_loop3A_326, %parallel_loop3A_327], %parallel_loop3A_330 {add = true, strides = array<i32>} : memref<128x128xf32, #tpu.memory_space<vmem>>, vector<1x16xf32>,
    } {sc.loop_unroll_factor = 2 : i64, sc.parallel_access}
    %add3A_224 = arith.constant 6272 : i32
    %add3A_225 = arith.addi %mul3A_2, %add3A_224 : i32
    %dma_start3A_226 = arith.constant 0 : i32
    %dma_start3A_227 = tpu.memref_slice %arg5[%add3A_225, %dma_start3A_226] : memref<204800x128xf32, #tpu.memory_space<hbm>> -> memref<128x128xf32, #tpu.memory_space<hbm>>
    %dma_start3A_228 = arith.constant 0 : i32
    %dma_start3A_229 = tpu.memref_slice %arg5[%add3A_225, %dma_start3A_228] : memref<204800x128xf32, #tpu.memory_space<hbm>> -> memref<128x128xf32, #tpu.memory_space<hbm>>
    tpu.enqueue_dma source(%arg9 : memref<128x128xf32, #tpu.memory_space<vmem>>) target(%dma_start3A_229 : memref<128x128xf32, #tpu.memory_space<hbm>>) target_semaphore(%arg17 : memref<!tpu.dma_semaphore, #tpu.memory_space<semaphore_mem>>)
    %add3A_230 = arith.constant 5888 : i32
    %add3A_231 = arith.addi %mul3A_2, %add3A_230 : i32
    %dma_wait3A_232 = arith.constant 0 : i32
    %dma_wait3A_233 = tpu.memref_slice %arg5[%add3A_231, %dma_wait3A_232] : memref<204800x128xf32, #tpu.memory_space<hbm>> -> memref<128x128xf32, #tpu.memory_space<hbm>>
    %dma_wait3A_234 = arith.constant 0 : i32
    %dma_wait3A_235 = tpu.memref_slice %arg5[%add3A_231, %dma_wait3A_234] : memref<204800x128xf32, #tpu.memory_space<hbm>> -> memref<128x128xf32, #tpu.memory_space<hbm>>
    tpu.wait_dma2 semaphore(%arg18 : memref<!tpu.dma_semaphore, #tpu.memory_space<semaphore_mem>>) src(%arg10 : memref<128x128xf32, #tpu.memory_space<vmem>>) dst(%dma_wait3A_235 : memref<128x128xf32, #tpu.memory_space<hbm>>)
    %add3A_236 = arith.constant 6016 : i32
    %add3A_237 = arith.addi %mul3A_2, %add3A_236 : i32
    %dma_wait3A_238 = arith.constant 0 : i32
    %dma_wait3A_239 = tpu.memref_slice %arg5[%add3A_237, %dma_wait3A_238] : memref<204800x128xf32, #tpu.memory_space<hbm>> -> memref<128x128xf32, #tpu.memory_space<hbm>>
    %dma_wait3A_240 = arith.constant 0 : i32
    %dma_wait3A_241 = tpu.memref_slice %arg5[%add3A_237, %dma_wait3A_240] : memref<204800x128xf32, #tpu.memory_space<hbm>> -> memref<128x128xf32, #tpu.memory_space<hbm>>
    tpu.wait_dma2 semaphore(%arg19 : memref<!tpu.dma_semaphore, #tpu.memory_space<semaphore_mem>>) src(%arg11 : memref<128x128xf32, #tpu.memory_space<vmem>>) dst(%dma_wait3A_241 : memref<128x128xf32, #tpu.memory_space<hbm>>)
    %add3A_242 = arith.constant 6144 : i32
    %add3A_243 = arith.addi %mul3A_2, %add3A_242 : i32
    %dma_wait3A_244 = arith.constant 0 : i32
    %dma_wait3A_245 = tpu.memref_slice %arg5[%add3A_243, %dma_wait3A_244] : memref<204800x128xf32, #tpu.memory_space<hbm>> -> memref<128x128xf32, #tpu.memory_space<hbm>>
    %dma_wait3A_246 = arith.constant 0 : i32
    %dma_wait3A_247 = tpu.memref_slice %arg5[%add3A_243, %dma_wait3A_246] : memref<204800x128xf32, #tpu.memory_space<hbm>> -> memref<128x128xf32, #tpu.memory_space<hbm>>
    tpu.wait_dma2 semaphore(%arg16 : memref<!tpu.dma_semaphore, #tpu.memory_space<semaphore_mem>>) src(%arg8 : memref<128x128xf32, #tpu.memory_space<vmem>>) dst(%dma_wait3A_247 : memref<128x128xf32, #tpu.memory_space<hbm>>)
    %add3A_248 = arith.constant 6272 : i32
    %add3A_249 = arith.addi %mul3A_2, %add3A_248 : i32
    %dma_wait3A_250 = arith.constant 0 : i32
    %dma_wait3A_251 = tpu.memref_slice %arg5[%add3A_249, %dma_wait3A_250] : memref<204800x128xf32, #tpu.memory_space<hbm>> -> memref<128x128xf32, #tpu.memory_space<hbm>>
    %dma_wait3A_252 = arith.constant 0 : i32
    %dma_wait3A_253 = tpu.memref_slice %arg5[%add3A_249, %dma_wait3A_252] : memref<204800x128xf32, #tpu.memory_space<hbm>> -> memref<128x128xf32, #tpu.memory_space<hbm>>
    tpu.wait_dma2 semaphore(%arg17 : memref<!tpu.dma_semaphore, #tpu.memory_space<semaphore_mem>>) src(%arg9 : memref<128x128xf32, #tpu.memory_space<vmem>>) dst(%dma_wait3A_253 : memref<128x128xf32, #tpu.memory_space<hbm>>)
    return
  }
}

</mosaic_0001>

<sc_bundles>
// kernel: kernel.3.cloned.1.call-start
scs
__scs_entry_jumppad:
0x0: {  	(pc) =	sbr.rel $0x88, $3  }
0x1: {  	(tag) =	ssettag $0x0;
	lr =	simm.s32 $0x1  }
0x2: {  	[smem:$0x3F9E] =	sst lr;
	_ =	strace $0xD0000000  }
0x3: {  	_ = 	snop  }
0x4: {  	_ = 	snop  }
0x5: {  	_ = 	snop  }
0x6: {  	_ = 	snop  }
0x7: {  	_ = 	snop  }
__scs_overlays_trampoline_lowered:
0x8: {  	[smem:$0x3FAD] =	sst s0  }
0x9: {  	[smem:$0x3FAE] =	sst s1  }
0xa: {  	[smem:$0x3FAF] =	sst s2  }
0xb: {  	[smem:$0x3FB0] =	sst s3  }
0xc: {  	[smem:$0x3FB1] =	sst s4  }
0xd: {  	[smem:$0x3FB2] =	sst s5  }
0xe: {  	[smem:$0x3FB3] =	sst s6  }
0xf: {  	[smem:$0x3FB4] =	sst s7  }
0x10: {  	[smem:$0x3FB5] =	sst s8  }
0x11: {  	[smem:$0x3FB6] =	sst s9;
	s0 =	simm.s32 @!p0 $0x0  }
0x12: {  	s1 =	sld [smem:$0x3F9C];
	s0 =	simm.s32 @p0 $0x1  }
0x13: {  	[smem:$0x3FB7] =	sst s0;
	s0 =	simm.s32 @!p1 $0x0  }
0x14: {  	s2 =	sld [smem:$0x3F9B];
	s0 =	simm.s32 @p1 $0x1  }
0x15: {  	[smem:$0x3FB8] =	sst s0;
	s0 =	simm.s32 @!p2 $0x0  }
0x16: {  	s3 =	sld [smem:$0x3FDB];
	s0 =	simm.s32 @p2 $0x1  }
0x17: {  	s4 =	simm.s32 $0x1BF5;
	[smem:$0x3FBA] =	sst s0  }
0x18: {  	s0 =	sld [smem:$0x3F9D];
	_ =	swait.ge [sflag:s4], $0x0  }
0x19: {  	s7 =	sld [smem:$0x3F9E]  }
0x1a: {  	s8 =	sadd.s32 $0xFFFFE003, lr  }
0x1b: {  	s9 =	sadd.s32 $0xFFFFFEF7, lr;
	s5 =	simm.s32 $0xFFFFFFFF;
	p2 =	slt.u32 s8, $0xFFFFF086  }
0x1c: {  	p1 =	slt.u32 s9, $0xF7A;
	s5 =	simm.s32 @!p2 $0x0  }
0x1d: {  	s5 =	simm.s32 @p1 $0x1;
	p0 =	seq.s32 s7, s2  }
0x1e: {  	s7 =	smul.u32 @!p0 $0xF7A, s2;
	p2 =	seq.s32 @!p0 s5, $0x0  }
0x1f: {  	s9 =	smul.u32 $0xF7A, s1;
	s8 =	simm.s32 @!p0 $0x1BF5;
	p2 =	por !p2, p0  }
0x20: {  	[sflag:s8] =	ssyncset.s32 @!p0 $0xFFFFF086;
	s6 =	sadd.s32 @!p0 s3, s7;
	s7 =	simm.s32 @!p0 $0x108  }
0x21: {  	s3 =	sadd.s32 s3, s9;
	s6 =	sadd.s32 @!p0 $0x88, s6;
	s7 =	simm.s32 @p2 $0x1082  }
0x22: {  	[simem:s7], [sflag:s8] =	dma.local @!p0 [hbm:s6], $0xF7A  }
0x23: {  	s9 =	sor.u32 $0xD0000000, s2;
	s6 =	simm.s32 $0x108;
	_ =	swait.ge @!p0 [sflag:s8], $0x0  }
0x24: {  	s3 =	sadd.s32 $0x88, s3;
	s6 =	simm.s32 @!p1 $0x1082;
	[sflag:s4] =	ssyncset.s32 $0xFFFFF086  }
0x25: {  	[simem:s6], [sflag:s4] =	dma.local [hbm:s3], $0xF7A  }
0x26: {  	[smem:$0x3F9E] =	sst s1;
	(tag) =	ssettag s2;
	_ =	strace s9  }
0x27: {  	s1 =	sld [smem:$0x3FAE]  }
0x28: {  	s2 =	sld [smem:$0x3FAF]  }
0x29: {  	s4 =	sld [smem:$0x3FB1]  }
0x2a: {  	p0 =	seq.s32 s5, $0x0;
	s5 =	sld [smem:$0x3FB2]  }
0x2b: {  	s6 =	sld [smem:$0x3FB3]  }
0x2c: {  	s7 =	sld [smem:$0x3FB4]  }
0x2d: {  	s3 =	simm.s32 $0x108;
	s8 =	sld [smem:$0x3FB5]  }
0x2e: {  	s3 =	simm.s32 @!p0 $0x1082;
	s9 =	sld [smem:$0x3FB6]  }
0x2f: {  	lr =	sadd.s32 s0, s3;
	s0 =	sld [smem:$0x3FAD]  }
0x30: {  	s3 =	sld [smem:$0x3FB0]  }
0x31: {  	[smem:$0x3FB9] =	sst s10  }
0x32: {  	s10 =	sld [smem:$0x3FB7];
	_ =	sdelay $0x3  }
0x33: {  	p0 =	seq.s32 s10, $0x1;
	s10 =	sld [smem:$0x3FB9];
	_ =	sdelay $0x3  }
0x34: {  	[smem:$0x3FB9] =	sst s10  }
0x35: {  	s10 =	sld [smem:$0x3FB8];
	_ =	sdelay $0x3  }
0x36: {  	p1 =	seq.s32 s10, $0x1;
	s10 =	sld [smem:$0x3FB9];
	_ =	sdelay $0x3  }
0x37: {  	[smem:$0x3FB9] =	sst s10  }
0x38: {  	s10 =	sld [smem:$0x3FBA]  }
0x39: {  	_ = 	snop;
	(pc) =	sbr.ind lr, $3  }
0x3a: {  	_ = 	snop  }
0x3b: {  	_ = 	snop  }
0x3c: {  	p2 =	seq.s32 s10, $0x1;
	s10 =	sld [smem:$0x3FB9]  }
0x3d: {  	_ =	shalt  }
0x3e: {  	_ =	shalt  }
0x3f: {  	_ =	shalt  }
0x40: {  	_ =	shalt  }
0x41: {  	_ =	shalt  }
0x42: {  	_ =	shalt  }
0x43: {  	_ =	shalt  }
0x44: {  	_ =	shalt  }
0x45: {  	_ =	shalt  }
0x46: {  	_ =	shalt  }
0x47: {  	_ =	shalt  }
0x48: {  	_ =	shalt  }
0x49: {  	_ =	shalt  }
0x4a: {  	_ =	shalt  }
0x4b: {  	_ =	shalt  }
0x4c: {  	_ =	shalt  }
0x4d: {  	_ =	shalt  }
0x4e: {  	_ =	shalt  }
0x4f: {  	_ =	shalt  }
0x50: {  	_ =	shalt  }
0x51: {  	_ =	shalt  }
0x52: {  	_ =	shalt  }
0x53: {  	_ =	shalt  }
0x54: {  	_ =	shalt  }
0x55: {  	_ =	shalt  }
0x56: {  	_ =	shalt  }
0x57: {  	_ =	shalt  }
0x58: {  	_ =	shalt  }
0x59: {  	_ =	shalt  }
0x5a: {  	_ =	shalt  }
0x5b: {  	_ =	shalt  }
0x5c: {  	_ =	shalt  }
0x5d: {  	_ =	shalt  }
0x5e: {  	_ =	shalt  }
0x5f: {  	_ =	shalt  }
0x60: {  	_ =	shalt  }
0x61: {  	_ =	shalt  }
0x62: {  	_ =	shalt  }
0x63: {  	_ =	shalt  }
0x64: {  	_ =	shalt  }
0x65: {  	_ =	shalt  }
0x66: {  	_ =	shalt  }
0x67: {  	_ =	shalt  }
0x68: {  	_ =	shalt  }
0x69: {  	_ =	shalt  }
0x6a: {  	_ =	shalt  }
0x6b: {  	_ =	shalt  }
0x6c: {  	_ =	shalt  }
0x6d: {  	_ =	shalt  }
0x6e: {  	_ =	shalt  }
0x6f: {  	_ =	shalt  }
0x70: {  	_ =	shalt  }
0x71: {  	_ =	shalt  }
0x72: {  	_ =	shalt  }
0x73: {  	_ =	shalt  }
0x74: {  	_ =	shalt  }
0x75: {  	_ =	shalt  }
0x76: {  	_ =	shalt  }
0x77: {  	_ =	shalt  }
0x78: {  	_ =	shalt  }
0x79: {  	_ =	shalt  }
0x7a: {  	_ =	shalt  }
0x7b: {  	_ =	shalt  }
0x7c: {  	_ =	shalt  }
0x7d: {  	_ =	shalt  }
0x7e: {  	_ =	shalt  }
0x7f: {  	_ =	shalt  }
0x80: {  	_ =	shalt  }
0x81: {  	_ =	shalt  }
0x82: {  	_ =	shalt  }
0x83: {  	_ =	shalt  }
0x84: {  	_ =	shalt  }
0x85: {  	_ =	shalt  }
0x86: {  	_ =	shalt  }
0x87: {  	_ =	shalt  }
.Lfunc_end0:
.L_simem_size_0:
called_computation_lowered:
.L_overlay_start_0:
0x88: {  	s2 =	sld [smem:$0x3FD9]  }
0x89: {  	s3 =	sld [smem:$0x3FFE];
	_ =	sdelay $0x1  }
0x8a: {  	s1 =	srdreg.scid  }
0x8b: {  	s0 =	sand.u32 $0x1, s1  }
0x8c: {  	s17 =	sshll.u32 s0, $0xA;
	s2 =	sadd.s32 s3, s2  }
0x8d: {  	s2 =	sadd.s32 s2, s17  }
0x8e: {  	[smem:$0x3FC5] =	sst s2  }
0x8f: {  	_ = 	snop  }
0x90: {  	s2 =	sld [smem:$0x3FC8]  }
0x91: {  	s18 =	sld [smem:$0x3FC7]  }
0x92: {  	s4 =	sld [smem:$0x3FD0];
	(tm) =	ssettm $0x1  }
0x93: {  	s5 =	sld [smem:$0x3FFB];
	_ =	sdelay $0x3  }
0x94: {  	_ =	strace s5  }
0x95: {  	s5 =	sld [smem:$0x3FFC];
	_ =	sdelay $0x3  }
0x96: {  	_ =	strace s5  }
0x97: {  	s5 =	sld [smem:$0x3FFD];
	_ =	sdelay $0x3  }
0x98: {  	_ =	strace s5  }
0x99: {  	_ =	strace $0x8FFFFFFF  }
0x9a: {  	s19 =	sld [smem:$0x3FDB];
	_ =	sdelay $0x1  }
0x9b: {  	s6 =	simm.s32 $_scs_section_size  }
0x9c: {  	s7 =	simm.s32 $_size__tile_overlayer_lowered;
	s8 =	simm.s32 $_tile_overlayer_lowered  }
0x9d: {  	s22 =	simm.s32 $0x1BFF;
	s21 =	sshll.u32 s8, $0x1;
	s5 =	sadd.s32 s6, s19  }
0x9e: {  	s9 =	simm.s32 $0x0;
	s20 =	sshll.u32 s7, $0x1;
	s7 =	sadd.s32 s21, s5  }
0x9f: {  	[timem:s9], [sflag:s22] =	dma.local [hbm:s7], s20  }
0xa0: {  	_ =	swait.ge [sflag:s22], s20  }
0xa1: {  	s6 =	ssub.s32 $0x0, s20;
	[sflag:s22] =	ssyncset.done $0x0  }
0xa2: {  	[sflag:s22] =	ssyncadd.s32 s6;
	_ =	sdelay $0x1  }
0xa3: {  	s23 =	simm.s32 $0x1B8B  }
0xa4: {  	_ =	swait.ge [sflag:s23], $0x1  }
0xa5: {  	[sflag:s23] =	ssyncset.done $0x0  }
0xa6: {  	s25 =	simm.s32 $0x1B8E;
	s24 =	sld [smem:$0x3FFE];
	[sflag:s23] =	ssyncadd.s32 $0xFFFFFFFF  }
0xa7: {  	s26 =	simm.s32 $execute0_lowered;
	[smem:$0x3FD2] =	sst s25  }
0xa8: {  	s7 =	sshll.u32 s26, $0x1;
	_ =	strace $0x80000046;
	[dreg:$0x1] =	wrdreg $0xFFFFFFFF  }
0xa9: {  	s28 =	simm.s32 $_size_execute0_lowered;
	s5 =	sadd.s32 s5, s7;
	[dreg:$0x0] =	wrdreg $0x0  }
0xaa: {  	s7 =	sshll.u32 s28, $0x1;
	[dreg:$0x2] =	wrdreg s5  }
0xab: {  	[dreg:$0x3] =	wrdreg s7  }
0xac: {  	[dreg:$0x4] =	wrdreg $0xC0  }
0xad: {  	_ =	task [dreg:s9], $0x5FFFF  }
0xae: {  	[dreg:$0x1] =	wrdreg $0xFFFFFFFF  }
0xaf: {  	[dreg:$0x0] =	wrdreg $0x60  }
0xb0: {  	[dreg:$0x2] =	wrdreg s24  }
0xb1: {  	[dreg:$0x3] =	wrdreg s2  }
0xb2: {  	[dreg:$0x4] =	wrdreg s18  }
0xb3: {  	[dreg:$0x5] =	wrdreg s4  }
0xb4: {  	[dreg:$0x6] =	wrdreg $0x9  }
0xb5: {  	_ =	task.clear_ibuf [dreg:s9], $0x7FFFF;
	_ =	strace $0x90000046  }
0xb6: {  	s29 =	simm.s32 $0x9;
	_ =	strace $0x80000048  }
0xb7: {  	_ =	swait.ge [sflag:s29], $0x1  }
0xb8: {  	[sflag:s29] =	ssyncadd.s32 $0xFFFFFFFF  }
0xb9: {  	_ =	strace $0x90000048  }
0xba: {  	_ =	sfence  }
0xbb: {  	s30 =	sld [smem:$0x0];
	_ =	sdelay $0x2  }
0xbc: {  	s31 =	sshll.u32 s1, $0xD;
	s1 =	sshrl.u32 s1, $0x2  }
0xbd: {  	s3 =	sand.u32 $0x4000, s31;
	s1 =	sadd.s32 s1, s30  }
0xbe: {  	s0 =	sor.u32 s3, s0;
	s1 =	sshll.u32 s1, $0x11  }
0xbf: {  	s0 =	sor.u32 s1, s0  }
0xc0: {  	s0 =	sadd.s32 $0x8F2B, s0  }
0xc1: {  	[sflag:s0] =	ssyncadd.remote.s32 $0x1  }
0xc2: {  	_ =	sfence.sel $0xFFFF  }
0xc3: {  	[dreg:$0x0] =	wrdreg $0xFFFFFFFF;
	(pc) =	sbr.abs _section_cstart, $3  }
0xc4: {  	[dreg:$0x1] =	wrdreg $0xFFFFFFFF  }
0xc5: {  	_ =	task.clear_ibuf [dreg:s9], $0x2FFFF;
	_ =	strace $0x9FFFFFFF  }
0xc6: {  	(tm) =	ssettm $0x7FFFFFFF  }
0xc7: {  	_ =	shalt  }
tec
execute0_lowered:
.L_overlay_start_1:
0x0: {  	(tag) =	ssettag $0x1  }
0x1: {  	s2 =	srdreg.scid;
	s3 =	stileid.u32  }
0x2: {  	s0 =	rddreg [dreg:$0x0];
	s2 =	sand.u32 $0x1, s2;
	s3 =	sshll.u32 s3, $0x1  }
0x3: {  	s1 =	rddreg [dreg:$0x1];
	s3 =	sor.u32 s2, s3  }
0x4: {  	s4 =	rddreg [dreg:$0x3];
	s18 =	simm.s32 $0x0;
	s6 =	smul.u32 $0x1900, s3  }
0x5: {  	[smem:$0x7FF] =	sst s18;
	s2 =	ssub.s32 $0x2, s2;
	s5 =	smul.u32 $0x19000, s3  }
0x6: {  	_ =	strace $0x80000047;
	s3 =	smul.u32 $0xC8000, s3;
	s16 =	sshrl.u32 s2, $0x1  }
0x7: {  	s2 =	ssub.s32 s2, s16;
	s7 =	sshrl.u32 s6, $0x3;
	s5 =	sadd.s32 s4, s5  }
0x8: {  	s3 =	sshrl.u32 s3, $0x3;
	s26 =	smax.u32 s2, $0x1;
	[dreg:$0x5] =	wrdreg s5  }
0x9: {  	s0 =	sadd.s32 s7, s0;
	s17 =	sadd.s32 $0x800, s5;
	[dreg:$0x10] =	wrdreg s26  }
0xa: {  	s19 =	sadd.s32 s4, s3;
	s0 =	sadd.s32 $0x400, s0;
	[dreg:$0x7] =	wrdreg s17  }
0xb: {  	s3 =	sadd.s32 $0x1000, s19;
	[dreg:$0x6] =	wrdreg s0  }
0xc: {  	s20 =	sadd.s32 $0x1800, s19;
	[dreg:$0x8] =	wrdreg s3  }
0xd: {  	s21 =	sadd.s32 $0x16000, s19;
	[dreg:$0x9] =	wrdreg s20  }
0xe: {  	s22 =	sadd.s32 $0x16800, s19;
	[dreg:$0xa] =	wrdreg s21  }
0xf: {  	s30 =	simm.s32 $0xBD00;
	s23 =	sadd.s32 $0x17000, s19;
	[dreg:$0xb] =	wrdreg s22  }
0x10: {  	s28 =	simm.s32 $0x1;
	s24 =	sadd.s32 $0x17800, s19;
	[dreg:$0xc] =	wrdreg s23  }
0x11: {  	s29 =	simm.s32 $0x13D00;
	s25 =	sadd.s32 $0x18000, s19;
	[dreg:$0xd] =	wrdreg s24  }
0x12: {  	s31 =	simm.s32 $0x2;
	s2 =	simm.s32 $0x5;
	[dreg:$0xe] =	wrdreg s25  }
0x13: {  	s0 =	sadd.s32 $0x18800, s19;
	s21 =	simm.s32 $0x80;
	s19 =	simm.s32 $0x6  }
0x14: {  	s24 =	simm.s32 $0x8;
	[dreg:$0xf] =	wrdreg s0;
	s0 =	simm.s32 $0x0  }
.LBB2_1:
0x15: {  	[dreg:$0x11] =	wrdreg s0  }
0x16: {  	s3 =	rddreg [dreg:$0x2];
	s5 =	simm.s32 $0x1900  }
0x17: {  	[tilespmem:s5], [sflag:$0x9] =	stream.linear.gather [hbm4b:s3+s18], $0x6400, $0x38;
	[tilespmem:$0x17D00] =	vst v63  }
0x18: {  	s17 =	rddreg [dreg:$0x6];
	s20 =	simm.s32 $0xA  }
0x19: {  	[tilespmem:s18], [sflag:$0xA] =	stream.linear.gather [hbm4b:s17+s18], $0x1900, $0x38;
	[tilespmem:$0x17D00] =	vst v63  }
0x1a: {  	_ =	swait.ge [sflag:s20], $0x1900  }
0x1b: {  	[sflag:s20] =	ssyncset.done $0x0  }
0x1c: {  	s22 =	simm.s32 $0x7D00;
	[sflag:s20] =	ssyncadd.s32 $0xFFFFE700  }
0x1d: {  	[tilespmem:s22], [sflag:$0x1] =	stream.indirect.gather [hbm4b:s1+s21], $0x80, s18, s21, $0xb8;
	[tilespmem:$0x17D00] =	vst v63  }
0x1e: {  	_ = 	snop  }
0x1f: {  	[tilespmem:s30], [sflag:$0x2] =	stream.indirect.gather [hbm4b:s1+s21], $0x80, s21, s21, $0xb8;
	[tilespmem:$0x17D00] =	vst v63  }
0x20: {  	s23 =	simm.s32 $0xFD00;
	s25 =	simm.s32 $0x100;
	s26 =	simm.s32 $0x9  }
0x21: {  	[tilespmem:s23], [sflag:$0x3] =	stream.indirect.gather [hbm4b:s1+s21], $0x80, s25, s21, $0xb8;
	[tilespmem:$0x17D00] =	vst v63  }
0x22: {  	_ =	swait.ge [sflag:s26], $0x6400  }
0x23: {  	[sflag:s26] =	ssyncset.done $0x0  }
0x24: {  	[sflag:s26] =	ssyncadd.s32 $0xFFFF9C00  }
0x25: {  	_ =	swait.ge [sflag:s28], $0x4000  }
0x26: {  	[sflag:s28] =	ssyncset.done $0x0  }
0x27: {  	s5 =	simm.s32 $0x0;
	[sflag:s28] =	ssyncadd.s32 $0xFFFFC000  }
0x28: {  	v0 =	vld [tilespmem:s5+$0x19F0]  }
0x29: {  	v1 =	vld [tilespmem:s5+$0x1900]  }
0x2a: {  	v2 =	vld [tilespmem:s5+$0x1910]  }
0x2b: {  	v3 =	vld [tilespmem:s5+$0x1920]  }
0x2c: {  	v4 =	vld [tilespmem:s5+$0x1930]  }
0x2d: {  	v5 =	vld [tilespmem:s5+$0x1940]  }
0x2e: {  	v6 =	vld [tilespmem:s5+$0x1950]  }
0x2f: {  	v7 =	vld [tilespmem:s5+$0x1960]  }
0x30: {  	v8 =	vld [tilespmem:s5+$0x1970]  }
0x31: {  	v9 =	vld [tilespmem:s5+$0x1980]  }
0x32: {  	v10 =	vld [tilespmem:s5+$0x1990]  }
0x33: {  	v11 =	vld [tilespmem:s5+$0x19A0]  }
0x34: {  	v12 =	vld [tilespmem:s5+$0x19B0]  }
0x35: {  	v13 =	vld [tilespmem:s5+$0x19C0]  }
0x36: {  	v14 =	vld [tilespmem:s5+$0x19D0]  }
0x37: {  	[tilespmem:s5+$0x7DF0] =	vst.add.f32.msk $0xffff, v0  }
0x38: {  	v0 =	vld [tilespmem:s5+$0x19E0]  }
0x39: {  	[tilespmem:s5+$0x7D00] =	vst.add.f32.msk $0xffff, v1  }
0x3a: {  	[tilespmem:s5+$0x7D10] =	vst.add.f32.msk $0xffff, v2  }
0x3b: {  	[tilespmem:s5+$0x7D20] =	vst.add.f32.msk $0xffff, v3  }
0x3c: {  	[tilespmem:s5+$0x7D30] =	vst.add.f32.msk $0xffff, v4  }
0x3d: {  	[tilespmem:s5+$0x7D40] =	vst.add.f32.msk $0xffff, v5  }
0x3e: {  	[tilespmem:s5+$0x7D50] =	vst.add.f32.msk $0xffff, v6  }
0x3f: {  	[tilespmem:s5+$0x7D60] =	vst.add.f32.msk $0xffff, v7  }
0x40: {  	[tilespmem:s5+$0x7D70] =	vst.add.f32.msk $0xffff, v8  }
0x41: {  	[tilespmem:s5+$0x7D80] =	vst.add.f32.msk $0xffff, v9  }
0x42: {  	[tilespmem:s5+$0x7D90] =	vst.add.f32.msk $0xffff, v10  }
0x43: {  	[tilespmem:s5+$0x7DA0] =	vst.add.f32.msk $0xffff, v11  }
0x44: {  	[tilespmem:s5+$0x7DB0] =	vst.add.f32.msk $0xffff, v12  }
0x45: {  	[tilespmem:s5+$0x7DC0] =	vst.add.f32.msk $0xffff, v13  }
0x46: {  	s0 =	simm.s32 $0xFD00;
	s7 =	simm.s32 $0x0;
	s8 =	simm.s32 $0x400;
	[tilespmem:s5+$0x7DD0] =	vst.add.f32.msk $0xffff, v14  }
.LBB2_2:
0x47: {  	s7 =	sadd.s32 $0x2, s7;
	[tilespmem:s5+$0x7DE0] =	vst.add.f32.msk $0xffff, v0;
	s5 =	sshra.s32 s8, $0x2  }
0x48: {  	v0 =	vld [tilespmem:s5+$0x19F0];
	p0 =	slt.u32 s7, $0x7E  }
0x49: {  	v1 =	vld [tilespmem:s5+$0x1900]  }
0x4a: {  	v2 =	vld [tilespmem:s5+$0x1910]  }
0x4b: {  	v3 =	vld [tilespmem:s5+$0x1920]  }
0x4c: {  	v4 =	vld [tilespmem:s5+$0x1930]  }
0x4d: {  	[tilespmem:s5+$0x7DF0] =	vst.add.f32.msk $0xffff, v0  }
0x4e: {  	v5 =	vld [tilespmem:s5+$0x1940]  }
0x4f: {  	v6 =	vld [tilespmem:s5+$0x1950]  }
0x50: {  	v7 =	vld [tilespmem:s5+$0x1960]  }
0x51: {  	v8 =	vld [tilespmem:s5+$0x1970]  }
0x52: {  	v9 =	vld [tilespmem:s5+$0x1980]  }
0x53: {  	v10 =	vld [tilespmem:s5+$0x1990]  }
0x54: {  	v11 =	vld [tilespmem:s5+$0x19A0]  }
0x55: {  	v12 =	vld [tilespmem:s5+$0x19B0]  }
0x56: {  	v13 =	vld [tilespmem:s5+$0x19C0]  }
0x57: {  	v14 =	vld [tilespmem:s5+$0x19D0]  }
0x58: {  	v0 =	vld [tilespmem:s5+$0x19E0]  }
0x59: {  	[tilespmem:s5+$0x7D00] =	vst.add.f32.msk $0xffff, v1  }
0x5a: {  	[tilespmem:s5+$0x7D10] =	vst.add.f32.msk $0xffff, v2  }
0x5b: {  	[tilespmem:s5+$0x7D20] =	vst.add.f32.msk $0xffff, v3  }
0x5c: {  	[tilespmem:s5+$0x7D30] =	vst.add.f32.msk $0xffff, v4  }
0x5d: {  	[tilespmem:s5+$0x7D40] =	vst.add.f32.msk $0xffff, v5  }
0x5e: {  	[tilespmem:s5+$0x7D50] =	vst.add.f32.msk $0xffff, v6  }
0x5f: {  	[tilespmem:s5+$0x7D60] =	vst.add.f32.msk $0xffff, v7  }
0x60: {  	[tilespmem:s5+$0x7D70] =	vst.add.f32.msk $0xffff, v8  }
0x61: {  	[tilespmem:s5+$0x7D80] =	vst.add.f32.msk $0xffff, v9  }
.Ltmp0:
0x62: {  	[tilespmem:s5+$0x7D90] =	vst.add.f32.msk $0xffff, v10;
	(pc) =	sbr.rel @p0 .LBB2_2-.Ltmp0, $4  }
0x63: {  	[tilespmem:s5+$0x7DA0] =	vst.add.f32.msk $0xffff, v11  }
0x64: {  	[tilespmem:s5+$0x7DB0] =	vst.add.f32.msk $0xffff, v12  }
0x65: {  	[tilespmem:s5+$0x7DC0] =	vst.add.f32.msk $0xffff, v13  }
0x66: {  	s8 =	sadd.s32 $0x400, s8;
	[tilespmem:s5+$0x7DD0] =	vst.add.f32.msk $0xffff, v14  }
0x67: {  	[tilespmem:s5+$0x7DE0] =	vst.add.f32.msk $0xffff, v0  }
0x68: {  	s25 =	simm.s32 $0x7D00;
	s26 =	simm.s32 $0x180;
	s3 =	rddreg [dreg:$0x5]  }
0x69: {  	[hbm4b:s3+s18] =	stream.linear.scatter [tilespmem:s25], [sflag:$0x5], $0x4000, $0x38;
	[tilespmem:$0x17D00] =	vst v63  }
0x6a: {  	s5 =	simm.s32 $0x81;
	s7 =	simm.s32 $0x7FFFB9;
	p0 =	por $0x1, $0x1  }
0x6b: {  	[tilespmem:s29], [sflag:$0x4] =	stream.indirect.gather [hbm4b:s1+s21], $0x80, s26, s21, $0xb8;
	[tilespmem:$0x17D00] =	vst v63  }
0x6c: {  	s7 =	smov.u32 @p0 s5;
	_ =	swait.ge [sflag:s31], $0x4000  }
0x6d: {  	s5 =	sshll.u32 s7, $0x9;
	[sflag:s31] =	ssyncset.done $0x0  }
0x6e: {  	s11 =	sshra.s32 s5, $0x2;
	[sflag:s31] =	ssyncadd.s32 $0xFFFFC000  }
0x6f: {  	p0 =	por $0x1, $0x1;
	s7 =	simm.s32 $0x7FFFB8;
	s5 =	simm.s32 $0x80;
	v0 =	vld [tilespmem:s11+$0x1900]  }
0x70: {  	s7 =	smov.u32 @p0 s5  }
0x71: {  	s5 =	sshll.u32 s7, $0x9  }
0x72: {  	s9 =	sshra.s32 s5, $0x2  }
0x73: {  	s7 =	simm.s32 $0xBD00;
	v1 =	vld [tilespmem:s9+$0x1900]  }
0x74: {  	[tilespmem:s7+$0x80] =	vst.add.f32.msk $0xffff, v0  }
0x75: {  	v0 =	vld [tilespmem:s11+$0x1910];
	_ =	sdelay $0x2  }
0x76: {  	[tilespmem:s7+$0x0] =	vst.add.f32.msk $0xffff, v1  }
0x77: {  	v1 =	vld [tilespmem:s9+$0x1910]  }
0x78: {  	[tilespmem:s7+$0x90] =	vst.add.f32.msk $0xffff, v0  }
0x79: {  	v0 =	vld [tilespmem:s11+$0x1920];
	_ =	sdelay $0x2  }
0x7a: {  	[tilespmem:s7+$0x10] =	vst.add.f32.msk $0xffff, v1  }
0x7b: {  	v1 =	vld [tilespmem:s9+$0x1920]  }
0x7c: {  	[tilespmem:s7+$0xA0] =	vst.add.f32.msk $0xffff, v0  }
0x7d: {  	v0 =	vld [tilespmem:s11+$0x1930];
	_ =	sdelay $0x1  }
0x7e: {  	s8 =	simm.s32 $0x7FFFBA  }
0x7f: {  	s10 =	simm.s32 $0x7FFFBB;
	p0 =	por $0x1, $0x1;
	s5 =	simm.s32 $0x82;
	[tilespmem:s7+$0x20] =	vst.add.f32.msk $0xffff, v1  }
0x80: {  	s8 =	smov.u32 @p0 s5;
	s5 =	simm.s32 $0x83;
	p0 =	por $0x1, $0x1;
	v1 =	vld [tilespmem:s9+$0x1930]  }
0x81: {  	s10 =	smov.u32 @p0 s5;
	[tilespmem:s7+$0xB0] =	vst.add.f32.msk $0xffff, v0  }
0x82: {  	s5 =	sshll.u32 s10, $0x9;
	v0 =	vld [tilespmem:s11+$0x1940]  }
0x83: {  	s10 =	sshra.s32 s5, $0x2  }
0x84: {  	v3 =	vld [tilespmem:s10+$0x1900]  }
0x85: {  	[tilespmem:s7+$0x30] =	vst.add.f32.msk $0xffff, v1  }
0x86: {  	v1 =	vld [tilespmem:s9+$0x1940]  }
0x87: {  	s8 =	sshll.u32 s8, $0x9;
	[tilespmem:s7+$0xC0] =	vst.add.f32.msk $0xffff, v0  }
0x88: {  	s8 =	sshra.s32 s8, $0x2;
	v0 =	vld [tilespmem:s11+$0x1950]  }
0x89: {  	v2 =	vld [tilespmem:s8+$0x1900];
	s5 =	simm.s32 $0xBE00  }
0x8a: {  	[tilespmem:s5+$0x80] =	vst.add.f32.msk $0xffff, v3  }
0x8b: {  	[tilespmem:s7+$0x40] =	vst.add.f32.msk $0xffff, v1  }
0x8c: {  	v1 =	vld [tilespmem:s10+$0x1910]  }
0x8d: {  	[tilespmem:s7+$0xD0] =	vst.add.f32.msk $0xffff, v0  }
0x8e: {  	v0 =	vld [tilespmem:s11+$0x1960]  }
0x8f: {  	[tilespmem:s5+$0x0] =	vst.add.f32.msk $0xffff, v2  }
0x90: {  	v2 =	vld [tilespmem:s8+$0x1910]  }
0x91: {  	v4 =	vld [tilespmem:s9+$0x1950]  }
0x92: {  	[tilespmem:s5+$0x90] =	vst.add.f32.msk $0xffff, v1  }
0x93: {  	[tilespmem:s7+$0xE0] =	vst.add.f32.msk $0xffff, v0  }
0x94: {  	v3 =	vld [tilespmem:s11+$0x1970]  }
0x95: {  	v1 =	vld [tilespmem:s10+$0x1920]  }
0x96: {  	[tilespmem:s5+$0x10] =	vst.add.f32.msk $0xffff, v2  }
0x97: {  	v0 =	vld [tilespmem:s8+$0x1920]  }
0x98: {  	[tilespmem:s7+$0x50] =	vst.add.f32.msk $0xffff, v4  }
0x99: {  	s11 =	simm.s32 $0x2;
	[tilespmem:s7+$0xF0] =	vst.add.f32.msk $0xffff, v3  }
.LBB2_4:
0x9a: {  	s12 =	sadd.s32 $0x82, s11;
	[tilespmem:s5+$0xA0] =	vst.add.f32.msk $0xffff, v1;
	s13 =	smov.u32 s11  }
0x9b: {  	s14 =	sadd.s32 $0x7FFFBA, s11;
	p0 =	slt.u32 s12, $0xC8;
	v1 =	vld [tilespmem:s10+$0x1930]  }
0x9c: {  	s14 =	smov.u32 @p0 s12;
	[tilespmem:s5+$0x20] =	vst.add.f32.msk $0xffff, v0  }
0x9d: {  	s12 =	sshll.u32 s14, $0x9;
	v0 =	vld [tilespmem:s8+$0x1930]  }
0x9e: {  	s12 =	sshra.s32 s12, $0x2;
	v2 =	vld [tilespmem:s9+$0x1960]  }
0x9f: {  	v3 =	vld [tilespmem:s12+$0x1900]  }
0xa0: {  	[tilespmem:s5+$0xB0] =	vst.add.f32.msk $0xffff, v1  }
0xa1: {  	v1 =	vld [tilespmem:s10+$0x1940]  }
0xa2: {  	[tilespmem:s5+$0x30] =	vst.add.f32.msk $0xffff, v0  }
0xa3: {  	v0 =	vld [tilespmem:s8+$0x1940]  }
0xa4: {  	s11 =	sadd.s32 $0x2, s11;
	s14 =	sadd.s32 $0x83, s13;
	[tilespmem:s7+$0x60] =	vst.add.f32.msk $0xffff, v2  }
0xa5: {  	p0 =	slt.u32 s11, $0x7E;
	s13 =	sadd.s32 $0x7FFFBB, s13;
	p1 =	slt.u32 s14, $0xC8;
	v2 =	vld [tilespmem:s9+$0x1970]  }
0xa6: {  	s13 =	smov.u32 @p1 s14;
	s9 =	smov.u32 s8;
	s8 =	smov.u32 s12;
	[tilespmem:s5+$0xC0] =	vst.add.f32.msk $0xffff, v1  }
0xa7: {  	s12 =	sshll.u32 s13, $0x9;
	v1 =	vld [tilespmem:s10+$0x1950]  }
0xa8: {  	s12 =	sshra.s32 s12, $0x2;
	[tilespmem:s5+$0x40] =	vst.add.f32.msk $0xffff, v0  }
0xa9: {  	v0 =	vld [tilespmem:s12+$0x1900]  }
0xaa: {  	v4 =	vld [tilespmem:s9+$0x1950]  }
0xab: {  	[tilespmem:s7+$0x70] =	vst.add.f32.msk $0xffff, v2;
	s7 =	smov.u32 s5  }
0xac: {  	[tilespmem:s5+$0xD0] =	vst.add.f32.msk $0xffff, v1  }
0xad: {  	s5 =	sadd.s32 $0x100, s5;
	v1 =	vld [tilespmem:s10+$0x1960]  }
0xae: {  	[tilespmem:s5+$0x80] =	vst.add.f32.msk $0xffff, v0  }
0xaf: {  	v0 =	vld [tilespmem:s12+$0x1910]  }
0xb0: {  	[tilespmem:s5+$0x0] =	vst.add.f32.msk $0xffff, v3  }
0xb1: {  	v2 =	vld [tilespmem:s8+$0x1910]  }
0xb2: {  	[tilespmem:s7+$0xE0] =	vst.add.f32.msk $0xffff, v1  }
0xb3: {  	v3 =	vld [tilespmem:s10+$0x1970];
	s10 =	smov.u32 s12  }
0xb4: {  	[tilespmem:s5+$0x90] =	vst.add.f32.msk $0xffff, v0  }
.Ltmp1:
0xb5: {  	v1 =	vld [tilespmem:s10+$0x1920];
	(pc) =	sbr.rel @p0 .LBB2_4-.Ltmp1, $4  }
0xb6: {  	[tilespmem:s5+$0x10] =	vst.add.f32.msk $0xffff, v2  }
0xb7: {  	v0 =	vld [tilespmem:s8+$0x1920]  }
0xb8: {  	[tilespmem:s7+$0xF0] =	vst.add.f32.msk $0xffff, v3  }
0xb9: {  	[tilespmem:s7+$0x50] =	vst.add.f32.msk $0xffff, v4  }
0xba: {  	[tilespmem:s5+$0xA0] =	vst.add.f32.msk $0xffff, v1  }
0xbb: {  	v1 =	vld [tilespmem:s10+$0x1930]  }
0xbc: {  	[tilespmem:s5+$0x20] =	vst.add.f32.msk $0xffff, v0  }
0xbd: {  	v0 =	vld [tilespmem:s8+$0x1930];
	_ =	sdelay $0x2  }
0xbe: {  	[tilespmem:s5+$0xB0] =	vst.add.f32.msk $0xffff, v1  }
0xbf: {  	v1 =	vld [tilespmem:s10+$0x1940]  }
0xc0: {  	[tilespmem:s5+$0x30] =	vst.add.f32.msk $0xffff, v0  }
0xc1: {  	v0 =	vld [tilespmem:s8+$0x1940];
	_ =	sdelay $0x2  }
0xc2: {  	[tilespmem:s5+$0xC0] =	vst.add.f32.msk $0xffff, v1  }
0xc3: {  	v1 =	vld [tilespmem:s10+$0x1950]  }
0xc4: {  	[tilespmem:s5+$0x40] =	vst.add.f32.msk $0xffff, v0  }
0xc5: {  	v0 =	vld [tilespmem:s8+$0x1950];
	_ =	sdelay $0x1  }
0xc6: {  	v2 =	vld [tilespmem:s9+$0x1960]  }
0xc7: {  	[tilespmem:s5+$0xD0] =	vst.add.f32.msk $0xffff, v1  }
0xc8: {  	v1 =	vld [tilespmem:s10+$0x1960]  }
0xc9: {  	[tilespmem:s5+$0x50] =	vst.add.f32.msk $0xffff, v0  }
0xca: {  	v0 =	vld [tilespmem:s8+$0x1960]  }
0xcb: {  	[tilespmem:s7+$0x60] =	vst.add.f32.msk $0xffff, v2  }
0xcc: {  	v2 =	vld [tilespmem:s9+$0x1970]  }
0xcd: {  	[tilespmem:s5+$0xE0] =	vst.add.f32.msk $0xffff, v1  }
0xce: {  	v1 =	vld [tilespmem:s10+$0x1970]  }
0xcf: {  	[tilespmem:s5+$0x60] =	vst.add.f32.msk $0xffff, v0  }
0xd0: {  	v0 =	vld [tilespmem:s8+$0x1970];
	_ =	sdelay $0x2  }
0xd1: {  	[tilespmem:s7+$0x70] =	vst.add.f32.msk $0xffff, v2  }
0xd2: {  	[tilespmem:s5+$0xF0] =	vst.add.f32.msk $0xffff, v1  }
0xd3: {  	[tilespmem:s5+$0x70] =	vst.add.f32.msk $0xffff, v0  }
0xd4: {  	s22 =	simm.s32 $0x0;
	s3 =	rddreg [dreg:$0x7]  }
0xd5: {  	[hbm4b:s3+s22] =	stream.linear.scatter [tilespmem:s30], [sflag:$0x6], $0x4000, $0x38;
	[tilespmem:$0x17D00] =	vst v63  }
0xd6: {  	_ =	swait.ge [sflag:s2], $0x4000  }
0xd7: {  	s23 =	simm.s32 $0x7D00;
	[sflag:s2] =	ssyncset.done $0x0  }
0xd8: {  	s25 =	simm.s32 $0x200;
	s26 =	simm.s32 $0x3;
	[sflag:s2] =	ssyncadd.s32 $0xFFFFC000  }
0xd9: {  	[tilespmem:s23], [sflag:$0x1] =	stream.indirect.gather [hbm4b:s1+s21], $0x80, s25, s21, $0xb8;
	[tilespmem:$0x17D00] =	vst v63  }
0xda: {  	_ =	swait.ge [sflag:s26], $0x4000  }
0xdb: {  	[sflag:s26] =	ssyncset.done $0x0  }
0xdc: {  	s5 =	simm.s32 $0x0;
	[sflag:s26] =	ssyncadd.s32 $0xFFFFC000  }
0xdd: {  	v0 =	vld [tilespmem:s5+$0x35F0]  }
0xde: {  	v1 =	vld [tilespmem:s5+$0x3500]  }
0xdf: {  	v2 =	vld [tilespmem:s5+$0x3510]  }
0xe0: {  	v3 =	vld [tilespmem:s5+$0x3520]  }
0xe1: {  	v4 =	vld [tilespmem:s5+$0x3530]  }
0xe2: {  	v5 =	vld [tilespmem:s5+$0x3540]  }
0xe3: {  	v6 =	vld [tilespmem:s5+$0x3550]  }
0xe4: {  	v7 =	vld [tilespmem:s5+$0x3560]  }
0xe5: {  	v8 =	vld [tilespmem:s5+$0x3570]  }
0xe6: {  	v9 =	vld [tilespmem:s5+$0x3580]  }
0xe7: {  	v10 =	vld [tilespmem:s5+$0x3590]  }
0xe8: {  	v11 =	vld [tilespmem:s5+$0x35A0]  }
0xe9: {  	v12 =	vld [tilespmem:s5+$0x35B0]  }
0xea: {  	v13 =	vld [tilespmem:s5+$0x35C0]  }
0xeb: {  	v14 =	vld [tilespmem:s5+$0x35D0]  }
0xec: {  	[tilespmem:s5+$0xFDF0] =	vst.add.f32.msk $0xffff, v0  }
0xed: {  	v0 =	vld [tilespmem:s5+$0x35E0]  }
0xee: {  	[tilespmem:s5+$0xFD00] =	vst.add.f32.msk $0xffff, v1  }
0xef: {  	[tilespmem:s5+$0xFD10] =	vst.add.f32.msk $0xffff, v2  }
0xf0: {  	[tilespmem:s5+$0xFD20] =	vst.add.f32.msk $0xffff, v3  }
0xf1: {  	[tilespmem:s5+$0xFD30] =	vst.add.f32.msk $0xffff, v4  }
0xf2: {  	[tilespmem:s5+$0xFD40] =	vst.add.f32.msk $0xffff, v5  }
0xf3: {  	[tilespmem:s5+$0xFD50] =	vst.add.f32.msk $0xffff, v6  }
0xf4: {  	[tilespmem:s5+$0xFD60] =	vst.add.f32.msk $0xffff, v7  }
0xf5: {  	[tilespmem:s5+$0xFD70] =	vst.add.f32.msk $0xffff, v8  }
0xf6: {  	[tilespmem:s5+$0xFD80] =	vst.add.f32.msk $0xffff, v9  }
0xf7: {  	[tilespmem:s5+$0xFD90] =	vst.add.f32.msk $0xffff, v10  }
0xf8: {  	[tilespmem:s5+$0xFDA0] =	vst.add.f32.msk $0xffff, v11  }
0xf9: {  	[tilespmem:s5+$0xFDB0] =	vst.add.f32.msk $0xffff, v12  }
0xfa: {  	[tilespmem:s5+$0xFDC0] =	vst.add.f32.msk $0xffff, v13  }
0xfb: {  	s7 =	simm.s32 $0x0;
	s8 =	simm.s32 $0x400;
	[tilespmem:s5+$0xFDD0] =	vst.add.f32.msk $0xffff, v14  }
.LBB2_6:
0xfc: {  	s7 =	sadd.s32 $0x2, s7;
	[tilespmem:s5+$0xFDE0] =	vst.add.f32.msk $0xffff, v0;
	s5 =	sshra.s32 s8, $0x2  }
0xfd: {  	v0 =	vld [tilespmem:s5+$0x35F0];
	p0 =	slt.u32 s7, $0x7E  }
0xfe: {  	v1 =	vld [tilespmem:s5+$0x3500]  }
0xff: {  	v2 =	vld [tilespmem:s5+$0x3510]  }
0x100: {  	v3 =	vld [tilespmem:s5+$0x3520]  }
0x101: {  	v4 =	vld [tilespmem:s5+$0x3530]  }
0x102: {  	[tilespmem:s5+$0xFDF0] =	vst.add.f32.msk $0xffff, v0  }
0x103: {  	v5 =	vld [tilespmem:s5+$0x3540]  }
0x104: {  	v6 =	vld [tilespmem:s5+$0x3550]  }
0x105: {  	v7 =	vld [tilespmem:s5+$0x3560]  }
0x106: {  	v8 =	vld [tilespmem:s5+$0x3570]  }
0x107: {  	v9 =	vld [tilespmem:s5+$0x3580]  }
0x108: {  	v10 =	vld [tilespmem:s5+$0x3590]  }
0x109: {  	v11 =	vld [tilespmem:s5+$0x35A0]  }
0x10a: {  	v12 =	vld [tilespmem:s5+$0x35B0]  }
0x10b: {  	v13 =	vld [tilespmem:s5+$0x35C0]  }
0x10c: {  	v14 =	vld [tilespmem:s5+$0x35D0]  }
0x10d: {  	v0 =	vld [tilespmem:s5+$0x35E0]  }
0x10e: {  	[tilespmem:s5+$0xFD00] =	vst.add.f32.msk $0xffff, v1  }
0x10f: {  	[tilespmem:s5+$0xFD10] =	vst.add.f32.msk $0xffff, v2  }
0x110: {  	[tilespmem:s5+$0xFD20] =	vst.add.f32.msk $0xffff, v3  }
0x111: {  	[tilespmem:s5+$0xFD30] =	vst.add.f32.msk $0xffff, v4  }
0x112: {  	[tilespmem:s5+$0xFD40] =	vst.add.f32.msk $0xffff, v5  }
0x113: {  	[tilespmem:s5+$0xFD50] =	vst.add.f32.msk $0xffff, v6  }
0x114: {  	[tilespmem:s5+$0xFD60] =	vst.add.f32.msk $0xffff, v7  }
0x115: {  	[tilespmem:s5+$0xFD70] =	vst.add.f32.msk $0xffff, v8  }
0x116: {  	[tilespmem:s5+$0xFD80] =	vst.add.f32.msk $0xffff, v9  }
.Ltmp2:
0x117: {  	[tilespmem:s5+$0xFD90] =	vst.add.f32.msk $0xffff, v10;
	(pc) =	sbr.rel @p0 .LBB2_6-.Ltmp2, $4  }
0x118: {  	[tilespmem:s5+$0xFDA0] =	vst.add.f32.msk $0xffff, v11  }
0x119: {  	[tilespmem:s5+$0xFDB0] =	vst.add.f32.msk $0xffff, v12  }
0x11a: {  	[tilespmem:s5+$0xFDC0] =	vst.add.f32.msk $0xffff, v13  }
0x11b: {  	s8 =	sadd.s32 $0x400, s8;
	[tilespmem:s5+$0xFDD0] =	vst.add.f32.msk $0xffff, v14  }
0x11c: {  	[tilespmem:s5+$0xFDE0] =	vst.add.f32.msk $0xffff, v0;
	s16 =	simm.s32 $0x0  }
0x11d: {  	s15 =	simm.s32 $0x280;
	s3 =	rddreg [dreg:$0x8];
	s7 =	sor.u32 $0x181, s16  }
0x11e: {  	[hbm4b:s3+s18] =	stream.linear.scatter [tilespmem:s0], [sflag:$0x7], $0x4000, $0x38;
	[tilespmem:$0x17D00] =	vst v63  }
0x11f: {  	s5 =	sor.u32 $0x180, s16;
	s8 =	sand.u32 $0xFFF8, s7;
	_ =	swait.ge [sflag:s19], $0x4000  }
0x120: {  	s9 =	sand.u32 $0xFFF8, s5;
	s8 =	sshrl.u32 s8, $0x3;
	[sflag:s19] =	ssyncset.done $0x0  }
0x121: {  	s9 =	sshrl.u32 s9, $0x3;
	s8 =	smul.u32 $0x147B, s8;
	[sflag:s19] =	ssyncadd.s32 $0xFFFFC000  }
0x122: {  	[tilespmem:s30], [sflag:$0x2] =	stream.indirect.gather [hbm4b:s1+s21], $0x80, s15, s21, $0xb8;
	[tilespmem:$0x17D00] =	vst v63  }
0x123: {  	s9 =	smul.u32 $0x147B, s9;
	s8 =	sshrl.u32 s8, $0x11  }
0x124: {  	s8 =	smul.u32 $0xC8, s8  }
0x125: {  	s17 =	simm.s32 $0x4;
	s18 =	sshrl.u32 s9, $0x11  }
0x126: {  	_ =	swait.ge [sflag:s17], $0x4000;
	s7 =	ssub.s32 s7, s8;
	s8 =	smul.u32 $0xC8, s18  }
0x127: {  	[sflag:s17] =	ssyncset.done $0x0;
	s7 =	sshll.u32 s7, $0x7  }
0x128: {  	[sflag:s17] =	ssyncadd.s32 $0xFFFFC000;
	s11 =	sand.u32 $0xFF80, s7;
	s5 =	ssub.s32 s5, s8  }
0x129: {  	v0 =	vld [tilespmem:s11+$0x1900];
	s5 =	sshll.u32 s5, $0x7  }
0x12a: {  	s5 =	sand.u32 $0xFF80, s5  }
0x12b: {  	v1 =	vld [tilespmem:s5+$0x1900];
	_ =	sdelay $0x1  }
0x12c: {  	s7 =	simm.s32 $0x13D00  }
0x12d: {  	[tilespmem:s7+$0x80] =	vst.add.f32.msk $0xffff, v0  }
0x12e: {  	v0 =	vld [tilespmem:s11+$0x1910]  }
0x12f: {  	[tilespmem:s7+$0x0] =	vst.add.f32.msk $0xffff, v1  }
0x130: {  	v1 =	vld [tilespmem:s5+$0x1910];
	_ =	sdelay $0x2  }
0x131: {  	[tilespmem:s7+$0x90] =	vst.add.f32.msk $0xffff, v0  }
0x132: {  	v0 =	vld [tilespmem:s11+$0x1920]  }
0x133: {  	[tilespmem:s7+$0x10] =	vst.add.f32.msk $0xffff, v1  }
0x134: {  	v1 =	vld [tilespmem:s5+$0x1920];
	_ =	sdelay $0x1  }
0x135: {  	s20 =	simm.s32 $0x2  }
0x136: {  	s22 =	sor.u32 $0x181, s20;
	[tilespmem:s7+$0xA0] =	vst.add.f32.msk $0xffff, v0  }
0x137: {  	s10 =	sand.u32 $0xFFF8, s22;
	v0 =	vld [tilespmem:s11+$0x1930]  }
0x138: {  	s10 =	sshrl.u32 s10, $0x3;
	[tilespmem:s7+$0x20] =	vst.add.f32.msk $0xffff, v1  }
0x139: {  	s10 =	smul.u32 $0x147B, s10;
	v1 =	vld [tilespmem:s5+$0x1930]  }
0x13a: {  	s8 =	sor.u32 $0x180, s20  }
0x13b: {  	s10 =	sshrl.u32 s10, $0x11;
	s12 =	sand.u32 $0xFFF8, s8  }
0x13c: {  	s10 =	smul.u32 $0xC8, s10;
	s12 =	sshrl.u32 s12, $0x3;
	[tilespmem:s7+$0xB0] =	vst.add.f32.msk $0xffff, v0  }
0x13d: {  	s12 =	smul.u32 $0x147B, s12;
	v0 =	vld [tilespmem:s11+$0x1940]  }
0x13e: {  	s9 =	ssub.s32 s22, s10;
	[tilespmem:s7+$0x30] =	vst.add.f32.msk $0xffff, v1  }
0x13f: {  	s9 =	sshll.u32 s9, $0x7;
	s12 =	sshrl.u32 s12, $0x11;
	v1 =	vld [tilespmem:s5+$0x1940]  }
0x140: {  	s13 =	sand.u32 $0xFF80, s9;
	s12 =	smul.u32 $0xC8, s12  }
0x141: {  	v2 =	vld [tilespmem:s13+$0x1900]  }
0x142: {  	s8 =	ssub.s32 s8, s12;
	[tilespmem:s7+$0xC0] =	vst.add.f32.msk $0xffff, v0  }
0x143: {  	s8 =	sshll.u32 s8, $0x7;
	v0 =	vld [tilespmem:s11+$0x1950]  }
0x144: {  	s9 =	sand.u32 $0xFF80, s8;
	[tilespmem:s7+$0x40] =	vst.add.f32.msk $0xffff, v1  }
0x145: {  	s10 =	simm.s32 $0x13E00;
	v1 =	vld [tilespmem:s9+$0x1900]  }
0x146: {  	[tilespmem:s10+$0x80] =	vst.add.f32.msk $0xffff, v2  }
0x147: {  	v2 =	vld [tilespmem:s13+$0x1910]  }
0x148: {  	[tilespmem:s7+$0xD0] =	vst.add.f32.msk $0xffff, v0  }
0x149: {  	v0 =	vld [tilespmem:s11+$0x1960]  }
0x14a: {  	[tilespmem:s10+$0x0] =	vst.add.f32.msk $0xffff, v1  }
0x14b: {  	v1 =	vld [tilespmem:s9+$0x1910]  }
0x14c: {  	[tilespmem:s10+$0x90] =	vst.add.f32.msk $0xffff, v2  }
0x14d: {  	v2 =	vld [tilespmem:s13+$0x1920]  }
0x14e: {  	[tilespmem:s7+$0xE0] =	vst.add.f32.msk $0xffff, v0  }
0x14f: {  	v0 =	vld [tilespmem:s11+$0x1970]  }
0x150: {  	[tilespmem:s10+$0x10] =	vst.add.f32.msk $0xffff, v1  }
0x151: {  	v1 =	vld [tilespmem:s9+$0x1920]  }
0x152: {  	[tilespmem:s10+$0xA0] =	vst.add.f32.msk $0xffff, v2  }
0x153: {  	v3 =	vld [tilespmem:s5+$0x1950]  }
0x154: {  	s8 =	simm.s32 $0x4;
	[tilespmem:s7+$0xF0] =	vst.add.f32.msk $0xffff, v0  }
0x155: {  	s23 =	sor.u32 $0x181, s8;
	v0 =	vld [tilespmem:s13+$0x1930]  }
0x156: {  	s25 =	sor.u32 $0x180, s8;
	s14 =	sand.u32 $0xFFF8, s23;
	[tilespmem:s10+$0x20] =	vst.add.f32.msk $0xffff, v1  }
0x157: {  	s15 =	sand.u32 $0xFFF8, s25;
	s14 =	sshrl.u32 s14, $0x3;
	v1 =	vld [tilespmem:s9+$0x1930]  }
0x158: {  	s15 =	sshrl.u32 s15, $0x3;
	s14 =	smul.u32 $0x147B, s14;
	[tilespmem:s7+$0x50] =	vst.add.f32.msk $0xffff, v3  }
0x159: {  	s15 =	smul.u32 $0x147B, s15;
	v2 =	vld [tilespmem:s5+$0x1960]  }
0x15a: {  	s14 =	sshrl.u32 s14, $0x11;
	[tilespmem:s10+$0xB0] =	vst.add.f32.msk $0xffff, v0  }
0x15b: {  	s15 =	sshrl.u32 s15, $0x11;
	s14 =	smul.u32 $0xC8, s14;
	v3 =	vld [tilespmem:s13+$0x1940]  }
0x15c: {  	s15 =	smul.u32 $0xC8, s15;
	[tilespmem:s10+$0x30] =	vst.add.f32.msk $0xffff, v1  }
0x15d: {  	v1 =	vld [tilespmem:s9+$0x1940]  }
0x15e: {  	s26 =	ssub.s32 s23, s14;
	s30 =	ssub.s32 s25, s15;
	[tilespmem:s7+$0x60] =	vst.add.f32.msk $0xffff, v2  }
0x15f: {  	s12 =	sshll.u32 s30, $0x7;
	v0 =	vld [tilespmem:s5+$0x1970];
	s5 =	sshll.u32 s26, $0x7  }
0x160: {  	s11 =	sand.u32 $0xFF80, s5;
	s5 =	sand.u32 $0xFF80, s12;
	[tilespmem:s10+$0xC0] =	vst.add.f32.msk $0xffff, v3  }
0x161: {  	v3 =	vld [tilespmem:s5+$0x1900]  }
0x162: {  	[tilespmem:s10+$0x40] =	vst.add.f32.msk $0xffff, v1  }
0x163: {  	v1 =	vld [tilespmem:s11+$0x1900]  }
0x164: {  	v2 =	vld [tilespmem:s13+$0x1950]  }
0x165: {  	s12 =	simm.s32 $0x13F00;
	v4 =	vld [tilespmem:s9+$0x1950]  }
0x166: {  	[tilespmem:s12+$0x0] =	vst.add.f32.msk $0xffff, v3  }
0x167: {  	v3 =	vld [tilespmem:s5+$0x1910]  }
0x168: {  	[tilespmem:s12+$0x80] =	vst.add.f32.msk $0xffff, v1  }
0x169: {  	v1 =	vld [tilespmem:s11+$0x1910]  }
0x16a: {  	[tilespmem:s10+$0xD0] =	vst.add.f32.msk $0xffff, v2  }
0x16b: {  	v2 =	vld [tilespmem:s13+$0x1960]  }
0x16c: {  	[tilespmem:s12+$0x10] =	vst.add.f32.msk $0xffff, v3  }
0x16d: {  	v3 =	vld [tilespmem:s5+$0x1920]  }
0x16e: {  	[tilespmem:s12+$0x90] =	vst.add.f32.msk $0xffff, v1  }
0x16f: {  	v1 =	vld [tilespmem:s11+$0x1920]  }
0x170: {  	[tilespmem:s10+$0xE0] =	vst.add.f32.msk $0xffff, v2  }
0x171: {  	v2 =	vld [tilespmem:s13+$0x1970]  }
0x172: {  	[tilespmem:s10+$0x50] =	vst.add.f32.msk $0xffff, v4  }
0x173: {  	[tilespmem:s12+$0x20] =	vst.add.f32.msk $0xffff, v3  }
0x174: {  	[tilespmem:s12+$0xA0] =	vst.add.f32.msk $0xffff, v1  }
0x175: {  	v1 =	vld [tilespmem:s11+$0x1930]  }
0x176: {  	[tilespmem:s10+$0xF0] =	vst.add.f32.msk $0xffff, v2  }
.LBB2_8:
0x177: {  	s8 =	sadd.s32 $0x2, s8;
	v2 =	vld [tilespmem:s5+$0x1930]  }
0x178: {  	s13 =	sor.u32 $0x180, s8;
	s14 =	sor.u32 $0x181, s8;
	p0 =	slt.u32 s8, $0x7E;
	v3 =	vld [tilespmem:s9+$0x1960]  }
0x179: {  	s15 =	sand.u32 $0xFFF8, s13;
	s16 =	sand.u32 $0xFFF8, s14;
	[tilespmem:s7+$0x70] =	vst.add.f32.msk $0xffff, v0;
	s7 =	smov.u32 s10  }
0x17a: {  	s10 =	smov.u32 s12;
	s15 =	sshrl.u32 s15, $0x3;
	s16 =	sshrl.u32 s16, $0x3;
	[tilespmem:s12+$0xB0] =	vst.add.f32.msk $0xffff, v1  }
0x17b: {  	s16 =	smul.u32 $0x147B, s16;
	v1 =	vld [tilespmem:s11+$0x1940]  }
0x17c: {  	s15 =	smul.u32 $0x147B, s15;
	[tilespmem:s12+$0x30] =	vst.add.f32.msk $0xffff, v2  }
0x17d: {  	s16 =	sshrl.u32 s16, $0x11;
	v2 =	vld [tilespmem:s5+$0x1940]  }
0x17e: {  	s15 =	sshrl.u32 s15, $0x11;
	s16 =	smul.u32 $0xC8, s16;
	[tilespmem:s7+$0x60] =	vst.add.f32.msk $0xffff, v3  }
0x17f: {  	s15 =	smul.u32 $0xC8, s15;
	v0 =	vld [tilespmem:s9+$0x1970];
	s9 =	smov.u32 s5  }
0x180: {  	s5 =	ssub.s32 s14, s16;
	[tilespmem:s12+$0xC0] =	vst.add.f32.msk $0xffff, v1  }
0x181: {  	s13 =	ssub.s32 s13, s15;
	s5 =	sshll.u32 s5, $0x7;
	v1 =	vld [tilespmem:s11+$0x1950]  }
0x182: {  	s13 =	sshll.u32 s13, $0x7;
	s14 =	sand.u32 $0xFF80, s5;
	[tilespmem:s12+$0x40] =	vst.add.f32.msk $0xffff, v2  }
0x183: {  	s5 =	sand.u32 $0xFF80, s13;
	v2 =	vld [tilespmem:s14+$0x1900]  }
0x184: {  	v3 =	vld [tilespmem:s5+$0x1900]  }
0x185: {  	v4 =	vld [tilespmem:s9+$0x1950]  }
0x186: {  	[tilespmem:s12+$0xD0] =	vst.add.f32.msk $0xffff, v1  }
0x187: {  	s12 =	sadd.s32 $0x100, s12;
	v1 =	vld [tilespmem:s11+$0x1960]  }
0x188: {  	[tilespmem:s12+$0x80] =	vst.add.f32.msk $0xffff, v2  }
0x189: {  	v2 =	vld [tilespmem:s14+$0x1910]  }
0x18a: {  	[tilespmem:s12+$0x0] =	vst.add.f32.msk $0xffff, v3  }
0x18b: {  	v3 =	vld [tilespmem:s5+$0x1910]  }
0x18c: {  	[tilespmem:s10+$0xE0] =	vst.add.f32.msk $0xffff, v1  }
0x18d: {  	v1 =	vld [tilespmem:s11+$0x1970];
	s11 =	smov.u32 s14  }
0x18e: {  	[tilespmem:s12+$0x90] =	vst.add.f32.msk $0xffff, v2  }
0x18f: {  	v2 =	vld [tilespmem:s11+$0x1920]  }
0x190: {  	[tilespmem:s12+$0x10] =	vst.add.f32.msk $0xffff, v3  }
0x191: {  	v3 =	vld [tilespmem:s5+$0x1920]  }
.Ltmp3:
0x192: {  	[tilespmem:s10+$0xF0] =	vst.add.f32.msk $0xffff, v1;
	(pc) =	sbr.rel @p0 .LBB2_8-.Ltmp3, $4  }
0x193: {  	[tilespmem:s10+$0x50] =	vst.add.f32.msk $0xffff, v4  }
0x194: {  	[tilespmem:s12+$0xA0] =	vst.add.f32.msk $0xffff, v2  }
0x195: {  	v1 =	vld [tilespmem:s11+$0x1930]  }
0x196: {  	[tilespmem:s12+$0x20] =	vst.add.f32.msk $0xffff, v3  }
0x197: {  	v2 =	vld [tilespmem:s5+$0x1930];
	_ =	sdelay $0x2  }
0x198: {  	[tilespmem:s12+$0xB0] =	vst.add.f32.msk $0xffff, v1  }
0x199: {  	v1 =	vld [tilespmem:s11+$0x1940]  }
0x19a: {  	[tilespmem:s12+$0x30] =	vst.add.f32.msk $0xffff, v2  }
0x19b: {  	v2 =	vld [tilespmem:s5+$0x1940];
	_ =	sdelay $0x2  }
0x19c: {  	[tilespmem:s12+$0xC0] =	vst.add.f32.msk $0xffff, v1  }
0x19d: {  	v1 =	vld [tilespmem:s11+$0x1950]  }
0x19e: {  	[tilespmem:s12+$0x40] =	vst.add.f32.msk $0xffff, v2  }
0x19f: {  	v2 =	vld [tilespmem:s5+$0x1950];
	_ =	sdelay $0x1  }
0x1a0: {  	v3 =	vld [tilespmem:s9+$0x1960]  }
0x1a1: {  	[tilespmem:s12+$0xD0] =	vst.add.f32.msk $0xffff, v1  }
0x1a2: {  	v1 =	vld [tilespmem:s11+$0x1960]  }
0x1a3: {  	[tilespmem:s12+$0x50] =	vst.add.f32.msk $0xffff, v2  }
0x1a4: {  	v2 =	vld [tilespmem:s5+$0x1960]  }
0x1a5: {  	[tilespmem:s10+$0x60] =	vst.add.f32.msk $0xffff, v3  }
0x1a6: {  	v3 =	vld [tilespmem:s9+$0x1970]  }
0x1a7: {  	[tilespmem:s12+$0xE0] =	vst.add.f32.msk $0xffff, v1  }
0x1a8: {  	v1 =	vld [tilespmem:s11+$0x1970]  }
0x1a9: {  	[tilespmem:s12+$0x60] =	vst.add.f32.msk $0xffff, v2  }
0x1aa: {  	v2 =	vld [tilespmem:s5+$0x1970];
	_ =	sdelay $0x1  }
0x1ab: {  	[tilespmem:s7+$0x70] =	vst.add.f32.msk $0xffff, v0  }
0x1ac: {  	[tilespmem:s10+$0x70] =	vst.add.f32.msk $0xffff, v3  }
0x1ad: {  	[tilespmem:s12+$0xF0] =	vst.add.f32.msk $0xffff, v1  }
0x1ae: {  	s30 =	simm.s32 $0x7;
	s13 =	simm.s32 $0x15900;
	[tilespmem:s12+$0x70] =	vst.add.f32.msk $0xffff, v2  }
0x1af: {  	s14 =	simm.s32 $0x280;
	s9 =	simm.s32 $0x0;
	s3 =	rddreg [dreg:$0x9]  }
0x1b0: {  	[hbm4b:s3+s9] =	stream.linear.scatter [tilespmem:s29], [sflag:$0x8], $0x4000, $0x38;
	[tilespmem:$0x17D00] =	vst v63  }
0x1b1: {  	s15 =	simm.s32 $0x19900;
	s16 =	simm.s32 $0x1D900;
	_ =	swait.ge [sflag:s30], $0x4000  }
0x1b2: {  	s17 =	simm.s32 $0x380;
	s10 =	simm.s32 $0x300;
	[sflag:s30] =	ssyncset.done $0x0  }
0x1b3: {  	s11 =	simm.s32 $0x11900;
	s12 =	simm.s32 $0x200;
	[sflag:s30] =	ssyncadd.s32 $0xFFFFC000  }
0x1b4: {  	[tilespmem:s0], [sflag:$0x3] =	stream.indirect.gather [hbm4b:s1+s21], $0x80, s10, s21, $0xb8;
	[tilespmem:$0x17D00] =	vst v63  }
.LBB2_10:
0x1b5: {  	s5 =	smulhi.u32 $0x51EB851F, s12;
	_ =	sdelay $0x1  }
0x1b6: {  	s5 =	sshrl.u32 s5, $0x6  }
0x1b7: {  	s5 =	smul.u32 $0xFFFE7000, s5;
	_ =	sdelay $0x1  }
0x1b8: {  	_ =	swait.ge [sflag:s28], $0x4000;
	s5 =	sshra.s32 s5, $0x2  }
0x1b9: {  	[sflag:s28] =	ssyncset.done $0x0;
	s5 =	sadd.s32 s5, s11  }
0x1ba: {  	[sflag:s28] =	ssyncadd.s32 $0xFFFFC000;
	s20 =	sadd.s32 $0x0, s5  }
0x1bb: {  	v1 =	vld [tilespmem:s20+$0x0];
	_ =	sdelay $0x1  }
0x1bc: {  	v0 =	vld [tilespmem:s20+$0x80];
	_ =	sdelay $0x1  }
0x1bd: {  	s18 =	simm.s32 $0x0  }
0x1be: {  	[tilespmem:s18+$0x7D00] =	vst.add.f32.msk $0xffff, v1  }
0x1bf: {  	v1 =	vld [tilespmem:s20+$0x10]  }
0x1c0: {  	[tilespmem:s18+$0x7D80] =	vst.add.f32.msk $0xffff, v0  }
0x1c1: {  	v0 =	vld [tilespmem:s20+$0x90];
	_ =	sdelay $0x2  }
0x1c2: {  	[tilespmem:s18+$0x7D10] =	vst.add.f32.msk $0xffff, v1  }
0x1c3: {  	v1 =	vld [tilespmem:s20+$0x20]  }
0x1c4: {  	s22 =	sadd.s32 $0x2, s12;
	[tilespmem:s18+$0x7D90] =	vst.add.f32.msk $0xffff, v0  }
0x1c5: {  	s30 =	smulhi.u32 $0x51EB851F, s22;
	v0 =	vld [tilespmem:s20+$0xA0];
	_ =	sdelay $0x1  }
0x1c6: {  	s5 =	sshrl.u32 s30, $0x6  }
0x1c7: {  	s5 =	smul.u32 $0xFFFE7000, s5;
	[tilespmem:s18+$0x7D20] =	vst.add.f32.msk $0xffff, v1  }
0x1c8: {  	v1 =	vld [tilespmem:s20+$0x30]  }
0x1c9: {  	s5 =	sshra.s32 s5, $0x2;
	[tilespmem:s18+$0x7DA0] =	vst.add.f32.msk $0xffff, v0  }
0x1ca: {  	s5 =	sadd.s32 s5, s11;
	v0 =	vld [tilespmem:s20+$0xB0]  }
0x1cb: {  	s5 =	sadd.s32 $0x100, s5  }
0x1cc: {  	v2 =	vld [tilespmem:s5+$0x80]  }
0x1cd: {  	[tilespmem:s18+$0x7D30] =	vst.add.f32.msk $0xffff, v1  }
0x1ce: {  	v1 =	vld [tilespmem:s20+$0x40]  }
0x1cf: {  	[tilespmem:s18+$0x7DB0] =	vst.add.f32.msk $0xffff, v0  }
0x1d0: {  	s8 =	simm.s32 $0x100;
	v0 =	vld [tilespmem:s20+$0xC0]  }
0x1d1: {  	[tilespmem:s8+$0x7D80] =	vst.add.f32.msk $0xffff, v2  }
0x1d2: {  	v2 =	vld [tilespmem:s5+$0x90]  }
0x1d3: {  	[tilespmem:s18+$0x7D40] =	vst.add.f32.msk $0xffff, v1  }
0x1d4: {  	v1 =	vld [tilespmem:s5+$0x0]  }
0x1d5: {  	[tilespmem:s18+$0x7DC0] =	vst.add.f32.msk $0xffff, v0  }
0x1d6: {  	v0 =	vld [tilespmem:s20+$0xD0]  }
0x1d7: {  	[tilespmem:s8+$0x7D90] =	vst.add.f32.msk $0xffff, v2  }
0x1d8: {  	v2 =	vld [tilespmem:s5+$0xA0]  }
0x1d9: {  	[tilespmem:s8+$0x7D00] =	vst.add.f32.msk $0xffff, v1  }
0x1da: {  	v1 =	vld [tilespmem:s5+$0x10]  }
0x1db: {  	[tilespmem:s18+$0x7DD0] =	vst.add.f32.msk $0xffff, v0  }
0x1dc: {  	v0 =	vld [tilespmem:s20+$0xE0]  }
0x1dd: {  	[tilespmem:s8+$0x7DA0] =	vst.add.f32.msk $0xffff, v2  }
0x1de: {  	v3 =	vld [tilespmem:s20+$0x50]  }
0x1df: {  	[tilespmem:s8+$0x7D10] =	vst.add.f32.msk $0xffff, v1  }
0x1e0: {  	v1 =	vld [tilespmem:s5+$0x20]  }
0x1e1: {  	[tilespmem:s18+$0x7DE0] =	vst.add.f32.msk $0xffff, v0  }
0x1e2: {  	v0 =	vld [tilespmem:s20+$0xF0]  }
0x1e3: {  	v2 =	vld [tilespmem:s5+$0xB0]  }
0x1e4: {  	[tilespmem:s18+$0x7D50] =	vst.add.f32.msk $0xffff, v3  }
0x1e5: {  	[tilespmem:s8+$0x7D20] =	vst.add.f32.msk $0xffff, v1  }
0x1e6: {  	v1 =	vld [tilespmem:s5+$0x30]  }
0x1e7: {  	[tilespmem:s18+$0x7DF0] =	vst.add.f32.msk $0xffff, v0  }
0x1e8: {  	s0 =	simm.s32 $0xBD00;
	s9 =	sadd.s32 $0x1, s9;
	s25 =	simm.s32 $0x2;
	v0 =	vld [tilespmem:s20+$0x60]  }
0x1e9: {  	s26 =	simm.s32 $0x400;
	s7 =	sshll.u32 s9, $0x9;
	s22 =	sadd.s32 $0x2, s22;
	[tilespmem:s8+$0x7DB0] =	vst.add.f32.msk $0xffff, v2  }
.LBB2_11:
0x1ea: {  	s23 =	smulhi.u32 $0x51EB851F, s22;
	s25 =	sadd.s32 $0x2, s25;
	v2 =	vld [tilespmem:s5+$0xC0]  }
0x1eb: {  	p0 =	slt.u32 s25, $0x7E;
	[tilespmem:s8+$0x7D30] =	vst.add.f32.msk $0xffff, v1  }
0x1ec: {  	s23 =	sshrl.u32 s23, $0x6;
	v1 =	vld [tilespmem:s5+$0x40]  }
0x1ed: {  	s23 =	smul.u32 $0xFFFE7000, s23;
	[tilespmem:s18+$0x7D60] =	vst.add.f32.msk $0xffff, v0  }
0x1ee: {  	v3 =	vld [tilespmem:s20+$0x70];
	s20 =	smov.u32 s5  }
0x1ef: {  	s26 =	sadd.s32 $0x400, s26;
	s5 =	sshra.s32 s23, $0x2;
	[tilespmem:s8+$0x7DC0] =	vst.add.f32.msk $0xffff, v2  }
0x1f0: {  	s23 =	sshra.s32 s26, $0x2;
	s5 =	sadd.s32 s5, s11;
	v0 =	vld [tilespmem:s20+$0xD0]  }
0x1f1: {  	s5 =	sadd.s32 s23, s5;
	[tilespmem:s8+$0x7D40] =	vst.add.f32.msk $0xffff, v1  }
0x1f2: {  	v1 =	vld [tilespmem:s5+$0x80]  }
0x1f3: {  	v2 =	vld [tilespmem:s5+$0x0]  }
0x1f4: {  	v4 =	vld [tilespmem:s20+$0x50]  }
0x1f5: {  	[tilespmem:s8+$0x7DD0] =	vst.add.f32.msk $0xffff, v0  }
0x1f6: {  	v0 =	vld [tilespmem:s20+$0xE0]  }
0x1f7: {  	[tilespmem:s23+$0x7D80] =	vst.add.f32.msk $0xffff, v1  }
0x1f8: {  	v1 =	vld [tilespmem:s5+$0x90]  }
0x1f9: {  	[tilespmem:s23+$0x7D00] =	vst.add.f32.msk $0xffff, v2  }
0x1fa: {  	v2 =	vld [tilespmem:s5+$0x10]  }
0x1fb: {  	[tilespmem:s8+$0x7DE0] =	vst.add.f32.msk $0xffff, v0  }
0x1fc: {  	v0 =	vld [tilespmem:s20+$0xF0]  }
0x1fd: {  	[tilespmem:s23+$0x7D90] =	vst.add.f32.msk $0xffff, v1  }
0x1fe: {  	v1 =	vld [tilespmem:s5+$0xA0]  }
0x1ff: {  	[tilespmem:s23+$0x7D10] =	vst.add.f32.msk $0xffff, v2  }
0x200: {  	v2 =	vld [tilespmem:s5+$0x20]  }
0x201: {  	[tilespmem:s8+$0x7DF0] =	vst.add.f32.msk $0xffff, v0  }
0x202: {  	[tilespmem:s8+$0x7D50] =	vst.add.f32.msk $0xffff, v4  }
0x203: {  	[tilespmem:s23+$0x7DA0] =	vst.add.f32.msk $0xffff, v1  }
0x204: {  	v4 =	vld [tilespmem:s5+$0xB0]  }
.Ltmp4:
0x205: {  	[tilespmem:s23+$0x7D20] =	vst.add.f32.msk $0xffff, v2;
	(pc) =	sbr.rel @p0 .LBB2_11-.Ltmp4, $4  }
0x206: {  	v1 =	vld [tilespmem:s5+$0x30]  }
0x207: {  	v0 =	vld [tilespmem:s20+$0x60]  }
0x208: {  	[tilespmem:s18+$0x7D70] =	vst.add.f32.msk $0xffff, v3;
	s18 =	smov.u32 s8;
	s8 =	smov.u32 s23  }
0x209: {  	s22 =	sadd.s32 $0x2, s22;
	[tilespmem:s8+$0x7DB0] =	vst.add.f32.msk $0xffff, v4  }
0x20a: {  	v2 =	vld [tilespmem:s5+$0xC0]  }
0x20b: {  	[tilespmem:s8+$0x7D30] =	vst.add.f32.msk $0xffff, v1  }
0x20c: {  	v1 =	vld [tilespmem:s5+$0x40];
	_ =	sdelay $0x2  }
0x20d: {  	[tilespmem:s8+$0x7DC0] =	vst.add.f32.msk $0xffff, v2  }
0x20e: {  	v2 =	vld [tilespmem:s5+$0xD0]  }
0x20f: {  	[tilespmem:s8+$0x7D40] =	vst.add.f32.msk $0xffff, v1  }
0x210: {  	v1 =	vld [tilespmem:s5+$0x50];
	_ =	sdelay $0x2  }
0x211: {  	[tilespmem:s8+$0x7DD0] =	vst.add.f32.msk $0xffff, v2  }
0x212: {  	v2 =	vld [tilespmem:s5+$0xE0]  }
0x213: {  	[tilespmem:s8+$0x7D50] =	vst.add.f32.msk $0xffff, v1  }
0x214: {  	v1 =	vld [tilespmem:s5+$0x60]  }
0x215: {  	[tilespmem:s18+$0x7D60] =	vst.add.f32.msk $0xffff, v0  }
0x216: {  	v0 =	vld [tilespmem:s20+$0x70]  }
0x217: {  	[tilespmem:s8+$0x7DE0] =	vst.add.f32.msk $0xffff, v2  }
0x218: {  	v2 =	vld [tilespmem:s5+$0xF0]  }
0x219: {  	[tilespmem:s8+$0x7D60] =	vst.add.f32.msk $0xffff, v1  }
0x21a: {  	v1 =	vld [tilespmem:s5+$0x70];
	_ =	sdelay $0x2  }
0x21b: {  	s23 =	sadd.s32 s6, s7;
	[tilespmem:s18+$0x7D70] =	vst.add.f32.msk $0xffff, v0  }
0x21c: {  	s25 =	simm.s32 $0x0;
	s5 =	sshll.u32 s23, $0x4;
	[tilespmem:s8+$0x7DF0] =	vst.add.f32.msk $0xffff, v2  }
0x21d: {  	s3 =	simm.s32 $0x7D00;
	s26 =	smulhi.u32 $0x51EB851F, s14;
	s5 =	sadd.s32 s4, s5;
	[tilespmem:s8+$0x7D70] =	vst.add.f32.msk $0xffff, v1  }
0x21e: {  	[hbm4b:s5+s25] =	stream.linear.scatter [tilespmem:s3], [sflag:$0x5], $0x4000, $0x38;
	[tilespmem:$0x17D00] =	vst v63  }
0x21f: {  	_ =	swait.ge [sflag:s24], $0x4000  }
0x220: {  	s5 =	sshrl.u32 s26, $0x6;
	[sflag:s24] =	ssyncset.done $0x0  }
0x221: {  	s18 =	sor.u32 $0x180, s7;
	s5 =	smul.u32 $0xFFFE7000, s5;
	[sflag:s24] =	ssyncadd.s32 $0xFFFFC000  }
0x222: {  	[tilespmem:s29], [sflag:$0x4] =	stream.indirect.gather [hbm4b:s1+s21], $0x80, s18, s21, $0xb8;
	[tilespmem:$0x17D00] =	vst v63  }
0x223: {  	s5 =	sshra.s32 s5, $0x2;
	_ =	swait.ge [sflag:s31], $0x4000  }
0x224: {  	s5 =	sadd.s32 s5, s13;
	[sflag:s31] =	ssyncset.done $0x0  }
0x225: {  	s26 =	sadd.s32 $0x0, s5;
	[sflag:s31] =	ssyncadd.s32 $0xFFFFC000  }
0x226: {  	v1 =	vld [tilespmem:s26+$0x0];
	_ =	sdelay $0x1  }
0x227: {  	v0 =	vld [tilespmem:s26+$0x80];
	_ =	sdelay $0x1  }
0x228: {  	s20 =	simm.s32 $0x0  }
0x229: {  	[tilespmem:s20+$0xBD00] =	vst.add.f32.msk $0xffff, v1  }
0x22a: {  	v1 =	vld [tilespmem:s26+$0x10]  }
0x22b: {  	[tilespmem:s20+$0xBD80] =	vst.add.f32.msk $0xffff, v0  }
0x22c: {  	v0 =	vld [tilespmem:s26+$0x90];
	_ =	sdelay $0x2  }
0x22d: {  	[tilespmem:s20+$0xBD10] =	vst.add.f32.msk $0xffff, v1  }
0x22e: {  	v1 =	vld [tilespmem:s26+$0x20]  }
0x22f: {  	s23 =	sadd.s32 $0x2, s14;
	[tilespmem:s20+$0xBD90] =	vst.add.f32.msk $0xffff, v0  }
0x230: {  	s29 =	smulhi.u32 $0x51EB851F, s23;
	v0 =	vld [tilespmem:s26+$0xA0];
	_ =	sdelay $0x1  }
0x231: {  	s5 =	sshrl.u32 s29, $0x6  }
0x232: {  	s5 =	smul.u32 $0xFFFE7000, s5;
	[tilespmem:s20+$0xBD20] =	vst.add.f32.msk $0xffff, v1  }
0x233: {  	v1 =	vld [tilespmem:s26+$0x30]  }
0x234: {  	s5 =	sshra.s32 s5, $0x2;
	[tilespmem:s20+$0xBDA0] =	vst.add.f32.msk $0xffff, v0  }
0x235: {  	s5 =	sadd.s32 s5, s13;
	v0 =	vld [tilespmem:s26+$0xB0]  }
0x236: {  	s5 =	sadd.s32 $0x100, s5  }
0x237: {  	v2 =	vld [tilespmem:s5+$0x80]  }
0x238: {  	[tilespmem:s20+$0xBD30] =	vst.add.f32.msk $0xffff, v1  }
0x239: {  	v1 =	vld [tilespmem:s26+$0x40]  }
0x23a: {  	[tilespmem:s20+$0xBDB0] =	vst.add.f32.msk $0xffff, v0  }
0x23b: {  	s8 =	simm.s32 $0x100;
	v0 =	vld [tilespmem:s26+$0xC0]  }
0x23c: {  	[tilespmem:s8+$0xBD80] =	vst.add.f32.msk $0xffff, v2  }
0x23d: {  	v2 =	vld [tilespmem:s5+$0x90]  }
0x23e: {  	[tilespmem:s20+$0xBD40] =	vst.add.f32.msk $0xffff, v1  }
0x23f: {  	v1 =	vld [tilespmem:s5+$0x0]  }
0x240: {  	[tilespmem:s20+$0xBDC0] =	vst.add.f32.msk $0xffff, v0  }
0x241: {  	v0 =	vld [tilespmem:s26+$0xD0]  }
0x242: {  	[tilespmem:s8+$0xBD90] =	vst.add.f32.msk $0xffff, v2  }
0x243: {  	v2 =	vld [tilespmem:s5+$0xA0]  }
0x244: {  	[tilespmem:s8+$0xBD00] =	vst.add.f32.msk $0xffff, v1  }
0x245: {  	v1 =	vld [tilespmem:s5+$0x10]  }
0x246: {  	[tilespmem:s20+$0xBDD0] =	vst.add.f32.msk $0xffff, v0  }
0x247: {  	v0 =	vld [tilespmem:s26+$0xE0]  }
0x248: {  	[tilespmem:s8+$0xBDA0] =	vst.add.f32.msk $0xffff, v2  }
0x249: {  	v3 =	vld [tilespmem:s26+$0x50]  }
0x24a: {  	[tilespmem:s8+$0xBD10] =	vst.add.f32.msk $0xffff, v1  }
0x24b: {  	v1 =	vld [tilespmem:s5+$0x20]  }
0x24c: {  	[tilespmem:s20+$0xBDE0] =	vst.add.f32.msk $0xffff, v0  }
0x24d: {  	v0 =	vld [tilespmem:s26+$0xF0]  }
0x24e: {  	v2 =	vld [tilespmem:s5+$0xB0]  }
0x24f: {  	[tilespmem:s20+$0xBD50] =	vst.add.f32.msk $0xffff, v3  }
0x250: {  	[tilespmem:s8+$0xBD20] =	vst.add.f32.msk $0xffff, v1  }
0x251: {  	v1 =	vld [tilespmem:s5+$0x30]  }
0x252: {  	[tilespmem:s20+$0xBDF0] =	vst.add.f32.msk $0xffff, v0  }
0x253: {  	s30 =	simm.s32 $0x2;
	v0 =	vld [tilespmem:s26+$0x60]  }
0x254: {  	s22 =	simm.s32 $0x400;
	s25 =	sor.u32 $0x80, s7;
	s23 =	sadd.s32 $0x2, s23;
	[tilespmem:s8+$0xBDB0] =	vst.add.f32.msk $0xffff, v2  }
.LBB2_13:
0x255: {  	s3 =	smulhi.u32 $0x51EB851F, s23;
	s30 =	sadd.s32 $0x2, s30;
	v2 =	vld [tilespmem:s5+$0xC0]  }
0x256: {  	p0 =	slt.u32 s30, $0x7E;
	[tilespmem:s8+$0xBD30] =	vst.add.f32.msk $0xffff, v1  }
0x257: {  	s3 =	sshrl.u32 s3, $0x6;
	v1 =	vld [tilespmem:s5+$0x40]  }
0x258: {  	s3 =	smul.u32 $0xFFFE7000, s3;
	[tilespmem:s20+$0xBD60] =	vst.add.f32.msk $0xffff, v0  }
0x259: {  	v3 =	vld [tilespmem:s26+$0x70];
	s26 =	smov.u32 s5  }
0x25a: {  	s22 =	sadd.s32 $0x400, s22;
	s3 =	sshra.s32 s3, $0x2;
	[tilespmem:s8+$0xBDC0] =	vst.add.f32.msk $0xffff, v2  }
0x25b: {  	s29 =	sshra.s32 s22, $0x2;
	s3 =	sadd.s32 s3, s13;
	v0 =	vld [tilespmem:s26+$0xD0]  }
0x25c: {  	s5 =	sadd.s32 s29, s3;
	[tilespmem:s8+$0xBD40] =	vst.add.f32.msk $0xffff, v1  }
0x25d: {  	v1 =	vld [tilespmem:s5+$0x80]  }
0x25e: {  	v2 =	vld [tilespmem:s5+$0x0]  }
0x25f: {  	v4 =	vld [tilespmem:s26+$0x50]  }
0x260: {  	[tilespmem:s8+$0xBDD0] =	vst.add.f32.msk $0xffff, v0  }
0x261: {  	v0 =	vld [tilespmem:s26+$0xE0]  }
0x262: {  	[tilespmem:s29+$0xBD80] =	vst.add.f32.msk $0xffff, v1  }
0x263: {  	v1 =	vld [tilespmem:s5+$0x90]  }
0x264: {  	[tilespmem:s29+$0xBD00] =	vst.add.f32.msk $0xffff, v2  }
0x265: {  	v2 =	vld [tilespmem:s5+$0x10]  }
0x266: {  	[tilespmem:s8+$0xBDE0] =	vst.add.f32.msk $0xffff, v0  }
0x267: {  	v0 =	vld [tilespmem:s26+$0xF0]  }
0x268: {  	[tilespmem:s29+$0xBD90] =	vst.add.f32.msk $0xffff, v1  }
0x269: {  	v1 =	vld [tilespmem:s5+$0xA0]  }
0x26a: {  	[tilespmem:s29+$0xBD10] =	vst.add.f32.msk $0xffff, v2  }
0x26b: {  	v2 =	vld [tilespmem:s5+$0x20]  }
0x26c: {  	[tilespmem:s8+$0xBDF0] =	vst.add.f32.msk $0xffff, v0  }
0x26d: {  	[tilespmem:s8+$0xBD50] =	vst.add.f32.msk $0xffff, v4  }
0x26e: {  	[tilespmem:s29+$0xBDA0] =	vst.add.f32.msk $0xffff, v1  }
0x26f: {  	v4 =	vld [tilespmem:s5+$0xB0]  }
.Ltmp5:
0x270: {  	[tilespmem:s29+$0xBD20] =	vst.add.f32.msk $0xffff, v2;
	(pc) =	sbr.rel @p0 .LBB2_13-.Ltmp5, $4  }
0x271: {  	v1 =	vld [tilespmem:s5+$0x30]  }
0x272: {  	v0 =	vld [tilespmem:s26+$0x60]  }
0x273: {  	[tilespmem:s20+$0xBD70] =	vst.add.f32.msk $0xffff, v3;
	s20 =	smov.u32 s8;
	s8 =	smov.u32 s29  }
0x274: {  	s23 =	sadd.s32 $0x2, s23;
	[tilespmem:s8+$0xBDB0] =	vst.add.f32.msk $0xffff, v4  }
0x275: {  	v2 =	vld [tilespmem:s5+$0xC0]  }
0x276: {  	[tilespmem:s8+$0xBD30] =	vst.add.f32.msk $0xffff, v1  }
0x277: {  	v1 =	vld [tilespmem:s5+$0x40];
	_ =	sdelay $0x2  }
0x278: {  	[tilespmem:s8+$0xBDC0] =	vst.add.f32.msk $0xffff, v2  }
0x279: {  	v2 =	vld [tilespmem:s5+$0xD0]  }
0x27a: {  	[tilespmem:s8+$0xBD40] =	vst.add.f32.msk $0xffff, v1  }
0x27b: {  	v1 =	vld [tilespmem:s5+$0x50];
	_ =	sdelay $0x2  }
0x27c: {  	[tilespmem:s8+$0xBDD0] =	vst.add.f32.msk $0xffff, v2  }
0x27d: {  	v2 =	vld [tilespmem:s5+$0xE0]  }
0x27e: {  	[tilespmem:s8+$0xBD50] =	vst.add.f32.msk $0xffff, v1  }
0x27f: {  	v1 =	vld [tilespmem:s5+$0x60]  }
0x280: {  	[tilespmem:s20+$0xBD60] =	vst.add.f32.msk $0xffff, v0  }
0x281: {  	v0 =	vld [tilespmem:s26+$0x70]  }
0x282: {  	[tilespmem:s8+$0xBDE0] =	vst.add.f32.msk $0xffff, v2  }
0x283: {  	v2 =	vld [tilespmem:s5+$0xF0]  }
0x284: {  	[tilespmem:s8+$0xBD60] =	vst.add.f32.msk $0xffff, v1  }
0x285: {  	v1 =	vld [tilespmem:s5+$0x70];
	_ =	sdelay $0x2  }
0x286: {  	s3 =	sadd.s32 s6, s25;
	[tilespmem:s20+$0xBD70] =	vst.add.f32.msk $0xffff, v0  }
0x287: {  	s3 =	sshll.u32 s3, $0x4;
	[tilespmem:s8+$0xBDF0] =	vst.add.f32.msk $0xffff, v2  }
0x288: {  	s25 =	simm.s32 $0x0;
	s3 =	sadd.s32 s4, s3;
	s26 =	smulhi.u32 $0x51EB851F, s10;
	[tilespmem:s8+$0xBD70] =	vst.add.f32.msk $0xffff, v1  }
0x289: {  	[hbm4b:s3+s25] =	stream.linear.scatter [tilespmem:s0], [sflag:$0x6], $0x4000, $0x38;
	[tilespmem:$0x17D00] =	vst v63  }
0x28a: {  	s22 =	simm.s32 $0x3;
	s20 =	sand.u32 $0x3FFFFE00, s7;
	_ =	swait.ge [sflag:s2], $0x4000  }
0x28b: {  	s29 =	sadd.s32 $0x200, s20;
	s3 =	sshrl.u32 s26, $0x6;
	[sflag:s2] =	ssyncset.done $0x0  }
0x28c: {  	s0 =	simm.s32 $0x7D00;
	s3 =	smul.u32 $0xFFFE7000, s3;
	[sflag:s2] =	ssyncadd.s32 $0xFFFFC000  }
0x28d: {  	[tilespmem:s0], [sflag:$0x1] =	stream.indirect.gather [hbm4b:s1+s21], $0x80, s29, s21, $0xb8;
	[tilespmem:$0x17D00] =	vst v63  }
0x28e: {  	s3 =	sshra.s32 s3, $0x2;
	_ =	swait.ge [sflag:s22], $0x4000  }
0x28f: {  	s3 =	sadd.s32 s3, s15;
	[sflag:s22] =	ssyncset.done $0x0  }
0x290: {  	s8 =	sadd.s32 $0x0, s3;
	[sflag:s22] =	ssyncadd.s32 $0xFFFFC000  }
0x291: {  	v1 =	vld [tilespmem:s8+$0x0];
	_ =	sdelay $0x1  }
0x292: {  	v0 =	vld [tilespmem:s8+$0x80];
	_ =	sdelay $0x1  }
0x293: {  	s26 =	simm.s32 $0x0  }
0x294: {  	[tilespmem:s26+$0xFD00] =	vst.add.f32.msk $0xffff, v1  }
0x295: {  	v1 =	vld [tilespmem:s8+$0x10]  }
0x296: {  	[tilespmem:s26+$0xFD80] =	vst.add.f32.msk $0xffff, v0  }
0x297: {  	v0 =	vld [tilespmem:s8+$0x90];
	_ =	sdelay $0x2  }
0x298: {  	[tilespmem:s26+$0xFD10] =	vst.add.f32.msk $0xffff, v1  }
0x299: {  	v1 =	vld [tilespmem:s8+$0x20]  }
0x29a: {  	s23 =	sadd.s32 $0x2, s10;
	[tilespmem:s26+$0xFD90] =	vst.add.f32.msk $0xffff, v0  }
0x29b: {  	s29 =	smulhi.u32 $0x51EB851F, s23;
	v0 =	vld [tilespmem:s8+$0xA0];
	_ =	sdelay $0x1  }
0x29c: {  	s5 =	sshrl.u32 s29, $0x6  }
0x29d: {  	s5 =	smul.u32 $0xFFFE7000, s5;
	[tilespmem:s26+$0xFD20] =	vst.add.f32.msk $0xffff, v1  }
0x29e: {  	v1 =	vld [tilespmem:s8+$0x30]  }
0x29f: {  	s5 =	sshra.s32 s5, $0x2;
	[tilespmem:s26+$0xFDA0] =	vst.add.f32.msk $0xffff, v0  }
0x2a0: {  	s5 =	sadd.s32 s5, s15;
	v0 =	vld [tilespmem:s8+$0xB0]  }
0x2a1: {  	s25 =	sadd.s32 $0x100, s5  }
0x2a2: {  	v2 =	vld [tilespmem:s25+$0x80]  }
0x2a3: {  	[tilespmem:s26+$0xFD30] =	vst.add.f32.msk $0xffff, v1  }
0x2a4: {  	v1 =	vld [tilespmem:s8+$0x40]  }
0x2a5: {  	[tilespmem:s26+$0xFDB0] =	vst.add.f32.msk $0xffff, v0  }
0x2a6: {  	s5 =	simm.s32 $0x100;
	v0 =	vld [tilespmem:s8+$0xC0]  }
0x2a7: {  	[tilespmem:s5+$0xFD80] =	vst.add.f32.msk $0xffff, v2  }
0x2a8: {  	v2 =	vld [tilespmem:s25+$0x90]  }
0x2a9: {  	[tilespmem:s26+$0xFD40] =	vst.add.f32.msk $0xffff, v1  }
0x2aa: {  	v1 =	vld [tilespmem:s25+$0x0]  }
0x2ab: {  	[tilespmem:s26+$0xFDC0] =	vst.add.f32.msk $0xffff, v0  }
0x2ac: {  	v0 =	vld [tilespmem:s8+$0xD0]  }
0x2ad: {  	[tilespmem:s5+$0xFD90] =	vst.add.f32.msk $0xffff, v2  }
0x2ae: {  	v2 =	vld [tilespmem:s25+$0xA0]  }
0x2af: {  	[tilespmem:s5+$0xFD00] =	vst.add.f32.msk $0xffff, v1  }
0x2b0: {  	v1 =	vld [tilespmem:s25+$0x10]  }
0x2b1: {  	[tilespmem:s26+$0xFDD0] =	vst.add.f32.msk $0xffff, v0  }
0x2b2: {  	v0 =	vld [tilespmem:s8+$0xE0]  }
0x2b3: {  	[tilespmem:s5+$0xFDA0] =	vst.add.f32.msk $0xffff, v2  }
0x2b4: {  	v3 =	vld [tilespmem:s8+$0x50]  }
0x2b5: {  	[tilespmem:s5+$0xFD10] =	vst.add.f32.msk $0xffff, v1  }
0x2b6: {  	v1 =	vld [tilespmem:s25+$0x20]  }
0x2b7: {  	[tilespmem:s26+$0xFDE0] =	vst.add.f32.msk $0xffff, v0  }
0x2b8: {  	v0 =	vld [tilespmem:s8+$0xF0]  }
0x2b9: {  	v2 =	vld [tilespmem:s25+$0xB0]  }
0x2ba: {  	[tilespmem:s26+$0xFD50] =	vst.add.f32.msk $0xffff, v3  }
0x2bb: {  	[tilespmem:s5+$0xFD20] =	vst.add.f32.msk $0xffff, v1  }
0x2bc: {  	v1 =	vld [tilespmem:s25+$0x30]  }
0x2bd: {  	[tilespmem:s26+$0xFDF0] =	vst.add.f32.msk $0xffff, v0  }
0x2be: {  	s30 =	simm.s32 $0x2;
	v0 =	vld [tilespmem:s8+$0x60]  }
0x2bf: {  	s7 =	sor.u32 $0x100, s7;
	s23 =	sadd.s32 $0x2, s23;
	s22 =	simm.s32 $0x400;
	[tilespmem:s5+$0xFDB0] =	vst.add.f32.msk $0xffff, v2  }
.LBB2_15:
0x2c0: {  	s3 =	smulhi.u32 $0x51EB851F, s23;
	s30 =	sadd.s32 $0x2, s30;
	v2 =	vld [tilespmem:s25+$0xC0]  }
0x2c1: {  	p0 =	slt.u32 s30, $0x7E;
	[tilespmem:s5+$0xFD30] =	vst.add.f32.msk $0xffff, v1  }
0x2c2: {  	s3 =	sshrl.u32 s3, $0x6;
	v1 =	vld [tilespmem:s25+$0x40]  }
0x2c3: {  	s3 =	smul.u32 $0xFFFE7000, s3;
	[tilespmem:s26+$0xFD60] =	vst.add.f32.msk $0xffff, v0  }
0x2c4: {  	v3 =	vld [tilespmem:s8+$0x70];
	s8 =	smov.u32 s25  }
0x2c5: {  	s22 =	sadd.s32 $0x400, s22;
	s3 =	sshra.s32 s3, $0x2;
	[tilespmem:s5+$0xFDC0] =	vst.add.f32.msk $0xffff, v2  }
0x2c6: {  	s29 =	sshra.s32 s22, $0x2;
	s3 =	sadd.s32 s3, s15;
	v0 =	vld [tilespmem:s8+$0xD0]  }
0x2c7: {  	s25 =	sadd.s32 s29, s3;
	[tilespmem:s5+$0xFD40] =	vst.add.f32.msk $0xffff, v1  }
0x2c8: {  	v1 =	vld [tilespmem:s25+$0x80]  }
0x2c9: {  	v2 =	vld [tilespmem:s25+$0x0]  }
0x2ca: {  	v4 =	vld [tilespmem:s8+$0x50]  }
0x2cb: {  	[tilespmem:s5+$0xFDD0] =	vst.add.f32.msk $0xffff, v0  }
0x2cc: {  	v0 =	vld [tilespmem:s8+$0xE0]  }
0x2cd: {  	[tilespmem:s29+$0xFD80] =	vst.add.f32.msk $0xffff, v1  }
0x2ce: {  	v1 =	vld [tilespmem:s25+$0x90]  }
0x2cf: {  	[tilespmem:s29+$0xFD00] =	vst.add.f32.msk $0xffff, v2  }
0x2d0: {  	v2 =	vld [tilespmem:s25+$0x10]  }
0x2d1: {  	[tilespmem:s5+$0xFDE0] =	vst.add.f32.msk $0xffff, v0  }
0x2d2: {  	v0 =	vld [tilespmem:s8+$0xF0]  }
0x2d3: {  	[tilespmem:s29+$0xFD90] =	vst.add.f32.msk $0xffff, v1  }
0x2d4: {  	v1 =	vld [tilespmem:s25+$0xA0]  }
0x2d5: {  	[tilespmem:s29+$0xFD10] =	vst.add.f32.msk $0xffff, v2  }
0x2d6: {  	v2 =	vld [tilespmem:s25+$0x20]  }
0x2d7: {  	[tilespmem:s5+$0xFDF0] =	vst.add.f32.msk $0xffff, v0  }
0x2d8: {  	[tilespmem:s5+$0xFD50] =	vst.add.f32.msk $0xffff, v4  }
0x2d9: {  	[tilespmem:s29+$0xFDA0] =	vst.add.f32.msk $0xffff, v1  }
0x2da: {  	v4 =	vld [tilespmem:s25+$0xB0]  }
.Ltmp6:
0x2db: {  	[tilespmem:s29+$0xFD20] =	vst.add.f32.msk $0xffff, v2;
	(pc) =	sbr.rel @p0 .LBB2_15-.Ltmp6, $4  }
0x2dc: {  	v1 =	vld [tilespmem:s25+$0x30]  }
0x2dd: {  	v0 =	vld [tilespmem:s8+$0x60]  }
0x2de: {  	[tilespmem:s26+$0xFD70] =	vst.add.f32.msk $0xffff, v3;
	s26 =	smov.u32 s5;
	s5 =	smov.u32 s29  }
0x2df: {  	s23 =	sadd.s32 $0x2, s23;
	[tilespmem:s5+$0xFDB0] =	vst.add.f32.msk $0xffff, v4  }
0x2e0: {  	v2 =	vld [tilespmem:s25+$0xC0]  }
0x2e1: {  	[tilespmem:s5+$0xFD30] =	vst.add.f32.msk $0xffff, v1  }
0x2e2: {  	v1 =	vld [tilespmem:s25+$0x40];
	_ =	sdelay $0x2  }
0x2e3: {  	[tilespmem:s5+$0xFDC0] =	vst.add.f32.msk $0xffff, v2  }
0x2e4: {  	v2 =	vld [tilespmem:s25+$0xD0]  }
0x2e5: {  	[tilespmem:s5+$0xFD40] =	vst.add.f32.msk $0xffff, v1  }
0x2e6: {  	v1 =	vld [tilespmem:s25+$0x50];
	_ =	sdelay $0x2  }
0x2e7: {  	[tilespmem:s5+$0xFDD0] =	vst.add.f32.msk $0xffff, v2  }
0x2e8: {  	v2 =	vld [tilespmem:s25+$0xE0]  }
0x2e9: {  	[tilespmem:s5+$0xFD50] =	vst.add.f32.msk $0xffff, v1  }
0x2ea: {  	v1 =	vld [tilespmem:s25+$0x60]  }
0x2eb: {  	[tilespmem:s26+$0xFD60] =	vst.add.f32.msk $0xffff, v0  }
0x2ec: {  	v0 =	vld [tilespmem:s8+$0x70]  }
0x2ed: {  	[tilespmem:s5+$0xFDE0] =	vst.add.f32.msk $0xffff, v2  }
0x2ee: {  	v2 =	vld [tilespmem:s25+$0xF0]  }
0x2ef: {  	[tilespmem:s5+$0xFD60] =	vst.add.f32.msk $0xffff, v1  }
0x2f0: {  	v1 =	vld [tilespmem:s25+$0x70];
	_ =	sdelay $0x2  }
0x2f1: {  	s3 =	sadd.s32 s6, s7;
	[tilespmem:s26+$0xFD70] =	vst.add.f32.msk $0xffff, v0  }
0x2f2: {  	s29 =	simm.s32 $0x0;
	s3 =	sshll.u32 s3, $0x4;
	[tilespmem:s5+$0xFDF0] =	vst.add.f32.msk $0xffff, v2  }
0x2f3: {  	s0 =	simm.s32 $0xFD00;
	s7 =	smulhi.u32 $0x51EB851F, s17;
	s3 =	sadd.s32 s4, s3;
	[tilespmem:s5+$0xFD70] =	vst.add.f32.msk $0xffff, v1  }
0x2f4: {  	[hbm4b:s3+s29] =	stream.linear.scatter [tilespmem:s0], [sflag:$0x7], $0x4000, $0x38;
	[tilespmem:$0x17D00] =	vst v63  }
0x2f5: {  	s30 =	simm.s32 $0xBD00;
	_ =	swait.ge [sflag:s19], $0x4000  }
0x2f6: {  	s22 =	simm.s32 $0x4;
	s3 =	sshrl.u32 s7, $0x6;
	[sflag:s19] =	ssyncset.done $0x0  }
0x2f7: {  	s8 =	sadd.s32 $0x280, s20;
	s3 =	smul.u32 $0xFFFE7000, s3;
	[sflag:s19] =	ssyncadd.s32 $0xFFFFC000  }
0x2f8: {  	[tilespmem:s30], [sflag:$0x2] =	stream.indirect.gather [hbm4b:s1+s21], $0x80, s8, s21, $0xb8;
	[tilespmem:$0x17D00] =	vst v63  }
0x2f9: {  	s3 =	sshra.s32 s3, $0x2;
	_ =	swait.ge [sflag:s22], $0x4000  }
0x2fa: {  	s3 =	sadd.s32 s3, s16;
	[sflag:s22] =	ssyncset.done $0x0  }
0x2fb: {  	s8 =	sadd.s32 $0x0, s3;
	[sflag:s22] =	ssyncadd.s32 $0xFFFFC000  }
0x2fc: {  	v1 =	vld [tilespmem:s8+$0x0];
	_ =	sdelay $0x1  }
0x2fd: {  	v0 =	vld [tilespmem:s8+$0x80];
	_ =	sdelay $0x1  }
0x2fe: {  	s7 =	simm.s32 $0x0  }
0x2ff: {  	[tilespmem:s7+$0x13D00] =	vst.add.f32.msk $0xffff, v1  }
0x300: {  	v1 =	vld [tilespmem:s8+$0x10]  }
0x301: {  	[tilespmem:s7+$0x13D80] =	vst.add.f32.msk $0xffff, v0  }
0x302: {  	v0 =	vld [tilespmem:s8+$0x90];
	_ =	sdelay $0x2  }
0x303: {  	[tilespmem:s7+$0x13D10] =	vst.add.f32.msk $0xffff, v1  }
0x304: {  	v1 =	vld [tilespmem:s8+$0x20]  }
0x305: {  	s23 =	sadd.s32 $0x2, s17;
	[tilespmem:s7+$0x13D90] =	vst.add.f32.msk $0xffff, v0  }
0x306: {  	s29 =	smulhi.u32 $0x51EB851F, s23;
	v0 =	vld [tilespmem:s8+$0xA0];
	_ =	sdelay $0x1  }
0x307: {  	s5 =	sshrl.u32 s29, $0x6  }
0x308: {  	s5 =	smul.u32 $0xFFFE7000, s5;
	[tilespmem:s7+$0x13D20] =	vst.add.f32.msk $0xffff, v1  }
0x309: {  	v1 =	vld [tilespmem:s8+$0x30]  }
0x30a: {  	s5 =	sshra.s32 s5, $0x2;
	[tilespmem:s7+$0x13DA0] =	vst.add.f32.msk $0xffff, v0  }
0x30b: {  	s5 =	sadd.s32 s5, s16;
	v0 =	vld [tilespmem:s8+$0xB0]  }
0x30c: {  	s25 =	sadd.s32 $0x100, s5  }
0x30d: {  	v2 =	vld [tilespmem:s25+$0x80]  }
0x30e: {  	[tilespmem:s7+$0x13D30] =	vst.add.f32.msk $0xffff, v1  }
0x30f: {  	v1 =	vld [tilespmem:s8+$0x40]  }
0x310: {  	[tilespmem:s7+$0x13DB0] =	vst.add.f32.msk $0xffff, v0  }
0x311: {  	s5 =	simm.s32 $0x100;
	v0 =	vld [tilespmem:s8+$0xC0]  }
0x312: {  	[tilespmem:s5+$0x13D80] =	vst.add.f32.msk $0xffff, v2  }
0x313: {  	v2 =	vld [tilespmem:s25+$0x90]  }
0x314: {  	[tilespmem:s7+$0x13D40] =	vst.add.f32.msk $0xffff, v1  }
0x315: {  	v1 =	vld [tilespmem:s25+$0x0]  }
0x316: {  	[tilespmem:s7+$0x13DC0] =	vst.add.f32.msk $0xffff, v0  }
0x317: {  	v0 =	vld [tilespmem:s8+$0xD0]  }
0x318: {  	[tilespmem:s5+$0x13D90] =	vst.add.f32.msk $0xffff, v2  }
0x319: {  	v2 =	vld [tilespmem:s25+$0xA0]  }
0x31a: {  	[tilespmem:s5+$0x13D00] =	vst.add.f32.msk $0xffff, v1  }
0x31b: {  	v1 =	vld [tilespmem:s25+$0x10]  }
0x31c: {  	[tilespmem:s7+$0x13DD0] =	vst.add.f32.msk $0xffff, v0  }
0x31d: {  	v0 =	vld [tilespmem:s8+$0xE0]  }
0x31e: {  	[tilespmem:s5+$0x13DA0] =	vst.add.f32.msk $0xffff, v2  }
0x31f: {  	v3 =	vld [tilespmem:s8+$0x50]  }
0x320: {  	[tilespmem:s5+$0x13D10] =	vst.add.f32.msk $0xffff, v1  }
0x321: {  	v1 =	vld [tilespmem:s25+$0x20]  }
0x322: {  	[tilespmem:s7+$0x13DE0] =	vst.add.f32.msk $0xffff, v0  }
0x323: {  	v0 =	vld [tilespmem:s8+$0xF0]  }
0x324: {  	v2 =	vld [tilespmem:s25+$0xB0]  }
0x325: {  	[tilespmem:s7+$0x13D50] =	vst.add.f32.msk $0xffff, v3  }
0x326: {  	[tilespmem:s5+$0x13D20] =	vst.add.f32.msk $0xffff, v1  }
0x327: {  	v1 =	vld [tilespmem:s25+$0x30]  }
0x328: {  	[tilespmem:s7+$0x13DF0] =	vst.add.f32.msk $0xffff, v0  }
0x329: {  	v0 =	vld [tilespmem:s8+$0x60]  }
0x32a: {  	s26 =	simm.s32 $0x2;
	s23 =	sadd.s32 $0x2, s23;
	s22 =	simm.s32 $0x400;
	[tilespmem:s5+$0x13DB0] =	vst.add.f32.msk $0xffff, v2  }
.LBB2_17:
0x32b: {  	s3 =	smulhi.u32 $0x51EB851F, s23;
	s26 =	sadd.s32 $0x2, s26;
	v2 =	vld [tilespmem:s25+$0xC0]  }
0x32c: {  	p0 =	slt.u32 s26, $0x7E;
	[tilespmem:s5+$0x13D30] =	vst.add.f32.msk $0xffff, v1  }
0x32d: {  	s3 =	sshrl.u32 s3, $0x6;
	v1 =	vld [tilespmem:s25+$0x40]  }
0x32e: {  	s3 =	smul.u32 $0xFFFE7000, s3;
	[tilespmem:s7+$0x13D60] =	vst.add.f32.msk $0xffff, v0  }
0x32f: {  	v3 =	vld [tilespmem:s8+$0x70];
	s8 =	smov.u32 s25  }
0x330: {  	s22 =	sadd.s32 $0x400, s22;
	s3 =	sshra.s32 s3, $0x2;
	[tilespmem:s5+$0x13DC0] =	vst.add.f32.msk $0xffff, v2  }
0x331: {  	s29 =	sshra.s32 s22, $0x2;
	s3 =	sadd.s32 s3, s16;
	v0 =	vld [tilespmem:s8+$0xD0]  }
0x332: {  	s25 =	sadd.s32 s29, s3;
	[tilespmem:s5+$0x13D40] =	vst.add.f32.msk $0xffff, v1  }
0x333: {  	v1 =	vld [tilespmem:s25+$0x80]  }
0x334: {  	v2 =	vld [tilespmem:s25+$0x0]  }
0x335: {  	v4 =	vld [tilespmem:s8+$0x50]  }
0x336: {  	[tilespmem:s5+$0x13DD0] =	vst.add.f32.msk $0xffff, v0  }
0x337: {  	v0 =	vld [tilespmem:s8+$0xE0]  }
0x338: {  	[tilespmem:s29+$0x13D80] =	vst.add.f32.msk $0xffff, v1  }
0x339: {  	v1 =	vld [tilespmem:s25+$0x90]  }
0x33a: {  	[tilespmem:s29+$0x13D00] =	vst.add.f32.msk $0xffff, v2  }
0x33b: {  	v2 =	vld [tilespmem:s25+$0x10]  }
0x33c: {  	[tilespmem:s5+$0x13DE0] =	vst.add.f32.msk $0xffff, v0  }
0x33d: {  	v0 =	vld [tilespmem:s8+$0xF0]  }
0x33e: {  	[tilespmem:s29+$0x13D90] =	vst.add.f32.msk $0xffff, v1  }
0x33f: {  	v1 =	vld [tilespmem:s25+$0xA0]  }
0x340: {  	[tilespmem:s29+$0x13D10] =	vst.add.f32.msk $0xffff, v2  }
0x341: {  	v2 =	vld [tilespmem:s25+$0x20]  }
0x342: {  	[tilespmem:s5+$0x13DF0] =	vst.add.f32.msk $0xffff, v0  }
0x343: {  	[tilespmem:s5+$0x13D50] =	vst.add.f32.msk $0xffff, v4  }
0x344: {  	[tilespmem:s29+$0x13DA0] =	vst.add.f32.msk $0xffff, v1  }
0x345: {  	v4 =	vld [tilespmem:s25+$0xB0]  }
.Ltmp7:
0x346: {  	[tilespmem:s29+$0x13D20] =	vst.add.f32.msk $0xffff, v2;
	(pc) =	sbr.rel @p0 .LBB2_17-.Ltmp7, $4  }
0x347: {  	v1 =	vld [tilespmem:s25+$0x30]  }
0x348: {  	v0 =	vld [tilespmem:s8+$0x60]  }
0x349: {  	[tilespmem:s7+$0x13D70] =	vst.add.f32.msk $0xffff, v3;
	s7 =	smov.u32 s5;
	s5 =	smov.u32 s29  }
0x34a: {  	s23 =	sadd.s32 $0x2, s23;
	[tilespmem:s5+$0x13DB0] =	vst.add.f32.msk $0xffff, v4  }
0x34b: {  	v2 =	vld [tilespmem:s25+$0xC0]  }
0x34c: {  	[tilespmem:s5+$0x13D30] =	vst.add.f32.msk $0xffff, v1  }
0x34d: {  	v1 =	vld [tilespmem:s25+$0x40];
	_ =	sdelay $0x2  }
0x34e: {  	[tilespmem:s5+$0x13DC0] =	vst.add.f32.msk $0xffff, v2  }
0x34f: {  	v2 =	vld [tilespmem:s25+$0xD0]  }
0x350: {  	[tilespmem:s5+$0x13D40] =	vst.add.f32.msk $0xffff, v1  }
0x351: {  	v1 =	vld [tilespmem:s25+$0x50];
	_ =	sdelay $0x2  }
0x352: {  	[tilespmem:s5+$0x13DD0] =	vst.add.f32.msk $0xffff, v2  }
0x353: {  	v2 =	vld [tilespmem:s25+$0xE0]  }
0x354: {  	[tilespmem:s5+$0x13D50] =	vst.add.f32.msk $0xffff, v1  }
0x355: {  	v1 =	vld [tilespmem:s25+$0x60]  }
0x356: {  	[tilespmem:s7+$0x13D60] =	vst.add.f32.msk $0xffff, v0  }
0x357: {  	v0 =	vld [tilespmem:s8+$0x70]  }
0x358: {  	[tilespmem:s5+$0x13DE0] =	vst.add.f32.msk $0xffff, v2  }
0x359: {  	v2 =	vld [tilespmem:s25+$0xF0]  }
0x35a: {  	[tilespmem:s5+$0x13D60] =	vst.add.f32.msk $0xffff, v1  }
0x35b: {  	v1 =	vld [tilespmem:s25+$0x70];
	_ =	sdelay $0x2  }
0x35c: {  	s3 =	sadd.s32 s6, s18;
	s18 =	simm.s32 $0x0;
	[tilespmem:s7+$0x13D70] =	vst.add.f32.msk $0xffff, v0  }
0x35d: {  	s29 =	simm.s32 $0x13D00;
	s26 =	sadd.s32 $0x300, s20;
	s3 =	sshll.u32 s3, $0x4;
	[tilespmem:s5+$0x13DF0] =	vst.add.f32.msk $0xffff, v2  }
0x35e: {  	s11 =	sadd.s32 $0x10000, s11;
	p0 =	sne.s32 s9, $0xA;
	s3 =	sadd.s32 s4, s3;
	[tilespmem:s5+$0x13D70] =	vst.add.f32.msk $0xffff, v1  }
0x35f: {  	[hbm4b:s3+s18] =	stream.linear.scatter [tilespmem:s29], [sflag:$0x8], $0x4000, $0x38;
	[tilespmem:$0x17D00] =	vst v63  }
.Ltmp8:
0x360: {  	s12 =	sadd.s32 $0x200, s12;
	s25 =	simm.s32 $0x7;
	(pc) =	sbr.rel @p0 .LBB2_10-.Ltmp8, $4  }
0x361: {  	s13 =	sadd.s32 $0x10000, s13;
	s14 =	sadd.s32 $0x200, s14;
	_ =	swait.ge [sflag:s25], $0x4000  }
0x362: {  	s15 =	sadd.s32 $0x10000, s15;
	s10 =	sadd.s32 $0x200, s10;
	[sflag:s25] =	ssyncset.done $0x0  }
0x363: {  	s16 =	sadd.s32 $0x10000, s16;
	s17 =	sadd.s32 $0x200, s17;
	[sflag:s25] =	ssyncadd.s32 $0xFFFFC000  }
0x364: {  	[tilespmem:s0], [sflag:$0x3] =	stream.indirect.gather [hbm4b:s1+s21], $0x80, s26, s21, $0xb8;
	[tilespmem:$0x17D00] =	vst v63  }
0x365: {  	s3 =	simm.s32 $0x0  }
0x366: {  	s5 =	sor.u32 $0x1601, s3  }
0x367: {  	s3 =	sor.u32 $0x1600, s3;
	s7 =	sand.u32 $0xFFF8, s5  }
0x368: {  	s3 =	sand.u32 $0xFFF8, s3;
	s7 =	sshrl.u32 s7, $0x3  }
0x369: {  	s3 =	sshrl.u32 s3, $0x3;
	s7 =	smul.u32 $0x147B, s7  }
0x36a: {  	s3 =	smul.u32 $0x147B, s3  }
0x36b: {  	s7 =	sshrl.u32 s7, $0x11  }
0x36c: {  	s3 =	sshrl.u32 s3, $0x11;
	s7 =	smul.u32 $0xC8, s7  }
0x36d: {  	s3 =	smul.u32 $0xC8, s3  }
0x36e: {  	_ =	swait.ge [sflag:s28], $0x4000;
	s5 =	ssub.s32 s5, s7  }
0x36f: {  	[sflag:s28] =	ssyncset.done $0x0;
	s3 =	ssub.s32 $0x0, s3;
	s5 =	sshll.u32 s5, $0x7  }
0x370: {  	[sflag:s28] =	ssyncadd.s32 $0xFFFFC000;
	s3 =	sshll.u32 s3, $0x7;
	s8 =	sand.u32 $0xFF80, s5  }
0x371: {  	s22 =	sand.u32 $0xFF80, s3;
	v0 =	vld [tilespmem:s8+$0x1900]  }
0x372: {  	v1 =	vld [tilespmem:s22+$0x1900];
	_ =	sdelay $0x2  }
0x373: {  	s7 =	simm.s32 $0x7D00  }
0x374: {  	[tilespmem:s7+$0x80] =	vst.add.f32.msk $0xffff, v0  }
0x375: {  	[tilespmem:s7+$0x0] =	vst.add.f32.msk $0xffff, v1  }
0x376: {  	v0 =	vld [tilespmem:s8+$0x1910]  }
0x377: {  	v1 =	vld [tilespmem:s22+$0x1910];
	_ =	sdelay $0x3  }
0x378: {  	[tilespmem:s7+$0x90] =	vst.add.f32.msk $0xffff, v0  }
0x379: {  	[tilespmem:s7+$0x10] =	vst.add.f32.msk $0xffff, v1  }
0x37a: {  	v0 =	vld [tilespmem:s8+$0x1920]  }
0x37b: {  	v1 =	vld [tilespmem:s22+$0x1920];
	_ =	sdelay $0x3  }
0x37c: {  	s23 =	simm.s32 $0x2;
	[tilespmem:s7+$0xA0] =	vst.add.f32.msk $0xffff, v0  }
0x37d: {  	s9 =	sor.u32 $0x1601, s23;
	[tilespmem:s7+$0x20] =	vst.add.f32.msk $0xffff, v1  }
0x37e: {  	s10 =	sand.u32 $0xFFF8, s9;
	v0 =	vld [tilespmem:s8+$0x1930]  }
0x37f: {  	s10 =	sshrl.u32 s10, $0x3;
	v1 =	vld [tilespmem:s22+$0x1930]  }
0x380: {  	s10 =	smul.u32 $0x147B, s10  }
0x381: {  	s3 =	sor.u32 $0x1600, s23  }
0x382: {  	s10 =	sshrl.u32 s10, $0x11;
	s3 =	sand.u32 $0xFFF8, s3  }
0x383: {  	s10 =	smul.u32 $0xC8, s10;
	s3 =	sshrl.u32 s3, $0x3;
	[tilespmem:s7+$0xB0] =	vst.add.f32.msk $0xffff, v0  }
0x384: {  	s3 =	smul.u32 $0x147B, s3;
	[tilespmem:s7+$0x30] =	vst.add.f32.msk $0xffff, v1  }
0x385: {  	v0 =	vld [tilespmem:s8+$0x1940]  }
0x386: {  	s9 =	ssub.s32 s9, s10;
	s3 =	sshrl.u32 s3, $0x11;
	v1 =	vld [tilespmem:s22+$0x1940]  }
0x387: {  	s9 =	sshll.u32 s9, $0x7;
	s3 =	smul.u32 $0xC8, s3  }
0x388: {  	s13 =	sand.u32 $0xFF80, s9  }
0x389: {  	v2 =	vld [tilespmem:s13+$0x1900];
	s3 =	ssub.s32 $0x2, s3  }
0x38a: {  	s3 =	sshll.u32 s3, $0x7;
	[tilespmem:s7+$0xC0] =	vst.add.f32.msk $0xffff, v0  }
0x38b: {  	s9 =	sand.u32 $0xFF80, s3;
	[tilespmem:s7+$0x40] =	vst.add.f32.msk $0xffff, v1  }
0x38c: {  	v1 =	vld [tilespmem:s9+$0x1900]  }
0x38d: {  	v0 =	vld [tilespmem:s8+$0x1950]  }
0x38e: {  	s10 =	simm.s32 $0x7E00  }
0x38f: {  	[tilespmem:s10+$0x80] =	vst.add.f32.msk $0xffff, v2  }
0x390: {  	v2 =	vld [tilespmem:s13+$0x1910]  }
0x391: {  	[tilespmem:s10+$0x0] =	vst.add.f32.msk $0xffff, v1  }
0x392: {  	[tilespmem:s7+$0xD0] =	vst.add.f32.msk $0xffff, v0  }
0x393: {  	v1 =	vld [tilespmem:s9+$0x1910]  }
0x394: {  	v0 =	vld [tilespmem:s8+$0x1960];
	_ =	sdelay $0x1  }
0x395: {  	[tilespmem:s10+$0x90] =	vst.add.f32.msk $0xffff, v2  }
0x396: {  	v2 =	vld [tilespmem:s13+$0x1920]  }
0x397: {  	[tilespmem:s10+$0x10] =	vst.add.f32.msk $0xffff, v1  }
0x398: {  	[tilespmem:s7+$0xE0] =	vst.add.f32.msk $0xffff, v0  }
0x399: {  	v1 =	vld [tilespmem:s9+$0x1920]  }
0x39a: {  	v0 =	vld [tilespmem:s8+$0x1970];
	_ =	sdelay $0x1  }
0x39b: {  	[tilespmem:s10+$0xA0] =	vst.add.f32.msk $0xffff, v2  }
0x39c: {  	v3 =	vld [tilespmem:s22+$0x1950]  }
0x39d: {  	[tilespmem:s10+$0x20] =	vst.add.f32.msk $0xffff, v1  }
0x39e: {  	[tilespmem:s7+$0xF0] =	vst.add.f32.msk $0xffff, v0  }
0x39f: {  	v0 =	vld [tilespmem:s13+$0x1930]  }
0x3a0: {  	v1 =	vld [tilespmem:s9+$0x1930]  }
0x3a1: {  	s8 =	simm.s32 $0x4  }
0x3a2: {  	s25 =	sor.u32 $0x1601, s8  }
0x3a3: {  	[tilespmem:s7+$0x50] =	vst.add.f32.msk $0xffff, v3;
	s11 =	sor.u32 $0x1600, s8;
	s12 =	sand.u32 $0xFFF8, s25  }
0x3a4: {  	s11 =	sand.u32 $0xFFF8, s11;
	s12 =	sshrl.u32 s12, $0x3;
	[tilespmem:s10+$0xB0] =	vst.add.f32.msk $0xffff, v0  }
0x3a5: {  	s11 =	sshrl.u32 s11, $0x3;
	s12 =	smul.u32 $0x147B, s12;
	[tilespmem:s10+$0x30] =	vst.add.f32.msk $0xffff, v1  }
0x3a6: {  	s11 =	smul.u32 $0x147B, s11;
	v3 =	vld [tilespmem:s13+$0x1940]  }
0x3a7: {  	s12 =	sshrl.u32 s12, $0x11;
	v1 =	vld [tilespmem:s9+$0x1940]  }
0x3a8: {  	s11 =	sshrl.u32 s11, $0x11;
	s12 =	smul.u32 $0xC8, s12  }
0x3a9: {  	s11 =	smul.u32 $0xC8, s11  }
0x3aa: {  	v2 =	vld [tilespmem:s22+$0x1960];
	s3 =	ssub.s32 s25, s12  }
0x3ab: {  	s26 =	ssub.s32 $0x4, s11;
	s3 =	sshll.u32 s3, $0x7;
	[tilespmem:s10+$0xC0] =	vst.add.f32.msk $0xffff, v3  }
0x3ac: {  	s5 =	sshll.u32 s26, $0x7;
	s11 =	sand.u32 $0xFF80, s3;
	[tilespmem:s10+$0x40] =	vst.add.f32.msk $0xffff, v1  }
0x3ad: {  	s5 =	sand.u32 $0xFF80, s5;
	v1 =	vld [tilespmem:s11+$0x1900]  }
0x3ae: {  	v3 =	vld [tilespmem:s5+$0x1900]  }
0x3af: {  	[tilespmem:s7+$0x60] =	vst.add.f32.msk $0xffff, v2  }
0x3b0: {  	v0 =	vld [tilespmem:s22+$0x1970]  }
0x3b1: {  	s12 =	simm.s32 $0x7F00;
	v2 =	vld [tilespmem:s13+$0x1950]  }
0x3b2: {  	[tilespmem:s12+$0x80] =	vst.add.f32.msk $0xffff, v1  }
0x3b3: {  	[tilespmem:s12+$0x0] =	vst.add.f32.msk $0xffff, v3  }
0x3b4: {  	v1 =	vld [tilespmem:s11+$0x1910]  }
0x3b5: {  	v3 =	vld [tilespmem:s5+$0x1910]  }
0x3b6: {  	v4 =	vld [tilespmem:s9+$0x1950]  }
0x3b7: {  	[tilespmem:s10+$0xD0] =	vst.add.f32.msk $0xffff, v2  }
0x3b8: {  	v2 =	vld [tilespmem:s13+$0x1960]  }
0x3b9: {  	[tilespmem:s12+$0x90] =	vst.add.f32.msk $0xffff, v1  }
0x3ba: {  	[tilespmem:s12+$0x10] =	vst.add.f32.msk $0xffff, v3  }
0x3bb: {  	v1 =	vld [tilespmem:s11+$0x1920]  }
0x3bc: {  	v3 =	vld [tilespmem:s5+$0x1920]  }
0x3bd: {  	[tilespmem:s10+$0xE0] =	vst.add.f32.msk $0xffff, v2  }
0x3be: {  	v2 =	vld [tilespmem:s13+$0x1970]  }
0x3bf: {  	[tilespmem:s10+$0x50] =	vst.add.f32.msk $0xffff, v4  }
0x3c0: {  	[tilespmem:s12+$0xA0] =	vst.add.f32.msk $0xffff, v1  }
0x3c1: {  	[tilespmem:s12+$0x20] =	vst.add.f32.msk $0xffff, v3  }
0x3c2: {  	v1 =	vld [tilespmem:s11+$0x1930]  }
0x3c3: {  	[tilespmem:s10+$0xF0] =	vst.add.f32.msk $0xffff, v2  }
.LBB2_20:
0x3c4: {  	s8 =	sadd.s32 $0x2, s8;
	v2 =	vld [tilespmem:s5+$0x1930]  }
0x3c5: {  	s3 =	sor.u32 $0x1600, s8;
	s13 =	sor.u32 $0x1601, s8;
	p0 =	slt.u32 s8, $0x7E;
	v3 =	vld [tilespmem:s9+$0x1960]  }
0x3c6: {  	s3 =	sand.u32 $0xFFF8, s3;
	s14 =	sand.u32 $0xFFF8, s13;
	[tilespmem:s7+$0x70] =	vst.add.f32.msk $0xffff, v0;
	s7 =	smov.u32 s10  }
0x3c7: {  	s10 =	smov.u32 s12;
	s3 =	sshrl.u32 s3, $0x3;
	s14 =	sshrl.u32 s14, $0x3;
	[tilespmem:s12+$0xB0] =	vst.add.f32.msk $0xffff, v1  }
0x3c8: {  	s14 =	smul.u32 $0x147B, s14;
	v1 =	vld [tilespmem:s11+$0x1940]  }
0x3c9: {  	s3 =	smul.u32 $0x147B, s3;
	[tilespmem:s12+$0x30] =	vst.add.f32.msk $0xffff, v2  }
0x3ca: {  	s14 =	sshrl.u32 s14, $0x11;
	v2 =	vld [tilespmem:s5+$0x1940]  }
0x3cb: {  	s3 =	sshrl.u32 s3, $0x11;
	s14 =	smul.u32 $0xC8, s14;
	[tilespmem:s7+$0x60] =	vst.add.f32.msk $0xffff, v3  }
0x3cc: {  	s3 =	smul.u32 $0xC8, s3;
	v0 =	vld [tilespmem:s9+$0x1970];
	s9 =	smov.u32 s5  }
0x3cd: {  	s5 =	ssub.s32 s13, s14;
	[tilespmem:s12+$0xC0] =	vst.add.f32.msk $0xffff, v1  }
0x3ce: {  	s3 =	ssub.s32 s8, s3;
	s5 =	sshll.u32 s5, $0x7;
	v1 =	vld [tilespmem:s11+$0x1950]  }
0x3cf: {  	s3 =	sshll.u32 s3, $0x7;
	s13 =	sand.u32 $0xFF80, s5;
	[tilespmem:s12+$0x40] =	vst.add.f32.msk $0xffff, v2  }
0x3d0: {  	s5 =	sand.u32 $0xFF80, s3;
	v2 =	vld [tilespmem:s13+$0x1900]  }
0x3d1: {  	v3 =	vld [tilespmem:s5+$0x1900]  }
0x3d2: {  	v4 =	vld [tilespmem:s9+$0x1950]  }
0x3d3: {  	[tilespmem:s12+$0xD0] =	vst.add.f32.msk $0xffff, v1  }
0x3d4: {  	s12 =	sadd.s32 $0x100, s12;
	v1 =	vld [tilespmem:s11+$0x1960]  }
0x3d5: {  	[tilespmem:s12+$0x80] =	vst.add.f32.msk $0xffff, v2  }
0x3d6: {  	v2 =	vld [tilespmem:s13+$0x1910]  }
0x3d7: {  	[tilespmem:s12+$0x0] =	vst.add.f32.msk $0xffff, v3  }
0x3d8: {  	v3 =	vld [tilespmem:s5+$0x1910]  }
0x3d9: {  	[tilespmem:s10+$0xE0] =	vst.add.f32.msk $0xffff, v1  }
0x3da: {  	v1 =	vld [tilespmem:s11+$0x1970];
	s11 =	smov.u32 s13  }
0x3db: {  	[tilespmem:s12+$0x90] =	vst.add.f32.msk $0xffff, v2  }
0x3dc: {  	v2 =	vld [tilespmem:s11+$0x1920]  }
0x3dd: {  	[tilespmem:s12+$0x10] =	vst.add.f32.msk $0xffff, v3  }
0x3de: {  	v3 =	vld [tilespmem:s5+$0x1920]  }
.Ltmp9:
0x3df: {  	[tilespmem:s10+$0xF0] =	vst.add.f32.msk $0xffff, v1;
	(pc) =	sbr.rel @p0 .LBB2_20-.Ltmp9, $4  }
0x3e0: {  	[tilespmem:s10+$0x50] =	vst.add.f32.msk $0xffff, v4  }
0x3e1: {  	[tilespmem:s12+$0xA0] =	vst.add.f32.msk $0xffff, v2  }
0x3e2: {  	v1 =	vld [tilespmem:s11+$0x1930]  }
0x3e3: {  	[tilespmem:s12+$0x20] =	vst.add.f32.msk $0xffff, v3  }
0x3e4: {  	v2 =	vld [tilespmem:s5+$0x1930];
	_ =	sdelay $0x2  }
0x3e5: {  	[tilespmem:s12+$0xB0] =	vst.add.f32.msk $0xffff, v1  }
0x3e6: {  	v1 =	vld [tilespmem:s11+$0x1940]  }
0x3e7: {  	[tilespmem:s12+$0x30] =	vst.add.f32.msk $0xffff, v2  }
0x3e8: {  	v2 =	vld [tilespmem:s5+$0x1940];
	_ =	sdelay $0x2  }
0x3e9: {  	[tilespmem:s12+$0xC0] =	vst.add.f32.msk $0xffff, v1  }
0x3ea: {  	v1 =	vld [tilespmem:s11+$0x1950]  }
0x3eb: {  	[tilespmem:s12+$0x40] =	vst.add.f32.msk $0xffff, v2  }
0x3ec: {  	v2 =	vld [tilespmem:s5+$0x1950];
	_ =	sdelay $0x1  }
0x3ed: {  	v3 =	vld [tilespmem:s9+$0x1960]  }
0x3ee: {  	[tilespmem:s12+$0xD0] =	vst.add.f32.msk $0xffff, v1  }
0x3ef: {  	v1 =	vld [tilespmem:s11+$0x1960]  }
0x3f0: {  	[tilespmem:s12+$0x50] =	vst.add.f32.msk $0xffff, v2  }
0x3f1: {  	v2 =	vld [tilespmem:s5+$0x1960]  }
0x3f2: {  	[tilespmem:s10+$0x60] =	vst.add.f32.msk $0xffff, v3  }
0x3f3: {  	v3 =	vld [tilespmem:s9+$0x1970]  }
0x3f4: {  	[tilespmem:s12+$0xE0] =	vst.add.f32.msk $0xffff, v1  }
0x3f5: {  	v1 =	vld [tilespmem:s11+$0x1970]  }
0x3f6: {  	[tilespmem:s12+$0x60] =	vst.add.f32.msk $0xffff, v2  }
0x3f7: {  	v2 =	vld [tilespmem:s5+$0x1970];
	_ =	sdelay $0x1  }
0x3f8: {  	[tilespmem:s7+$0x70] =	vst.add.f32.msk $0xffff, v0;
	s17 =	simm.s32 $0x0  }
0x3f9: {  	s20 =	sor.u32 $0x1681, s17;
	[tilespmem:s10+$0x70] =	vst.add.f32.msk $0xffff, v3  }
0x3fa: {  	s22 =	sand.u32 $0xFFF8, s20;
	[tilespmem:s12+$0xF0] =	vst.add.f32.msk $0xffff, v1  }
0x3fb: {  	s7 =	sshrl.u32 s22, $0x3;
	[tilespmem:s12+$0x70] =	vst.add.f32.msk $0xffff, v2  }
0x3fc: {  	s15 =	simm.s32 $0x7D00;
	s7 =	smul.u32 $0x147B, s7;
	s3 =	rddreg [dreg:$0xa]  }
0x3fd: {  	[hbm4b:s3+s18] =	stream.linear.scatter [tilespmem:s15], [sflag:$0x5], $0x4000, $0x38;
	[tilespmem:$0x17D00] =	vst v63  }
0x3fe: {  	s3 =	sor.u32 $0x1680, s17  }
0x3ff: {  	s7 =	sshrl.u32 s7, $0x11;
	_ =	swait.ge [sflag:s24], $0x4000;
	s8 =	sand.u32 $0xFFF8, s3  }
0x400: {  	s7 =	smul.u32 $0xC8, s7;
	[sflag:s24] =	ssyncset.done $0x0;
	s8 =	sshrl.u32 s8, $0x3  }
0x401: {  	s16 =	simm.s32 $0x1780;
	[sflag:s24] =	ssyncadd.s32 $0xFFFFC000;
	s8 =	smul.u32 $0x147B, s8  }
0x402: {  	[tilespmem:s29], [sflag:$0x4] =	stream.indirect.gather [hbm4b:s1+s21], $0x80, s16, s21, $0xb8;
	[tilespmem:$0x17D00] =	vst v63  }
0x403: {  	s23 =	sshrl.u32 s8, $0x11  }
0x404: {  	s5 =	ssub.s32 s20, s7;
	_ =	swait.ge [sflag:s31], $0x4000;
	s7 =	smul.u32 $0xC8, s23  }
0x405: {  	s5 =	sshll.u32 s5, $0x7;
	[sflag:s31] =	ssyncset.done $0x0  }
0x406: {  	s25 =	sand.u32 $0xFF80, s5;
	[sflag:s31] =	ssyncadd.s32 $0xFFFFC000;
	s3 =	ssub.s32 s3, s7  }
0x407: {  	v0 =	vld [tilespmem:s25+$0x1900];
	s3 =	sshll.u32 s3, $0x7  }
0x408: {  	s26 =	sand.u32 $0xFF80, s3  }
0x409: {  	v1 =	vld [tilespmem:s26+$0x1900];
	_ =	sdelay $0x1  }
0x40a: {  	s7 =	simm.s32 $0xBD00  }
0x40b: {  	[tilespmem:s7+$0x80] =	vst.add.f32.msk $0xffff, v0  }
0x40c: {  	v0 =	vld [tilespmem:s25+$0x1910]  }
0x40d: {  	[tilespmem:s7+$0x0] =	vst.add.f32.msk $0xffff, v1  }
0x40e: {  	v1 =	vld [tilespmem:s26+$0x1910];
	_ =	sdelay $0x1  }
0x40f: {  	s15 =	simm.s32 $0x2  }
0x410: {  	s16 =	sor.u32 $0x1681, s15;
	[tilespmem:s7+$0x90] =	vst.add.f32.msk $0xffff, v0  }
0x411: {  	s17 =	sand.u32 $0xFFF8, s16;
	v0 =	vld [tilespmem:s25+$0x1920]  }
0x412: {  	s10 =	sshrl.u32 s17, $0x3;
	[tilespmem:s7+$0x10] =	vst.add.f32.msk $0xffff, v1  }
0x413: {  	s10 =	smul.u32 $0x147B, s10;
	v1 =	vld [tilespmem:s26+$0x1920];
	_ =	sdelay $0x1  }
0x414: {  	s10 =	sshrl.u32 s10, $0x11  }
0x415: {  	s10 =	smul.u32 $0xC8, s10;
	[tilespmem:s7+$0xA0] =	vst.add.f32.msk $0xffff, v0  }
0x416: {  	v0 =	vld [tilespmem:s25+$0x1930]  }
0x417: {  	s9 =	ssub.s32 s16, s10;
	[tilespmem:s7+$0x20] =	vst.add.f32.msk $0xffff, v1  }
0x418: {  	s9 =	sshll.u32 s9, $0x7;
	v1 =	vld [tilespmem:s26+$0x1930]  }
0x419: {  	s3 =	sor.u32 $0x1680, s15;
	s13 =	sand.u32 $0xFF80, s9  }
0x41a: {  	s20 =	sand.u32 $0xFFF8, s3;
	v2 =	vld [tilespmem:s13+$0x1900]  }
0x41b: {  	s11 =	sshrl.u32 s20, $0x3;
	[tilespmem:s7+$0xB0] =	vst.add.f32.msk $0xffff, v0  }
0x41c: {  	s11 =	smul.u32 $0x147B, s11;
	v0 =	vld [tilespmem:s25+$0x1940]  }
0x41d: {  	[tilespmem:s7+$0x30] =	vst.add.f32.msk $0xffff, v1  }
0x41e: {  	s10 =	simm.s32 $0xBE00;
	s11 =	sshrl.u32 s11, $0x11;
	v1 =	vld [tilespmem:s26+$0x1940]  }
0x41f: {  	s11 =	smul.u32 $0xC8, s11;
	[tilespmem:s10+$0x80] =	vst.add.f32.msk $0xffff, v2  }
0x420: {  	v2 =	vld [tilespmem:s13+$0x1910]  }
0x421: {  	s3 =	ssub.s32 s3, s11;
	[tilespmem:s7+$0xC0] =	vst.add.f32.msk $0xffff, v0  }
0x422: {  	s3 =	sshll.u32 s3, $0x7;
	v0 =	vld [tilespmem:s25+$0x1950]  }
0x423: {  	s9 =	sand.u32 $0xFF80, s3;
	[tilespmem:s7+$0x40] =	vst.add.f32.msk $0xffff, v1  }
0x424: {  	v1 =	vld [tilespmem:s9+$0x1900]  }
0x425: {  	[tilespmem:s10+$0x90] =	vst.add.f32.msk $0xffff, v2  }
0x426: {  	v2 =	vld [tilespmem:s13+$0x1920]  }
0x427: {  	[tilespmem:s7+$0xD0] =	vst.add.f32.msk $0xffff, v0  }
0x428: {  	v0 =	vld [tilespmem:s25+$0x1960]  }
0x429: {  	[tilespmem:s10+$0x0] =	vst.add.f32.msk $0xffff, v1  }
0x42a: {  	v1 =	vld [tilespmem:s9+$0x1910]  }
0x42b: {  	[tilespmem:s10+$0xA0] =	vst.add.f32.msk $0xffff, v2  }
0x42c: {  	v3 =	vld [tilespmem:s26+$0x1950]  }
0x42d: {  	[tilespmem:s7+$0xE0] =	vst.add.f32.msk $0xffff, v0  }
0x42e: {  	v0 =	vld [tilespmem:s25+$0x1970]  }
0x42f: {  	[tilespmem:s10+$0x10] =	vst.add.f32.msk $0xffff, v1  }
0x430: {  	v1 =	vld [tilespmem:s9+$0x1920]  }
0x431: {  	[tilespmem:s7+$0x50] =	vst.add.f32.msk $0xffff, v3  }
0x432: {  	v2 =	vld [tilespmem:s26+$0x1960]  }
0x433: {  	[tilespmem:s7+$0xF0] =	vst.add.f32.msk $0xffff, v0  }
0x434: {  	s8 =	simm.s32 $0x4;
	v0 =	vld [tilespmem:s13+$0x1930]  }
0x435: {  	s23 =	sor.u32 $0x1680, s8;
	[tilespmem:s10+$0x20] =	vst.add.f32.msk $0xffff, v1  }
0x436: {  	s14 =	sand.u32 $0xFFF8, s23;
	v1 =	vld [tilespmem:s9+$0x1930]  }
0x437: {  	s22 =	sor.u32 $0x1681, s8;
	s14 =	sshrl.u32 s14, $0x3  }
0x438: {  	s14 =	smul.u32 $0x147B, s14;
	s25 =	sand.u32 $0xFFF8, s22;
	[tilespmem:s7+$0x60] =	vst.add.f32.msk $0xffff, v2  }
0x439: {  	s12 =	sshrl.u32 s25, $0x3;
	[tilespmem:s10+$0xB0] =	vst.add.f32.msk $0xffff, v0  }
0x43a: {  	s14 =	sshrl.u32 s14, $0x11;
	s12 =	smul.u32 $0x147B, s12;
	v3 =	vld [tilespmem:s13+$0x1940]  }
0x43b: {  	s14 =	smul.u32 $0xC8, s14;
	[tilespmem:s10+$0x30] =	vst.add.f32.msk $0xffff, v1  }
0x43c: {  	s12 =	sshrl.u32 s12, $0x11;
	v1 =	vld [tilespmem:s9+$0x1940]  }
0x43d: {  	s12 =	smul.u32 $0xC8, s12;
	v0 =	vld [tilespmem:s26+$0x1970];
	s26 =	ssub.s32 s23, s14  }
0x43e: {  	s5 =	sshll.u32 s26, $0x7  }
0x43f: {  	s3 =	ssub.s32 s22, s12;
	s5 =	sand.u32 $0xFF80, s5;
	[tilespmem:s10+$0xC0] =	vst.add.f32.msk $0xffff, v3  }
0x440: {  	s3 =	sshll.u32 s3, $0x7;
	v3 =	vld [tilespmem:s5+$0x1900]  }
0x441: {  	s11 =	sand.u32 $0xFF80, s3;
	[tilespmem:s10+$0x40] =	vst.add.f32.msk $0xffff, v1  }
0x442: {  	v1 =	vld [tilespmem:s11+$0x1900]  }
0x443: {  	v2 =	vld [tilespmem:s13+$0x1950]  }
0x444: {  	s12 =	simm.s32 $0xBF00;
	v4 =	vld [tilespmem:s9+$0x1950]  }
0x445: {  	[tilespmem:s12+$0x0] =	vst.add.f32.msk $0xffff, v3  }
0x446: {  	v3 =	vld [tilespmem:s5+$0x1910]  }
0x447: {  	[tilespmem:s12+$0x80] =	vst.add.f32.msk $0xffff, v1  }
0x448: {  	v1 =	vld [tilespmem:s11+$0x1910]  }
0x449: {  	[tilespmem:s10+$0xD0] =	vst.add.f32.msk $0xffff, v2  }
0x44a: {  	v2 =	vld [tilespmem:s13+$0x1960]  }
0x44b: {  	[tilespmem:s12+$0x10] =	vst.add.f32.msk $0xffff, v3  }
0x44c: {  	v3 =	vld [tilespmem:s5+$0x1920]  }
0x44d: {  	[tilespmem:s12+$0x90] =	vst.add.f32.msk $0xffff, v1  }
0x44e: {  	v1 =	vld [tilespmem:s11+$0x1920]  }
0x44f: {  	[tilespmem:s10+$0xE0] =	vst.add.f32.msk $0xffff, v2  }
0x450: {  	v2 =	vld [tilespmem:s13+$0x1970]  }
0x451: {  	[tilespmem:s10+$0x50] =	vst.add.f32.msk $0xffff, v4  }
0x452: {  	[tilespmem:s12+$0x20] =	vst.add.f32.msk $0xffff, v3  }
0x453: {  	[tilespmem:s12+$0xA0] =	vst.add.f32.msk $0xffff, v1  }
0x454: {  	v1 =	vld [tilespmem:s11+$0x1930]  }
0x455: {  	[tilespmem:s10+$0xF0] =	vst.add.f32.msk $0xffff, v2  }
.LBB2_22:
0x456: {  	s8 =	sadd.s32 $0x2, s8;
	v2 =	vld [tilespmem:s5+$0x1930]  }
0x457: {  	s3 =	sor.u32 $0x1680, s8;
	s13 =	sor.u32 $0x1681, s8;
	p0 =	slt.u32 s8, $0x7E;
	v3 =	vld [tilespmem:s9+$0x1960]  }
0x458: {  	s14 =	sand.u32 $0xFFF8, s3;
	s15 =	sand.u32 $0xFFF8, s13;
	[tilespmem:s7+$0x70] =	vst.add.f32.msk $0xffff, v0;
	s7 =	smov.u32 s10  }
0x459: {  	s10 =	smov.u32 s12;
	s14 =	sshrl.u32 s14, $0x3;
	s15 =	sshrl.u32 s15, $0x3;
	[tilespmem:s12+$0xB0] =	vst.add.f32.msk $0xffff, v1  }
0x45a: {  	s15 =	smul.u32 $0x147B, s15;
	v1 =	vld [tilespmem:s11+$0x1940]  }
0x45b: {  	s14 =	smul.u32 $0x147B, s14;
	[tilespmem:s12+$0x30] =	vst.add.f32.msk $0xffff, v2  }
0x45c: {  	s15 =	sshrl.u32 s15, $0x11;
	v2 =	vld [tilespmem:s5+$0x1940]  }
0x45d: {  	s14 =	sshrl.u32 s14, $0x11;
	s15 =	smul.u32 $0xC8, s15;
	[tilespmem:s7+$0x60] =	vst.add.f32.msk $0xffff, v3  }
0x45e: {  	s14 =	smul.u32 $0xC8, s14;
	v0 =	vld [tilespmem:s9+$0x1970];
	s9 =	smov.u32 s5  }
0x45f: {  	s5 =	ssub.s32 s13, s15;
	[tilespmem:s12+$0xC0] =	vst.add.f32.msk $0xffff, v1  }
0x460: {  	s3 =	ssub.s32 s3, s14;
	s5 =	sshll.u32 s5, $0x7;
	v1 =	vld [tilespmem:s11+$0x1950]  }
0x461: {  	s3 =	sshll.u32 s3, $0x7;
	s13 =	sand.u32 $0xFF80, s5;
	[tilespmem:s12+$0x40] =	vst.add.f32.msk $0xffff, v2  }
0x462: {  	s5 =	sand.u32 $0xFF80, s3;
	v2 =	vld [tilespmem:s13+$0x1900]  }
0x463: {  	v3 =	vld [tilespmem:s5+$0x1900]  }
0x464: {  	v4 =	vld [tilespmem:s9+$0x1950]  }
0x465: {  	[tilespmem:s12+$0xD0] =	vst.add.f32.msk $0xffff, v1  }
0x466: {  	s12 =	sadd.s32 $0x100, s12;
	v1 =	vld [tilespmem:s11+$0x1960]  }
0x467: {  	[tilespmem:s12+$0x80] =	vst.add.f32.msk $0xffff, v2  }
0x468: {  	v2 =	vld [tilespmem:s13+$0x1910]  }
0x469: {  	[tilespmem:s12+$0x0] =	vst.add.f32.msk $0xffff, v3  }
0x46a: {  	v3 =	vld [tilespmem:s5+$0x1910]  }
0x46b: {  	[tilespmem:s10+$0xE0] =	vst.add.f32.msk $0xffff, v1  }
0x46c: {  	v1 =	vld [tilespmem:s11+$0x1970];
	s11 =	smov.u32 s13  }
0x46d: {  	[tilespmem:s12+$0x90] =	vst.add.f32.msk $0xffff, v2  }
0x46e: {  	v2 =	vld [tilespmem:s11+$0x1920]  }
0x46f: {  	[tilespmem:s12+$0x10] =	vst.add.f32.msk $0xffff, v3  }
0x470: {  	v3 =	vld [tilespmem:s5+$0x1920]  }
.Ltmp10:
0x471: {  	[tilespmem:s10+$0xF0] =	vst.add.f32.msk $0xffff, v1;
	(pc) =	sbr.rel @p0 .LBB2_22-.Ltmp10, $4  }
0x472: {  	[tilespmem:s10+$0x50] =	vst.add.f32.msk $0xffff, v4  }
0x473: {  	[tilespmem:s12+$0xA0] =	vst.add.f32.msk $0xffff, v2  }
0x474: {  	v1 =	vld [tilespmem:s11+$0x1930]  }
0x475: {  	[tilespmem:s12+$0x20] =	vst.add.f32.msk $0xffff, v3  }
0x476: {  	v2 =	vld [tilespmem:s5+$0x1930];
	_ =	sdelay $0x2  }
0x477: {  	[tilespmem:s12+$0xB0] =	vst.add.f32.msk $0xffff, v1  }
0x478: {  	v1 =	vld [tilespmem:s11+$0x1940]  }
0x479: {  	[tilespmem:s12+$0x30] =	vst.add.f32.msk $0xffff, v2  }
0x47a: {  	v2 =	vld [tilespmem:s5+$0x1940];
	_ =	sdelay $0x2  }
0x47b: {  	[tilespmem:s12+$0xC0] =	vst.add.f32.msk $0xffff, v1  }
0x47c: {  	v1 =	vld [tilespmem:s11+$0x1950]  }
0x47d: {  	[tilespmem:s12+$0x40] =	vst.add.f32.msk $0xffff, v2  }
0x47e: {  	v2 =	vld [tilespmem:s5+$0x1950];
	_ =	sdelay $0x1  }
0x47f: {  	v3 =	vld [tilespmem:s9+$0x1960]  }
0x480: {  	[tilespmem:s12+$0xD0] =	vst.add.f32.msk $0xffff, v1  }
0x481: {  	v1 =	vld [tilespmem:s11+$0x1960]  }
0x482: {  	[tilespmem:s12+$0x50] =	vst.add.f32.msk $0xffff, v2  }
0x483: {  	v2 =	vld [tilespmem:s5+$0x1960]  }
0x484: {  	[tilespmem:s10+$0x60] =	vst.add.f32.msk $0xffff, v3  }
0x485: {  	v3 =	vld [tilespmem:s9+$0x1970]  }
0x486: {  	[tilespmem:s12+$0xE0] =	vst.add.f32.msk $0xffff, v1  }
0x487: {  	v1 =	vld [tilespmem:s11+$0x1970]  }
0x488: {  	[tilespmem:s12+$0x60] =	vst.add.f32.msk $0xffff, v2  }
0x489: {  	v2 =	vld [tilespmem:s5+$0x1970];
	_ =	sdelay $0x1  }
0x48a: {  	[tilespmem:s7+$0x70] =	vst.add.f32.msk $0xffff, v0;
	s16 =	simm.s32 $0x0  }
0x48b: {  	s17 =	sor.u32 $0x1701, s16;
	[tilespmem:s10+$0x70] =	vst.add.f32.msk $0xffff, v3  }
0x48c: {  	s20 =	sand.u32 $0xFFF8, s17;
	[tilespmem:s12+$0xF0] =	vst.add.f32.msk $0xffff, v1  }
0x48d: {  	s7 =	sshrl.u32 s20, $0x3;
	[tilespmem:s12+$0x70] =	vst.add.f32.msk $0xffff, v2  }
0x48e: {  	s7 =	smul.u32 $0x147B, s7;
	s3 =	rddreg [dreg:$0xb]  }
0x48f: {  	[hbm4b:s3+s18] =	stream.linear.scatter [tilespmem:s30], [sflag:$0x6], $0x4000, $0x38;
	[tilespmem:$0x17D00] =	vst v63  }
0x490: {  	s14 =	simm.s32 $0x7D00;
	s3 =	sor.u32 $0x1700, s16  }
0x491: {  	s7 =	sshrl.u32 s7, $0x11;
	_ =	swait.ge [sflag:s2], $0x4000;
	s8 =	sand.u32 $0xFFF8, s3  }
0x492: {  	s7 =	smul.u32 $0xC8, s7;
	[sflag:s2] =	ssyncset.done $0x0;
	s8 =	sshrl.u32 s8, $0x3  }
0x493: {  	s15 =	simm.s32 $0x1800;
	[sflag:s2] =	ssyncadd.s32 $0xFFFFC000;
	s8 =	smul.u32 $0x147B, s8  }
0x494: {  	[tilespmem:s14], [sflag:$0x1] =	stream.indirect.gather [hbm4b:s1+s21], $0x80, s15, s21, $0xb8;
	[tilespmem:$0x17D00] =	vst v63  }
0x495: {  	s22 =	simm.s32 $0x3;
	s23 =	sshrl.u32 s8, $0x11  }
0x496: {  	s5 =	ssub.s32 s17, s7;
	_ =	swait.ge [sflag:s22], $0x4000;
	s7 =	smul.u32 $0xC8, s23  }
0x497: {  	s5 =	sshll.u32 s5, $0x7;
	[sflag:s22] =	ssyncset.done $0x0  }
0x498: {  	s25 =	sand.u32 $0xFF80, s5;
	[sflag:s22] =	ssyncadd.s32 $0xFFFFC000;
	s3 =	ssub.s32 s3, s7  }
0x499: {  	v0 =	vld [tilespmem:s25+$0x1900];
	s3 =	sshll.u32 s3, $0x7  }
0x49a: {  	s26 =	sand.u32 $0xFF80, s3  }
0x49b: {  	v1 =	vld [tilespmem:s26+$0x1900];
	_ =	sdelay $0x1  }
0x49c: {  	s7 =	simm.s32 $0xFD00  }
0x49d: {  	[tilespmem:s7+$0x80] =	vst.add.f32.msk $0xffff, v0  }
0x49e: {  	v0 =	vld [tilespmem:s25+$0x1910]  }
0x49f: {  	[tilespmem:s7+$0x0] =	vst.add.f32.msk $0xffff, v1  }
0x4a0: {  	v1 =	vld [tilespmem:s26+$0x1910];
	_ =	sdelay $0x1  }
0x4a1: {  	s15 =	simm.s32 $0x2  }
0x4a2: {  	s16 =	sor.u32 $0x1701, s15;
	[tilespmem:s7+$0x90] =	vst.add.f32.msk $0xffff, v0  }
0x4a3: {  	s17 =	sand.u32 $0xFFF8, s16;
	v0 =	vld [tilespmem:s25+$0x1920]  }
0x4a4: {  	s10 =	sshrl.u32 s17, $0x3;
	[tilespmem:s7+$0x10] =	vst.add.f32.msk $0xffff, v1  }
0x4a5: {  	s10 =	smul.u32 $0x147B, s10;
	v1 =	vld [tilespmem:s26+$0x1920];
	_ =	sdelay $0x1  }
0x4a6: {  	s10 =	sshrl.u32 s10, $0x11  }
0x4a7: {  	s10 =	smul.u32 $0xC8, s10;
	[tilespmem:s7+$0xA0] =	vst.add.f32.msk $0xffff, v0  }
0x4a8: {  	v0 =	vld [tilespmem:s25+$0x1930]  }
0x4a9: {  	s9 =	ssub.s32 s16, s10;
	[tilespmem:s7+$0x20] =	vst.add.f32.msk $0xffff, v1  }
0x4aa: {  	s9 =	sshll.u32 s9, $0x7;
	v1 =	vld [tilespmem:s26+$0x1930]  }
0x4ab: {  	s3 =	sor.u32 $0x1700, s15;
	s13 =	sand.u32 $0xFF80, s9  }
0x4ac: {  	s20 =	sand.u32 $0xFFF8, s3;
	v2 =	vld [tilespmem:s13+$0x1900]  }
0x4ad: {  	s11 =	sshrl.u32 s20, $0x3;
	[tilespmem:s7+$0xB0] =	vst.add.f32.msk $0xffff, v0  }
0x4ae: {  	s11 =	smul.u32 $0x147B, s11;
	v0 =	vld [tilespmem:s25+$0x1940]  }
0x4af: {  	[tilespmem:s7+$0x30] =	vst.add.f32.msk $0xffff, v1  }
0x4b0: {  	s10 =	simm.s32 $0xFE00;
	s11 =	sshrl.u32 s11, $0x11;
	v1 =	vld [tilespmem:s26+$0x1940]  }
0x4b1: {  	s11 =	smul.u32 $0xC8, s11;
	[tilespmem:s10+$0x80] =	vst.add.f32.msk $0xffff, v2  }
0x4b2: {  	v2 =	vld [tilespmem:s13+$0x1910]  }
0x4b3: {  	s3 =	ssub.s32 s3, s11;
	[tilespmem:s7+$0xC0] =	vst.add.f32.msk $0xffff, v0  }
0x4b4: {  	s3 =	sshll.u32 s3, $0x7;
	v0 =	vld [tilespmem:s25+$0x1950]  }
0x4b5: {  	s9 =	sand.u32 $0xFF80, s3;
	[tilespmem:s7+$0x40] =	vst.add.f32.msk $0xffff, v1  }
0x4b6: {  	v1 =	vld [tilespmem:s9+$0x1900]  }
0x4b7: {  	[tilespmem:s10+$0x90] =	vst.add.f32.msk $0xffff, v2  }
0x4b8: {  	v2 =	vld [tilespmem:s13+$0x1920]  }
0x4b9: {  	[tilespmem:s7+$0xD0] =	vst.add.f32.msk $0xffff, v0  }
0x4ba: {  	v0 =	vld [tilespmem:s25+$0x1960]  }
0x4bb: {  	[tilespmem:s10+$0x0] =	vst.add.f32.msk $0xffff, v1  }
0x4bc: {  	v1 =	vld [tilespmem:s9+$0x1910]  }
0x4bd: {  	[tilespmem:s10+$0xA0] =	vst.add.f32.msk $0xffff, v2  }
0x4be: {  	v3 =	vld [tilespmem:s26+$0x1950]  }
0x4bf: {  	[tilespmem:s7+$0xE0] =	vst.add.f32.msk $0xffff, v0  }
0x4c0: {  	v0 =	vld [tilespmem:s25+$0x1970]  }
0x4c1: {  	[tilespmem:s10+$0x10] =	vst.add.f32.msk $0xffff, v1  }
0x4c2: {  	v1 =	vld [tilespmem:s9+$0x1920]  }
0x4c3: {  	[tilespmem:s7+$0x50] =	vst.add.f32.msk $0xffff, v3  }
0x4c4: {  	v2 =	vld [tilespmem:s26+$0x1960]  }
0x4c5: {  	[tilespmem:s7+$0xF0] =	vst.add.f32.msk $0xffff, v0  }
0x4c6: {  	s8 =	simm.s32 $0x4;
	v0 =	vld [tilespmem:s13+$0x1930]  }
0x4c7: {  	s23 =	sor.u32 $0x1700, s8;
	[tilespmem:s10+$0x20] =	vst.add.f32.msk $0xffff, v1  }
0x4c8: {  	s14 =	sand.u32 $0xFFF8, s23;
	v1 =	vld [tilespmem:s9+$0x1930]  }
0x4c9: {  	s22 =	sor.u32 $0x1701, s8;
	s14 =	sshrl.u32 s14, $0x3  }
0x4ca: {  	s14 =	smul.u32 $0x147B, s14;
	s25 =	sand.u32 $0xFFF8, s22;
	[tilespmem:s7+$0x60] =	vst.add.f32.msk $0xffff, v2  }
0x4cb: {  	s12 =	sshrl.u32 s25, $0x3;
	[tilespmem:s10+$0xB0] =	vst.add.f32.msk $0xffff, v0  }
0x4cc: {  	s14 =	sshrl.u32 s14, $0x11;
	s12 =	smul.u32 $0x147B, s12;
	v3 =	vld [tilespmem:s13+$0x1940]  }
0x4cd: {  	s14 =	smul.u32 $0xC8, s14;
	[tilespmem:s10+$0x30] =	vst.add.f32.msk $0xffff, v1  }
0x4ce: {  	s12 =	sshrl.u32 s12, $0x11;
	v1 =	vld [tilespmem:s9+$0x1940]  }
0x4cf: {  	s12 =	smul.u32 $0xC8, s12;
	v0 =	vld [tilespmem:s26+$0x1970];
	s26 =	ssub.s32 s23, s14  }
0x4d0: {  	s5 =	sshll.u32 s26, $0x7  }
0x4d1: {  	s3 =	ssub.s32 s22, s12;
	s5 =	sand.u32 $0xFF80, s5;
	[tilespmem:s10+$0xC0] =	vst.add.f32.msk $0xffff, v3  }
0x4d2: {  	s3 =	sshll.u32 s3, $0x7;
	v3 =	vld [tilespmem:s5+$0x1900]  }
0x4d3: {  	s11 =	sand.u32 $0xFF80, s3;
	[tilespmem:s10+$0x40] =	vst.add.f32.msk $0xffff, v1  }
0x4d4: {  	v1 =	vld [tilespmem:s11+$0x1900]  }
0x4d5: {  	v2 =	vld [tilespmem:s13+$0x1950]  }
0x4d6: {  	s12 =	simm.s32 $0xFF00;
	v4 =	vld [tilespmem:s9+$0x1950]  }
0x4d7: {  	[tilespmem:s12+$0x0] =	vst.add.f32.msk $0xffff, v3  }
0x4d8: {  	v3 =	vld [tilespmem:s5+$0x1910]  }
0x4d9: {  	[tilespmem:s12+$0x80] =	vst.add.f32.msk $0xffff, v1  }
0x4da: {  	v1 =	vld [tilespmem:s11+$0x1910]  }
0x4db: {  	[tilespmem:s10+$0xD0] =	vst.add.f32.msk $0xffff, v2  }
0x4dc: {  	v2 =	vld [tilespmem:s13+$0x1960]  }
0x4dd: {  	[tilespmem:s12+$0x10] =	vst.add.f32.msk $0xffff, v3  }
0x4de: {  	v3 =	vld [tilespmem:s5+$0x1920]  }
0x4df: {  	[tilespmem:s12+$0x90] =	vst.add.f32.msk $0xffff, v1  }
0x4e0: {  	v1 =	vld [tilespmem:s11+$0x1920]  }
0x4e1: {  	[tilespmem:s10+$0xE0] =	vst.add.f32.msk $0xffff, v2  }
0x4e2: {  	v2 =	vld [tilespmem:s13+$0x1970]  }
0x4e3: {  	[tilespmem:s10+$0x50] =	vst.add.f32.msk $0xffff, v4  }
0x4e4: {  	[tilespmem:s12+$0x20] =	vst.add.f32.msk $0xffff, v3  }
0x4e5: {  	[tilespmem:s12+$0xA0] =	vst.add.f32.msk $0xffff, v1  }
0x4e6: {  	v1 =	vld [tilespmem:s11+$0x1930]  }
0x4e7: {  	[tilespmem:s10+$0xF0] =	vst.add.f32.msk $0xffff, v2  }
.LBB2_24:
0x4e8: {  	s8 =	sadd.s32 $0x2, s8;
	v2 =	vld [tilespmem:s5+$0x1930]  }
0x4e9: {  	s3 =	sor.u32 $0x1700, s8;
	s13 =	sor.u32 $0x1701, s8;
	p0 =	slt.u32 s8, $0x7E;
	v3 =	vld [tilespmem:s9+$0x1960]  }
0x4ea: {  	s14 =	sand.u32 $0xFFF8, s3;
	s15 =	sand.u32 $0xFFF8, s13;
	[tilespmem:s7+$0x70] =	vst.add.f32.msk $0xffff, v0;
	s7 =	smov.u32 s10  }
0x4eb: {  	s10 =	smov.u32 s12;
	s14 =	sshrl.u32 s14, $0x3;
	s15 =	sshrl.u32 s15, $0x3;
	[tilespmem:s12+$0xB0] =	vst.add.f32.msk $0xffff, v1  }
0x4ec: {  	s15 =	smul.u32 $0x147B, s15;
	v1 =	vld [tilespmem:s11+$0x1940]  }
0x4ed: {  	s14 =	smul.u32 $0x147B, s14;
	[tilespmem:s12+$0x30] =	vst.add.f32.msk $0xffff, v2  }
0x4ee: {  	s15 =	sshrl.u32 s15, $0x11;
	v2 =	vld [tilespmem:s5+$0x1940]  }
0x4ef: {  	s14 =	sshrl.u32 s14, $0x11;
	s15 =	smul.u32 $0xC8, s15;
	[tilespmem:s7+$0x60] =	vst.add.f32.msk $0xffff, v3  }
0x4f0: {  	s14 =	smul.u32 $0xC8, s14;
	v0 =	vld [tilespmem:s9+$0x1970];
	s9 =	smov.u32 s5  }
0x4f1: {  	s5 =	ssub.s32 s13, s15;
	[tilespmem:s12+$0xC0] =	vst.add.f32.msk $0xffff, v1  }
0x4f2: {  	s3 =	ssub.s32 s3, s14;
	s5 =	sshll.u32 s5, $0x7;
	v1 =	vld [tilespmem:s11+$0x1950]  }
0x4f3: {  	s3 =	sshll.u32 s3, $0x7;
	s13 =	sand.u32 $0xFF80, s5;
	[tilespmem:s12+$0x40] =	vst.add.f32.msk $0xffff, v2  }
0x4f4: {  	s5 =	sand.u32 $0xFF80, s3;
	v2 =	vld [tilespmem:s13+$0x1900]  }
0x4f5: {  	v3 =	vld [tilespmem:s5+$0x1900]  }
0x4f6: {  	v4 =	vld [tilespmem:s9+$0x1950]  }
0x4f7: {  	[tilespmem:s12+$0xD0] =	vst.add.f32.msk $0xffff, v1  }
0x4f8: {  	s12 =	sadd.s32 $0x100, s12;
	v1 =	vld [tilespmem:s11+$0x1960]  }
0x4f9: {  	[tilespmem:s12+$0x80] =	vst.add.f32.msk $0xffff, v2  }
0x4fa: {  	v2 =	vld [tilespmem:s13+$0x1910]  }
0x4fb: {  	[tilespmem:s12+$0x0] =	vst.add.f32.msk $0xffff, v3  }
0x4fc: {  	v3 =	vld [tilespmem:s5+$0x1910]  }
0x4fd: {  	[tilespmem:s10+$0xE0] =	vst.add.f32.msk $0xffff, v1  }
0x4fe: {  	v1 =	vld [tilespmem:s11+$0x1970];
	s11 =	smov.u32 s13  }
0x4ff: {  	[tilespmem:s12+$0x90] =	vst.add.f32.msk $0xffff, v2  }
0x500: {  	v2 =	vld [tilespmem:s11+$0x1920]  }
0x501: {  	[tilespmem:s12+$0x10] =	vst.add.f32.msk $0xffff, v3  }
0x502: {  	v3 =	vld [tilespmem:s5+$0x1920]  }
.Ltmp11:
0x503: {  	[tilespmem:s10+$0xF0] =	vst.add.f32.msk $0xffff, v1;
	(pc) =	sbr.rel @p0 .LBB2_24-.Ltmp11, $4  }
0x504: {  	[tilespmem:s10+$0x50] =	vst.add.f32.msk $0xffff, v4  }
0x505: {  	[tilespmem:s12+$0xA0] =	vst.add.f32.msk $0xffff, v2  }
0x506: {  	v1 =	vld [tilespmem:s11+$0x1930]  }
0x507: {  	[tilespmem:s12+$0x20] =	vst.add.f32.msk $0xffff, v3  }
0x508: {  	v2 =	vld [tilespmem:s5+$0x1930];
	_ =	sdelay $0x2  }
0x509: {  	[tilespmem:s12+$0xB0] =	vst.add.f32.msk $0xffff, v1  }
0x50a: {  	v1 =	vld [tilespmem:s11+$0x1940]  }
0x50b: {  	[tilespmem:s12+$0x30] =	vst.add.f32.msk $0xffff, v2  }
0x50c: {  	v2 =	vld [tilespmem:s5+$0x1940];
	_ =	sdelay $0x2  }
0x50d: {  	[tilespmem:s12+$0xC0] =	vst.add.f32.msk $0xffff, v1  }
0x50e: {  	v1 =	vld [tilespmem:s11+$0x1950]  }
0x50f: {  	[tilespmem:s12+$0x40] =	vst.add.f32.msk $0xffff, v2  }
0x510: {  	v2 =	vld [tilespmem:s5+$0x1950];
	_ =	sdelay $0x1  }
0x511: {  	v3 =	vld [tilespmem:s9+$0x1960]  }
0x512: {  	[tilespmem:s12+$0xD0] =	vst.add.f32.msk $0xffff, v1  }
0x513: {  	v1 =	vld [tilespmem:s11+$0x1960]  }
0x514: {  	[tilespmem:s12+$0x50] =	vst.add.f32.msk $0xffff, v2  }
0x515: {  	v2 =	vld [tilespmem:s5+$0x1960]  }
0x516: {  	[tilespmem:s10+$0x60] =	vst.add.f32.msk $0xffff, v3  }
0x517: {  	v3 =	vld [tilespmem:s9+$0x1970]  }
0x518: {  	[tilespmem:s12+$0xE0] =	vst.add.f32.msk $0xffff, v1  }
0x519: {  	v1 =	vld [tilespmem:s11+$0x1970]  }
0x51a: {  	[tilespmem:s12+$0x60] =	vst.add.f32.msk $0xffff, v2  }
0x51b: {  	v2 =	vld [tilespmem:s5+$0x1970];
	_ =	sdelay $0x1  }
0x51c: {  	[tilespmem:s7+$0x70] =	vst.add.f32.msk $0xffff, v0;
	s17 =	simm.s32 $0x0  }
0x51d: {  	s20 =	sor.u32 $0x1781, s17;
	[tilespmem:s10+$0x70] =	vst.add.f32.msk $0xffff, v3  }
0x51e: {  	s22 =	sand.u32 $0xFFF8, s20;
	[tilespmem:s12+$0xF0] =	vst.add.f32.msk $0xffff, v1  }
0x51f: {  	s7 =	sshrl.u32 s22, $0x3;
	[tilespmem:s12+$0x70] =	vst.add.f32.msk $0xffff, v2  }
0x520: {  	s7 =	smul.u32 $0x147B, s7;
	s3 =	rddreg [dreg:$0xc]  }
0x521: {  	[hbm4b:s3+s18] =	stream.linear.scatter [tilespmem:s0], [sflag:$0x7], $0x4000, $0x38;
	[tilespmem:$0x17D00] =	vst v63  }
0x522: {  	s3 =	sor.u32 $0x1780, s17  }
0x523: {  	s7 =	sshrl.u32 s7, $0x11;
	_ =	swait.ge [sflag:s19], $0x4000;
	s8 =	sand.u32 $0xFFF8, s3  }
0x524: {  	s7 =	smul.u32 $0xC8, s7;
	[sflag:s19] =	ssyncset.done $0x0;
	s8 =	sshrl.u32 s8, $0x3  }
0x525: {  	s16 =	simm.s32 $0x1880;
	[sflag:s19] =	ssyncadd.s32 $0xFFFFC000;
	s8 =	smul.u32 $0x147B, s8  }
0x526: {  	[tilespmem:s30], [sflag:$0x2] =	stream.indirect.gather [hbm4b:s1+s21], $0x80, s16, s21, $0xb8;
	[tilespmem:$0x17D00] =	vst v63  }
0x527: {  	s23 =	simm.s32 $0x4;
	s25 =	sshrl.u32 s8, $0x11  }
0x528: {  	s5 =	ssub.s32 s20, s7;
	_ =	swait.ge [sflag:s23], $0x4000;
	s7 =	smul.u32 $0xC8, s25  }
0x529: {  	s5 =	sshll.u32 s5, $0x7;
	[sflag:s23] =	ssyncset.done $0x0  }
0x52a: {  	s26 =	sand.u32 $0xFF80, s5;
	[sflag:s23] =	ssyncadd.s32 $0xFFFFC000;
	s3 =	ssub.s32 s3, s7  }
0x52b: {  	v0 =	vld [tilespmem:s26+$0x1900];
	s3 =	sshll.u32 s3, $0x7  }
0x52c: {  	s0 =	sand.u32 $0xFF80, s3  }
0x52d: {  	v1 =	vld [tilespmem:s0+$0x1900];
	_ =	sdelay $0x1  }
0x52e: {  	s7 =	simm.s32 $0x13D00  }
0x52f: {  	[tilespmem:s7+$0x80] =	vst.add.f32.msk $0xffff, v0  }
0x530: {  	v0 =	vld [tilespmem:s26+$0x1910]  }
0x531: {  	[tilespmem:s7+$0x0] =	vst.add.f32.msk $0xffff, v1  }
0x532: {  	v1 =	vld [tilespmem:s0+$0x1910];
	_ =	sdelay $0x2  }
0x533: {  	[tilespmem:s7+$0x90] =	vst.add.f32.msk $0xffff, v0  }
0x534: {  	v0 =	vld [tilespmem:s26+$0x1920]  }
0x535: {  	[tilespmem:s7+$0x10] =	vst.add.f32.msk $0xffff, v1  }
0x536: {  	v1 =	vld [tilespmem:s0+$0x1920];
	_ =	sdelay $0x1  }
0x537: {  	s15 =	simm.s32 $0x2  }
0x538: {  	s16 =	sor.u32 $0x1781, s15;
	[tilespmem:s7+$0xA0] =	vst.add.f32.msk $0xffff, v0  }
0x539: {  	s17 =	sand.u32 $0xFFF8, s16;
	v0 =	vld [tilespmem:s26+$0x1930]  }
0x53a: {  	s10 =	sshrl.u32 s17, $0x3;
	[tilespmem:s7+$0x20] =	vst.add.f32.msk $0xffff, v1  }
0x53b: {  	s10 =	smul.u32 $0x147B, s10;
	v1 =	vld [tilespmem:s0+$0x1930]  }
0x53c: {  	s3 =	sor.u32 $0x1780, s15  }
0x53d: {  	s10 =	sshrl.u32 s10, $0x11;
	s20 =	sand.u32 $0xFFF8, s3  }
0x53e: {  	s10 =	smul.u32 $0xC8, s10;
	s11 =	sshrl.u32 s20, $0x3;
	[tilespmem:s7+$0xB0] =	vst.add.f32.msk $0xffff, v0  }
0x53f: {  	s11 =	smul.u32 $0x147B, s11;
	v0 =	vld [tilespmem:s26+$0x1940]  }
0x540: {  	s9 =	ssub.s32 s16, s10;
	[tilespmem:s7+$0x30] =	vst.add.f32.msk $0xffff, v1  }
0x541: {  	s9 =	sshll.u32 s9, $0x7;
	s11 =	sshrl.u32 s11, $0x11;
	v1 =	vld [tilespmem:s0+$0x1940]  }
0x542: {  	s13 =	sand.u32 $0xFF80, s9;
	s11 =	smul.u32 $0xC8, s11  }
0x543: {  	v2 =	vld [tilespmem:s13+$0x1900]  }
0x544: {  	s3 =	ssub.s32 s3, s11;
	[tilespmem:s7+$0xC0] =	vst.add.f32.msk $0xffff, v0  }
0x545: {  	s3 =	sshll.u32 s3, $0x7;
	v0 =	vld [tilespmem:s26+$0x1950]  }
0x546: {  	s9 =	sand.u32 $0xFF80, s3;
	[tilespmem:s7+$0x40] =	vst.add.f32.msk $0xffff, v1  }
0x547: {  	s10 =	simm.s32 $0x13E00;
	v1 =	vld [tilespmem:s9+$0x1900]  }
0x548: {  	[tilespmem:s10+$0x80] =	vst.add.f32.msk $0xffff, v2  }
0x549: {  	v2 =	vld [tilespmem:s13+$0x1910]  }
0x54a: {  	[tilespmem:s7+$0xD0] =	vst.add.f32.msk $0xffff, v0  }
0x54b: {  	v0 =	vld [tilespmem:s26+$0x1960]  }
0x54c: {  	[tilespmem:s10+$0x0] =	vst.add.f32.msk $0xffff, v1  }
0x54d: {  	v1 =	vld [tilespmem:s9+$0x1910]  }
0x54e: {  	[tilespmem:s10+$0x90] =	vst.add.f32.msk $0xffff, v2  }
0x54f: {  	v2 =	vld [tilespmem:s13+$0x1920]  }
0x550: {  	[tilespmem:s7+$0xE0] =	vst.add.f32.msk $0xffff, v0  }
0x551: {  	v0 =	vld [tilespmem:s26+$0x1970]  }
0x552: {  	[tilespmem:s10+$0x10] =	vst.add.f32.msk $0xffff, v1  }
0x553: {  	v1 =	vld [tilespmem:s9+$0x1920]  }
0x554: {  	[tilespmem:s10+$0xA0] =	vst.add.f32.msk $0xffff, v2  }
0x555: {  	v3 =	vld [tilespmem:s0+$0x1950]  }
0x556: {  	[tilespmem:s7+$0xF0] =	vst.add.f32.msk $0xffff, v0  }
0x557: {  	s8 =	simm.s32 $0x4;
	v0 =	vld [tilespmem:s13+$0x1930]  }
0x558: {  	s23 =	sor.u32 $0x1780, s8;
	[tilespmem:s10+$0x20] =	vst.add.f32.msk $0xffff, v1  }
0x559: {  	s14 =	sand.u32 $0xFFF8, s23;
	v1 =	vld [tilespmem:s9+$0x1930]  }
0x55a: {  	s22 =	sor.u32 $0x1781, s8;
	s14 =	sshrl.u32 s14, $0x3;
	[tilespmem:s7+$0x50] =	vst.add.f32.msk $0xffff, v3  }
0x55b: {  	s25 =	sand.u32 $0xFFF8, s22;
	s14 =	smul.u32 $0x147B, s14;
	v2 =	vld [tilespmem:s0+$0x1960]  }
0x55c: {  	s12 =	sshrl.u32 s25, $0x3;
	[tilespmem:s10+$0xB0] =	vst.add.f32.msk $0xffff, v0  }
0x55d: {  	s12 =	smul.u32 $0x147B, s12;
	s14 =	sshrl.u32 s14, $0x11;
	v3 =	vld [tilespmem:s13+$0x1940]  }
0x55e: {  	s14 =	smul.u32 $0xC8, s14;
	[tilespmem:s10+$0x30] =	vst.add.f32.msk $0xffff, v1  }
0x55f: {  	s12 =	sshrl.u32 s12, $0x11;
	v1 =	vld [tilespmem:s9+$0x1940]  }
0x560: {  	s12 =	smul.u32 $0xC8, s12;
	s26 =	ssub.s32 s23, s14;
	[tilespmem:s7+$0x60] =	vst.add.f32.msk $0xffff, v2  }
0x561: {  	s5 =	sshll.u32 s26, $0x7;
	v0 =	vld [tilespmem:s0+$0x1970]  }
0x562: {  	s3 =	ssub.s32 s22, s12;
	s5 =	sand.u32 $0xFF80, s5;
	[tilespmem:s10+$0xC0] =	vst.add.f32.msk $0xffff, v3  }
0x563: {  	s3 =	sshll.u32 s3, $0x7;
	v3 =	vld [tilespmem:s5+$0x1900]  }
0x564: {  	s11 =	sand.u32 $0xFF80, s3;
	[tilespmem:s10+$0x40] =	vst.add.f32.msk $0xffff, v1  }
0x565: {  	v1 =	vld [tilespmem:s11+$0x1900]  }
0x566: {  	v2 =	vld [tilespmem:s13+$0x1950]  }
0x567: {  	s12 =	simm.s32 $0x13F00;
	v4 =	vld [tilespmem:s9+$0x1950]  }
0x568: {  	[tilespmem:s12+$0x0] =	vst.add.f32.msk $0xffff, v3  }
0x569: {  	v3 =	vld [tilespmem:s5+$0x1910]  }
0x56a: {  	[tilespmem:s12+$0x80] =	vst.add.f32.msk $0xffff, v1  }
0x56b: {  	v1 =	vld [tilespmem:s11+$0x1910]  }
0x56c: {  	[tilespmem:s10+$0xD0] =	vst.add.f32.msk $0xffff, v2  }
0x56d: {  	v2 =	vld [tilespmem:s13+$0x1960]  }
0x56e: {  	[tilespmem:s12+$0x10] =	vst.add.f32.msk $0xffff, v3  }
0x56f: {  	v3 =	vld [tilespmem:s5+$0x1920]  }
0x570: {  	[tilespmem:s12+$0x90] =	vst.add.f32.msk $0xffff, v1  }
0x571: {  	v1 =	vld [tilespmem:s11+$0x1920]  }
0x572: {  	[tilespmem:s10+$0xE0] =	vst.add.f32.msk $0xffff, v2  }
0x573: {  	v2 =	vld [tilespmem:s13+$0x1970]  }
0x574: {  	[tilespmem:s10+$0x50] =	vst.add.f32.msk $0xffff, v4  }
0x575: {  	[tilespmem:s12+$0x20] =	vst.add.f32.msk $0xffff, v3  }
0x576: {  	[tilespmem:s12+$0xA0] =	vst.add.f32.msk $0xffff, v1  }
0x577: {  	v1 =	vld [tilespmem:s11+$0x1930]  }
0x578: {  	[tilespmem:s10+$0xF0] =	vst.add.f32.msk $0xffff, v2  }
.LBB2_26:
0x579: {  	s8 =	sadd.s32 $0x2, s8;
	v2 =	vld [tilespmem:s5+$0x1930]  }
0x57a: {  	s3 =	sor.u32 $0x1780, s8;
	s13 =	sor.u32 $0x1781, s8;
	p0 =	slt.u32 s8, $0x7E;
	v3 =	vld [tilespmem:s9+$0x1960]  }
0x57b: {  	s14 =	sand.u32 $0xFFF8, s3;
	s15 =	sand.u32 $0xFFF8, s13;
	[tilespmem:s7+$0x70] =	vst.add.f32.msk $0xffff, v0;
	s7 =	smov.u32 s10  }
0x57c: {  	s10 =	smov.u32 s12;
	s14 =	sshrl.u32 s14, $0x3;
	s15 =	sshrl.u32 s15, $0x3;
	[tilespmem:s12+$0xB0] =	vst.add.f32.msk $0xffff, v1  }
0x57d: {  	s15 =	smul.u32 $0x147B, s15;
	v1 =	vld [tilespmem:s11+$0x1940]  }
0x57e: {  	s14 =	smul.u32 $0x147B, s14;
	[tilespmem:s12+$0x30] =	vst.add.f32.msk $0xffff, v2  }
0x57f: {  	s15 =	sshrl.u32 s15, $0x11;
	v2 =	vld [tilespmem:s5+$0x1940]  }
0x580: {  	s14 =	sshrl.u32 s14, $0x11;
	s15 =	smul.u32 $0xC8, s15;
	[tilespmem:s7+$0x60] =	vst.add.f32.msk $0xffff, v3  }
0x581: {  	s14 =	smul.u32 $0xC8, s14;
	v0 =	vld [tilespmem:s9+$0x1970];
	s9 =	smov.u32 s5  }
0x582: {  	s5 =	ssub.s32 s13, s15;
	[tilespmem:s12+$0xC0] =	vst.add.f32.msk $0xffff, v1  }
0x583: {  	s3 =	ssub.s32 s3, s14;
	s5 =	sshll.u32 s5, $0x7;
	v1 =	vld [tilespmem:s11+$0x1950]  }
0x584: {  	s3 =	sshll.u32 s3, $0x7;
	s13 =	sand.u32 $0xFF80, s5;
	[tilespmem:s12+$0x40] =	vst.add.f32.msk $0xffff, v2  }
0x585: {  	s5 =	sand.u32 $0xFF80, s3;
	v2 =	vld [tilespmem:s13+$0x1900]  }
0x586: {  	v3 =	vld [tilespmem:s5+$0x1900]  }
0x587: {  	v4 =	vld [tilespmem:s9+$0x1950]  }
0x588: {  	[tilespmem:s12+$0xD0] =	vst.add.f32.msk $0xffff, v1  }
0x589: {  	s12 =	sadd.s32 $0x100, s12;
	v1 =	vld [tilespmem:s11+$0x1960]  }
0x58a: {  	[tilespmem:s12+$0x80] =	vst.add.f32.msk $0xffff, v2  }
0x58b: {  	v2 =	vld [tilespmem:s13+$0x1910]  }
0x58c: {  	[tilespmem:s12+$0x0] =	vst.add.f32.msk $0xffff, v3  }
0x58d: {  	v3 =	vld [tilespmem:s5+$0x1910]  }
0x58e: {  	[tilespmem:s10+$0xE0] =	vst.add.f32.msk $0xffff, v1  }
0x58f: {  	v1 =	vld [tilespmem:s11+$0x1970];
	s11 =	smov.u32 s13  }
0x590: {  	[tilespmem:s12+$0x90] =	vst.add.f32.msk $0xffff, v2  }
0x591: {  	v2 =	vld [tilespmem:s11+$0x1920]  }
0x592: {  	[tilespmem:s12+$0x10] =	vst.add.f32.msk $0xffff, v3  }
0x593: {  	v3 =	vld [tilespmem:s5+$0x1920]  }
.Ltmp12:
0x594: {  	[tilespmem:s10+$0xF0] =	vst.add.f32.msk $0xffff, v1;
	(pc) =	sbr.rel @p0 .LBB2_26-.Ltmp12, $4  }
0x595: {  	[tilespmem:s10+$0x50] =	vst.add.f32.msk $0xffff, v4  }
0x596: {  	[tilespmem:s12+$0xA0] =	vst.add.f32.msk $0xffff, v2  }
0x597: {  	v1 =	vld [tilespmem:s11+$0x1930]  }
0x598: {  	[tilespmem:s12+$0x20] =	vst.add.f32.msk $0xffff, v3  }
0x599: {  	v2 =	vld [tilespmem:s5+$0x1930];
	_ =	sdelay $0x2  }
0x59a: {  	[tilespmem:s12+$0xB0] =	vst.add.f32.msk $0xffff, v1  }
0x59b: {  	v1 =	vld [tilespmem:s11+$0x1940]  }
0x59c: {  	[tilespmem:s12+$0x30] =	vst.add.f32.msk $0xffff, v2  }
0x59d: {  	v2 =	vld [tilespmem:s5+$0x1940];
	_ =	sdelay $0x2  }
0x59e: {  	[tilespmem:s12+$0xC0] =	vst.add.f32.msk $0xffff, v1  }
0x59f: {  	v1 =	vld [tilespmem:s11+$0x1950]  }
0x5a0: {  	[tilespmem:s12+$0x40] =	vst.add.f32.msk $0xffff, v2  }
0x5a1: {  	v2 =	vld [tilespmem:s5+$0x1950];
	_ =	sdelay $0x1  }
0x5a2: {  	v3 =	vld [tilespmem:s9+$0x1960]  }
0x5a3: {  	[tilespmem:s12+$0xD0] =	vst.add.f32.msk $0xffff, v1  }
0x5a4: {  	v1 =	vld [tilespmem:s11+$0x1960]  }
0x5a5: {  	[tilespmem:s12+$0x50] =	vst.add.f32.msk $0xffff, v2  }
0x5a6: {  	v2 =	vld [tilespmem:s5+$0x1960]  }
0x5a7: {  	[tilespmem:s10+$0x60] =	vst.add.f32.msk $0xffff, v3  }
0x5a8: {  	v3 =	vld [tilespmem:s9+$0x1970]  }
0x5a9: {  	[tilespmem:s12+$0xE0] =	vst.add.f32.msk $0xffff, v1  }
0x5aa: {  	v1 =	vld [tilespmem:s11+$0x1970]  }
0x5ab: {  	[tilespmem:s12+$0x60] =	vst.add.f32.msk $0xffff, v2  }
0x5ac: {  	v2 =	vld [tilespmem:s5+$0x1970];
	_ =	sdelay $0x1  }
0x5ad: {  	[tilespmem:s7+$0x70] =	vst.add.f32.msk $0xffff, v0  }
0x5ae: {  	[tilespmem:s10+$0x70] =	vst.add.f32.msk $0xffff, v3  }
0x5af: {  	[tilespmem:s12+$0xF0] =	vst.add.f32.msk $0xffff, v1  }
0x5b0: {  	[tilespmem:s12+$0x70] =	vst.add.f32.msk $0xffff, v2;
	s12 =	simm.s32 $0x0  }
0x5b1: {  	s3 =	rddreg [dreg:$0xd];
	s13 =	sor.u32 $0x1801, s12  }
0x5b2: {  	[hbm4b:s3+s18] =	stream.linear.scatter [tilespmem:s29], [sflag:$0x8], $0x4000, $0x38;
	[tilespmem:$0x17D00] =	vst v63  }
0x5b3: {  	s14 =	sand.u32 $0xFFF8, s13  }
0x5b4: {  	s3 =	sor.u32 $0x1800, s12;
	s7 =	sshrl.u32 s14, $0x3  }
0x5b5: {  	s3 =	sand.u32 $0xFFF8, s3;
	s7 =	smul.u32 $0x147B, s7  }
0x5b6: {  	s3 =	sshrl.u32 s3, $0x3  }
0x5b7: {  	s3 =	smul.u32 $0x147B, s3;
	s7 =	sshrl.u32 s7, $0x11  }
0x5b8: {  	s7 =	smul.u32 $0xC8, s7  }
0x5b9: {  	s3 =	sshrl.u32 s3, $0x11  }
0x5ba: {  	_ =	swait.ge [sflag:s28], $0x4000;
	s3 =	smul.u32 $0xC8, s3;
	s5 =	ssub.s32 s13, s7  }
0x5bb: {  	[sflag:s28] =	ssyncset.done $0x0;
	s5 =	sshll.u32 s5, $0x7  }
0x5bc: {  	[sflag:s28] =	ssyncadd.s32 $0xFFFFC000;
	s3 =	ssub.s32 $0x0, s3;
	s8 =	sand.u32 $0xFF80, s5  }
0x5bd: {  	s3 =	sshll.u32 s3, $0x7;
	v0 =	vld [tilespmem:s8+$0x1900]  }
0x5be: {  	s15 =	sand.u32 $0xFF80, s3  }
0x5bf: {  	v1 =	vld [tilespmem:s15+$0x1900];
	_ =	sdelay $0x1  }
0x5c0: {  	s7 =	simm.s32 $0x7D00  }
0x5c1: {  	[tilespmem:s7+$0x80] =	vst.add.f32.msk $0xffff, v0  }
0x5c2: {  	v0 =	vld [tilespmem:s8+$0x1910]  }
0x5c3: {  	[tilespmem:s7+$0x0] =	vst.add.f32.msk $0xffff, v1  }
0x5c4: {  	v1 =	vld [tilespmem:s15+$0x1910];
	_ =	sdelay $0x2  }
0x5c5: {  	[tilespmem:s7+$0x90] =	vst.add.f32.msk $0xffff, v0  }
0x5c6: {  	v0 =	vld [tilespmem:s8+$0x1920]  }
0x5c7: {  	[tilespmem:s7+$0x10] =	vst.add.f32.msk $0xffff, v1  }
0x5c8: {  	v1 =	vld [tilespmem:s15+$0x1920];
	_ =	sdelay $0x1  }
0x5c9: {  	s16 =	simm.s32 $0x2  }
0x5ca: {  	s17 =	sor.u32 $0x1801, s16;
	[tilespmem:s7+$0xA0] =	vst.add.f32.msk $0xffff, v0  }
0x5cb: {  	s20 =	sand.u32 $0xFFF8, s17;
	v0 =	vld [tilespmem:s8+$0x1930]  }
0x5cc: {  	s10 =	sshrl.u32 s20, $0x3;
	[tilespmem:s7+$0x20] =	vst.add.f32.msk $0xffff, v1  }
0x5cd: {  	s10 =	smul.u32 $0x147B, s10;
	v1 =	vld [tilespmem:s15+$0x1930]  }
0x5ce: {  	s3 =	sor.u32 $0x1800, s16  }
0x5cf: {  	s10 =	sshrl.u32 s10, $0x11;
	s3 =	sand.u32 $0xFFF8, s3  }
0x5d0: {  	s10 =	smul.u32 $0xC8, s10;
	s3 =	sshrl.u32 s3, $0x3;
	[tilespmem:s7+$0xB0] =	vst.add.f32.msk $0xffff, v0  }
0x5d1: {  	s3 =	smul.u32 $0x147B, s3;
	v0 =	vld [tilespmem:s8+$0x1940]  }
0x5d2: {  	s9 =	ssub.s32 s17, s10;
	[tilespmem:s7+$0x30] =	vst.add.f32.msk $0xffff, v1  }
0x5d3: {  	s9 =	sshll.u32 s9, $0x7;
	s3 =	sshrl.u32 s3, $0x11;
	v1 =	vld [tilespmem:s15+$0x1940]  }
0x5d4: {  	s13 =	sand.u32 $0xFF80, s9;
	s3 =	smul.u32 $0xC8, s3  }
0x5d5: {  	v2 =	vld [tilespmem:s13+$0x1900]  }
0x5d6: {  	s3 =	ssub.s32 $0x2, s3;
	[tilespmem:s7+$0xC0] =	vst.add.f32.msk $0xffff, v0  }
0x5d7: {  	s3 =	sshll.u32 s3, $0x7;
	v0 =	vld [tilespmem:s8+$0x1950]  }
0x5d8: {  	s9 =	sand.u32 $0xFF80, s3;
	[tilespmem:s7+$0x40] =	vst.add.f32.msk $0xffff, v1  }
0x5d9: {  	s10 =	simm.s32 $0x7E00;
	v1 =	vld [tilespmem:s9+$0x1900]  }
0x5da: {  	[tilespmem:s10+$0x80] =	vst.add.f32.msk $0xffff, v2  }
0x5db: {  	v2 =	vld [tilespmem:s13+$0x1910]  }
0x5dc: {  	[tilespmem:s7+$0xD0] =	vst.add.f32.msk $0xffff, v0  }
0x5dd: {  	v0 =	vld [tilespmem:s8+$0x1960]  }
0x5de: {  	[tilespmem:s10+$0x0] =	vst.add.f32.msk $0xffff, v1  }
0x5df: {  	v1 =	vld [tilespmem:s9+$0x1910]  }
0x5e0: {  	[tilespmem:s10+$0x90] =	vst.add.f32.msk $0xffff, v2  }
0x5e1: {  	v2 =	vld [tilespmem:s13+$0x1920]  }
0x5e2: {  	[tilespmem:s7+$0xE0] =	vst.add.f32.msk $0xffff, v0  }
0x5e3: {  	v0 =	vld [tilespmem:s8+$0x1970]  }
0x5e4: {  	[tilespmem:s10+$0x10] =	vst.add.f32.msk $0xffff, v1  }
0x5e5: {  	v1 =	vld [tilespmem:s9+$0x1920]  }
0x5e6: {  	[tilespmem:s10+$0xA0] =	vst.add.f32.msk $0xffff, v2  }
0x5e7: {  	v3 =	vld [tilespmem:s15+$0x1950]  }
0x5e8: {  	[tilespmem:s7+$0xF0] =	vst.add.f32.msk $0xffff, v0  }
0x5e9: {  	s8 =	simm.s32 $0x4;
	v0 =	vld [tilespmem:s13+$0x1930]  }
0x5ea: {  	s23 =	sor.u32 $0x1800, s8;
	[tilespmem:s10+$0x20] =	vst.add.f32.msk $0xffff, v1  }
0x5eb: {  	s11 =	sand.u32 $0xFFF8, s23;
	v1 =	vld [tilespmem:s9+$0x1930]  }
0x5ec: {  	s22 =	sor.u32 $0x1801, s8;
	s11 =	sshrl.u32 s11, $0x3  }
0x5ed: {  	[tilespmem:s7+$0x50] =	vst.add.f32.msk $0xffff, v3;
	s25 =	sand.u32 $0xFFF8, s22;
	s11 =	smul.u32 $0x147B, s11  }
0x5ee: {  	s12 =	sshrl.u32 s25, $0x3;
	[tilespmem:s10+$0xB0] =	vst.add.f32.msk $0xffff, v0  }
0x5ef: {  	s12 =	smul.u32 $0x147B, s12;
	s11 =	sshrl.u32 s11, $0x11;
	v3 =	vld [tilespmem:s13+$0x1940]  }
0x5f0: {  	s11 =	smul.u32 $0xC8, s11;
	[tilespmem:s10+$0x30] =	vst.add.f32.msk $0xffff, v1  }
0x5f1: {  	s12 =	sshrl.u32 s12, $0x11;
	v1 =	vld [tilespmem:s9+$0x1940]  }
0x5f2: {  	s12 =	smul.u32 $0xC8, s12;
	s26 =	ssub.s32 $0x4, s11  }
0x5f3: {  	v2 =	vld [tilespmem:s15+$0x1960];
	s5 =	sshll.u32 s26, $0x7  }
0x5f4: {  	s3 =	ssub.s32 s22, s12;
	s5 =	sand.u32 $0xFF80, s5;
	[tilespmem:s10+$0xC0] =	vst.add.f32.msk $0xffff, v3  }
0x5f5: {  	s3 =	sshll.u32 s3, $0x7;
	v3 =	vld [tilespmem:s5+$0x1900]  }
0x5f6: {  	s11 =	sand.u32 $0xFF80, s3;
	[tilespmem:s10+$0x40] =	vst.add.f32.msk $0xffff, v1  }
0x5f7: {  	v1 =	vld [tilespmem:s11+$0x1900]  }
0x5f8: {  	[tilespmem:s7+$0x60] =	vst.add.f32.msk $0xffff, v2  }
0x5f9: {  	v0 =	vld [tilespmem:s15+$0x1970]  }
0x5fa: {  	s12 =	simm.s32 $0x7F00;
	v2 =	vld [tilespmem:s13+$0x1950]  }
0x5fb: {  	[tilespmem:s12+$0x0] =	vst.add.f32.msk $0xffff, v3  }
0x5fc: {  	[tilespmem:s12+$0x80] =	vst.add.f32.msk $0xffff, v1  }
0x5fd: {  	v3 =	vld [tilespmem:s5+$0x1910]  }
0x5fe: {  	v1 =	vld [tilespmem:s11+$0x1910]  }
0x5ff: {  	v4 =	vld [tilespmem:s9+$0x1950]  }
0x600: {  	[tilespmem:s10+$0xD0] =	vst.add.f32.msk $0xffff, v2  }
0x601: {  	v2 =	vld [tilespmem:s13+$0x1960]  }
0x602: {  	[tilespmem:s12+$0x10] =	vst.add.f32.msk $0xffff, v3  }
0x603: {  	[tilespmem:s12+$0x90] =	vst.add.f32.msk $0xffff, v1  }
0x604: {  	v3 =	vld [tilespmem:s5+$0x1920]  }
0x605: {  	v1 =	vld [tilespmem:s11+$0x1920]  }
0x606: {  	[tilespmem:s10+$0xE0] =	vst.add.f32.msk $0xffff, v2  }
0x607: {  	v2 =	vld [tilespmem:s13+$0x1970]  }
0x608: {  	[tilespmem:s10+$0x50] =	vst.add.f32.msk $0xffff, v4  }
0x609: {  	[tilespmem:s12+$0x20] =	vst.add.f32.msk $0xffff, v3  }
0x60a: {  	[tilespmem:s12+$0xA0] =	vst.add.f32.msk $0xffff, v1  }
0x60b: {  	v1 =	vld [tilespmem:s11+$0x1930]  }
0x60c: {  	[tilespmem:s10+$0xF0] =	vst.add.f32.msk $0xffff, v2  }
.LBB2_28:
0x60d: {  	s8 =	sadd.s32 $0x2, s8;
	v2 =	vld [tilespmem:s5+$0x1930]  }
0x60e: {  	s3 =	sor.u32 $0x1800, s8;
	s13 =	sor.u32 $0x1801, s8;
	p0 =	slt.u32 s8, $0x7E;
	v3 =	vld [tilespmem:s9+$0x1960]  }
0x60f: {  	s3 =	sand.u32 $0xFFF8, s3;
	s14 =	sand.u32 $0xFFF8, s13;
	[tilespmem:s7+$0x70] =	vst.add.f32.msk $0xffff, v0;
	s7 =	smov.u32 s10  }
0x610: {  	s10 =	smov.u32 s12;
	s3 =	sshrl.u32 s3, $0x3;
	s14 =	sshrl.u32 s14, $0x3;
	[tilespmem:s12+$0xB0] =	vst.add.f32.msk $0xffff, v1  }
0x611: {  	s14 =	smul.u32 $0x147B, s14;
	v1 =	vld [tilespmem:s11+$0x1940]  }
0x612: {  	s3 =	smul.u32 $0x147B, s3;
	[tilespmem:s12+$0x30] =	vst.add.f32.msk $0xffff, v2  }
0x613: {  	s14 =	sshrl.u32 s14, $0x11;
	v2 =	vld [tilespmem:s5+$0x1940]  }
0x614: {  	s3 =	sshrl.u32 s3, $0x11;
	s14 =	smul.u32 $0xC8, s14;
	[tilespmem:s7+$0x60] =	vst.add.f32.msk $0xffff, v3  }
0x615: {  	s3 =	smul.u32 $0xC8, s3;
	v0 =	vld [tilespmem:s9+$0x1970];
	s9 =	smov.u32 s5  }
0x616: {  	s5 =	ssub.s32 s13, s14;
	[tilespmem:s12+$0xC0] =	vst.add.f32.msk $0xffff, v1  }
0x617: {  	s3 =	ssub.s32 s8, s3;
	s5 =	sshll.u32 s5, $0x7;
	v1 =	vld [tilespmem:s11+$0x1950]  }
0x618: {  	s3 =	sshll.u32 s3, $0x7;
	s13 =	sand.u32 $0xFF80, s5;
	[tilespmem:s12+$0x40] =	vst.add.f32.msk $0xffff, v2  }
0x619: {  	s5 =	sand.u32 $0xFF80, s3;
	v2 =	vld [tilespmem:s13+$0x1900]  }
0x61a: {  	v3 =	vld [tilespmem:s5+$0x1900]  }
0x61b: {  	v4 =	vld [tilespmem:s9+$0x1950]  }
0x61c: {  	[tilespmem:s12+$0xD0] =	vst.add.f32.msk $0xffff, v1  }
0x61d: {  	s12 =	sadd.s32 $0x100, s12;
	v1 =	vld [tilespmem:s11+$0x1960]  }
0x61e: {  	[tilespmem:s12+$0x80] =	vst.add.f32.msk $0xffff, v2  }
0x61f: {  	v2 =	vld [tilespmem:s13+$0x1910]  }
0x620: {  	[tilespmem:s12+$0x0] =	vst.add.f32.msk $0xffff, v3  }
0x621: {  	v3 =	vld [tilespmem:s5+$0x1910]  }
0x622: {  	[tilespmem:s10+$0xE0] =	vst.add.f32.msk $0xffff, v1  }
0x623: {  	v1 =	vld [tilespmem:s11+$0x1970];
	s11 =	smov.u32 s13  }
0x624: {  	[tilespmem:s12+$0x90] =	vst.add.f32.msk $0xffff, v2  }
0x625: {  	v2 =	vld [tilespmem:s11+$0x1920]  }
0x626: {  	[tilespmem:s12+$0x10] =	vst.add.f32.msk $0xffff, v3  }
0x627: {  	v3 =	vld [tilespmem:s5+$0x1920]  }
.Ltmp13:
0x628: {  	[tilespmem:s10+$0xF0] =	vst.add.f32.msk $0xffff, v1;
	(pc) =	sbr.rel @p0 .LBB2_28-.Ltmp13, $4  }
0x629: {  	[tilespmem:s10+$0x50] =	vst.add.f32.msk $0xffff, v4  }
0x62a: {  	[tilespmem:s12+$0xA0] =	vst.add.f32.msk $0xffff, v2  }
0x62b: {  	v1 =	vld [tilespmem:s11+$0x1930]  }
0x62c: {  	[tilespmem:s12+$0x20] =	vst.add.f32.msk $0xffff, v3  }
0x62d: {  	v2 =	vld [tilespmem:s5+$0x1930];
	_ =	sdelay $0x2  }
0x62e: {  	[tilespmem:s12+$0xB0] =	vst.add.f32.msk $0xffff, v1  }
0x62f: {  	v1 =	vld [tilespmem:s11+$0x1940]  }
0x630: {  	[tilespmem:s12+$0x30] =	vst.add.f32.msk $0xffff, v2  }
0x631: {  	v2 =	vld [tilespmem:s5+$0x1940];
	_ =	sdelay $0x2  }
0x632: {  	[tilespmem:s12+$0xC0] =	vst.add.f32.msk $0xffff, v1  }
0x633: {  	v1 =	vld [tilespmem:s11+$0x1950]  }
0x634: {  	[tilespmem:s12+$0x40] =	vst.add.f32.msk $0xffff, v2  }
0x635: {  	v2 =	vld [tilespmem:s5+$0x1950];
	_ =	sdelay $0x1  }
0x636: {  	v3 =	vld [tilespmem:s9+$0x1960]  }
0x637: {  	[tilespmem:s12+$0xD0] =	vst.add.f32.msk $0xffff, v1  }
0x638: {  	v1 =	vld [tilespmem:s11+$0x1960]  }
0x639: {  	[tilespmem:s12+$0x50] =	vst.add.f32.msk $0xffff, v2  }
0x63a: {  	v2 =	vld [tilespmem:s5+$0x1960]  }
0x63b: {  	[tilespmem:s10+$0x60] =	vst.add.f32.msk $0xffff, v3  }
0x63c: {  	v3 =	vld [tilespmem:s9+$0x1970]  }
0x63d: {  	[tilespmem:s12+$0xE0] =	vst.add.f32.msk $0xffff, v1  }
0x63e: {  	v1 =	vld [tilespmem:s11+$0x1970]  }
0x63f: {  	[tilespmem:s12+$0x60] =	vst.add.f32.msk $0xffff, v2  }
0x640: {  	v2 =	vld [tilespmem:s5+$0x1970];
	_ =	sdelay $0x1  }
0x641: {  	[tilespmem:s7+$0x70] =	vst.add.f32.msk $0xffff, v0;
	s20 =	simm.s32 $0x0  }
0x642: {  	s22 =	sor.u32 $0x1881, s20;
	[tilespmem:s10+$0x70] =	vst.add.f32.msk $0xffff, v3  }
0x643: {  	s23 =	sand.u32 $0xFFF8, s22;
	[tilespmem:s12+$0xF0] =	vst.add.f32.msk $0xffff, v1  }
0x644: {  	s7 =	sshrl.u32 s23, $0x3;
	[tilespmem:s12+$0x70] =	vst.add.f32.msk $0xffff, v2  }
0x645: {  	s17 =	simm.s32 $0x7D00;
	s7 =	smul.u32 $0x147B, s7;
	s3 =	rddreg [dreg:$0xe]  }
0x646: {  	[hbm4b:s3+s18] =	stream.linear.scatter [tilespmem:s17], [sflag:$0x5], $0x4000, $0x38;
	[tilespmem:$0x17D00] =	vst v63  }
0x647: {  	s3 =	sor.u32 $0x1880, s20  }
0x648: {  	s7 =	sshrl.u32 s7, $0x11;
	s8 =	sand.u32 $0xFFF8, s3  }
0x649: {  	s7 =	smul.u32 $0xC8, s7;
	s8 =	sshrl.u32 s8, $0x3  }
0x64a: {  	s8 =	smul.u32 $0x147B, s8;
	_ =	sdelay $0x1  }
0x64b: {  	s5 =	ssub.s32 s22, s7;
	_ =	swait.ge [sflag:s31], $0x4000;
	s25 =	sshrl.u32 s8, $0x11  }
0x64c: {  	s5 =	sshll.u32 s5, $0x7;
	[sflag:s31] =	ssyncset.done $0x0;
	s7 =	smul.u32 $0xC8, s25  }
0x64d: {  	s26 =	sand.u32 $0xFF80, s5;
	[sflag:s31] =	ssyncadd.s32 $0xFFFFC000  }
0x64e: {  	v0 =	vld [tilespmem:s26+$0x1900];
	s3 =	ssub.s32 s3, s7  }
0x64f: {  	s3 =	sshll.u32 s3, $0x7  }
0x650: {  	s0 =	sand.u32 $0xFF80, s3  }
0x651: {  	v1 =	vld [tilespmem:s0+$0x1900]  }
0x652: {  	s7 =	simm.s32 $0xBD00  }
0x653: {  	[tilespmem:s7+$0x80] =	vst.add.f32.msk $0xffff, v0  }
0x654: {  	v0 =	vld [tilespmem:s26+$0x1910];
	_ =	sdelay $0x1  }
0x655: {  	[tilespmem:s7+$0x0] =	vst.add.f32.msk $0xffff, v1  }
0x656: {  	v1 =	vld [tilespmem:s0+$0x1910]  }
0x657: {  	s15 =	simm.s32 $0x2  }
0x658: {  	s16 =	sor.u32 $0x1881, s15;
	[tilespmem:s7+$0x90] =	vst.add.f32.msk $0xffff, v0  }
0x659: {  	s17 =	sand.u32 $0xFFF8, s16;
	v0 =	vld [tilespmem:s26+$0x1920]  }
0x65a: {  	s10 =	sshrl.u32 s17, $0x3  }
0x65b: {  	s10 =	smul.u32 $0x147B, s10;
	[tilespmem:s7+$0x10] =	vst.add.f32.msk $0xffff, v1  }
0x65c: {  	v1 =	vld [tilespmem:s0+$0x1920]  }
0x65d: {  	s10 =	sshrl.u32 s10, $0x11  }
0x65e: {  	s10 =	smul.u32 $0xC8, s10;
	[tilespmem:s7+$0xA0] =	vst.add.f32.msk $0xffff, v0  }
0x65f: {  	v0 =	vld [tilespmem:s26+$0x1930]  }
0x660: {  	s9 =	ssub.s32 s16, s10  }
0x661: {  	s9 =	sshll.u32 s9, $0x7;
	[tilespmem:s7+$0x20] =	vst.add.f32.msk $0xffff, v1  }
0x662: {  	s13 =	sand.u32 $0xFF80, s9;
	v1 =	vld [tilespmem:s0+$0x1930]  }
0x663: {  	s3 =	sor.u32 $0x1880, s15;
	v2 =	vld [tilespmem:s13+$0x1900]  }
0x664: {  	s20 =	sand.u32 $0xFFF8, s3;
	[tilespmem:s7+$0xB0] =	vst.add.f32.msk $0xffff, v0  }
0x665: {  	s11 =	sshrl.u32 s20, $0x3;
	v0 =	vld [tilespmem:s26+$0x1940]  }
0x666: {  	s11 =	smul.u32 $0x147B, s11  }
0x667: {  	[tilespmem:s7+$0x30] =	vst.add.f32.msk $0xffff, v1  }
0x668: {  	s10 =	simm.s32 $0xBE00;
	s11 =	sshrl.u32 s11, $0x11;
	v1 =	vld [tilespmem:s0+$0x1940]  }
0x669: {  	[tilespmem:s10+$0x80] =	vst.add.f32.msk $0xffff, v2;
	s11 =	smul.u32 $0xC8, s11  }
0x66a: {  	[tilespmem:s7+$0xC0] =	vst.add.f32.msk $0xffff, v0  }
0x66b: {  	s3 =	ssub.s32 s3, s11;
	v0 =	vld [tilespmem:s26+$0x1950]  }
0x66c: {  	v2 =	vld [tilespmem:s13+$0x1910];
	s3 =	sshll.u32 s3, $0x7  }
0x66d: {  	s9 =	sand.u32 $0xFF80, s3;
	[tilespmem:s7+$0x40] =	vst.add.f32.msk $0xffff, v1  }
0x66e: {  	v1 =	vld [tilespmem:s9+$0x1900];
	_ =	sdelay $0x1  }
0x66f: {  	[tilespmem:s7+$0xD0] =	vst.add.f32.msk $0xffff, v0  }
0x670: {  	v0 =	vld [tilespmem:s26+$0x1960]  }
0x671: {  	[tilespmem:s10+$0x90] =	vst.add.f32.msk $0xffff, v2  }
0x672: {  	[tilespmem:s10+$0x0] =	vst.add.f32.msk $0xffff, v1  }
0x673: {  	v1 =	vld [tilespmem:s9+$0x1910]  }
0x674: {  	v2 =	vld [tilespmem:s13+$0x1920]  }
0x675: {  	[tilespmem:s7+$0xE0] =	vst.add.f32.msk $0xffff, v0  }
0x676: {  	v0 =	vld [tilespmem:s26+$0x1970]  }
0x677: {  	v3 =	vld [tilespmem:s0+$0x1950]  }
0x678: {  	[tilespmem:s10+$0x10] =	vst.add.f32.msk $0xffff, v1  }
0x679: {  	v1 =	vld [tilespmem:s9+$0x1920]  }
0x67a: {  	[tilespmem:s10+$0xA0] =	vst.add.f32.msk $0xffff, v2  }
0x67b: {  	[tilespmem:s7+$0xF0] =	vst.add.f32.msk $0xffff, v0  }
0x67c: {  	s8 =	simm.s32 $0x4;
	v0 =	vld [tilespmem:s13+$0x1930]  }
0x67d: {  	s23 =	sor.u32 $0x1880, s8;
	[tilespmem:s7+$0x50] =	vst.add.f32.msk $0xffff, v3  }
0x67e: {  	s14 =	sand.u32 $0xFFF8, s23;
	[tilespmem:s10+$0x20] =	vst.add.f32.msk $0xffff, v1  }
0x67f: {  	s22 =	sor.u32 $0x1881, s8;
	s14 =	sshrl.u32 s14, $0x3;
	v1 =	vld [tilespmem:s9+$0x1930]  }
0x680: {  	s25 =	sand.u32 $0xFFF8, s22;
	s14 =	smul.u32 $0x147B, s14;
	v2 =	vld [tilespmem:s0+$0x1960]  }
0x681: {  	s12 =	sshrl.u32 s25, $0x3;
	[tilespmem:s10+$0xB0] =	vst.add.f32.msk $0xffff, v0  }
0x682: {  	s12 =	smul.u32 $0x147B, s12;
	s14 =	sshrl.u32 s14, $0x11;
	v3 =	vld [tilespmem:s13+$0x1940]  }
0x683: {  	s14 =	smul.u32 $0xC8, s14  }
0x684: {  	[tilespmem:s10+$0x30] =	vst.add.f32.msk $0xffff, v1  }
0x685: {  	s12 =	sshrl.u32 s12, $0x11;
	s26 =	ssub.s32 s23, s14;
	v1 =	vld [tilespmem:s9+$0x1940]  }
0x686: {  	s12 =	smul.u32 $0xC8, s12;
	s5 =	sshll.u32 s26, $0x7;
	[tilespmem:s7+$0x60] =	vst.add.f32.msk $0xffff, v2  }
0x687: {  	s5 =	sand.u32 $0xFF80, s5;
	[tilespmem:s10+$0xC0] =	vst.add.f32.msk $0xffff, v3  }
0x688: {  	s3 =	ssub.s32 s22, s12;
	v3 =	vld [tilespmem:s5+$0x1900]  }
0x689: {  	s3 =	sshll.u32 s3, $0x7;
	v2 =	vld [tilespmem:s13+$0x1950]  }
0x68a: {  	s11 =	sand.u32 $0xFF80, s3;
	[tilespmem:s10+$0x40] =	vst.add.f32.msk $0xffff, v1  }
0x68b: {  	v1 =	vld [tilespmem:s11+$0x1900]  }
0x68c: {  	s12 =	simm.s32 $0xBF00;
	v0 =	vld [tilespmem:s0+$0x1970]  }
0x68d: {  	[tilespmem:s12+$0x0] =	vst.add.f32.msk $0xffff, v3  }
0x68e: {  	[tilespmem:s10+$0xD0] =	vst.add.f32.msk $0xffff, v2  }
0x68f: {  	v3 =	vld [tilespmem:s5+$0x1910]  }
0x690: {  	[tilespmem:s12+$0x80] =	vst.add.f32.msk $0xffff, v1  }
0x691: {  	v1 =	vld [tilespmem:s11+$0x1910]  }
0x692: {  	v2 =	vld [tilespmem:s13+$0x1960]  }
0x693: {  	v4 =	vld [tilespmem:s9+$0x1950]  }
0x694: {  	[tilespmem:s12+$0x10] =	vst.add.f32.msk $0xffff, v3  }
0x695: {  	v3 =	vld [tilespmem:s5+$0x1920]  }
0x696: {  	[tilespmem:s12+$0x90] =	vst.add.f32.msk $0xffff, v1  }
0x697: {  	v1 =	vld [tilespmem:s11+$0x1920]  }
0x698: {  	[tilespmem:s10+$0xE0] =	vst.add.f32.msk $0xffff, v2  }
0x699: {  	v2 =	vld [tilespmem:s13+$0x1970]  }
0x69a: {  	[tilespmem:s10+$0x50] =	vst.add.f32.msk $0xffff, v4  }
0x69b: {  	[tilespmem:s12+$0x20] =	vst.add.f32.msk $0xffff, v3  }
0x69c: {  	[tilespmem:s12+$0xA0] =	vst.add.f32.msk $0xffff, v1  }
0x69d: {  	v1 =	vld [tilespmem:s11+$0x1930]  }
0x69e: {  	[tilespmem:s10+$0xF0] =	vst.add.f32.msk $0xffff, v2  }
.LBB2_30:
0x69f: {  	s8 =	sadd.s32 $0x2, s8;
	v2 =	vld [tilespmem:s5+$0x1930]  }
0x6a0: {  	s3 =	sor.u32 $0x1880, s8;
	s13 =	sor.u32 $0x1881, s8;
	p0 =	slt.u32 s8, $0x7E;
	v3 =	vld [tilespmem:s9+$0x1960]  }
0x6a1: {  	s14 =	sand.u32 $0xFFF8, s3;
	s15 =	sand.u32 $0xFFF8, s13;
	[tilespmem:s7+$0x70] =	vst.add.f32.msk $0xffff, v0;
	s7 =	smov.u32 s10  }
0x6a2: {  	s10 =	smov.u32 s12;
	s14 =	sshrl.u32 s14, $0x3;
	s15 =	sshrl.u32 s15, $0x3;
	[tilespmem:s12+$0xB0] =	vst.add.f32.msk $0xffff, v1  }
0x6a3: {  	s15 =	smul.u32 $0x147B, s15;
	v1 =	vld [tilespmem:s11+$0x1940]  }
0x6a4: {  	s14 =	smul.u32 $0x147B, s14;
	[tilespmem:s12+$0x30] =	vst.add.f32.msk $0xffff, v2  }
0x6a5: {  	s15 =	sshrl.u32 s15, $0x11;
	v2 =	vld [tilespmem:s5+$0x1940]  }
0x6a6: {  	s14 =	sshrl.u32 s14, $0x11;
	s15 =	smul.u32 $0xC8, s15;
	[tilespmem:s7+$0x60] =	vst.add.f32.msk $0xffff, v3  }
0x6a7: {  	s14 =	smul.u32 $0xC8, s14;
	v0 =	vld [tilespmem:s9+$0x1970];
	s9 =	smov.u32 s5  }
0x6a8: {  	s5 =	ssub.s32 s13, s15;
	[tilespmem:s12+$0xC0] =	vst.add.f32.msk $0xffff, v1  }
0x6a9: {  	s3 =	ssub.s32 s3, s14;
	s5 =	sshll.u32 s5, $0x7;
	v1 =	vld [tilespmem:s11+$0x1950]  }
0x6aa: {  	s3 =	sshll.u32 s3, $0x7;
	s13 =	sand.u32 $0xFF80, s5;
	[tilespmem:s12+$0x40] =	vst.add.f32.msk $0xffff, v2  }
0x6ab: {  	s5 =	sand.u32 $0xFF80, s3;
	v2 =	vld [tilespmem:s13+$0x1900]  }
0x6ac: {  	v3 =	vld [tilespmem:s5+$0x1900]  }
0x6ad: {  	v4 =	vld [tilespmem:s9+$0x1950]  }
0x6ae: {  	[tilespmem:s12+$0xD0] =	vst.add.f32.msk $0xffff, v1  }
0x6af: {  	s12 =	sadd.s32 $0x100, s12;
	v1 =	vld [tilespmem:s11+$0x1960]  }
0x6b0: {  	[tilespmem:s12+$0x80] =	vst.add.f32.msk $0xffff, v2  }
0x6b1: {  	v2 =	vld [tilespmem:s13+$0x1910]  }
0x6b2: {  	[tilespmem:s12+$0x0] =	vst.add.f32.msk $0xffff, v3  }
0x6b3: {  	v3 =	vld [tilespmem:s5+$0x1910]  }
0x6b4: {  	[tilespmem:s10+$0xE0] =	vst.add.f32.msk $0xffff, v1  }
0x6b5: {  	v1 =	vld [tilespmem:s11+$0x1970];
	s11 =	smov.u32 s13  }
0x6b6: {  	[tilespmem:s12+$0x90] =	vst.add.f32.msk $0xffff, v2  }
0x6b7: {  	v2 =	vld [tilespmem:s11+$0x1920]  }
0x6b8: {  	[tilespmem:s12+$0x10] =	vst.add.f32.msk $0xffff, v3  }
0x6b9: {  	v3 =	vld [tilespmem:s5+$0x1920]  }
.Ltmp14:
0x6ba: {  	[tilespmem:s10+$0xF0] =	vst.add.f32.msk $0xffff, v1;
	(pc) =	sbr.rel @p0 .LBB2_30-.Ltmp14, $4  }
0x6bb: {  	[tilespmem:s10+$0x50] =	vst.add.f32.msk $0xffff, v4  }
0x6bc: {  	[tilespmem:s12+$0xA0] =	vst.add.f32.msk $0xffff, v2  }
0x6bd: {  	v1 =	vld [tilespmem:s11+$0x1930]  }
0x6be: {  	[tilespmem:s12+$0x20] =	vst.add.f32.msk $0xffff, v3  }
0x6bf: {  	v2 =	vld [tilespmem:s5+$0x1930];
	_ =	sdelay $0x2  }
0x6c0: {  	[tilespmem:s12+$0xB0] =	vst.add.f32.msk $0xffff, v1  }
0x6c1: {  	v1 =	vld [tilespmem:s11+$0x1940]  }
0x6c2: {  	[tilespmem:s12+$0x30] =	vst.add.f32.msk $0xffff, v2  }
0x6c3: {  	v2 =	vld [tilespmem:s5+$0x1940];
	_ =	sdelay $0x2  }
0x6c4: {  	[tilespmem:s12+$0xC0] =	vst.add.f32.msk $0xffff, v1  }
0x6c5: {  	v1 =	vld [tilespmem:s11+$0x1950]  }
0x6c6: {  	[tilespmem:s12+$0x40] =	vst.add.f32.msk $0xffff, v2  }
0x6c7: {  	v2 =	vld [tilespmem:s5+$0x1950];
	_ =	sdelay $0x1  }
0x6c8: {  	v3 =	vld [tilespmem:s9+$0x1960]  }
0x6c9: {  	[tilespmem:s12+$0xD0] =	vst.add.f32.msk $0xffff, v1  }
0x6ca: {  	v1 =	vld [tilespmem:s11+$0x1960]  }
0x6cb: {  	[tilespmem:s12+$0x50] =	vst.add.f32.msk $0xffff, v2  }
0x6cc: {  	v2 =	vld [tilespmem:s5+$0x1960]  }
0x6cd: {  	[tilespmem:s10+$0x60] =	vst.add.f32.msk $0xffff, v3  }
0x6ce: {  	v3 =	vld [tilespmem:s9+$0x1970]  }
0x6cf: {  	[tilespmem:s12+$0xE0] =	vst.add.f32.msk $0xffff, v1  }
0x6d0: {  	v1 =	vld [tilespmem:s11+$0x1970]  }
0x6d1: {  	[tilespmem:s12+$0x60] =	vst.add.f32.msk $0xffff, v2  }
0x6d2: {  	v2 =	vld [tilespmem:s5+$0x1970];
	_ =	sdelay $0x1  }
0x6d3: {  	[tilespmem:s7+$0x70] =	vst.add.f32.msk $0xffff, v0  }
0x6d4: {  	[tilespmem:s10+$0x70] =	vst.add.f32.msk $0xffff, v3  }
0x6d5: {  	[tilespmem:s12+$0xF0] =	vst.add.f32.msk $0xffff, v1  }
0x6d6: {  	[tilespmem:s12+$0x70] =	vst.add.f32.msk $0xffff, v2  }
0x6d7: {  	s0 =	simm.s32 $0x7;
	s3 =	rddreg [dreg:$0xf]  }
0x6d8: {  	[hbm4b:s3+s18] =	stream.linear.scatter [tilespmem:s30], [sflag:$0x6], $0x4000, $0x38;
	[tilespmem:$0x17D00] =	vst v63  }
0x6d9: {  	_ =	swait.ge [sflag:s0], $0x4000  }
0x6da: {  	[sflag:s0] =	ssyncset.done $0x0  }
0x6db: {  	[sflag:s0] =	ssyncadd.s32 $0xFFFFC000  }
0x6dc: {  	_ =	swait.ge [sflag:s24], $0x4000  }
0x6dd: {  	[sflag:s24] =	ssyncset.done $0x0  }
0x6de: {  	[sflag:s24] =	ssyncadd.s32 $0xFFFFC000  }
0x6df: {  	_ =	swait.ge [sflag:s2], $0x4000  }
0x6e0: {  	[sflag:s2] =	ssyncset.done $0x0  }
0x6e1: {  	[sflag:s2] =	ssyncadd.s32 $0xFFFFC000  }
0x6e2: {  	_ =	swait.ge [sflag:s19], $0x4000  }
0x6e3: {  	s25 =	rddreg [dreg:$0x11]  }
0x6e4: {  	s26 =	rddreg [dreg:$0x10];
	s0 =	sadd.s32 $0x1, s25  }
0x6e5: {  	p0 =	sne.s32 s0, s26  }
.Ltmp15:
0x6e6: {  	_ = 	snop;
	(pc) =	sbr.rel @p0 .LBB2_1-.Ltmp15, $3  }
0x6e7: {  	_ =	sdelay $0x1  }
0x6e8: {  	[sflag:s19] =	ssyncset.done $0x0  }
0x6e9: {  	[sflag:s19] =	ssyncadd.s32 $0xFFFFC000  }
0x6ea: {  	_ =	sfence.sel $0x180000  }
0x6eb: {  	[bflag:$0x0] =	sbarrier.arrive $0xFFFF  }
0x6ec: {  	_ =	strace $0x90000047  }
0x6ed: {  	s0 =	stileid.u32;
	[bflag:$0x2] =	sbarrier.arrive $0xFFFF  }
0x6ee: {  	p0 =	sne.s32 s0, $0x0;
	s0 =	rddreg [dreg:$0x4]  }
0x6ef: {  	s0 =	sadd.s32 @!p0 $0x100000, s0  }
0x6f0: {  	[sflag:s0] =	ssyncadd.tile.s32 @!p0 $0x1;
	_ =	shalt  }
.Lfunc_end2:
_tile_overlayer_lowered:
.L_overlay_start_2:
0x6f1: {  	(tag) =	ssettag $0x2  }
0x6f2: {  	s0 =	rddreg [dreg:$0x0];
	s2 =	stileid.u32  }
0x6f3: {  	s1 =	rddreg [dreg:$0x1];
	p0 =	sne.s32 s2, $0x0  }
0x6f4: {  	s3 =	rddreg [dreg:$0x2];
	[bflag:$0x3] =	sbarrier.arrive $0xFFFF;
	s2 =	simm.s32 @!p0 $0x1C0A  }
0x6f5: {  	[timem:s3], [sflag:s2] =	dma.local @!p0 [hbm:s0], s1  }
0x6f6: {  	s0 =	simm.s32 @!p0 $0xA  }
0x6f7: {  	_ =	swait.ge @!p0 [sflag:s0], s1  }
0x6f8: {  	s1 =	ssub.s32 @!p0 $0x0, s1;
	[sflag:s0] =	ssyncset.done @!p0 $0x0  }
0x6f9: {  	[sflag:s0] =	ssyncadd.s32 @!p0 s1  }
0x6fa: {  	[bflag:$0x3] =	sbarrier.arrive $0xFFFF  }
0x6fb: {  	_ =	shalt  }

</sc_bundles>
